<compile_context>
chip_gen: v7x
topology: tpu7x:2x2x1
jax: 0.10.2.dev20260603
libtpu: 0.0.44.dev20260713+nightly
codegen_flags: <defaults>
</compile_context>

<pallas_src>
import functools

import jax
import jax.numpy as jnp
from jax import lax
from jax.experimental import pallas as pl
from jax.experimental.pallas import tpu as pltpu
from jax.experimental.pallas import tpu_sc as plsc

NC = 2
NS = 16
NW = NC * NS
L = 16

K = 32
D = 128
G = 4
CPW = 320
NP = NW * CPW
NG = CPW // G
NPAIR = NG // 2

_mesh = plsc.VectorSubcoreMesh(
    core_axis_name="c", subcore_axis_name="s", num_cores=NC, num_subcores=NS)

_f32 = jnp.float32
_i32 = jnp.int32


def _rsqrt_newton(sq):
    bits = plsc.bitcast(sq, _i32)
    y = plsc.bitcast(jnp.int32(0x5F3759DF) - lax.shift_right_logical(bits, 1),
                     _f32)
    for _ in range(3):
        y = y * (1.5 - 0.5 * sq * y * y)
    return y


@functools.partial(
    pl.kernel,
    out_type=(jax.ShapeDtypeStruct((NP * K,), _f32),
              jax.ShapeDtypeStruct((NP * K,), _i32)),
    mesh=_mesh,
    compiler_params=pltpu.CompilerParams(needs_layout_passes=False),
    scratch_types=[
        pltpu.VMEM((NP,), _f32),
        pltpu.VMEM((NP,), _f32),
        pltpu.VMEM((NP,), _f32),
        pltpu.VMEM((CPW, K), _i32),
        pltpu.VMEM((CPW * K,), _f32),
        pltpu.VMEM((CPW * K,), _i32),
    ],
)
def _sc_prep(px_hbm, py_hbm, pz_hbm, nbr_hbm, w_out, fidx_out,
             px_v, py_v, pz_v, nbr_v, w_v, fidx_v):
    wid = lax.axis_index("s") * NC + lax.axis_index("c")
    base = wid * CPW
    pltpu.sync_copy(px_hbm, px_v)
    pltpu.sync_copy(py_hbm, py_v)
    pltpu.sync_copy(pz_hbm, pz_v)
    pltpu.sync_copy(nbr_hbm.at[pl.ds(base, CPW)], nbr_v)
    zero16 = jnp.zeros((L,), _i32)
    lane = jnp.arange(L, dtype=_i32)

    def body(j, _):
        ja16 = zero16 + (base + j)
        px = plsc.load_gather(px_v, [ja16])
        py = plsc.load_gather(py_v, [ja16])
        pz = plsc.load_gather(pz_v, [ja16])
        for hk in range(K // L):
            nb = nbr_v[j, pl.ds(hk * L, L)]
            gx = plsc.load_gather(px_v, [nb])
            gy = plsc.load_gather(py_v, [nb])
            gz = plsc.load_gather(pz_v, [nb])
            dx = px - gx
            dy = py - gy
            dz = pz - gz
            sq = dx * dx + dy * dy + dz * dz
            w16 = jnp.where(sq == 0.0, jnp.float32(2.0), _rsqrt_newton(sq))
            fi = nb + (lane + hk * L) * NP
            off = j * K + hk * L
            w_v[pl.ds(off, L)] = w16
            fidx_v[pl.ds(off, L)] = fi
        return 0

    lax.fori_loop(0, CPW, body, 0)
    pltpu.sync_copy(w_v, w_out.at[pl.ds(base * K, CPW * K)])
    pltpu.sync_copy(fidx_v, fidx_out.at[pl.ds(base * K, CPW * K)])


def _make_combine(act):
    @functools.partial(
        pl.kernel,
        out_type=jax.ShapeDtypeStruct((NP, D), _f32),
        mesh=_mesh,
        compiler_params=pltpu.CompilerParams(needs_layout_passes=False),
        scratch_types=[
            pltpu.VMEM((NG, G * K), _i32),
            pltpu.VMEM((NG * G * K,), _f32),
            pltpu.VMEM((G * K, D), _f32),
            pltpu.VMEM((G * K, D), _f32),
            pltpu.VMEM((CPW, D), _f32),
            pltpu.VMEM((1, D), _f32),
            pltpu.SemaphoreType.DMA,
            pltpu.SemaphoreType.DMA,
        ],
    )
    def _combine(p_hbm, fidx_hbm, w_hbm, b_hbm, out_hbm,
                 fidx_v, w_v, rows0, rows1, out_v, b_v, s0, s1):
        wid = lax.axis_index("s") * NC + lax.axis_index("c")
        pltpu.sync_copy(fidx_hbm.at[wid], fidx_v)
        pltpu.sync_copy(w_hbm.at[wid], w_v)
        pltpu.sync_copy(b_hbm, b_v)
        bch = [b_v[0, pl.ds(c * L, L)] for c in range(D // L)]
        zero16 = jnp.zeros((L,), _i32)
        nch = D // L

        def gather(g, rows, sem):
            return pltpu.make_async_copy(p_hbm.at[fidx_v.at[g]], rows, sem)

        def compute(g, rows):
            wbase = g * (G * K)

            def rbody(r, accs):
                out = []
                for jj in range(G):
                    ws = plsc.load_gather(
                        w_v, [zero16 + (wbase + jj * K + r)])
                    for c in range(nch):
                        out.append(accs[jj * nch + c]
                                   + ws * rows[jj * K + r, pl.ds(c * L, L)])
                return tuple(out)

            accs = lax.fori_loop(0, K, rbody, tuple(bch * G))
            for jj in range(G):
                node = g * G + jj
                for c in range(nch):
                    v = accs[jj * nch + c]
                    if act:
                        v = jnp.maximum(v, 0.01 * v)
                    out_v[node, pl.ds(c * L, L)] = v

        gather(0, rows0, s0).start()

        def body(p, _):
            g0 = p * 2
            g1 = g0 + 1
            gather(g1, rows1, s1).start()
            gather(g0, rows0, s0).wait()
            compute(g0, rows0)

            @pl.when(p < NPAIR - 1)
            def _():
                gather(g0 + 2, rows0, s0).start()

            gather(g1, rows1, s1).wait()
            compute(g1, rows1)
            return 0

        lax.fori_loop(0, NPAIR, body, 0)
        pltpu.sync_copy(out_v, out_hbm.at[pl.ds(wid * CPW, CPW)])

    return _combine


_combine_noact = _make_combine(False)
_combine_act = _make_combine(True)


_MM_BN = 512
_KW = 8


def _mm_body(h_ref, m_ref, o_ref):
    h_blk = h_ref[...]
    for kk in range(K // _KW):
        r = jnp.dot(h_blk, m_ref[:, kk * _KW * D:(kk + 1) * _KW * D],
                    preferred_element_type=_f32)
        for j in range(_KW):
            o_ref[kk * _KW + j, :, :] = r[:, j * D:(j + 1) * D]


def _tc_matmul(h, m):
    bn = _MM_BN
    return pl.pallas_call(
        _mm_body,
        grid=(NP // bn,),
        in_specs=[
            pl.BlockSpec((bn, D), lambda i: (i, 0)),
            pl.BlockSpec((D, K * D), lambda i: (0, 0)),
        ],
        out_specs=pl.BlockSpec((K, bn, D), lambda i: (0, i, 0)),
        out_shape=jax.ShapeDtypeStruct((K, NP, D), _f32),
    )(h, m)


def kernel(x, pos, neighbors, W0, b0, W1, b1, W2, b2):
    n = x.shape[0]
    x_p = jnp.zeros((NP, D), _f32).at[:n].set(x)
    pos_p = jnp.zeros((NP, 3), _f32).at[:n].set(pos)
    nbr_p = jnp.zeros((NP, K), _i32).at[:n].set(neighbors)

    w_flat, fidx_flat = _sc_prep(pos_p[:, 0], pos_p[:, 1], pos_p[:, 2], nbr_p)
    w3 = w_flat.reshape(NW, NG * G * K)
    fidx3 = fidx_flat.reshape(NW, NG, G * K)

    h = x_p
    for wgt, b, act in ((W0, b0, False), (W1, b1, True), (W2, b2, False)):
        m = wgt.reshape(K, D, D).transpose(1, 0, 2).reshape(D, K * D)
        p = _tc_matmul(h, m).reshape(K * NP, D)
        comb = _combine_act if act else _combine_noact
        h = comb(p, fidx3, w3, b)
    return h[:n]

# --- scband reference (transcript-rebuilt; emitter-appended) ---
"""Pipeline reference for scband-model-70523363000700 (READ-ONLY COPY).

The authoritative reference and input builder live on the scoring server;
editing this copy changes nothing except your own understanding.
"""

import jax, jax.numpy as jnp
import numpy as np

N = 10000
K = 32
D_IN = 128
D_H = 128
D_OUT = 128


def setup_inputs(seed: int = 0) -> dict:
    key = jax.random.key(seed)
    ks = jax.random.split(key, 10)
    x = jax.random.normal(ks[0], (N, D_IN), dtype=jnp.float32)
    pos = jax.random.normal(ks[1], (N, 3), dtype=jnp.float32)
    neighbors = jax.random.randint(ks[2], (N, K), 0, N, dtype=jnp.int32)
    W0 = jax.random.normal(ks[3], (K * D_IN, D_H), dtype=jnp.float32) * 0.02
    b0 = jax.random.normal(ks[4], (1, D_H), dtype=jnp.float32) * 0.02
    W1 = jax.random.normal(ks[5], (K * D_H, D_H), dtype=jnp.float32) * 0.02
    b1 = jax.random.normal(ks[6], (1, D_H), dtype=jnp.float32) * 0.02
    W2 = jax.random.normal(ks[7], (K * D_H, D_OUT), dtype=jnp.float32) * 0.02
    b2 = jax.random.normal(ks[8], (1, D_OUT), dtype=jnp.float32) * 0.02
    return {"x": x, "pos": pos, "neighbors": neighbors,
            "W0": W0, "b0": b0, "W1": W1, "b1": b1, "W2": W2, "b2": b2}


def _layer(h, pos, nbr, W, b, act):
    # gather messages from source neighbors (DGL msg_func: edges.src['h'], edges.src['pos'])
    msgs = jnp.take(h, nbr, axis=0)           # [N, K, d]
    src_pos = jnp.take(pos, nbr, axis=0)      # [N, K, 3]
    # reduce: distance-weighted concat of neighbor features
    diff = pos[:, None, :] - src_pos          # [N, K, 3]
    sq = jnp.sum(diff * diff, axis=2, keepdims=True)  # [N, K, 1]
    # dist == 0 -> 0.5 (0.5**2 = 0.25), done on squared dist for grad safety
    dist = jnp.sqrt(jnp.where(sq == 0.0, 0.25, sq))   # [N, K, 1]
    wow = (msgs / dist).reshape(h.shape[0], -1)       # [N, K*d]
    h1 = jnp.matmul(wow, W) + b
    if act:
        h1 = jnp.where(h1 >= 0, h1, 0.01 * h1)  # LeakyReLU(0.01)
    return h1


def reference(x, pos, neighbors, W0, b0, W1, b1, W2, b2):
    # input layer: bias, no activation
    h = _layer(x, pos, neighbors, W0, b0, False)
    # hidden layer: bias + LeakyReLU
    h = _layer(h, pos, neighbors, W1, b1, True)
    # output layer: bias, no activation
    h = _layer(h, pos, neighbors, W2, b2, False)
    return h

if __name__ == "__main__":
    import jax
    _d = setup_inputs()
    print(jax.jit(kernel)(*tuple(_d.values())))

</pallas_src>

<mosaic_0001>
#map = affine_map<(d0, d1) -> (0, 0)>
#map1 = affine_map<(d0, d1) -> (0, 0, 0)>
module attributes {stable_mosaic.version = 14 : i64} {
  func.func @_combine(%arg0: i32, %arg1: i32, %arg2: memref<327680x128xf32, #tpu.memory_space<hbm>>, %arg3: memref<32x80x128xi32, #tpu.memory_space<hbm>>, %arg4: memref<32x10240xf32, #tpu.memory_space<hbm>>, %arg5: memref<1x128xf32, #tpu.memory_space<hbm>>, %arg6: memref<10240x128xf32, #tpu.memory_space<hbm>>, %arg7: memref<80x128xi32, #tpu.memory_space<vmem>>, %arg8: memref<10240xf32, #tpu.memory_space<vmem>>, %arg9: memref<128x128xf32, #tpu.memory_space<vmem>>, %arg10: memref<128x128xf32, #tpu.memory_space<vmem>>, %arg11: memref<320x128xf32, #tpu.memory_space<vmem>>, %arg12: memref<1x128xf32, #tpu.memory_space<vmem>>, %arg13: memref<!tpu.dma_semaphore, #tpu.memory_space<semaphore_mem>>, %arg14: memref<!tpu.dma_semaphore, #tpu.memory_space<semaphore_mem>>) attributes {dimension_semantics = [#tpu.dimension_semantics<core_parallel>, #tpu.dimension_semantics<subcore_parallel>], iteration_bounds = array<i64: 2, 16>, scalar_prefetch = 0 : i64, scratch_operands = 8 : i64, tpu.core_type = #tpu.core_type<sc_vector_subcore>, window_params = [{transform_indices = #map}, {transform_indices = #map1}, {transform_indices = #map}, {transform_indices = #map}, {transform_indices = #map}]} {
    %mul3A = arith.constant 2 : i32
    %mul3A_0 = arith.muli %arg1, %mul3A : i32
    %add3A = arith.addi %mul3A_0, %arg0 : i32
    "tpu.region"() ({
      %run_scoped3A = tpu.sem_alloc : memref<!tpu.dma_semaphore, #tpu.memory_space<semaphore_mem>>
      %dma_start3A_47 = arith.constant 0 : i32
      %dma_start3A_48 = arith.constant 0 : i32
      %dma_start3A_49 = tpu.memref_slice %arg3[%add3A, %dma_start3A_47, %dma_start3A_48] : memref<32x80x128xi32, #tpu.memory_space<hbm>> -> memref<1x80x128xi32, #tpu.memory_space<hbm>>
      %dma_start3A_50 = tpu.memref_squeeze %dma_start3A_49 : memref<1x80x128xi32, #tpu.memory_space<hbm>> -> memref<80x128xi32, #tpu.memory_space<hbm>>
      %dma_start3A_51 = arith.constant 0 : i32
      %dma_start3A_52 = arith.constant 0 : i32
      %dma_start3A_53 = tpu.memref_slice %arg3[%add3A, %dma_start3A_51, %dma_start3A_52] : memref<32x80x128xi32, #tpu.memory_space<hbm>> -> memref<1x80x128xi32, #tpu.memory_space<hbm>>
      %dma_start3A_54 = tpu.memref_squeeze %dma_start3A_53 : memref<1x80x128xi32, #tpu.memory_space<hbm>> -> memref<80x128xi32, #tpu.memory_space<hbm>>
      tpu.enqueue_dma source(%dma_start3A_54 : memref<80x128xi32, #tpu.memory_space<hbm>>) target(%arg7 : memref<80x128xi32, #tpu.memory_space<vmem>>) target_semaphore(%run_scoped3A : memref<!tpu.dma_semaphore, #tpu.memory_space<semaphore_mem>>)
      %dma_wait3A = arith.constant 0 : i32
      %dma_wait3A_55 = arith.constant 0 : i32
      %dma_wait3A_56 = tpu.memref_slice %arg3[%add3A, %dma_wait3A, %dma_wait3A_55] : memref<32x80x128xi32, #tpu.memory_space<hbm>> -> memref<1x80x128xi32, #tpu.memory_space<hbm>>
      %dma_wait3A_57 = tpu.memref_squeeze %dma_wait3A_56 : memref<1x80x128xi32, #tpu.memory_space<hbm>> -> memref<80x128xi32, #tpu.memory_space<hbm>>
      %dma_wait3A_58 = arith.constant 0 : i32
      %dma_wait3A_59 = arith.constant 0 : i32
      %dma_wait3A_60 = tpu.memref_slice %arg3[%add3A, %dma_wait3A_58, %dma_wait3A_59] : memref<32x80x128xi32, #tpu.memory_space<hbm>> -> memref<1x80x128xi32, #tpu.memory_space<hbm>>
      %dma_wait3A_61 = tpu.memref_squeeze %dma_wait3A_60 : memref<1x80x128xi32, #tpu.memory_space<hbm>> -> memref<80x128xi32, #tpu.memory_space<hbm>>
      tpu.wait_dma2 semaphore(%run_scoped3A : memref<!tpu.dma_semaphore, #tpu.memory_space<semaphore_mem>>) src(%dma_wait3A_61 : memref<80x128xi32, #tpu.memory_space<hbm>>) dst(%arg7 : memref<80x128xi32, #tpu.memory_space<vmem>>)
      tpu.yield
    }) : () -> ()
    "tpu.region"() ({
      %run_scoped3A = tpu.sem_alloc : memref<!tpu.dma_semaphore, #tpu.memory_space<semaphore_mem>>
      %dma_start3A_47 = arith.constant 0 : i32
      %dma_start3A_48 = tpu.memref_slice %arg4[%add3A, %dma_start3A_47] : memref<32x10240xf32, #tpu.memory_space<hbm>> -> memref<1x10240xf32, #tpu.memory_space<hbm>>
      %dma_start3A_49 = tpu.memref_squeeze %dma_start3A_48 : memref<1x10240xf32, #tpu.memory_space<hbm>> -> memref<10240xf32, #tpu.memory_space<hbm>>
      %dma_start3A_50 = arith.constant 0 : i32
      %dma_start3A_51 = tpu.memref_slice %arg4[%add3A, %dma_start3A_50] : memref<32x10240xf32, #tpu.memory_space<hbm>> -> memref<1x10240xf32, #tpu.memory_space<hbm>>
      %dma_start3A_52 = tpu.memref_squeeze %dma_start3A_51 : memref<1x10240xf32, #tpu.memory_space<hbm>> -> memref<10240xf32, #tpu.memory_space<hbm>>
      tpu.enqueue_dma source(%dma_start3A_52 : memref<10240xf32, #tpu.memory_space<hbm>>) target(%arg8 : memref<10240xf32, #tpu.memory_space<vmem>>) target_semaphore(%run_scoped3A : memref<!tpu.dma_semaphore, #tpu.memory_space<semaphore_mem>>)
      %dma_wait3A = arith.constant 0 : i32
      %dma_wait3A_53 = tpu.memref_slice %arg4[%add3A, %dma_wait3A] : memref<32x10240xf32, #tpu.memory_space<hbm>> -> memref<1x10240xf32, #tpu.memory_space<hbm>>
      %dma_wait3A_54 = tpu.memref_squeeze %dma_wait3A_53 : memref<1x10240xf32, #tpu.memory_space<hbm>> -> memref<10240xf32, #tpu.memory_space<hbm>>
      %dma_wait3A_55 = arith.constant 0 : i32
      %dma_wait3A_56 = tpu.memref_slice %arg4[%add3A, %dma_wait3A_55] : memref<32x10240xf32, #tpu.memory_space<hbm>> -> memref<1x10240xf32, #tpu.memory_space<hbm>>
      %dma_wait3A_57 = tpu.memref_squeeze %dma_wait3A_56 : memref<1x10240xf32, #tpu.memory_space<hbm>> -> memref<10240xf32, #tpu.memory_space<hbm>>
      tpu.wait_dma2 semaphore(%run_scoped3A : memref<!tpu.dma_semaphore, #tpu.memory_space<semaphore_mem>>) src(%dma_wait3A_57 : memref<10240xf32, #tpu.memory_space<hbm>>) dst(%arg8 : memref<10240xf32, #tpu.memory_space<vmem>>)
      tpu.yield
    }) : () -> ()
    "tpu.region"() ({
      %run_scoped3A = tpu.sem_alloc : memref<!tpu.dma_semaphore, #tpu.memory_space<semaphore_mem>>
      tpu.enqueue_dma source(%arg5 : memref<1x128xf32, #tpu.memory_space<hbm>>) target(%arg12 : memref<1x128xf32, #tpu.memory_space<vmem>>) target_semaphore(%run_scoped3A : memref<!tpu.dma_semaphore, #tpu.memory_space<semaphore_mem>>)
      tpu.wait_dma2 semaphore(%run_scoped3A : memref<!tpu.dma_semaphore, #tpu.memory_space<semaphore_mem>>) src(%arg5 : memref<1x128xf32, #tpu.memory_space<hbm>>) dst(%arg12 : memref<1x128xf32, #tpu.memory_space<vmem>>)
      tpu.yield
    }) : () -> ()
    %get3A = arith.constant 0 : i32
    %get3A_1 = arith.index_cast %get3A : i32 to index
    %get3A_2 = arith.constant 0 : index
    %get3A_3 = tpu.vector_load %arg12[%get3A_1, %get3A_2] {strides = array<i32>} : memref<1x128xf32, #tpu.memory_space<vmem>>, vector<16xf32>,
    %get3A_4 = arith.constant 0 : i32
    %get3A_5 = arith.index_cast %get3A_4 : i32 to index
    %get3A_6 = arith.constant 16 : index
    %get3A_7 = tpu.vector_load %arg12[%get3A_5, %get3A_6] {strides = array<i32>} : memref<1x128xf32, #tpu.memory_space<vmem>>, vector<16xf32>,
    %get3A_8 = arith.constant 0 : i32
    %get3A_9 = arith.index_cast %get3A_8 : i32 to index
    %get3A_10 = arith.constant 32 : index
    %get3A_11 = tpu.vector_load %arg12[%get3A_9, %get3A_10] {strides = array<i32>} : memref<1x128xf32, #tpu.memory_space<vmem>>, vector<16xf32>,
    %get3A_12 = arith.constant 0 : i32
    %get3A_13 = arith.index_cast %get3A_12 : i32 to index
    %get3A_14 = arith.constant 48 : index
    %get3A_15 = tpu.vector_load %arg12[%get3A_13, %get3A_14] {strides = array<i32>} : memref<1x128xf32, #tpu.memory_space<vmem>>, vector<16xf32>,
    %get3A_16 = arith.constant 0 : i32
    %get3A_17 = arith.index_cast %get3A_16 : i32 to index
    %get3A_18 = arith.constant 64 : index
    %get3A_19 = tpu.vector_load %arg12[%get3A_17, %get3A_18] {strides = array<i32>} : memref<1x128xf32, #tpu.memory_space<vmem>>, vector<16xf32>,
    %get3A_20 = arith.constant 0 : i32
    %get3A_21 = arith.index_cast %get3A_20 : i32 to index
    %get3A_22 = arith.constant 80 : index
    %get3A_23 = tpu.vector_load %arg12[%get3A_21, %get3A_22] {strides = array<i32>} : memref<1x128xf32, #tpu.memory_space<vmem>>, vector<16xf32>,
    %get3A_24 = arith.constant 0 : i32
    %get3A_25 = arith.index_cast %get3A_24 : i32 to index
    %get3A_26 = arith.constant 96 : index
    %get3A_27 = tpu.vector_load %arg12[%get3A_25, %get3A_26] {strides = array<i32>} : memref<1x128xf32, #tpu.memory_space<vmem>>, vector<16xf32>,
    %get3A_28 = arith.constant 0 : i32
    %get3A_29 = arith.index_cast %get3A_28 : i32 to index
    %get3A_30 = arith.constant 112 : index
    %get3A_31 = tpu.vector_load %arg12[%get3A_29, %get3A_30] {strides = array<i32>} : memref<1x128xf32, #tpu.memory_space<vmem>>, vector<16xf32>,
    %broadcast_in_dim3A = arith.constant 0 : i32
    %broadcast_in_dim3A_32 = vector.broadcast %broadcast_in_dim3A : i32 to vector<16xi32>
    %dma_start3A = arith.constant 0 : i32
    %dma_start3A_33 = arith.constant 0 : i32
    %dma_start3A_34 = tpu.memref_slice %arg7[%dma_start3A, %dma_start3A_33] : memref<80x128xi32, #tpu.memory_space<vmem>> -> memref<1x128xi32, #tpu.memory_space<vmem>>
    %dma_start3A_35 = tpu.memref_squeeze %dma_start3A_34 : memref<1x128xi32, #tpu.memory_space<vmem>> -> memref<128xi32, #tpu.memory_space<vmem>>
    %dma_start3A_36 = arith.constant 0 : i32
    %dma_start3A_37 = arith.constant 0 : i32
    %dma_start3A_38 = tpu.memref_slice %arg2[%dma_start3A_36, %dma_start3A_37] : memref<327680x128xf32, #tpu.memory_space<hbm>> -> memref<327680x128xf32, #tpu.memory_space<hbm>>
    tpu.enqueue_indirect_dma source(%dma_start3A_38 : memref<327680x128xf32, #tpu.memory_space<hbm>>) target(%arg9 : memref<128x128xf32, #tpu.memory_space<vmem>>) offsets(%dma_start3A_35 : memref<128xi32, #tpu.memory_space<vmem>>) semaphore(%arg13 : memref<!tpu.dma_semaphore, #tpu.memory_space<semaphore_mem>>)
    %scan3A = arith.constant 0 : i32
    %scan3A_39 = arith.constant 0 : i32
    %scan3A_40 = arith.constant 40 : i32
    %scan3A_41 = arith.addi %scan3A_39, %scan3A_40 : i32
    %scan3A_42 = arith.constant 1 : i32
    %scan3A_43 = scf.for %scan3A_47 = %scan3A_39 to %scan3A_41 step %scan3A_42 iter_args(%scan3A_48 = %scan3A) -> (i32)  : i32 {
      %mul3A_49 = arith.constant 2 : i32
      %mul3A_50 = arith.muli %scan3A_47, %mul3A_49 : i32
      %add3A_51 = arith.constant 1 : i32
      %add3A_52 = arith.addi %mul3A_50, %add3A_51 : i32
      %dma_start3A_53 = arith.constant 0 : i32
      %dma_start3A_54 = tpu.memref_slice %arg7[%add3A_52, %dma_start3A_53] : memref<80x128xi32, #tpu.memory_space<vmem>> -> memref<1x128xi32, #tpu.memory_space<vmem>>
      %dma_start3A_55 = tpu.memref_squeeze %dma_start3A_54 : memref<1x128xi32, #tpu.memory_space<vmem>> -> memref<128xi32, #tpu.memory_space<vmem>>
      %dma_start3A_56 = arith.constant 0 : i32
      %dma_start3A_57 = arith.constant 0 : i32
      %dma_start3A_58 = tpu.memref_slice %arg2[%dma_start3A_56, %dma_start3A_57] : memref<327680x128xf32, #tpu.memory_space<hbm>> -> memref<327680x128xf32, #tpu.memory_space<hbm>>
      tpu.enqueue_indirect_dma source(%dma_start3A_58 : memref<327680x128xf32, #tpu.memory_space<hbm>>) target(%arg10 : memref<128x128xf32, #tpu.memory_space<vmem>>) offsets(%dma_start3A_55 : memref<128xi32, #tpu.memory_space<vmem>>) semaphore(%arg14 : memref<!tpu.dma_semaphore, #tpu.memory_space<semaphore_mem>>)
      %dma_wait3A = arith.constant 0 : i32
      %dma_wait3A_59 = tpu.memref_slice %arg7[%mul3A_50, %dma_wait3A] : memref<80x128xi32, #tpu.memory_space<vmem>> -> memref<1x128xi32, #tpu.memory_space<vmem>>
      %dma_wait3A_60 = tpu.memref_squeeze %dma_wait3A_59 : memref<1x128xi32, #tpu.memory_space<vmem>> -> memref<128xi32, #tpu.memory_space<vmem>>
      %dma_wait3A_61 = arith.constant 0 : i32
      %dma_wait3A_62 = arith.constant 0 : i32
      %dma_wait3A_63 = tpu.memref_slice %arg2[%dma_wait3A_61, %dma_wait3A_62] : memref<327680x128xf32, #tpu.memory_space<hbm>> -> memref<327680x128xf32, #tpu.memory_space<hbm>>
      tpu.wait_indirect_dma semaphore(%arg13 : memref<!tpu.dma_semaphore, #tpu.memory_space<semaphore_mem>>) src(%dma_wait3A_63 : memref<327680x128xf32, #tpu.memory_space<hbm>>) dst(%arg9 : memref<128x128xf32, #tpu.memory_space<vmem>>)
      %mul3A_64 = arith.constant 128 : i32
      %mul3A_65 = arith.muli %mul3A_50, %mul3A_64 : i32
      %scan3A_66 = arith.constant 0 : i32
      %scan3A_67 = arith.constant 32 : i32
      %scan3A_68 = arith.addi %scan3A_66, %scan3A_67 : i32
      %scan3A_69 = arith.constant 1 : i32
      %scan3A_70:32 = scf.for %scan3A_567 = %scan3A_66 to %scan3A_68 step %scan3A_69 iter_args(%scan3A_568 = %get3A_3, %scan3A_569 = %get3A_7, %scan3A_570 = %get3A_11, %scan3A_571 = %get3A_15, %scan3A_572 = %get3A_19, %scan3A_573 = %get3A_23, %scan3A_574 = %get3A_27, %scan3A_575 = %get3A_31, %scan3A_576 = %get3A_3, %scan3A_577 = %get3A_7, %scan3A_578 = %get3A_11, %scan3A_579 = %get3A_15, %scan3A_580 = %get3A_19, %scan3A_581 = %get3A_23, %scan3A_582 = %get3A_27, %scan3A_583 = %get3A_31, %scan3A_584 = %get3A_3, %scan3A_585 = %get3A_7, %scan3A_586 = %get3A_11, %scan3A_587 = %get3A_15, %scan3A_588 = %get3A_19, %scan3A_589 = %get3A_23, %scan3A_590 = %get3A_27, %scan3A_591 = %get3A_31, %scan3A_592 = %get3A_3, %scan3A_593 = %get3A_7, %scan3A_594 = %get3A_11, %scan3A_595 = %get3A_15, %scan3A_596 = %get3A_19, %scan3A_597 = %get3A_23, %scan3A_598 = %get3A_27, %scan3A_599 = %get3A_31) -> (vector<16xf32>, vector<16xf32>, vector<16xf32>, vector<16xf32>, vector<16xf32>, vector<16xf32>, vector<16xf32>, vector<16xf32>, vector<16xf32>, vector<16xf32>, vector<16xf32>, vector<16xf32>, vector<16xf32>, vector<16xf32>, vector<16xf32>, vector<16xf32>, vector<16xf32>, vector<16xf32>, vector<16xf32>, vector<16xf32>, vector<16xf32>, vector<16xf32>, vector<16xf32>, vector<16xf32>, vector<16xf32>, vector<16xf32>, vector<16xf32>, vector<16xf32>, vector<16xf32>, vector<16xf32>, vector<16xf32>, vector<16xf32>)  : i32 {
        %add3A_600 = arith.constant 0 : i32
        %add3A_601 = arith.addi %mul3A_65, %add3A_600 : i32
        %add3A_602 = arith.addi %add3A_601, %scan3A_567 : i32
        %add3A_603 = vector.broadcast %add3A_602 : i32 to vector<16xi32>
        %add3A_604 = arith.addi %broadcast_in_dim3A_32, %add3A_603 : vector<16xi32>
        %gather3A = tpu.vector_load_idx %arg8[%add3A_604] : memref<10240xf32, #tpu.memory_space<vmem>>[vector<16xi32>], vector<16xf32>,
        %add3A_605 = arith.constant 0 : i32
        %add3A_606 = arith.addi %add3A_605, %scan3A_567 : i32
        %get3A_607 = arith.index_cast %add3A_606 : i32 to index
        %get3A_608 = arith.constant 0 : index
        %get3A_609 = tpu.vector_load %arg9[%get3A_607, %get3A_608] {strides = array<i32>} : memref<128x128xf32, #tpu.memory_space<vmem>>, vector<16xf32>,
        %mul3A_610 = arith.mulf %gather3A, %get3A_609 : vector<16xf32>
        %add3A_611 = arith.addf %scan3A_568, %mul3A_610 : vector<16xf32>
        %add3A_612 = arith.constant 0 : i32
        %add3A_613 = arith.addi %add3A_612, %scan3A_567 : i32
        %get3A_614 = arith.index_cast %add3A_613 : i32 to index
        %get3A_615 = arith.constant 16 : index
        %get3A_616 = tpu.vector_load %arg9[%get3A_614, %get3A_615] {strides = array<i32>} : memref<128x128xf32, #tpu.memory_space<vmem>>, vector<16xf32>,
        %mul3A_617 = arith.mulf %gather3A, %get3A_616 : vector<16xf32>
        %add3A_618 = arith.addf %scan3A_569, %mul3A_617 : vector<16xf32>
        %add3A_619 = arith.constant 0 : i32
        %add3A_620 = arith.addi %add3A_619, %scan3A_567 : i32
        %get3A_621 = arith.index_cast %add3A_620 : i32 to index
        %get3A_622 = arith.constant 32 : index
        %get3A_623 = tpu.vector_load %arg9[%get3A_621, %get3A_622] {strides = array<i32>} : memref<128x128xf32, #tpu.memory_space<vmem>>, vector<16xf32>,
        %mul3A_624 = arith.mulf %gather3A, %get3A_623 : vector<16xf32>
        %add3A_625 = arith.addf %scan3A_570, %mul3A_624 : vector<16xf32>
        %add3A_626 = arith.constant 0 : i32
        %add3A_627 = arith.addi %add3A_626, %scan3A_567 : i32
        %get3A_628 = arith.index_cast %add3A_627 : i32 to index
        %get3A_629 = arith.constant 48 : index
        %get3A_630 = tpu.vector_load %arg9[%get3A_628, %get3A_629] {strides = array<i32>} : memref<128x128xf32, #tpu.memory_space<vmem>>, vector<16xf32>,
        %mul3A_631 = arith.mulf %gather3A, %get3A_630 : vector<16xf32>
        %add3A_632 = arith.addf %scan3A_571, %mul3A_631 : vector<16xf32>
        %add3A_633 = arith.constant 0 : i32
        %add3A_634 = arith.addi %add3A_633, %scan3A_567 : i32
        %get3A_635 = arith.index_cast %add3A_634 : i32 to index
        %get3A_636 = arith.constant 64 : index
        %get3A_637 = tpu.vector_load %arg9[%get3A_635, %get3A_636] {strides = array<i32>} : memref<128x128xf32, #tpu.memory_space<vmem>>, vector<16xf32>,
        %mul3A_638 = arith.mulf %gather3A, %get3A_637 : vector<16xf32>
        %add3A_639 = arith.addf %scan3A_572, %mul3A_638 : vector<16xf32>
        %add3A_640 = arith.constant 0 : i32
        %add3A_641 = arith.addi %add3A_640, %scan3A_567 : i32
        %get3A_642 = arith.index_cast %add3A_641 : i32 to index
        %get3A_643 = arith.constant 80 : index
        %get3A_644 = tpu.vector_load %arg9[%get3A_642, %get3A_643] {strides = array<i32>} : memref<128x128xf32, #tpu.memory_space<vmem>>, vector<16xf32>,
        %mul3A_645 = arith.mulf %gather3A, %get3A_644 : vector<16xf32>
        %add3A_646 = arith.addf %scan3A_573, %mul3A_645 : vector<16xf32>
        %add3A_647 = arith.constant 0 : i32
        %add3A_648 = arith.addi %add3A_647, %scan3A_567 : i32
        %get3A_649 = arith.index_cast %add3A_648 : i32 to index
        %get3A_650 = arith.constant 96 : index
        %get3A_651 = tpu.vector_load %arg9[%get3A_649, %get3A_650] {strides = array<i32>} : memref<128x128xf32, #tpu.memory_space<vmem>>, vector<16xf32>,
        %mul3A_652 = arith.mulf %gather3A, %get3A_651 : vector<16xf32>
        %add3A_653 = arith.addf %scan3A_574, %mul3A_652 : vector<16xf32>
        %add3A_654 = arith.constant 0 : i32
        %add3A_655 = arith.addi %add3A_654, %scan3A_567 : i32
        %get3A_656 = arith.index_cast %add3A_655 : i32 to index
        %get3A_657 = arith.constant 112 : index
        %get3A_658 = tpu.vector_load %arg9[%get3A_656, %get3A_657] {strides = array<i32>} : memref<128x128xf32, #tpu.memory_space<vmem>>, vector<16xf32>,
        %mul3A_659 = arith.mulf %gather3A, %get3A_658 : vector<16xf32>
        %add3A_660 = arith.addf %scan3A_575, %mul3A_659 : vector<16xf32>
        %add3A_661 = arith.constant 32 : i32
        %add3A_662 = arith.addi %mul3A_65, %add3A_661 : i32
        %add3A_663 = arith.addi %add3A_662, %scan3A_567 : i32
        %add3A_664 = vector.broadcast %add3A_663 : i32 to vector<16xi32>
        %add3A_665 = arith.addi %broadcast_in_dim3A_32, %add3A_664 : vector<16xi32>
        %gather3A_666 = tpu.vector_load_idx %arg8[%add3A_665] : memref<10240xf32, #tpu.memory_space<vmem>>[vector<16xi32>], vector<16xf32>,
        %add3A_667 = arith.constant 32 : i32
        %add3A_668 = arith.addi %add3A_667, %scan3A_567 : i32
        %get3A_669 = arith.index_cast %add3A_668 : i32 to index
        %get3A_670 = arith.constant 0 : index
        %get3A_671 = tpu.vector_load %arg9[%get3A_669, %get3A_670] {strides = array<i32>} : memref<128x128xf32, #tpu.memory_space<vmem>>, vector<16xf32>,
        %mul3A_672 = arith.mulf %gather3A_666, %get3A_671 : vector<16xf32>
        %add3A_673 = arith.addf %scan3A_576, %mul3A_672 : vector<16xf32>
        %add3A_674 = arith.constant 32 : i32
        %add3A_675 = arith.addi %add3A_674, %scan3A_567 : i32
        %get3A_676 = arith.index_cast %add3A_675 : i32 to index
        %get3A_677 = arith.constant 16 : index
        %get3A_678 = tpu.vector_load %arg9[%get3A_676, %get3A_677] {strides = array<i32>} : memref<128x128xf32, #tpu.memory_space<vmem>>, vector<16xf32>,
        %mul3A_679 = arith.mulf %gather3A_666, %get3A_678 : vector<16xf32>
        %add3A_680 = arith.addf %scan3A_577, %mul3A_679 : vector<16xf32>
        %add3A_681 = arith.constant 32 : i32
        %add3A_682 = arith.addi %add3A_681, %scan3A_567 : i32
        %get3A_683 = arith.index_cast %add3A_682 : i32 to index
        %get3A_684 = arith.constant 32 : index
        %get3A_685 = tpu.vector_load %arg9[%get3A_683, %get3A_684] {strides = array<i32>} : memref<128x128xf32, #tpu.memory_space<vmem>>, vector<16xf32>,
        %mul3A_686 = arith.mulf %gather3A_666, %get3A_685 : vector<16xf32>
        %add3A_687 = arith.addf %scan3A_578, %mul3A_686 : vector<16xf32>
        %add3A_688 = arith.constant 32 : i32
        %add3A_689 = arith.addi %add3A_688, %scan3A_567 : i32
        %get3A_690 = arith.index_cast %add3A_689 : i32 to index
        %get3A_691 = arith.constant 48 : index
        %get3A_692 = tpu.vector_load %arg9[%get3A_690, %get3A_691] {strides = array<i32>} : memref<128x128xf32, #tpu.memory_space<vmem>>, vector<16xf32>,
        %mul3A_693 = arith.mulf %gather3A_666, %get3A_692 : vector<16xf32>
        %add3A_694 = arith.addf %scan3A_579, %mul3A_693 : vector<16xf32>
        %add3A_695 = arith.constant 32 : i32
        %add3A_696 = arith.addi %add3A_695, %scan3A_567 : i32
        %get3A_697 = arith.index_cast %add3A_696 : i32 to index
        %get3A_698 = arith.constant 64 : index
        %get3A_699 = tpu.vector_load %arg9[%get3A_697, %get3A_698] {strides = array<i32>} : memref<128x128xf32, #tpu.memory_space<vmem>>, vector<16xf32>,
        %mul3A_700 = arith.mulf %gather3A_666, %get3A_699 : vector<16xf32>
        %add3A_701 = arith.addf %scan3A_580, %mul3A_700 : vector<16xf32>
        %add3A_702 = arith.constant 32 : i32
        %add3A_703 = arith.addi %add3A_702, %scan3A_567 : i32
        %get3A_704 = arith.index_cast %add3A_703 : i32 to index
        %get3A_705 = arith.constant 80 : index
        %get3A_706 = tpu.vector_load %arg9[%get3A_704, %get3A_705] {strides = array<i32>} : memref<128x128xf32, #tpu.memory_space<vmem>>, vector<16xf32>,
        %mul3A_707 = arith.mulf %gather3A_666, %get3A_706 : vector<16xf32>
        %add3A_708 = arith.addf %scan3A_581, %mul3A_707 : vector<16xf32>
        %add3A_709 = arith.constant 32 : i32
        %add3A_710 = arith.addi %add3A_709, %scan3A_567 : i32
        %get3A_711 = arith.index_cast %add3A_710 : i32 to index
        %get3A_712 = arith.constant 96 : index
        %get3A_713 = tpu.vector_load %arg9[%get3A_711, %get3A_712] {strides = array<i32>} : memref<128x128xf32, #tpu.memory_space<vmem>>, vector<16xf32>,
        %mul3A_714 = arith.mulf %gather3A_666, %get3A_713 : vector<16xf32>
        %add3A_715 = arith.addf %scan3A_582, %mul3A_714 : vector<16xf32>
        %add3A_716 = arith.constant 32 : i32
        %add3A_717 = arith.addi %add3A_716, %scan3A_567 : i32
        %get3A_718 = arith.index_cast %add3A_717 : i32 to index
        %get3A_719 = arith.constant 112 : index
        %get3A_720 = tpu.vector_load %arg9[%get3A_718, %get3A_719] {strides = array<i32>} : memref<128x128xf32, #tpu.memory_space<vmem>>, vector<16xf32>,
        %mul3A_721 = arith.mulf %gather3A_666, %get3A_720 : vector<16xf32>
        %add3A_722 = arith.addf %scan3A_583, %mul3A_721 : vector<16xf32>
        %add3A_723 = arith.constant 64 : i32
        %add3A_724 = arith.addi %mul3A_65, %add3A_723 : i32
        %add3A_725 = arith.addi %add3A_724, %scan3A_567 : i32
        %add3A_726 = vector.broadcast %add3A_725 : i32 to vector<16xi32>
        %add3A_727 = arith.addi %broadcast_in_dim3A_32, %add3A_726 : vector<16xi32>
        %gather3A_728 = tpu.vector_load_idx %arg8[%add3A_727] : memref<10240xf32, #tpu.memory_space<vmem>>[vector<16xi32>], vector<16xf32>,
        %add3A_729 = arith.constant 64 : i32
        %add3A_730 = arith.addi %add3A_729, %scan3A_567 : i32
        %get3A_731 = arith.index_cast %add3A_730 : i32 to index
        %get3A_732 = arith.constant 0 : index
        %get3A_733 = tpu.vector_load %arg9[%get3A_731, %get3A_732] {strides = array<i32>} : memref<128x128xf32, #tpu.memory_space<vmem>>, vector<16xf32>,
        %mul3A_734 = arith.mulf %gather3A_728, %get3A_733 : vector<16xf32>
        %add3A_735 = arith.addf %scan3A_584, %mul3A_734 : vector<16xf32>
        %add3A_736 = arith.constant 64 : i32
        %add3A_737 = arith.addi %add3A_736, %scan3A_567 : i32
        %get3A_738 = arith.index_cast %add3A_737 : i32 to index
        %get3A_739 = arith.constant 16 : index
        %get3A_740 = tpu.vector_load %arg9[%get3A_738, %get3A_739] {strides = array<i32>} : memref<128x128xf32, #tpu.memory_space<vmem>>, vector<16xf32>,
        %mul3A_741 = arith.mulf %gather3A_728, %get3A_740 : vector<16xf32>
        %add3A_742 = arith.addf %scan3A_585, %mul3A_741 : vector<16xf32>
        %add3A_743 = arith.constant 64 : i32
        %add3A_744 = arith.addi %add3A_743, %scan3A_567 : i32
        %get3A_745 = arith.index_cast %add3A_744 : i32 to index
        %get3A_746 = arith.constant 32 : index
        %get3A_747 = tpu.vector_load %arg9[%get3A_745, %get3A_746] {strides = array<i32>} : memref<128x128xf32, #tpu.memory_space<vmem>>, vector<16xf32>,
        %mul3A_748 = arith.mulf %gather3A_728, %get3A_747 : vector<16xf32>
        %add3A_749 = arith.addf %scan3A_586, %mul3A_748 : vector<16xf32>
        %add3A_750 = arith.constant 64 : i32
        %add3A_751 = arith.addi %add3A_750, %scan3A_567 : i32
        %get3A_752 = arith.index_cast %add3A_751 : i32 to index
        %get3A_753 = arith.constant 48 : index
        %get3A_754 = tpu.vector_load %arg9[%get3A_752, %get3A_753] {strides = array<i32>} : memref<128x128xf32, #tpu.memory_space<vmem>>, vector<16xf32>,
        %mul3A_755 = arith.mulf %gather3A_728, %get3A_754 : vector<16xf32>
        %add3A_756 = arith.addf %scan3A_587, %mul3A_755 : vector<16xf32>
        %add3A_757 = arith.constant 64 : i32
        %add3A_758 = arith.addi %add3A_757, %scan3A_567 : i32
        %get3A_759 = arith.index_cast %add3A_758 : i32 to index
        %get3A_760 = arith.constant 64 : index
        %get3A_761 = tpu.vector_load %arg9[%get3A_759, %get3A_760] {strides = array<i32>} : memref<128x128xf32, #tpu.memory_space<vmem>>, vector<16xf32>,
        %mul3A_762 = arith.mulf %gather3A_728, %get3A_761 : vector<16xf32>
        %add3A_763 = arith.addf %scan3A_588, %mul3A_762 : vector<16xf32>
        %add3A_764 = arith.constant 64 : i32
        %add3A_765 = arith.addi %add3A_764, %scan3A_567 : i32
        %get3A_766 = arith.index_cast %add3A_765 : i32 to index
        %get3A_767 = arith.constant 80 : index
        %get3A_768 = tpu.vector_load %arg9[%get3A_766, %get3A_767] {strides = array<i32>} : memref<128x128xf32, #tpu.memory_space<vmem>>, vector<16xf32>,
        %mul3A_769 = arith.mulf %gather3A_728, %get3A_768 : vector<16xf32>
        %add3A_770 = arith.addf %scan3A_589, %mul3A_769 : vector<16xf32>
        %add3A_771 = arith.constant 64 : i32
        %add3A_772 = arith.addi %add3A_771, %scan3A_567 : i32
        %get3A_773 = arith.index_cast %add3A_772 : i32 to index
        %get3A_774 = arith.constant 96 : index
        %get3A_775 = tpu.vector_load %arg9[%get3A_773, %get3A_774] {strides = array<i32>} : memref<128x128xf32, #tpu.memory_space<vmem>>, vector<16xf32>,
        %mul3A_776 = arith.mulf %gather3A_728, %get3A_775 : vector<16xf32>
        %add3A_777 = arith.addf %scan3A_590, %mul3A_776 : vector<16xf32>
        %add3A_778 = arith.constant 64 : i32
        %add3A_779 = arith.addi %add3A_778, %scan3A_567 : i32
        %get3A_780 = arith.index_cast %add3A_779 : i32 to index
        %get3A_781 = arith.constant 112 : index
        %get3A_782 = tpu.vector_load %arg9[%get3A_780, %get3A_781] {strides = array<i32>} : memref<128x128xf32, #tpu.memory_space<vmem>>, vector<16xf32>,
        %mul3A_783 = arith.mulf %gather3A_728, %get3A_782 : vector<16xf32>
        %add3A_784 = arith.addf %scan3A_591, %mul3A_783 : vector<16xf32>
        %add3A_785 = arith.constant 96 : i32
        %add3A_786 = arith.addi %mul3A_65, %add3A_785 : i32
        %add3A_787 = arith.addi %add3A_786, %scan3A_567 : i32
        %add3A_788 = vector.broadcast %add3A_787 : i32 to vector<16xi32>
        %add3A_789 = arith.addi %broadcast_in_dim3A_32, %add3A_788 : vector<16xi32>
        %gather3A_790 = tpu.vector_load_idx %arg8[%add3A_789] : memref<10240xf32, #tpu.memory_space<vmem>>[vector<16xi32>], vector<16xf32>,
        %add3A_791 = arith.constant 96 : i32
        %add3A_792 = arith.addi %add3A_791, %scan3A_567 : i32
        %get3A_793 = arith.index_cast %add3A_792 : i32 to index
        %get3A_794 = arith.constant 0 : index
        %get3A_795 = tpu.vector_load %arg9[%get3A_793, %get3A_794] {strides = array<i32>} : memref<128x128xf32, #tpu.memory_space<vmem>>, vector<16xf32>,
        %mul3A_796 = arith.mulf %gather3A_790, %get3A_795 : vector<16xf32>
        %add3A_797 = arith.addf %scan3A_592, %mul3A_796 : vector<16xf32>
        %add3A_798 = arith.constant 96 : i32
        %add3A_799 = arith.addi %add3A_798, %scan3A_567 : i32
        %get3A_800 = arith.index_cast %add3A_799 : i32 to index
        %get3A_801 = arith.constant 16 : index
        %get3A_802 = tpu.vector_load %arg9[%get3A_800, %get3A_801] {strides = array<i32>} : memref<128x128xf32, #tpu.memory_space<vmem>>, vector<16xf32>,
        %mul3A_803 = arith.mulf %gather3A_790, %get3A_802 : vector<16xf32>
        %add3A_804 = arith.addf %scan3A_593, %mul3A_803 : vector<16xf32>
        %add3A_805 = arith.constant 96 : i32
        %add3A_806 = arith.addi %add3A_805, %scan3A_567 : i32
        %get3A_807 = arith.index_cast %add3A_806 : i32 to index
        %get3A_808 = arith.constant 32 : index
        %get3A_809 = tpu.vector_load %arg9[%get3A_807, %get3A_808] {strides = array<i32>} : memref<128x128xf32, #tpu.memory_space<vmem>>, vector<16xf32>,
        %mul3A_810 = arith.mulf %gather3A_790, %get3A_809 : vector<16xf32>
        %add3A_811 = arith.addf %scan3A_594, %mul3A_810 : vector<16xf32>
        %add3A_812 = arith.constant 96 : i32
        %add3A_813 = arith.addi %add3A_812, %scan3A_567 : i32
        %get3A_814 = arith.index_cast %add3A_813 : i32 to index
        %get3A_815 = arith.constant 48 : index
        %get3A_816 = tpu.vector_load %arg9[%get3A_814, %get3A_815] {strides = array<i32>} : memref<128x128xf32, #tpu.memory_space<vmem>>, vector<16xf32>,
        %mul3A_817 = arith.mulf %gather3A_790, %get3A_816 : vector<16xf32>
        %add3A_818 = arith.addf %scan3A_595, %mul3A_817 : vector<16xf32>
        %add3A_819 = arith.constant 96 : i32
        %add3A_820 = arith.addi %add3A_819, %scan3A_567 : i32
        %get3A_821 = arith.index_cast %add3A_820 : i32 to index
        %get3A_822 = arith.constant 64 : index
        %get3A_823 = tpu.vector_load %arg9[%get3A_821, %get3A_822] {strides = array<i32>} : memref<128x128xf32, #tpu.memory_space<vmem>>, vector<16xf32>,
        %mul3A_824 = arith.mulf %gather3A_790, %get3A_823 : vector<16xf32>
        %add3A_825 = arith.addf %scan3A_596, %mul3A_824 : vector<16xf32>
        %add3A_826 = arith.constant 96 : i32
        %add3A_827 = arith.addi %add3A_826, %scan3A_567 : i32
        %get3A_828 = arith.index_cast %add3A_827 : i32 to index
        %get3A_829 = arith.constant 80 : index
        %get3A_830 = tpu.vector_load %arg9[%get3A_828, %get3A_829] {strides = array<i32>} : memref<128x128xf32, #tpu.memory_space<vmem>>, vector<16xf32>,
        %mul3A_831 = arith.mulf %gather3A_790, %get3A_830 : vector<16xf32>
        %add3A_832 = arith.addf %scan3A_597, %mul3A_831 : vector<16xf32>
        %add3A_833 = arith.constant 96 : i32
        %add3A_834 = arith.addi %add3A_833, %scan3A_567 : i32
        %get3A_835 = arith.index_cast %add3A_834 : i32 to index
        %get3A_836 = arith.constant 96 : index
        %get3A_837 = tpu.vector_load %arg9[%get3A_835, %get3A_836] {strides = array<i32>} : memref<128x128xf32, #tpu.memory_space<vmem>>, vector<16xf32>,
        %mul3A_838 = arith.mulf %gather3A_790, %get3A_837 : vector<16xf32>
        %add3A_839 = arith.addf %scan3A_598, %mul3A_838 : vector<16xf32>
        %add3A_840 = arith.constant 96 : i32
        %add3A_841 = arith.addi %add3A_840, %scan3A_567 : i32
        %get3A_842 = arith.index_cast %add3A_841 : i32 to index
        %get3A_843 = arith.constant 112 : index
        %get3A_844 = tpu.vector_load %arg9[%get3A_842, %get3A_843] {strides = array<i32>} : memref<128x128xf32, #tpu.memory_space<vmem>>, vector<16xf32>,
        %mul3A_845 = arith.mulf %gather3A_790, %get3A_844 : vector<16xf32>
        %add3A_846 = arith.addf %scan3A_599, %mul3A_845 : vector<16xf32>
        scf.yield %add3A_611, %add3A_618, %add3A_625, %add3A_632, %add3A_639, %add3A_646, %add3A_653, %add3A_660, %add3A_673, %add3A_680, %add3A_687, %add3A_694, %add3A_701, %add3A_708, %add3A_715, %add3A_722, %add3A_735, %add3A_742, %add3A_749, %add3A_756, %add3A_763, %add3A_770, %add3A_777, %add3A_784, %add3A_797, %add3A_804, %add3A_811, %add3A_818, %add3A_825, %add3A_832, %add3A_839, %add3A_846 : vector<16xf32>, vector<16xf32>, vector<16xf32>, vector<16xf32>, vector<16xf32>, vector<16xf32>, vector<16xf32>, vector<16xf32>, vector<16xf32>, vector<16xf32>, vector<16xf32>, vector<16xf32>, vector<16xf32>, vector<16xf32>, vector<16xf32>, vector<16xf32>, vector<16xf32>, vector<16xf32>, vector<16xf32>, vector<16xf32>, vector<16xf32>, vector<16xf32>, vector<16xf32>, vector<16xf32>, vector<16xf32>, vector<16xf32>, vector<16xf32>, vector<16xf32>, vector<16xf32>, vector<16xf32>, vector<16xf32>, vector<16xf32>
      }
      %scan3A_71 = arith.constant 32 : i32
      %mul3A_72 = arith.constant 4 : i32
      %mul3A_73 = arith.muli %mul3A_50, %mul3A_72 : i32
      %add3A_74 = arith.constant 0 : i32
      %add3A_75 = arith.addi %mul3A_73, %add3A_74 : i32
      %mul3A_76 = arith.constant 0.00999999977 : f32
      %mul3A_77 = vector.broadcast %mul3A_76 : f32 to vector<16xf32>
      %mul3A_78 = arith.mulf %mul3A_77, %scan3A_70#0 : vector<16xf32>
      %max3A = arith.maximumf %scan3A_70#0, %mul3A_78 : vector<16xf32>
      %swap3A = arith.index_cast %add3A_75 : i32 to index
      %swap3A_79 = arith.constant 0 : index
      %swap3A_80 = tpu.vector_load %arg11[%swap3A, %swap3A_79] {strides = array<i32>} : memref<320x128xf32, #tpu.memory_space<vmem>>, vector<16xf32>,
      tpu.vector_store %arg11[%swap3A, %swap3A_79], %max3A {strides = array<i32>} : memref<320x128xf32, #tpu.memory_space<vmem>>, vector<16xf32>,
      %mul3A_81 = arith.constant 0.00999999977 : f32
      %mul3A_82 = vector.broadcast %mul3A_81 : f32 to vector<16xf32>
      %mul3A_83 = arith.mulf %mul3A_82, %scan3A_70#1 : vector<16xf32>
      %max3A_84 = arith.maximumf %scan3A_70#1, %mul3A_83 : vector<16xf32>
      %swap3A_85 = arith.index_cast %add3A_75 : i32 to index
      %swap3A_86 = arith.constant 16 : index
      %swap3A_87 = tpu.vector_load %arg11[%swap3A_85, %swap3A_86] {strides = array<i32>} : memref<320x128xf32, #tpu.memory_space<vmem>>, vector<16xf32>,
      tpu.vector_store %arg11[%swap3A_85, %swap3A_86], %max3A_84 {strides = array<i32>} : memref<320x128xf32, #tpu.memory_space<vmem>>, vector<16xf32>,
      %mul3A_88 = arith.constant 0.00999999977 : f32
      %mul3A_89 = vector.broadcast %mul3A_88 : f32 to vector<16xf32>
      %mul3A_90 = arith.mulf %mul3A_89, %scan3A_70#2 : vector<16xf32>
      %max3A_91 = arith.maximumf %scan3A_70#2, %mul3A_90 : vector<16xf32>
      %swap3A_92 = arith.index_cast %add3A_75 : i32 to index
      %swap3A_93 = arith.constant 32 : index
      %swap3A_94 = tpu.vector_load %arg11[%swap3A_92, %swap3A_93] {strides = array<i32>} : memref<320x128xf32, #tpu.memory_space<vmem>>, vector<16xf32>,
      tpu.vector_store %arg11[%swap3A_92, %swap3A_93], %max3A_91 {strides = array<i32>} : memref<320x128xf32, #tpu.memory_space<vmem>>, vector<16xf32>,
      %mul3A_95 = arith.constant 0.00999999977 : f32
      %mul3A_96 = vector.broadcast %mul3A_95 : f32 to vector<16xf32>
      %mul3A_97 = arith.mulf %mul3A_96, %scan3A_70#3 : vector<16xf32>
      %max3A_98 = arith.maximumf %scan3A_70#3, %mul3A_97 : vector<16xf32>
      %swap3A_99 = arith.index_cast %add3A_75 : i32 to index
      %swap3A_100 = arith.constant 48 : index
      %swap3A_101 = tpu.vector_load %arg11[%swap3A_99, %swap3A_100] {strides = array<i32>} : memref<320x128xf32, #tpu.memory_space<vmem>>, vector<16xf32>,
      tpu.vector_store %arg11[%swap3A_99, %swap3A_100], %max3A_98 {strides = array<i32>} : memref<320x128xf32, #tpu.memory_space<vmem>>, vector<16xf32>,
      %mul3A_102 = arith.constant 0.00999999977 : f32
      %mul3A_103 = vector.broadcast %mul3A_102 : f32 to vector<16xf32>
      %mul3A_104 = arith.mulf %mul3A_103, %scan3A_70#4 : vector<16xf32>
      %max3A_105 = arith.maximumf %scan3A_70#4, %mul3A_104 : vector<16xf32>
      %swap3A_106 = arith.index_cast %add3A_75 : i32 to index
      %swap3A_107 = arith.constant 64 : index
      %swap3A_108 = tpu.vector_load %arg11[%swap3A_106, %swap3A_107] {strides = array<i32>} : memref<320x128xf32, #tpu.memory_space<vmem>>, vector<16xf32>,
      tpu.vector_store %arg11[%swap3A_106, %swap3A_107], %max3A_105 {strides = array<i32>} : memref<320x128xf32, #tpu.memory_space<vmem>>, vector<16xf32>,
      %mul3A_109 = arith.constant 0.00999999977 : f32
      %mul3A_110 = vector.broadcast %mul3A_109 : f32 to vector<16xf32>
      %mul3A_111 = arith.mulf %mul3A_110, %scan3A_70#5 : vector<16xf32>
      %max3A_112 = arith.maximumf %scan3A_70#5, %mul3A_111 : vector<16xf32>
      %swap3A_113 = arith.index_cast %add3A_75 : i32 to index
      %swap3A_114 = arith.constant 80 : index
      %swap3A_115 = tpu.vector_load %arg11[%swap3A_113, %swap3A_114] {strides = array<i32>} : memref<320x128xf32, #tpu.memory_space<vmem>>, vector<16xf32>,
      tpu.vector_store %arg11[%swap3A_113, %swap3A_114], %max3A_112 {strides = array<i32>} : memref<320x128xf32, #tpu.memory_space<vmem>>, vector<16xf32>,
      %mul3A_116 = arith.constant 0.00999999977 : f32
      %mul3A_117 = vector.broadcast %mul3A_116 : f32 to vector<16xf32>
      %mul3A_118 = arith.mulf %mul3A_117, %scan3A_70#6 : vector<16xf32>
      %max3A_119 = arith.maximumf %scan3A_70#6, %mul3A_118 : vector<16xf32>
      %swap3A_120 = arith.index_cast %add3A_75 : i32 to index
      %swap3A_121 = arith.constant 96 : index
      %swap3A_122 = tpu.vector_load %arg11[%swap3A_120, %swap3A_121] {strides = array<i32>} : memref<320x128xf32, #tpu.memory_space<vmem>>, vector<16xf32>,
      tpu.vector_store %arg11[%swap3A_120, %swap3A_121], %max3A_119 {strides = array<i32>} : memref<320x128xf32, #tpu.memory_space<vmem>>, vector<16xf32>,
      %mul3A_123 = arith.constant 0.00999999977 : f32
      %mul3A_124 = vector.broadcast %mul3A_123 : f32 to vector<16xf32>
      %mul3A_125 = arith.mulf %mul3A_124, %scan3A_70#7 : vector<16xf32>
      %max3A_126 = arith.maximumf %scan3A_70#7, %mul3A_125 : vector<16xf32>
      %swap3A_127 = arith.index_cast %add3A_75 : i32 to index
      %swap3A_128 = arith.constant 112 : index
      %swap3A_129 = tpu.vector_load %arg11[%swap3A_127, %swap3A_128] {strides = array<i32>} : memref<320x128xf32, #tpu.memory_space<vmem>>, vector<16xf32>,
      tpu.vector_store %arg11[%swap3A_127, %swap3A_128], %max3A_126 {strides = array<i32>} : memref<320x128xf32, #tpu.memory_space<vmem>>, vector<16xf32>,
      %mul3A_130 = arith.constant 4 : i32
      %mul3A_131 = arith.muli %mul3A_50, %mul3A_130 : i32
      %add3A_132 = arith.constant 1 : i32
      %add3A_133 = arith.addi %mul3A_131, %add3A_132 : i32
      %mul3A_134 = arith.constant 0.00999999977 : f32
      %mul3A_135 = vector.broadcast %mul3A_134 : f32 to vector<16xf32>
      %mul3A_136 = arith.mulf %mul3A_135, %scan3A_70#8 : vector<16xf32>
      %max3A_137 = arith.maximumf %scan3A_70#8, %mul3A_136 : vector<16xf32>
      %swap3A_138 = arith.index_cast %add3A_133 : i32 to index
      %swap3A_139 = arith.constant 0 : index
      %swap3A_140 = tpu.vector_load %arg11[%swap3A_138, %swap3A_139] {strides = array<i32>} : memref<320x128xf32, #tpu.memory_space<vmem>>, vector<16xf32>,
      tpu.vector_store %arg11[%swap3A_138, %swap3A_139], %max3A_137 {strides = array<i32>} : memref<320x128xf32, #tpu.memory_space<vmem>>, vector<16xf32>,
      %mul3A_141 = arith.constant 0.00999999977 : f32
      %mul3A_142 = vector.broadcast %mul3A_141 : f32 to vector<16xf32>
      %mul3A_143 = arith.mulf %mul3A_142, %scan3A_70#9 : vector<16xf32>
      %max3A_144 = arith.maximumf %scan3A_70#9, %mul3A_143 : vector<16xf32>
      %swap3A_145 = arith.index_cast %add3A_133 : i32 to index
      %swap3A_146 = arith.constant 16 : index
      %swap3A_147 = tpu.vector_load %arg11[%swap3A_145, %swap3A_146] {strides = array<i32>} : memref<320x128xf32, #tpu.memory_space<vmem>>, vector<16xf32>,
      tpu.vector_store %arg11[%swap3A_145, %swap3A_146], %max3A_144 {strides = array<i32>} : memref<320x128xf32, #tpu.memory_space<vmem>>, vector<16xf32>,
      %mul3A_148 = arith.constant 0.00999999977 : f32
      %mul3A_149 = vector.broadcast %mul3A_148 : f32 to vector<16xf32>
      %mul3A_150 = arith.mulf %mul3A_149, %scan3A_70#10 : vector<16xf32>
      %max3A_151 = arith.maximumf %scan3A_70#10, %mul3A_150 : vector<16xf32>
      %swap3A_152 = arith.index_cast %add3A_133 : i32 to index
      %swap3A_153 = arith.constant 32 : index
      %swap3A_154 = tpu.vector_load %arg11[%swap3A_152, %swap3A_153] {strides = array<i32>} : memref<320x128xf32, #tpu.memory_space<vmem>>, vector<16xf32>,
      tpu.vector_store %arg11[%swap3A_152, %swap3A_153], %max3A_151 {strides = array<i32>} : memref<320x128xf32, #tpu.memory_space<vmem>>, vector<16xf32>,
      %mul3A_155 = arith.constant 0.00999999977 : f32
      %mul3A_156 = vector.broadcast %mul3A_155 : f32 to vector<16xf32>
      %mul3A_157 = arith.mulf %mul3A_156, %scan3A_70#11 : vector<16xf32>
      %max3A_158 = arith.maximumf %scan3A_70#11, %mul3A_157 : vector<16xf32>
      %swap3A_159 = arith.index_cast %add3A_133 : i32 to index
      %swap3A_160 = arith.constant 48 : index
      %swap3A_161 = tpu.vector_load %arg11[%swap3A_159, %swap3A_160] {strides = array<i32>} : memref<320x128xf32, #tpu.memory_space<vmem>>, vector<16xf32>,
      tpu.vector_store %arg11[%swap3A_159, %swap3A_160], %max3A_158 {strides = array<i32>} : memref<320x128xf32, #tpu.memory_space<vmem>>, vector<16xf32>,
      %mul3A_162 = arith.constant 0.00999999977 : f32
      %mul3A_163 = vector.broadcast %mul3A_162 : f32 to vector<16xf32>
      %mul3A_164 = arith.mulf %mul3A_163, %scan3A_70#12 : vector<16xf32>
      %max3A_165 = arith.maximumf %scan3A_70#12, %mul3A_164 : vector<16xf32>
      %swap3A_166 = arith.index_cast %add3A_133 : i32 to index
      %swap3A_167 = arith.constant 64 : index
      %swap3A_168 = tpu.vector_load %arg11[%swap3A_166, %swap3A_167] {strides = array<i32>} : memref<320x128xf32, #tpu.memory_space<vmem>>, vector<16xf32>,
      tpu.vector_store %arg11[%swap3A_166, %swap3A_167], %max3A_165 {strides = array<i32>} : memref<320x128xf32, #tpu.memory_space<vmem>>, vector<16xf32>,
      %mul3A_169 = arith.constant 0.00999999977 : f32
      %mul3A_170 = vector.broadcast %mul3A_169 : f32 to vector<16xf32>
      %mul3A_171 = arith.mulf %mul3A_170, %scan3A_70#13 : vector<16xf32>
      %max3A_172 = arith.maximumf %scan3A_70#13, %mul3A_171 : vector<16xf32>
      %swap3A_173 = arith.index_cast %add3A_133 : i32 to index
      %swap3A_174 = arith.constant 80 : index
      %swap3A_175 = tpu.vector_load %arg11[%swap3A_173, %swap3A_174] {strides = array<i32>} : memref<320x128xf32, #tpu.memory_space<vmem>>, vector<16xf32>,
      tpu.vector_store %arg11[%swap3A_173, %swap3A_174], %max3A_172 {strides = array<i32>} : memref<320x128xf32, #tpu.memory_space<vmem>>, vector<16xf32>,
      %mul3A_176 = arith.constant 0.00999999977 : f32
      %mul3A_177 = vector.broadcast %mul3A_176 : f32 to vector<16xf32>
      %mul3A_178 = arith.mulf %mul3A_177, %scan3A_70#14 : vector<16xf32>
      %max3A_179 = arith.maximumf %scan3A_70#14, %mul3A_178 : vector<16xf32>
      %swap3A_180 = arith.index_cast %add3A_133 : i32 to index
      %swap3A_181 = arith.constant 96 : index
      %swap3A_182 = tpu.vector_load %arg11[%swap3A_180, %swap3A_181] {strides = array<i32>} : memref<320x128xf32, #tpu.memory_space<vmem>>, vector<16xf32>,
      tpu.vector_store %arg11[%swap3A_180, %swap3A_181], %max3A_179 {strides = array<i32>} : memref<320x128xf32, #tpu.memory_space<vmem>>, vector<16xf32>,
      %mul3A_183 = arith.constant 0.00999999977 : f32
      %mul3A_184 = vector.broadcast %mul3A_183 : f32 to vector<16xf32>
      %mul3A_185 = arith.mulf %mul3A_184, %scan3A_70#15 : vector<16xf32>
      %max3A_186 = arith.maximumf %scan3A_70#15, %mul3A_185 : vector<16xf32>
      %swap3A_187 = arith.index_cast %add3A_133 : i32 to index
      %swap3A_188 = arith.constant 112 : index
      %swap3A_189 = tpu.vector_load %arg11[%swap3A_187, %swap3A_188] {strides = array<i32>} : memref<320x128xf32, #tpu.memory_space<vmem>>, vector<16xf32>,
      tpu.vector_store %arg11[%swap3A_187, %swap3A_188], %max3A_186 {strides = array<i32>} : memref<320x128xf32, #tpu.memory_space<vmem>>, vector<16xf32>,
      %mul3A_190 = arith.constant 4 : i32
      %mul3A_191 = arith.muli %mul3A_50, %mul3A_190 : i32
      %add3A_192 = arith.constant 2 : i32
      %add3A_193 = arith.addi %mul3A_191, %add3A_192 : i32
      %mul3A_194 = arith.constant 0.00999999977 : f32
      %mul3A_195 = vector.broadcast %mul3A_194 : f32 to vector<16xf32>
      %mul3A_196 = arith.mulf %mul3A_195, %scan3A_70#16 : vector<16xf32>
      %max3A_197 = arith.maximumf %scan3A_70#16, %mul3A_196 : vector<16xf32>
      %swap3A_198 = arith.index_cast %add3A_193 : i32 to index
      %swap3A_199 = arith.constant 0 : index
      %swap3A_200 = tpu.vector_load %arg11[%swap3A_198, %swap3A_199] {strides = array<i32>} : memref<320x128xf32, #tpu.memory_space<vmem>>, vector<16xf32>,
      tpu.vector_store %arg11[%swap3A_198, %swap3A_199], %max3A_197 {strides = array<i32>} : memref<320x128xf32, #tpu.memory_space<vmem>>, vector<16xf32>,
      %mul3A_201 = arith.constant 0.00999999977 : f32
      %mul3A_202 = vector.broadcast %mul3A_201 : f32 to vector<16xf32>
      %mul3A_203 = arith.mulf %mul3A_202, %scan3A_70#17 : vector<16xf32>
      %max3A_204 = arith.maximumf %scan3A_70#17, %mul3A_203 : vector<16xf32>
      %swap3A_205 = arith.index_cast %add3A_193 : i32 to index
      %swap3A_206 = arith.constant 16 : index
      %swap3A_207 = tpu.vector_load %arg11[%swap3A_205, %swap3A_206] {strides = array<i32>} : memref<320x128xf32, #tpu.memory_space<vmem>>, vector<16xf32>,
      tpu.vector_store %arg11[%swap3A_205, %swap3A_206], %max3A_204 {strides = array<i32>} : memref<320x128xf32, #tpu.memory_space<vmem>>, vector<16xf32>,
      %mul3A_208 = arith.constant 0.00999999977 : f32
      %mul3A_209 = vector.broadcast %mul3A_208 : f32 to vector<16xf32>
      %mul3A_210 = arith.mulf %mul3A_209, %scan3A_70#18 : vector<16xf32>
      %max3A_211 = arith.maximumf %scan3A_70#18, %mul3A_210 : vector<16xf32>
      %swap3A_212 = arith.index_cast %add3A_193 : i32 to index
      %swap3A_213 = arith.constant 32 : index
      %swap3A_214 = tpu.vector_load %arg11[%swap3A_212, %swap3A_213] {strides = array<i32>} : memref<320x128xf32, #tpu.memory_space<vmem>>, vector<16xf32>,
      tpu.vector_store %arg11[%swap3A_212, %swap3A_213], %max3A_211 {strides = array<i32>} : memref<320x128xf32, #tpu.memory_space<vmem>>, vector<16xf32>,
      %mul3A_215 = arith.constant 0.00999999977 : f32
      %mul3A_216 = vector.broadcast %mul3A_215 : f32 to vector<16xf32>
      %mul3A_217 = arith.mulf %mul3A_216, %scan3A_70#19 : vector<16xf32>
      %max3A_218 = arith.maximumf %scan3A_70#19, %mul3A_217 : vector<16xf32>
      %swap3A_219 = arith.index_cast %add3A_193 : i32 to index
      %swap3A_220 = arith.constant 48 : index
      %swap3A_221 = tpu.vector_load %arg11[%swap3A_219, %swap3A_220] {strides = array<i32>} : memref<320x128xf32, #tpu.memory_space<vmem>>, vector<16xf32>,
      tpu.vector_store %arg11[%swap3A_219, %swap3A_220], %max3A_218 {strides = array<i32>} : memref<320x128xf32, #tpu.memory_space<vmem>>, vector<16xf32>,
      %mul3A_222 = arith.constant 0.00999999977 : f32
      %mul3A_223 = vector.broadcast %mul3A_222 : f32 to vector<16xf32>
      %mul3A_224 = arith.mulf %mul3A_223, %scan3A_70#20 : vector<16xf32>
      %max3A_225 = arith.maximumf %scan3A_70#20, %mul3A_224 : vector<16xf32>
      %swap3A_226 = arith.index_cast %add3A_193 : i32 to index
      %swap3A_227 = arith.constant 64 : index
      %swap3A_228 = tpu.vector_load %arg11[%swap3A_226, %swap3A_227] {strides = array<i32>} : memref<320x128xf32, #tpu.memory_space<vmem>>, vector<16xf32>,
      tpu.vector_store %arg11[%swap3A_226, %swap3A_227], %max3A_225 {strides = array<i32>} : memref<320x128xf32, #tpu.memory_space<vmem>>, vector<16xf32>,
      %mul3A_229 = arith.constant 0.00999999977 : f32
      %mul3A_230 = vector.broadcast %mul3A_229 : f32 to vector<16xf32>
      %mul3A_231 = arith.mulf %mul3A_230, %scan3A_70#21 : vector<16xf32>
      %max3A_232 = arith.maximumf %scan3A_70#21, %mul3A_231 : vector<16xf32>
      %swap3A_233 = arith.index_cast %add3A_193 : i32 to index
      %swap3A_234 = arith.constant 80 : index
      %swap3A_235 = tpu.vector_load %arg11[%swap3A_233, %swap3A_234] {strides = array<i32>} : memref<320x128xf32, #tpu.memory_space<vmem>>, vector<16xf32>,
      tpu.vector_store %arg11[%swap3A_233, %swap3A_234], %max3A_232 {strides = array<i32>} : memref<320x128xf32, #tpu.memory_space<vmem>>, vector<16xf32>,
      %mul3A_236 = arith.constant 0.00999999977 : f32
      %mul3A_237 = vector.broadcast %mul3A_236 : f32 to vector<16xf32>
      %mul3A_238 = arith.mulf %mul3A_237, %scan3A_70#22 : vector<16xf32>
      %max3A_239 = arith.maximumf %scan3A_70#22, %mul3A_238 : vector<16xf32>
      %swap3A_240 = arith.index_cast %add3A_193 : i32 to index
      %swap3A_241 = arith.constant 96 : index
      %swap3A_242 = tpu.vector_load %arg11[%swap3A_240, %swap3A_241] {strides = array<i32>} : memref<320x128xf32, #tpu.memory_space<vmem>>, vector<16xf32>,
      tpu.vector_store %arg11[%swap3A_240, %swap3A_241], %max3A_239 {strides = array<i32>} : memref<320x128xf32, #tpu.memory_space<vmem>>, vector<16xf32>,
      %mul3A_243 = arith.constant 0.00999999977 : f32
      %mul3A_244 = vector.broadcast %mul3A_243 : f32 to vector<16xf32>
      %mul3A_245 = arith.mulf %mul3A_244, %scan3A_70#23 : vector<16xf32>
      %max3A_246 = arith.maximumf %scan3A_70#23, %mul3A_245 : vector<16xf32>
      %swap3A_247 = arith.index_cast %add3A_193 : i32 to index
      %swap3A_248 = arith.constant 112 : index
      %swap3A_249 = tpu.vector_load %arg11[%swap3A_247, %swap3A_248] {strides = array<i32>} : memref<320x128xf32, #tpu.memory_space<vmem>>, vector<16xf32>,
      tpu.vector_store %arg11[%swap3A_247, %swap3A_248], %max3A_246 {strides = array<i32>} : memref<320x128xf32, #tpu.memory_space<vmem>>, vector<16xf32>,
      %mul3A_250 = arith.constant 4 : i32
      %mul3A_251 = arith.muli %mul3A_50, %mul3A_250 : i32
      %add3A_252 = arith.constant 3 : i32
      %add3A_253 = arith.addi %mul3A_251, %add3A_252 : i32
      %mul3A_254 = arith.constant 0.00999999977 : f32
      %mul3A_255 = vector.broadcast %mul3A_254 : f32 to vector<16xf32>
      %mul3A_256 = arith.mulf %mul3A_255, %scan3A_70#24 : vector<16xf32>
      %max3A_257 = arith.maximumf %scan3A_70#24, %mul3A_256 : vector<16xf32>
      %swap3A_258 = arith.index_cast %add3A_253 : i32 to index
      %swap3A_259 = arith.constant 0 : index
      %swap3A_260 = tpu.vector_load %arg11[%swap3A_258, %swap3A_259] {strides = array<i32>} : memref<320x128xf32, #tpu.memory_space<vmem>>, vector<16xf32>,
      tpu.vector_store %arg11[%swap3A_258, %swap3A_259], %max3A_257 {strides = array<i32>} : memref<320x128xf32, #tpu.memory_space<vmem>>, vector<16xf32>,
      %mul3A_261 = arith.constant 0.00999999977 : f32
      %mul3A_262 = vector.broadcast %mul3A_261 : f32 to vector<16xf32>
      %mul3A_263 = arith.mulf %mul3A_262, %scan3A_70#25 : vector<16xf32>
      %max3A_264 = arith.maximumf %scan3A_70#25, %mul3A_263 : vector<16xf32>
      %swap3A_265 = arith.index_cast %add3A_253 : i32 to index
      %swap3A_266 = arith.constant 16 : index
      %swap3A_267 = tpu.vector_load %arg11[%swap3A_265, %swap3A_266] {strides = array<i32>} : memref<320x128xf32, #tpu.memory_space<vmem>>, vector<16xf32>,
      tpu.vector_store %arg11[%swap3A_265, %swap3A_266], %max3A_264 {strides = array<i32>} : memref<320x128xf32, #tpu.memory_space<vmem>>, vector<16xf32>,
      %mul3A_268 = arith.constant 0.00999999977 : f32
      %mul3A_269 = vector.broadcast %mul3A_268 : f32 to vector<16xf32>
      %mul3A_270 = arith.mulf %mul3A_269, %scan3A_70#26 : vector<16xf32>
      %max3A_271 = arith.maximumf %scan3A_70#26, %mul3A_270 : vector<16xf32>
      %swap3A_272 = arith.index_cast %add3A_253 : i32 to index
      %swap3A_273 = arith.constant 32 : index
      %swap3A_274 = tpu.vector_load %arg11[%swap3A_272, %swap3A_273] {strides = array<i32>} : memref<320x128xf32, #tpu.memory_space<vmem>>, vector<16xf32>,
      tpu.vector_store %arg11[%swap3A_272, %swap3A_273], %max3A_271 {strides = array<i32>} : memref<320x128xf32, #tpu.memory_space<vmem>>, vector<16xf32>,
      %mul3A_275 = arith.constant 0.00999999977 : f32
      %mul3A_276 = vector.broadcast %mul3A_275 : f32 to vector<16xf32>
      %mul3A_277 = arith.mulf %mul3A_276, %scan3A_70#27 : vector<16xf32>
      %max3A_278 = arith.maximumf %scan3A_70#27, %mul3A_277 : vector<16xf32>
      %swap3A_279 = arith.index_cast %add3A_253 : i32 to index
      %swap3A_280 = arith.constant 48 : index
      %swap3A_281 = tpu.vector_load %arg11[%swap3A_279, %swap3A_280] {strides = array<i32>} : memref<320x128xf32, #tpu.memory_space<vmem>>, vector<16xf32>,
      tpu.vector_store %arg11[%swap3A_279, %swap3A_280], %max3A_278 {strides = array<i32>} : memref<320x128xf32, #tpu.memory_space<vmem>>, vector<16xf32>,
      %mul3A_282 = arith.constant 0.00999999977 : f32
      %mul3A_283 = vector.broadcast %mul3A_282 : f32 to vector<16xf32>
      %mul3A_284 = arith.mulf %mul3A_283, %scan3A_70#28 : vector<16xf32>
      %max3A_285 = arith.maximumf %scan3A_70#28, %mul3A_284 : vector<16xf32>
      %swap3A_286 = arith.index_cast %add3A_253 : i32 to index
      %swap3A_287 = arith.constant 64 : index
      %swap3A_288 = tpu.vector_load %arg11[%swap3A_286, %swap3A_287] {strides = array<i32>} : memref<320x128xf32, #tpu.memory_space<vmem>>, vector<16xf32>,
      tpu.vector_store %arg11[%swap3A_286, %swap3A_287], %max3A_285 {strides = array<i32>} : memref<320x128xf32, #tpu.memory_space<vmem>>, vector<16xf32>,
      %mul3A_289 = arith.constant 0.00999999977 : f32
      %mul3A_290 = vector.broadcast %mul3A_289 : f32 to vector<16xf32>
      %mul3A_291 = arith.mulf %mul3A_290, %scan3A_70#29 : vector<16xf32>
      %max3A_292 = arith.maximumf %scan3A_70#29, %mul3A_291 : vector<16xf32>
      %swap3A_293 = arith.index_cast %add3A_253 : i32 to index
      %swap3A_294 = arith.constant 80 : index
      %swap3A_295 = tpu.vector_load %arg11[%swap3A_293, %swap3A_294] {strides = array<i32>} : memref<320x128xf32, #tpu.memory_space<vmem>>, vector<16xf32>,
      tpu.vector_store %arg11[%swap3A_293, %swap3A_294], %max3A_292 {strides = array<i32>} : memref<320x128xf32, #tpu.memory_space<vmem>>, vector<16xf32>,
      %mul3A_296 = arith.constant 0.00999999977 : f32
      %mul3A_297 = vector.broadcast %mul3A_296 : f32 to vector<16xf32>
      %mul3A_298 = arith.mulf %mul3A_297, %scan3A_70#30 : vector<16xf32>
      %max3A_299 = arith.maximumf %scan3A_70#30, %mul3A_298 : vector<16xf32>
      %swap3A_300 = arith.index_cast %add3A_253 : i32 to index
      %swap3A_301 = arith.constant 96 : index
      %swap3A_302 = tpu.vector_load %arg11[%swap3A_300, %swap3A_301] {strides = array<i32>} : memref<320x128xf32, #tpu.memory_space<vmem>>, vector<16xf32>,
      tpu.vector_store %arg11[%swap3A_300, %swap3A_301], %max3A_299 {strides = array<i32>} : memref<320x128xf32, #tpu.memory_space<vmem>>, vector<16xf32>,
      %mul3A_303 = arith.constant 0.00999999977 : f32
      %mul3A_304 = vector.broadcast %mul3A_303 : f32 to vector<16xf32>
      %mul3A_305 = arith.mulf %mul3A_304, %scan3A_70#31 : vector<16xf32>
      %max3A_306 = arith.maximumf %scan3A_70#31, %mul3A_305 : vector<16xf32>
      %swap3A_307 = arith.index_cast %add3A_253 : i32 to index
      %swap3A_308 = arith.constant 112 : index
      %swap3A_309 = tpu.vector_load %arg11[%swap3A_307, %swap3A_308] {strides = array<i32>} : memref<320x128xf32, #tpu.memory_space<vmem>>, vector<16xf32>,
      tpu.vector_store %arg11[%swap3A_307, %swap3A_308], %max3A_306 {strides = array<i32>} : memref<320x128xf32, #tpu.memory_space<vmem>>, vector<16xf32>,
      %lt3A = arith.constant 39 : i32
      %lt3A_310 = arith.cmpi slt, %scan3A_47, %lt3A : i32
      %convert_element_type3A = arith.extui %lt3A_310 : i1 to i32
      %cond3A = arith.constant 0 : i32
      %cond3A_311 = arith.cmpi ne, %convert_element_type3A, %cond3A : i32
      scf.if %cond3A_311 {
        %add3A_567 = arith.constant 2 : i32
        %add3A_568 = arith.addi %mul3A_50, %add3A_567 : i32
        %dma_start3A_569 = arith.constant 0 : i32
        %dma_start3A_570 = tpu.memref_slice %arg7[%add3A_568, %dma_start3A_569] : memref<80x128xi32, #tpu.memory_space<vmem>> -> memref<1x128xi32, #tpu.memory_space<vmem>>
        %dma_start3A_571 = tpu.memref_squeeze %dma_start3A_570 : memref<1x128xi32, #tpu.memory_space<vmem>> -> memref<128xi32, #tpu.memory_space<vmem>>
        %dma_start3A_572 = arith.constant 0 : i32
        %dma_start3A_573 = arith.constant 0 : i32
        %dma_start3A_574 = tpu.memref_slice %arg2[%dma_start3A_572, %dma_start3A_573] : memref<327680x128xf32, #tpu.memory_space<hbm>> -> memref<327680x128xf32, #tpu.memory_space<hbm>>
        tpu.enqueue_indirect_dma source(%dma_start3A_574 : memref<327680x128xf32, #tpu.memory_space<hbm>>) target(%arg9 : memref<128x128xf32, #tpu.memory_space<vmem>>) offsets(%dma_start3A_571 : memref<128xi32, #tpu.memory_space<vmem>>) semaphore(%arg13 : memref<!tpu.dma_semaphore, #tpu.memory_space<semaphore_mem>>)
      } else {
      }
      %dma_wait3A_312 = arith.constant 0 : i32
      %dma_wait3A_313 = tpu.memref_slice %arg7[%add3A_52, %dma_wait3A_312] : memref<80x128xi32, #tpu.memory_space<vmem>> -> memref<1x128xi32, #tpu.memory_space<vmem>>
      %dma_wait3A_314 = tpu.memref_squeeze %dma_wait3A_313 : memref<1x128xi32, #tpu.memory_space<vmem>> -> memref<128xi32, #tpu.memory_space<vmem>>
      %dma_wait3A_315 = arith.constant 0 : i32
      %dma_wait3A_316 = arith.constant 0 : i32
      %dma_wait3A_317 = tpu.memref_slice %arg2[%dma_wait3A_315, %dma_wait3A_316] : memref<327680x128xf32, #tpu.memory_space<hbm>> -> memref<327680x128xf32, #tpu.memory_space<hbm>>
      tpu.wait_indirect_dma semaphore(%arg14 : memref<!tpu.dma_semaphore, #tpu.memory_space<semaphore_mem>>) src(%dma_wait3A_317 : memref<327680x128xf32, #tpu.memory_space<hbm>>) dst(%arg10 : memref<128x128xf32, #tpu.memory_space<vmem>>)
      %mul3A_318 = arith.constant 128 : i32
      %mul3A_319 = arith.muli %add3A_52, %mul3A_318 : i32
      %scan3A_320 = arith.constant 0 : i32
      %scan3A_321 = arith.constant 32 : i32
      %scan3A_322 = arith.addi %scan3A_320, %scan3A_321 : i32
      %scan3A_323 = arith.constant 1 : i32
      %scan3A_324:32 = scf.for %scan3A_567 = %scan3A_320 to %scan3A_322 step %scan3A_323 iter_args(%scan3A_568 = %get3A_3, %scan3A_569 = %get3A_7, %scan3A_570 = %get3A_11, %scan3A_571 = %get3A_15, %scan3A_572 = %get3A_19, %scan3A_573 = %get3A_23, %scan3A_574 = %get3A_27, %scan3A_575 = %get3A_31, %scan3A_576 = %get3A_3, %scan3A_577 = %get3A_7, %scan3A_578 = %get3A_11, %scan3A_579 = %get3A_15, %scan3A_580 = %get3A_19, %scan3A_581 = %get3A_23, %scan3A_582 = %get3A_27, %scan3A_583 = %get3A_31, %scan3A_584 = %get3A_3, %scan3A_585 = %get3A_7, %scan3A_586 = %get3A_11, %scan3A_587 = %get3A_15, %scan3A_588 = %get3A_19, %scan3A_589 = %get3A_23, %scan3A_590 = %get3A_27, %scan3A_591 = %get3A_31, %scan3A_592 = %get3A_3, %scan3A_593 = %get3A_7, %scan3A_594 = %get3A_11, %scan3A_595 = %get3A_15, %scan3A_596 = %get3A_19, %scan3A_597 = %get3A_23, %scan3A_598 = %get3A_27, %scan3A_599 = %get3A_31) -> (vector<16xf32>, vector<16xf32>, vector<16xf32>, vector<16xf32>, vector<16xf32>, vector<16xf32>, vector<16xf32>, vector<16xf32>, vector<16xf32>, vector<16xf32>, vector<16xf32>, vector<16xf32>, vector<16xf32>, vector<16xf32>, vector<16xf32>, vector<16xf32>, vector<16xf32>, vector<16xf32>, vector<16xf32>, vector<16xf32>, vector<16xf32>, vector<16xf32>, vector<16xf32>, vector<16xf32>, vector<16xf32>, vector<16xf32>, vector<16xf32>, vector<16xf32>, vector<16xf32>, vector<16xf32>, vector<16xf32>, vector<16xf32>)  : i32 {
        %add3A_600 = arith.constant 0 : i32
        %add3A_601 = arith.addi %mul3A_319, %add3A_600 : i32
        %add3A_602 = arith.addi %add3A_601, %scan3A_567 : i32
        %add3A_603 = vector.broadcast %add3A_602 : i32 to vector<16xi32>
        %add3A_604 = arith.addi %broadcast_in_dim3A_32, %add3A_603 : vector<16xi32>
        %gather3A = tpu.vector_load_idx %arg8[%add3A_604] : memref<10240xf32, #tpu.memory_space<vmem>>[vector<16xi32>], vector<16xf32>,
        %add3A_605 = arith.constant 0 : i32
        %add3A_606 = arith.addi %add3A_605, %scan3A_567 : i32
        %get3A_607 = arith.index_cast %add3A_606 : i32 to index
        %get3A_608 = arith.constant 0 : index
        %get3A_609 = tpu.vector_load %arg10[%get3A_607, %get3A_608] {strides = array<i32>} : memref<128x128xf32, #tpu.memory_space<vmem>>, vector<16xf32>,
        %mul3A_610 = arith.mulf %gather3A, %get3A_609 : vector<16xf32>
        %add3A_611 = arith.addf %scan3A_568, %mul3A_610 : vector<16xf32>
        %add3A_612 = arith.constant 0 : i32
        %add3A_613 = arith.addi %add3A_612, %scan3A_567 : i32
        %get3A_614 = arith.index_cast %add3A_613 : i32 to index
        %get3A_615 = arith.constant 16 : index
        %get3A_616 = tpu.vector_load %arg10[%get3A_614, %get3A_615] {strides = array<i32>} : memref<128x128xf32, #tpu.memory_space<vmem>>, vector<16xf32>,
        %mul3A_617 = arith.mulf %gather3A, %get3A_616 : vector<16xf32>
        %add3A_618 = arith.addf %scan3A_569, %mul3A_617 : vector<16xf32>
        %add3A_619 = arith.constant 0 : i32
        %add3A_620 = arith.addi %add3A_619, %scan3A_567 : i32
        %get3A_621 = arith.index_cast %add3A_620 : i32 to index
        %get3A_622 = arith.constant 32 : index
        %get3A_623 = tpu.vector_load %arg10[%get3A_621, %get3A_622] {strides = array<i32>} : memref<128x128xf32, #tpu.memory_space<vmem>>, vector<16xf32>,
        %mul3A_624 = arith.mulf %gather3A, %get3A_623 : vector<16xf32>
        %add3A_625 = arith.addf %scan3A_570, %mul3A_624 : vector<16xf32>
        %add3A_626 = arith.constant 0 : i32
        %add3A_627 = arith.addi %add3A_626, %scan3A_567 : i32
        %get3A_628 = arith.index_cast %add3A_627 : i32 to index
        %get3A_629 = arith.constant 48 : index
        %get3A_630 = tpu.vector_load %arg10[%get3A_628, %get3A_629] {strides = array<i32>} : memref<128x128xf32, #tpu.memory_space<vmem>>, vector<16xf32>,
        %mul3A_631 = arith.mulf %gather3A, %get3A_630 : vector<16xf32>
        %add3A_632 = arith.addf %scan3A_571, %mul3A_631 : vector<16xf32>
        %add3A_633 = arith.constant 0 : i32
        %add3A_634 = arith.addi %add3A_633, %scan3A_567 : i32
        %get3A_635 = arith.index_cast %add3A_634 : i32 to index
        %get3A_636 = arith.constant 64 : index
        %get3A_637 = tpu.vector_load %arg10[%get3A_635, %get3A_636] {strides = array<i32>} : memref<128x128xf32, #tpu.memory_space<vmem>>, vector<16xf32>,
        %mul3A_638 = arith.mulf %gather3A, %get3A_637 : vector<16xf32>
        %add3A_639 = arith.addf %scan3A_572, %mul3A_638 : vector<16xf32>
        %add3A_640 = arith.constant 0 : i32
        %add3A_641 = arith.addi %add3A_640, %scan3A_567 : i32
        %get3A_642 = arith.index_cast %add3A_641 : i32 to index
        %get3A_643 = arith.constant 80 : index
        %get3A_644 = tpu.vector_load %arg10[%get3A_642, %get3A_643] {strides = array<i32>} : memref<128x128xf32, #tpu.memory_space<vmem>>, vector<16xf32>,
        %mul3A_645 = arith.mulf %gather3A, %get3A_644 : vector<16xf32>
        %add3A_646 = arith.addf %scan3A_573, %mul3A_645 : vector<16xf32>
        %add3A_647 = arith.constant 0 : i32
        %add3A_648 = arith.addi %add3A_647, %scan3A_567 : i32
        %get3A_649 = arith.index_cast %add3A_648 : i32 to index
        %get3A_650 = arith.constant 96 : index
        %get3A_651 = tpu.vector_load %arg10[%get3A_649, %get3A_650] {strides = array<i32>} : memref<128x128xf32, #tpu.memory_space<vmem>>, vector<16xf32>,
        %mul3A_652 = arith.mulf %gather3A, %get3A_651 : vector<16xf32>
        %add3A_653 = arith.addf %scan3A_574, %mul3A_652 : vector<16xf32>
        %add3A_654 = arith.constant 0 : i32
        %add3A_655 = arith.addi %add3A_654, %scan3A_567 : i32
        %get3A_656 = arith.index_cast %add3A_655 : i32 to index
        %get3A_657 = arith.constant 112 : index
        %get3A_658 = tpu.vector_load %arg10[%get3A_656, %get3A_657] {strides = array<i32>} : memref<128x128xf32, #tpu.memory_space<vmem>>, vector<16xf32>,
        %mul3A_659 = arith.mulf %gather3A, %get3A_658 : vector<16xf32>
        %add3A_660 = arith.addf %scan3A_575, %mul3A_659 : vector<16xf32>
        %add3A_661 = arith.constant 32 : i32
        %add3A_662 = arith.addi %mul3A_319, %add3A_661 : i32
        %add3A_663 = arith.addi %add3A_662, %scan3A_567 : i32
        %add3A_664 = vector.broadcast %add3A_663 : i32 to vector<16xi32>
        %add3A_665 = arith.addi %broadcast_in_dim3A_32, %add3A_664 : vector<16xi32>
        %gather3A_666 = tpu.vector_load_idx %arg8[%add3A_665] : memref<10240xf32, #tpu.memory_space<vmem>>[vector<16xi32>], vector<16xf32>,
        %add3A_667 = arith.constant 32 : i32
        %add3A_668 = arith.addi %add3A_667, %scan3A_567 : i32
        %get3A_669 = arith.index_cast %add3A_668 : i32 to index
        %get3A_670 = arith.constant 0 : index
        %get3A_671 = tpu.vector_load %arg10[%get3A_669, %get3A_670] {strides = array<i32>} : memref<128x128xf32, #tpu.memory_space<vmem>>, vector<16xf32>,
        %mul3A_672 = arith.mulf %gather3A_666, %get3A_671 : vector<16xf32>
        %add3A_673 = arith.addf %scan3A_576, %mul3A_672 : vector<16xf32>
        %add3A_674 = arith.constant 32 : i32
        %add3A_675 = arith.addi %add3A_674, %scan3A_567 : i32
        %get3A_676 = arith.index_cast %add3A_675 : i32 to index
        %get3A_677 = arith.constant 16 : index
        %get3A_678 = tpu.vector_load %arg10[%get3A_676, %get3A_677] {strides = array<i32>} : memref<128x128xf32, #tpu.memory_space<vmem>>, vector<16xf32>,
        %mul3A_679 = arith.mulf %gather3A_666, %get3A_678 : vector<16xf32>
        %add3A_680 = arith.addf %scan3A_577, %mul3A_679 : vector<16xf32>
        %add3A_681 = arith.constant 32 : i32
        %add3A_682 = arith.addi %add3A_681, %scan3A_567 : i32
        %get3A_683 = arith.index_cast %add3A_682 : i32 to index
        %get3A_684 = arith.constant 32 : index
        %get3A_685 = tpu.vector_load %arg10[%get3A_683, %get3A_684] {strides = array<i32>} : memref<128x128xf32, #tpu.memory_space<vmem>>, vector<16xf32>,
        %mul3A_686 = arith.mulf %gather3A_666, %get3A_685 : vector<16xf32>
        %add3A_687 = arith.addf %scan3A_578, %mul3A_686 : vector<16xf32>
        %add3A_688 = arith.constant 32 : i32
        %add3A_689 = arith.addi %add3A_688, %scan3A_567 : i32
        %get3A_690 = arith.index_cast %add3A_689 : i32 to index
        %get3A_691 = arith.constant 48 : index
        %get3A_692 = tpu.vector_load %arg10[%get3A_690, %get3A_691] {strides = array<i32>} : memref<128x128xf32, #tpu.memory_space<vmem>>, vector<16xf32>,
        %mul3A_693 = arith.mulf %gather3A_666, %get3A_692 : vector<16xf32>
        %add3A_694 = arith.addf %scan3A_579, %mul3A_693 : vector<16xf32>
        %add3A_695 = arith.constant 32 : i32
        %add3A_696 = arith.addi %add3A_695, %scan3A_567 : i32
        %get3A_697 = arith.index_cast %add3A_696 : i32 to index
        %get3A_698 = arith.constant 64 : index
        %get3A_699 = tpu.vector_load %arg10[%get3A_697, %get3A_698] {strides = array<i32>} : memref<128x128xf32, #tpu.memory_space<vmem>>, vector<16xf32>,
        %mul3A_700 = arith.mulf %gather3A_666, %get3A_699 : vector<16xf32>
        %add3A_701 = arith.addf %scan3A_580, %mul3A_700 : vector<16xf32>
        %add3A_702 = arith.constant 32 : i32
        %add3A_703 = arith.addi %add3A_702, %scan3A_567 : i32
        %get3A_704 = arith.index_cast %add3A_703 : i32 to index
        %get3A_705 = arith.constant 80 : index
        %get3A_706 = tpu.vector_load %arg10[%get3A_704, %get3A_705] {strides = array<i32>} : memref<128x128xf32, #tpu.memory_space<vmem>>, vector<16xf32>,
        %mul3A_707 = arith.mulf %gather3A_666, %get3A_706 : vector<16xf32>
        %add3A_708 = arith.addf %scan3A_581, %mul3A_707 : vector<16xf32>
        %add3A_709 = arith.constant 32 : i32
        %add3A_710 = arith.addi %add3A_709, %scan3A_567 : i32
        %get3A_711 = arith.index_cast %add3A_710 : i32 to index
        %get3A_712 = arith.constant 96 : index
        %get3A_713 = tpu.vector_load %arg10[%get3A_711, %get3A_712] {strides = array<i32>} : memref<128x128xf32, #tpu.memory_space<vmem>>, vector<16xf32>,
        %mul3A_714 = arith.mulf %gather3A_666, %get3A_713 : vector<16xf32>
        %add3A_715 = arith.addf %scan3A_582, %mul3A_714 : vector<16xf32>
        %add3A_716 = arith.constant 32 : i32
        %add3A_717 = arith.addi %add3A_716, %scan3A_567 : i32
        %get3A_718 = arith.index_cast %add3A_717 : i32 to index
        %get3A_719 = arith.constant 112 : index
        %get3A_720 = tpu.vector_load %arg10[%get3A_718, %get3A_719] {strides = array<i32>} : memref<128x128xf32, #tpu.memory_space<vmem>>, vector<16xf32>,
        %mul3A_721 = arith.mulf %gather3A_666, %get3A_720 : vector<16xf32>
        %add3A_722 = arith.addf %scan3A_583, %mul3A_721 : vector<16xf32>
        %add3A_723 = arith.constant 64 : i32
        %add3A_724 = arith.addi %mul3A_319, %add3A_723 : i32
        %add3A_725 = arith.addi %add3A_724, %scan3A_567 : i32
        %add3A_726 = vector.broadcast %add3A_725 : i32 to vector<16xi32>
        %add3A_727 = arith.addi %broadcast_in_dim3A_32, %add3A_726 : vector<16xi32>
        %gather3A_728 = tpu.vector_load_idx %arg8[%add3A_727] : memref<10240xf32, #tpu.memory_space<vmem>>[vector<16xi32>], vector<16xf32>,
        %add3A_729 = arith.constant 64 : i32
        %add3A_730 = arith.addi %add3A_729, %scan3A_567 : i32
        %get3A_731 = arith.index_cast %add3A_730 : i32 to index
        %get3A_732 = arith.constant 0 : index
        %get3A_733 = tpu.vector_load %arg10[%get3A_731, %get3A_732] {strides = array<i32>} : memref<128x128xf32, #tpu.memory_space<vmem>>, vector<16xf32>,
        %mul3A_734 = arith.mulf %gather3A_728, %get3A_733 : vector<16xf32>
        %add3A_735 = arith.addf %scan3A_584, %mul3A_734 : vector<16xf32>
        %add3A_736 = arith.constant 64 : i32
        %add3A_737 = arith.addi %add3A_736, %scan3A_567 : i32
        %get3A_738 = arith.index_cast %add3A_737 : i32 to index
        %get3A_739 = arith.constant 16 : index
        %get3A_740 = tpu.vector_load %arg10[%get3A_738, %get3A_739] {strides = array<i32>} : memref<128x128xf32, #tpu.memory_space<vmem>>, vector<16xf32>,
        %mul3A_741 = arith.mulf %gather3A_728, %get3A_740 : vector<16xf32>
        %add3A_742 = arith.addf %scan3A_585, %mul3A_741 : vector<16xf32>
        %add3A_743 = arith.constant 64 : i32
        %add3A_744 = arith.addi %add3A_743, %scan3A_567 : i32
        %get3A_745 = arith.index_cast %add3A_744 : i32 to index
        %get3A_746 = arith.constant 32 : index
        %get3A_747 = tpu.vector_load %arg10[%get3A_745, %get3A_746] {strides = array<i32>} : memref<128x128xf32, #tpu.memory_space<vmem>>, vector<16xf32>,
        %mul3A_748 = arith.mulf %gather3A_728, %get3A_747 : vector<16xf32>
        %add3A_749 = arith.addf %scan3A_586, %mul3A_748 : vector<16xf32>
        %add3A_750 = arith.constant 64 : i32
        %add3A_751 = arith.addi %add3A_750, %scan3A_567 : i32
        %get3A_752 = arith.index_cast %add3A_751 : i32 to index
        %get3A_753 = arith.constant 48 : index
        %get3A_754 = tpu.vector_load %arg10[%get3A_752, %get3A_753] {strides = array<i32>} : memref<128x128xf32, #tpu.memory_space<vmem>>, vector<16xf32>,
        %mul3A_755 = arith.mulf %gather3A_728, %get3A_754 : vector<16xf32>
        %add3A_756 = arith.addf %scan3A_587, %mul3A_755 : vector<16xf32>
        %add3A_757 = arith.constant 64 : i32
        %add3A_758 = arith.addi %add3A_757, %scan3A_567 : i32
        %get3A_759 = arith.index_cast %add3A_758 : i32 to index
        %get3A_760 = arith.constant 64 : index
        %get3A_761 = tpu.vector_load %arg10[%get3A_759, %get3A_760] {strides = array<i32>} : memref<128x128xf32, #tpu.memory_space<vmem>>, vector<16xf32>,
        %mul3A_762 = arith.mulf %gather3A_728, %get3A_761 : vector<16xf32>
        %add3A_763 = arith.addf %scan3A_588, %mul3A_762 : vector<16xf32>
        %add3A_764 = arith.constant 64 : i32
        %add3A_765 = arith.addi %add3A_764, %scan3A_567 : i32
        %get3A_766 = arith.index_cast %add3A_765 : i32 to index
        %get3A_767 = arith.constant 80 : index
        %get3A_768 = tpu.vector_load %arg10[%get3A_766, %get3A_767] {strides = array<i32>} : memref<128x128xf32, #tpu.memory_space<vmem>>, vector<16xf32>,
        %mul3A_769 = arith.mulf %gather3A_728, %get3A_768 : vector<16xf32>
        %add3A_770 = arith.addf %scan3A_589, %mul3A_769 : vector<16xf32>
        %add3A_771 = arith.constant 64 : i32
        %add3A_772 = arith.addi %add3A_771, %scan3A_567 : i32
        %get3A_773 = arith.index_cast %add3A_772 : i32 to index
        %get3A_774 = arith.constant 96 : index
        %get3A_775 = tpu.vector_load %arg10[%get3A_773, %get3A_774] {strides = array<i32>} : memref<128x128xf32, #tpu.memory_space<vmem>>, vector<16xf32>,
        %mul3A_776 = arith.mulf %gather3A_728, %get3A_775 : vector<16xf32>
        %add3A_777 = arith.addf %scan3A_590, %mul3A_776 : vector<16xf32>
        %add3A_778 = arith.constant 64 : i32
        %add3A_779 = arith.addi %add3A_778, %scan3A_567 : i32
        %get3A_780 = arith.index_cast %add3A_779 : i32 to index
        %get3A_781 = arith.constant 112 : index
        %get3A_782 = tpu.vector_load %arg10[%get3A_780, %get3A_781] {strides = array<i32>} : memref<128x128xf32, #tpu.memory_space<vmem>>, vector<16xf32>,
        %mul3A_783 = arith.mulf %gather3A_728, %get3A_782 : vector<16xf32>
        %add3A_784 = arith.addf %scan3A_591, %mul3A_783 : vector<16xf32>
        %add3A_785 = arith.constant 96 : i32
        %add3A_786 = arith.addi %mul3A_319, %add3A_785 : i32
        %add3A_787 = arith.addi %add3A_786, %scan3A_567 : i32
        %add3A_788 = vector.broadcast %add3A_787 : i32 to vector<16xi32>
        %add3A_789 = arith.addi %broadcast_in_dim3A_32, %add3A_788 : vector<16xi32>
        %gather3A_790 = tpu.vector_load_idx %arg8[%add3A_789] : memref<10240xf32, #tpu.memory_space<vmem>>[vector<16xi32>], vector<16xf32>,
        %add3A_791 = arith.constant 96 : i32
        %add3A_792 = arith.addi %add3A_791, %scan3A_567 : i32
        %get3A_793 = arith.index_cast %add3A_792 : i32 to index
        %get3A_794 = arith.constant 0 : index
        %get3A_795 = tpu.vector_load %arg10[%get3A_793, %get3A_794] {strides = array<i32>} : memref<128x128xf32, #tpu.memory_space<vmem>>, vector<16xf32>,
        %mul3A_796 = arith.mulf %gather3A_790, %get3A_795 : vector<16xf32>
        %add3A_797 = arith.addf %scan3A_592, %mul3A_796 : vector<16xf32>
        %add3A_798 = arith.constant 96 : i32
        %add3A_799 = arith.addi %add3A_798, %scan3A_567 : i32
        %get3A_800 = arith.index_cast %add3A_799 : i32 to index
        %get3A_801 = arith.constant 16 : index
        %get3A_802 = tpu.vector_load %arg10[%get3A_800, %get3A_801] {strides = array<i32>} : memref<128x128xf32, #tpu.memory_space<vmem>>, vector<16xf32>,
        %mul3A_803 = arith.mulf %gather3A_790, %get3A_802 : vector<16xf32>
        %add3A_804 = arith.addf %scan3A_593, %mul3A_803 : vector<16xf32>
        %add3A_805 = arith.constant 96 : i32
        %add3A_806 = arith.addi %add3A_805, %scan3A_567 : i32
        %get3A_807 = arith.index_cast %add3A_806 : i32 to index
        %get3A_808 = arith.constant 32 : index
        %get3A_809 = tpu.vector_load %arg10[%get3A_807, %get3A_808] {strides = array<i32>} : memref<128x128xf32, #tpu.memory_space<vmem>>, vector<16xf32>,
        %mul3A_810 = arith.mulf %gather3A_790, %get3A_809 : vector<16xf32>
        %add3A_811 = arith.addf %scan3A_594, %mul3A_810 : vector<16xf32>
        %add3A_812 = arith.constant 96 : i32
        %add3A_813 = arith.addi %add3A_812, %scan3A_567 : i32
        %get3A_814 = arith.index_cast %add3A_813 : i32 to index
        %get3A_815 = arith.constant 48 : index
        %get3A_816 = tpu.vector_load %arg10[%get3A_814, %get3A_815] {strides = array<i32>} : memref<128x128xf32, #tpu.memory_space<vmem>>, vector<16xf32>,
        %mul3A_817 = arith.mulf %gather3A_790, %get3A_816 : vector<16xf32>
        %add3A_818 = arith.addf %scan3A_595, %mul3A_817 : vector<16xf32>
        %add3A_819 = arith.constant 96 : i32
        %add3A_820 = arith.addi %add3A_819, %scan3A_567 : i32
        %get3A_821 = arith.index_cast %add3A_820 : i32 to index
        %get3A_822 = arith.constant 64 : index
        %get3A_823 = tpu.vector_load %arg10[%get3A_821, %get3A_822] {strides = array<i32>} : memref<128x128xf32, #tpu.memory_space<vmem>>, vector<16xf32>,
        %mul3A_824 = arith.mulf %gather3A_790, %get3A_823 : vector<16xf32>
        %add3A_825 = arith.addf %scan3A_596, %mul3A_824 : vector<16xf32>
        %add3A_826 = arith.constant 96 : i32
        %add3A_827 = arith.addi %add3A_826, %scan3A_567 : i32
        %get3A_828 = arith.index_cast %add3A_827 : i32 to index
        %get3A_829 = arith.constant 80 : index
        %get3A_830 = tpu.vector_load %arg10[%get3A_828, %get3A_829] {strides = array<i32>} : memref<128x128xf32, #tpu.memory_space<vmem>>, vector<16xf32>,
        %mul3A_831 = arith.mulf %gather3A_790, %get3A_830 : vector<16xf32>
        %add3A_832 = arith.addf %scan3A_597, %mul3A_831 : vector<16xf32>
        %add3A_833 = arith.constant 96 : i32
        %add3A_834 = arith.addi %add3A_833, %scan3A_567 : i32
        %get3A_835 = arith.index_cast %add3A_834 : i32 to index
        %get3A_836 = arith.constant 96 : index
        %get3A_837 = tpu.vector_load %arg10[%get3A_835, %get3A_836] {strides = array<i32>} : memref<128x128xf32, #tpu.memory_space<vmem>>, vector<16xf32>,
        %mul3A_838 = arith.mulf %gather3A_790, %get3A_837 : vector<16xf32>
        %add3A_839 = arith.addf %scan3A_598, %mul3A_838 : vector<16xf32>
        %add3A_840 = arith.constant 96 : i32
        %add3A_841 = arith.addi %add3A_840, %scan3A_567 : i32
        %get3A_842 = arith.index_cast %add3A_841 : i32 to index
        %get3A_843 = arith.constant 112 : index
        %get3A_844 = tpu.vector_load %arg10[%get3A_842, %get3A_843] {strides = array<i32>} : memref<128x128xf32, #tpu.memory_space<vmem>>, vector<16xf32>,
        %mul3A_845 = arith.mulf %gather3A_790, %get3A_844 : vector<16xf32>
        %add3A_846 = arith.addf %scan3A_599, %mul3A_845 : vector<16xf32>
        scf.yield %add3A_611, %add3A_618, %add3A_625, %add3A_632, %add3A_639, %add3A_646, %add3A_653, %add3A_660, %add3A_673, %add3A_680, %add3A_687, %add3A_694, %add3A_701, %add3A_708, %add3A_715, %add3A_722, %add3A_735, %add3A_742, %add3A_749, %add3A_756, %add3A_763, %add3A_770, %add3A_777, %add3A_784, %add3A_797, %add3A_804, %add3A_811, %add3A_818, %add3A_825, %add3A_832, %add3A_839, %add3A_846 : vector<16xf32>, vector<16xf32>, vector<16xf32>, vector<16xf32>, vector<16xf32>, vector<16xf32>, vector<16xf32>, vector<16xf32>, vector<16xf32>, vector<16xf32>, vector<16xf32>, vector<16xf32>, vector<16xf32>, vector<16xf32>, vector<16xf32>, vector<16xf32>, vector<16xf32>, vector<16xf32>, vector<16xf32>, vector<16xf32>, vector<16xf32>, vector<16xf32>, vector<16xf32>, vector<16xf32>, vector<16xf32>, vector<16xf32>, vector<16xf32>, vector<16xf32>, vector<16xf32>, vector<16xf32>, vector<16xf32>, vector<16xf32>
      }
      %scan3A_325 = arith.constant 32 : i32
      %mul3A_326 = arith.constant 4 : i32
      %mul3A_327 = arith.muli %add3A_52, %mul3A_326 : i32
      %add3A_328 = arith.constant 0 : i32
      %add3A_329 = arith.addi %mul3A_327, %add3A_328 : i32
      %mul3A_330 = arith.constant 0.00999999977 : f32
      %mul3A_331 = vector.broadcast %mul3A_330 : f32 to vector<16xf32>
      %mul3A_332 = arith.mulf %mul3A_331, %scan3A_324#0 : vector<16xf32>
      %max3A_333 = arith.maximumf %scan3A_324#0, %mul3A_332 : vector<16xf32>
      %swap3A_334 = arith.index_cast %add3A_329 : i32 to index
      %swap3A_335 = arith.constant 0 : index
      %swap3A_336 = tpu.vector_load %arg11[%swap3A_334, %swap3A_335] {strides = array<i32>} : memref<320x128xf32, #tpu.memory_space<vmem>>, vector<16xf32>,
      tpu.vector_store %arg11[%swap3A_334, %swap3A_335], %max3A_333 {strides = array<i32>} : memref<320x128xf32, #tpu.memory_space<vmem>>, vector<16xf32>,
      %mul3A_337 = arith.constant 0.00999999977 : f32
      %mul3A_338 = vector.broadcast %mul3A_337 : f32 to vector<16xf32>
      %mul3A_339 = arith.mulf %mul3A_338, %scan3A_324#1 : vector<16xf32>
      %max3A_340 = arith.maximumf %scan3A_324#1, %mul3A_339 : vector<16xf32>
      %swap3A_341 = arith.index_cast %add3A_329 : i32 to index
      %swap3A_342 = arith.constant 16 : index
      %swap3A_343 = tpu.vector_load %arg11[%swap3A_341, %swap3A_342] {strides = array<i32>} : memref<320x128xf32, #tpu.memory_space<vmem>>, vector<16xf32>,
      tpu.vector_store %arg11[%swap3A_341, %swap3A_342], %max3A_340 {strides = array<i32>} : memref<320x128xf32, #tpu.memory_space<vmem>>, vector<16xf32>,
      %mul3A_344 = arith.constant 0.00999999977 : f32
      %mul3A_345 = vector.broadcast %mul3A_344 : f32 to vector<16xf32>
      %mul3A_346 = arith.mulf %mul3A_345, %scan3A_324#2 : vector<16xf32>
      %max3A_347 = arith.maximumf %scan3A_324#2, %mul3A_346 : vector<16xf32>
      %swap3A_348 = arith.index_cast %add3A_329 : i32 to index
      %swap3A_349 = arith.constant 32 : index
      %swap3A_350 = tpu.vector_load %arg11[%swap3A_348, %swap3A_349] {strides = array<i32>} : memref<320x128xf32, #tpu.memory_space<vmem>>, vector<16xf32>,
      tpu.vector_store %arg11[%swap3A_348, %swap3A_349], %max3A_347 {strides = array<i32>} : memref<320x128xf32, #tpu.memory_space<vmem>>, vector<16xf32>,
      %mul3A_351 = arith.constant 0.00999999977 : f32
      %mul3A_352 = vector.broadcast %mul3A_351 : f32 to vector<16xf32>
      %mul3A_353 = arith.mulf %mul3A_352, %scan3A_324#3 : vector<16xf32>
      %max3A_354 = arith.maximumf %scan3A_324#3, %mul3A_353 : vector<16xf32>
      %swap3A_355 = arith.index_cast %add3A_329 : i32 to index
      %swap3A_356 = arith.constant 48 : index
      %swap3A_357 = tpu.vector_load %arg11[%swap3A_355, %swap3A_356] {strides = array<i32>} : memref<320x128xf32, #tpu.memory_space<vmem>>, vector<16xf32>,
      tpu.vector_store %arg11[%swap3A_355, %swap3A_356], %max3A_354 {strides = array<i32>} : memref<320x128xf32, #tpu.memory_space<vmem>>, vector<16xf32>,
      %mul3A_358 = arith.constant 0.00999999977 : f32
      %mul3A_359 = vector.broadcast %mul3A_358 : f32 to vector<16xf32>
      %mul3A_360 = arith.mulf %mul3A_359, %scan3A_324#4 : vector<16xf32>
      %max3A_361 = arith.maximumf %scan3A_324#4, %mul3A_360 : vector<16xf32>
      %swap3A_362 = arith.index_cast %add3A_329 : i32 to index
      %swap3A_363 = arith.constant 64 : index
      %swap3A_364 = tpu.vector_load %arg11[%swap3A_362, %swap3A_363] {strides = array<i32>} : memref<320x128xf32, #tpu.memory_space<vmem>>, vector<16xf32>,
      tpu.vector_store %arg11[%swap3A_362, %swap3A_363], %max3A_361 {strides = array<i32>} : memref<320x128xf32, #tpu.memory_space<vmem>>, vector<16xf32>,
      %mul3A_365 = arith.constant 0.00999999977 : f32
      %mul3A_366 = vector.broadcast %mul3A_365 : f32 to vector<16xf32>
      %mul3A_367 = arith.mulf %mul3A_366, %scan3A_324#5 : vector<16xf32>
      %max3A_368 = arith.maximumf %scan3A_324#5, %mul3A_367 : vector<16xf32>
      %swap3A_369 = arith.index_cast %add3A_329 : i32 to index
      %swap3A_370 = arith.constant 80 : index
      %swap3A_371 = tpu.vector_load %arg11[%swap3A_369, %swap3A_370] {strides = array<i32>} : memref<320x128xf32, #tpu.memory_space<vmem>>, vector<16xf32>,
      tpu.vector_store %arg11[%swap3A_369, %swap3A_370], %max3A_368 {strides = array<i32>} : memref<320x128xf32, #tpu.memory_space<vmem>>, vector<16xf32>,
      %mul3A_372 = arith.constant 0.00999999977 : f32
      %mul3A_373 = vector.broadcast %mul3A_372 : f32 to vector<16xf32>
      %mul3A_374 = arith.mulf %mul3A_373, %scan3A_324#6 : vector<16xf32>
      %max3A_375 = arith.maximumf %scan3A_324#6, %mul3A_374 : vector<16xf32>
      %swap3A_376 = arith.index_cast %add3A_329 : i32 to index
      %swap3A_377 = arith.constant 96 : index
      %swap3A_378 = tpu.vector_load %arg11[%swap3A_376, %swap3A_377] {strides = array<i32>} : memref<320x128xf32, #tpu.memory_space<vmem>>, vector<16xf32>,
      tpu.vector_store %arg11[%swap3A_376, %swap3A_377], %max3A_375 {strides = array<i32>} : memref<320x128xf32, #tpu.memory_space<vmem>>, vector<16xf32>,
      %mul3A_379 = arith.constant 0.00999999977 : f32
      %mul3A_380 = vector.broadcast %mul3A_379 : f32 to vector<16xf32>
      %mul3A_381 = arith.mulf %mul3A_380, %scan3A_324#7 : vector<16xf32>
      %max3A_382 = arith.maximumf %scan3A_324#7, %mul3A_381 : vector<16xf32>
      %swap3A_383 = arith.index_cast %add3A_329 : i32 to index
      %swap3A_384 = arith.constant 112 : index
      %swap3A_385 = tpu.vector_load %arg11[%swap3A_383, %swap3A_384] {strides = array<i32>} : memref<320x128xf32, #tpu.memory_space<vmem>>, vector<16xf32>,
      tpu.vector_store %arg11[%swap3A_383, %swap3A_384], %max3A_382 {strides = array<i32>} : memref<320x128xf32, #tpu.memory_space<vmem>>, vector<16xf32>,
      %mul3A_386 = arith.constant 4 : i32
      %mul3A_387 = arith.muli %add3A_52, %mul3A_386 : i32
      %add3A_388 = arith.constant 1 : i32
      %add3A_389 = arith.addi %mul3A_387, %add3A_388 : i32
      %mul3A_390 = arith.constant 0.00999999977 : f32
      %mul3A_391 = vector.broadcast %mul3A_390 : f32 to vector<16xf32>
      %mul3A_392 = arith.mulf %mul3A_391, %scan3A_324#8 : vector<16xf32>
      %max3A_393 = arith.maximumf %scan3A_324#8, %mul3A_392 : vector<16xf32>
      %swap3A_394 = arith.index_cast %add3A_389 : i32 to index
      %swap3A_395 = arith.constant 0 : index
      %swap3A_396 = tpu.vector_load %arg11[%swap3A_394, %swap3A_395] {strides = array<i32>} : memref<320x128xf32, #tpu.memory_space<vmem>>, vector<16xf32>,
      tpu.vector_store %arg11[%swap3A_394, %swap3A_395], %max3A_393 {strides = array<i32>} : memref<320x128xf32, #tpu.memory_space<vmem>>, vector<16xf32>,
      %mul3A_397 = arith.constant 0.00999999977 : f32
      %mul3A_398 = vector.broadcast %mul3A_397 : f32 to vector<16xf32>
      %mul3A_399 = arith.mulf %mul3A_398, %scan3A_324#9 : vector<16xf32>
      %max3A_400 = arith.maximumf %scan3A_324#9, %mul3A_399 : vector<16xf32>
      %swap3A_401 = arith.index_cast %add3A_389 : i32 to index
      %swap3A_402 = arith.constant 16 : index
      %swap3A_403 = tpu.vector_load %arg11[%swap3A_401, %swap3A_402] {strides = array<i32>} : memref<320x128xf32, #tpu.memory_space<vmem>>, vector<16xf32>,
      tpu.vector_store %arg11[%swap3A_401, %swap3A_402], %max3A_400 {strides = array<i32>} : memref<320x128xf32, #tpu.memory_space<vmem>>, vector<16xf32>,
      %mul3A_404 = arith.constant 0.00999999977 : f32
      %mul3A_405 = vector.broadcast %mul3A_404 : f32 to vector<16xf32>
      %mul3A_406 = arith.mulf %mul3A_405, %scan3A_324#10 : vector<16xf32>
      %max3A_407 = arith.maximumf %scan3A_324#10, %mul3A_406 : vector<16xf32>
      %swap3A_408 = arith.index_cast %add3A_389 : i32 to index
      %swap3A_409 = arith.constant 32 : index
      %swap3A_410 = tpu.vector_load %arg11[%swap3A_408, %swap3A_409] {strides = array<i32>} : memref<320x128xf32, #tpu.memory_space<vmem>>, vector<16xf32>,
      tpu.vector_store %arg11[%swap3A_408, %swap3A_409], %max3A_407 {strides = array<i32>} : memref<320x128xf32, #tpu.memory_space<vmem>>, vector<16xf32>,
      %mul3A_411 = arith.constant 0.00999999977 : f32
      %mul3A_412 = vector.broadcast %mul3A_411 : f32 to vector<16xf32>
      %mul3A_413 = arith.mulf %mul3A_412, %scan3A_324#11 : vector<16xf32>
      %max3A_414 = arith.maximumf %scan3A_324#11, %mul3A_413 : vector<16xf32>
      %swap3A_415 = arith.index_cast %add3A_389 : i32 to index
      %swap3A_416 = arith.constant 48 : index
      %swap3A_417 = tpu.vector_load %arg11[%swap3A_415, %swap3A_416] {strides = array<i32>} : memref<320x128xf32, #tpu.memory_space<vmem>>, vector<16xf32>,
      tpu.vector_store %arg11[%swap3A_415, %swap3A_416], %max3A_414 {strides = array<i32>} : memref<320x128xf32, #tpu.memory_space<vmem>>, vector<16xf32>,
      %mul3A_418 = arith.constant 0.00999999977 : f32
      %mul3A_419 = vector.broadcast %mul3A_418 : f32 to vector<16xf32>
      %mul3A_420 = arith.mulf %mul3A_419, %scan3A_324#12 : vector<16xf32>
      %max3A_421 = arith.maximumf %scan3A_324#12, %mul3A_420 : vector<16xf32>
      %swap3A_422 = arith.index_cast %add3A_389 : i32 to index
      %swap3A_423 = arith.constant 64 : index
      %swap3A_424 = tpu.vector_load %arg11[%swap3A_422, %swap3A_423] {strides = array<i32>} : memref<320x128xf32, #tpu.memory_space<vmem>>, vector<16xf32>,
      tpu.vector_store %arg11[%swap3A_422, %swap3A_423], %max3A_421 {strides = array<i32>} : memref<320x128xf32, #tpu.memory_space<vmem>>, vector<16xf32>,
      %mul3A_425 = arith.constant 0.00999999977 : f32
      %mul3A_426 = vector.broadcast %mul3A_425 : f32 to vector<16xf32>
      %mul3A_427 = arith.mulf %mul3A_426, %scan3A_324#13 : vector<16xf32>
      %max3A_428 = arith.maximumf %scan3A_324#13, %mul3A_427 : vector<16xf32>
      %swap3A_429 = arith.index_cast %add3A_389 : i32 to index
      %swap3A_430 = arith.constant 80 : index
      %swap3A_431 = tpu.vector_load %arg11[%swap3A_429, %swap3A_430] {strides = array<i32>} : memref<320x128xf32, #tpu.memory_space<vmem>>, vector<16xf32>,
      tpu.vector_store %arg11[%swap3A_429, %swap3A_430], %max3A_428 {strides = array<i32>} : memref<320x128xf32, #tpu.memory_space<vmem>>, vector<16xf32>,
      %mul3A_432 = arith.constant 0.00999999977 : f32
      %mul3A_433 = vector.broadcast %mul3A_432 : f32 to vector<16xf32>
      %mul3A_434 = arith.mulf %mul3A_433, %scan3A_324#14 : vector<16xf32>
      %max3A_435 = arith.maximumf %scan3A_324#14, %mul3A_434 : vector<16xf32>
      %swap3A_436 = arith.index_cast %add3A_389 : i32 to index
      %swap3A_437 = arith.constant 96 : index
      %swap3A_438 = tpu.vector_load %arg11[%swap3A_436, %swap3A_437] {strides = array<i32>} : memref<320x128xf32, #tpu.memory_space<vmem>>, vector<16xf32>,
      tpu.vector_store %arg11[%swap3A_436, %swap3A_437], %max3A_435 {strides = array<i32>} : memref<320x128xf32, #tpu.memory_space<vmem>>, vector<16xf32>,
      %mul3A_439 = arith.constant 0.00999999977 : f32
      %mul3A_440 = vector.broadcast %mul3A_439 : f32 to vector<16xf32>
      %mul3A_441 = arith.mulf %mul3A_440, %scan3A_324#15 : vector<16xf32>
      %max3A_442 = arith.maximumf %scan3A_324#15, %mul3A_441 : vector<16xf32>
      %swap3A_443 = arith.index_cast %add3A_389 : i32 to index
      %swap3A_444 = arith.constant 112 : index
      %swap3A_445 = tpu.vector_load %arg11[%swap3A_443, %swap3A_444] {strides = array<i32>} : memref<320x128xf32, #tpu.memory_space<vmem>>, vector<16xf32>,
      tpu.vector_store %arg11[%swap3A_443, %swap3A_444], %max3A_442 {strides = array<i32>} : memref<320x128xf32, #tpu.memory_space<vmem>>, vector<16xf32>,
      %mul3A_446 = arith.constant 4 : i32
      %mul3A_447 = arith.muli %add3A_52, %mul3A_446 : i32
      %add3A_448 = arith.constant 2 : i32
      %add3A_449 = arith.addi %mul3A_447, %add3A_448 : i32
      %mul3A_450 = arith.constant 0.00999999977 : f32
      %mul3A_451 = vector.broadcast %mul3A_450 : f32 to vector<16xf32>
      %mul3A_452 = arith.mulf %mul3A_451, %scan3A_324#16 : vector<16xf32>
      %max3A_453 = arith.maximumf %scan3A_324#16, %mul3A_452 : vector<16xf32>
      %swap3A_454 = arith.index_cast %add3A_449 : i32 to index
      %swap3A_455 = arith.constant 0 : index
      %swap3A_456 = tpu.vector_load %arg11[%swap3A_454, %swap3A_455] {strides = array<i32>} : memref<320x128xf32, #tpu.memory_space<vmem>>, vector<16xf32>,
      tpu.vector_store %arg11[%swap3A_454, %swap3A_455], %max3A_453 {strides = array<i32>} : memref<320x128xf32, #tpu.memory_space<vmem>>, vector<16xf32>,
      %mul3A_457 = arith.constant 0.00999999977 : f32
      %mul3A_458 = vector.broadcast %mul3A_457 : f32 to vector<16xf32>
      %mul3A_459 = arith.mulf %mul3A_458, %scan3A_324#17 : vector<16xf32>
      %max3A_460 = arith.maximumf %scan3A_324#17, %mul3A_459 : vector<16xf32>
      %swap3A_461 = arith.index_cast %add3A_449 : i32 to index
      %swap3A_462 = arith.constant 16 : index
      %swap3A_463 = tpu.vector_load %arg11[%swap3A_461, %swap3A_462] {strides = array<i32>} : memref<320x128xf32, #tpu.memory_space<vmem>>, vector<16xf32>,
      tpu.vector_store %arg11[%swap3A_461, %swap3A_462], %max3A_460 {strides = array<i32>} : memref<320x128xf32, #tpu.memory_space<vmem>>, vector<16xf32>,
      %mul3A_464 = arith.constant 0.00999999977 : f32
      %mul3A_465 = vector.broadcast %mul3A_464 : f32 to vector<16xf32>
      %mul3A_466 = arith.mulf %mul3A_465, %scan3A_324#18 : vector<16xf32>
      %max3A_467 = arith.maximumf %scan3A_324#18, %mul3A_466 : vector<16xf32>
      %swap3A_468 = arith.index_cast %add3A_449 : i32 to index
      %swap3A_469 = arith.constant 32 : index
      %swap3A_470 = tpu.vector_load %arg11[%swap3A_468, %swap3A_469] {strides = array<i32>} : memref<320x128xf32, #tpu.memory_space<vmem>>, vector<16xf32>,
      tpu.vector_store %arg11[%swap3A_468, %swap3A_469], %max3A_467 {strides = array<i32>} : memref<320x128xf32, #tpu.memory_space<vmem>>, vector<16xf32>,
      %mul3A_471 = arith.constant 0.00999999977 : f32
      %mul3A_472 = vector.broadcast %mul3A_471 : f32 to vector<16xf32>
      %mul3A_473 = arith.mulf %mul3A_472, %scan3A_324#19 : vector<16xf32>
      %max3A_474 = arith.maximumf %scan3A_324#19, %mul3A_473 : vector<16xf32>
      %swap3A_475 = arith.index_cast %add3A_449 : i32 to index
      %swap3A_476 = arith.constant 48 : index
      %swap3A_477 = tpu.vector_load %arg11[%swap3A_475, %swap3A_476] {strides = array<i32>} : memref<320x128xf32, #tpu.memory_space<vmem>>, vector<16xf32>,
      tpu.vector_store %arg11[%swap3A_475, %swap3A_476], %max3A_474 {strides = array<i32>} : memref<320x128xf32, #tpu.memory_space<vmem>>, vector<16xf32>,
      %mul3A_478 = arith.constant 0.00999999977 : f32
      %mul3A_479 = vector.broadcast %mul3A_478 : f32 to vector<16xf32>
      %mul3A_480 = arith.mulf %mul3A_479, %scan3A_324#20 : vector<16xf32>
      %max3A_481 = arith.maximumf %scan3A_324#20, %mul3A_480 : vector<16xf32>
      %swap3A_482 = arith.index_cast %add3A_449 : i32 to index
      %swap3A_483 = arith.constant 64 : index
      %swap3A_484 = tpu.vector_load %arg11[%swap3A_482, %swap3A_483] {strides = array<i32>} : memref<320x128xf32, #tpu.memory_space<vmem>>, vector<16xf32>,
      tpu.vector_store %arg11[%swap3A_482, %swap3A_483], %max3A_481 {strides = array<i32>} : memref<320x128xf32, #tpu.memory_space<vmem>>, vector<16xf32>,
      %mul3A_485 = arith.constant 0.00999999977 : f32
      %mul3A_486 = vector.broadcast %mul3A_485 : f32 to vector<16xf32>
      %mul3A_487 = arith.mulf %mul3A_486, %scan3A_324#21 : vector<16xf32>
      %max3A_488 = arith.maximumf %scan3A_324#21, %mul3A_487 : vector<16xf32>
      %swap3A_489 = arith.index_cast %add3A_449 : i32 to index
      %swap3A_490 = arith.constant 80 : index
      %swap3A_491 = tpu.vector_load %arg11[%swap3A_489, %swap3A_490] {strides = array<i32>} : memref<320x128xf32, #tpu.memory_space<vmem>>, vector<16xf32>,
      tpu.vector_store %arg11[%swap3A_489, %swap3A_490], %max3A_488 {strides = array<i32>} : memref<320x128xf32, #tpu.memory_space<vmem>>, vector<16xf32>,
      %mul3A_492 = arith.constant 0.00999999977 : f32
      %mul3A_493 = vector.broadcast %mul3A_492 : f32 to vector<16xf32>
      %mul3A_494 = arith.mulf %mul3A_493, %scan3A_324#22 : vector<16xf32>
      %max3A_495 = arith.maximumf %scan3A_324#22, %mul3A_494 : vector<16xf32>
      %swap3A_496 = arith.index_cast %add3A_449 : i32 to index
      %swap3A_497 = arith.constant 96 : index
      %swap3A_498 = tpu.vector_load %arg11[%swap3A_496, %swap3A_497] {strides = array<i32>} : memref<320x128xf32, #tpu.memory_space<vmem>>, vector<16xf32>,
      tpu.vector_store %arg11[%swap3A_496, %swap3A_497], %max3A_495 {strides = array<i32>} : memref<320x128xf32, #tpu.memory_space<vmem>>, vector<16xf32>,
      %mul3A_499 = arith.constant 0.00999999977 : f32
      %mul3A_500 = vector.broadcast %mul3A_499 : f32 to vector<16xf32>
      %mul3A_501 = arith.mulf %mul3A_500, %scan3A_324#23 : vector<16xf32>
      %max3A_502 = arith.maximumf %scan3A_324#23, %mul3A_501 : vector<16xf32>
      %swap3A_503 = arith.index_cast %add3A_449 : i32 to index
      %swap3A_504 = arith.constant 112 : index
      %swap3A_505 = tpu.vector_load %arg11[%swap3A_503, %swap3A_504] {strides = array<i32>} : memref<320x128xf32, #tpu.memory_space<vmem>>, vector<16xf32>,
      tpu.vector_store %arg11[%swap3A_503, %swap3A_504], %max3A_502 {strides = array<i32>} : memref<320x128xf32, #tpu.memory_space<vmem>>, vector<16xf32>,
      %mul3A_506 = arith.constant 4 : i32
      %mul3A_507 = arith.muli %add3A_52, %mul3A_506 : i32
      %add3A_508 = arith.constant 3 : i32
      %add3A_509 = arith.addi %mul3A_507, %add3A_508 : i32
      %mul3A_510 = arith.constant 0.00999999977 : f32
      %mul3A_511 = vector.broadcast %mul3A_510 : f32 to vector<16xf32>
      %mul3A_512 = arith.mulf %mul3A_511, %scan3A_324#24 : vector<16xf32>
      %max3A_513 = arith.maximumf %scan3A_324#24, %mul3A_512 : vector<16xf32>
      %swap3A_514 = arith.index_cast %add3A_509 : i32 to index
      %swap3A_515 = arith.constant 0 : index
      %swap3A_516 = tpu.vector_load %arg11[%swap3A_514, %swap3A_515] {strides = array<i32>} : memref<320x128xf32, #tpu.memory_space<vmem>>, vector<16xf32>,
      tpu.vector_store %arg11[%swap3A_514, %swap3A_515], %max3A_513 {strides = array<i32>} : memref<320x128xf32, #tpu.memory_space<vmem>>, vector<16xf32>,
      %mul3A_517 = arith.constant 0.00999999977 : f32
      %mul3A_518 = vector.broadcast %mul3A_517 : f32 to vector<16xf32>
      %mul3A_519 = arith.mulf %mul3A_518, %scan3A_324#25 : vector<16xf32>
      %max3A_520 = arith.maximumf %scan3A_324#25, %mul3A_519 : vector<16xf32>
      %swap3A_521 = arith.index_cast %add3A_509 : i32 to index
      %swap3A_522 = arith.constant 16 : index
      %swap3A_523 = tpu.vector_load %arg11[%swap3A_521, %swap3A_522] {strides = array<i32>} : memref<320x128xf32, #tpu.memory_space<vmem>>, vector<16xf32>,
      tpu.vector_store %arg11[%swap3A_521, %swap3A_522], %max3A_520 {strides = array<i32>} : memref<320x128xf32, #tpu.memory_space<vmem>>, vector<16xf32>,
      %mul3A_524 = arith.constant 0.00999999977 : f32
      %mul3A_525 = vector.broadcast %mul3A_524 : f32 to vector<16xf32>
      %mul3A_526 = arith.mulf %mul3A_525, %scan3A_324#26 : vector<16xf32>
      %max3A_527 = arith.maximumf %scan3A_324#26, %mul3A_526 : vector<16xf32>
      %swap3A_528 = arith.index_cast %add3A_509 : i32 to index
      %swap3A_529 = arith.constant 32 : index
      %swap3A_530 = tpu.vector_load %arg11[%swap3A_528, %swap3A_529] {strides = array<i32>} : memref<320x128xf32, #tpu.memory_space<vmem>>, vector<16xf32>,
      tpu.vector_store %arg11[%swap3A_528, %swap3A_529], %max3A_527 {strides = array<i32>} : memref<320x128xf32, #tpu.memory_space<vmem>>, vector<16xf32>,
      %mul3A_531 = arith.constant 0.00999999977 : f32
      %mul3A_532 = vector.broadcast %mul3A_531 : f32 to vector<16xf32>
      %mul3A_533 = arith.mulf %mul3A_532, %scan3A_324#27 : vector<16xf32>
      %max3A_534 = arith.maximumf %scan3A_324#27, %mul3A_533 : vector<16xf32>
      %swap3A_535 = arith.index_cast %add3A_509 : i32 to index
      %swap3A_536 = arith.constant 48 : index
      %swap3A_537 = tpu.vector_load %arg11[%swap3A_535, %swap3A_536] {strides = array<i32>} : memref<320x128xf32, #tpu.memory_space<vmem>>, vector<16xf32>,
      tpu.vector_store %arg11[%swap3A_535, %swap3A_536], %max3A_534 {strides = array<i32>} : memref<320x128xf32, #tpu.memory_space<vmem>>, vector<16xf32>,
      %mul3A_538 = arith.constant 0.00999999977 : f32
      %mul3A_539 = vector.broadcast %mul3A_538 : f32 to vector<16xf32>
      %mul3A_540 = arith.mulf %mul3A_539, %scan3A_324#28 : vector<16xf32>
      %max3A_541 = arith.maximumf %scan3A_324#28, %mul3A_540 : vector<16xf32>
      %swap3A_542 = arith.index_cast %add3A_509 : i32 to index
      %swap3A_543 = arith.constant 64 : index
      %swap3A_544 = tpu.vector_load %arg11[%swap3A_542, %swap3A_543] {strides = array<i32>} : memref<320x128xf32, #tpu.memory_space<vmem>>, vector<16xf32>,
      tpu.vector_store %arg11[%swap3A_542, %swap3A_543], %max3A_541 {strides = array<i32>} : memref<320x128xf32, #tpu.memory_space<vmem>>, vector<16xf32>,
      %mul3A_545 = arith.constant 0.00999999977 : f32
      %mul3A_546 = vector.broadcast %mul3A_545 : f32 to vector<16xf32>
      %mul3A_547 = arith.mulf %mul3A_546, %scan3A_324#29 : vector<16xf32>
      %max3A_548 = arith.maximumf %scan3A_324#29, %mul3A_547 : vector<16xf32>
      %swap3A_549 = arith.index_cast %add3A_509 : i32 to index
      %swap3A_550 = arith.constant 80 : index
      %swap3A_551 = tpu.vector_load %arg11[%swap3A_549, %swap3A_550] {strides = array<i32>} : memref<320x128xf32, #tpu.memory_space<vmem>>, vector<16xf32>,
      tpu.vector_store %arg11[%swap3A_549, %swap3A_550], %max3A_548 {strides = array<i32>} : memref<320x128xf32, #tpu.memory_space<vmem>>, vector<16xf32>,
      %mul3A_552 = arith.constant 0.00999999977 : f32
      %mul3A_553 = vector.broadcast %mul3A_552 : f32 to vector<16xf32>
      %mul3A_554 = arith.mulf %mul3A_553, %scan3A_324#30 : vector<16xf32>
      %max3A_555 = arith.maximumf %scan3A_324#30, %mul3A_554 : vector<16xf32>
      %swap3A_556 = arith.index_cast %add3A_509 : i32 to index
      %swap3A_557 = arith.constant 96 : index
      %swap3A_558 = tpu.vector_load %arg11[%swap3A_556, %swap3A_557] {strides = array<i32>} : memref<320x128xf32, #tpu.memory_space<vmem>>, vector<16xf32>,
      tpu.vector_store %arg11[%swap3A_556, %swap3A_557], %max3A_555 {strides = array<i32>} : memref<320x128xf32, #tpu.memory_space<vmem>>, vector<16xf32>,
      %mul3A_559 = arith.constant 0.00999999977 : f32
      %mul3A_560 = vector.broadcast %mul3A_559 : f32 to vector<16xf32>
      %mul3A_561 = arith.mulf %mul3A_560, %scan3A_324#31 : vector<16xf32>
      %max3A_562 = arith.maximumf %scan3A_324#31, %mul3A_561 : vector<16xf32>
      %swap3A_563 = arith.index_cast %add3A_509 : i32 to index
      %swap3A_564 = arith.constant 112 : index
      %swap3A_565 = tpu.vector_load %arg11[%swap3A_563, %swap3A_564] {strides = array<i32>} : memref<320x128xf32, #tpu.memory_space<vmem>>, vector<16xf32>,
      tpu.vector_store %arg11[%swap3A_563, %swap3A_564], %max3A_562 {strides = array<i32>} : memref<320x128xf32, #tpu.memory_space<vmem>>, vector<16xf32>,
      %scan3A_566 = arith.constant 0 : i32
      scf.yield %scan3A_566 : i32
    }
    %scan3A_44 = arith.constant 40 : i32
    %mul3A_45 = arith.constant 320 : i32
    %mul3A_46 = arith.muli %add3A, %mul3A_45 : i32
    "tpu.region"() ({
      %run_scoped3A = tpu.sem_alloc : memref<!tpu.dma_semaphore, #tpu.memory_space<semaphore_mem>>
      %dma_start3A_47 = arith.constant 0 : i32
      %dma_start3A_48 = tpu.memref_slice %arg6[%mul3A_46, %dma_start3A_47] : memref<10240x128xf32, #tpu.memory_space<hbm>> -> memref<320x128xf32, #tpu.memory_space<hbm>>
      %dma_start3A_49 = arith.constant 0 : i32
      %dma_start3A_50 = tpu.memref_slice %arg6[%mul3A_46, %dma_start3A_49] : memref<10240x128xf32, #tpu.memory_space<hbm>> -> memref<320x128xf32, #tpu.memory_space<hbm>>
      tpu.enqueue_dma source(%arg11 : memref<320x128xf32, #tpu.memory_space<vmem>>) target(%dma_start3A_50 : memref<320x128xf32, #tpu.memory_space<hbm>>) target_semaphore(%run_scoped3A : memref<!tpu.dma_semaphore, #tpu.memory_space<semaphore_mem>>)
      %dma_wait3A = arith.constant 0 : i32
      %dma_wait3A_51 = tpu.memref_slice %arg6[%mul3A_46, %dma_wait3A] : memref<10240x128xf32, #tpu.memory_space<hbm>> -> memref<320x128xf32, #tpu.memory_space<hbm>>
      %dma_wait3A_52 = arith.constant 0 : i32
      %dma_wait3A_53 = tpu.memref_slice %arg6[%mul3A_46, %dma_wait3A_52] : memref<10240x128xf32, #tpu.memory_space<hbm>> -> memref<320x128xf32, #tpu.memory_space<hbm>>
      tpu.wait_dma2 semaphore(%run_scoped3A : memref<!tpu.dma_semaphore, #tpu.memory_space<semaphore_mem>>) src(%arg11 : memref<320x128xf32, #tpu.memory_space<vmem>>) dst(%dma_wait3A_53 : memref<320x128xf32, #tpu.memory_space<hbm>>)
      tpu.yield
    }) : () -> ()
    return
  }
}

#map = affine_map<(d0, d1) -> (0)>
#map1 = affine_map<(d0, d1) -> (0, 0)>
module attributes {stable_mosaic.version = 14 : i64} {
  func.func @_sc_prep(%arg0: i32, %arg1: i32, %arg2: memref<10240xf32, #tpu.memory_space<hbm>>, %arg3: memref<10240xf32, #tpu.memory_space<hbm>>, %arg4: memref<10240xf32, #tpu.memory_space<hbm>>, %arg5: memref<10240x32xi32, #tpu.memory_space<hbm>>, %arg6: memref<327680xf32, #tpu.memory_space<hbm>>, %arg7: memref<327680xi32, #tpu.memory_space<hbm>>, %arg8: memref<10240xf32, #tpu.memory_space<vmem>>, %arg9: memref<10240xf32, #tpu.memory_space<vmem>>, %arg10: memref<10240xf32, #tpu.memory_space<vmem>>, %arg11: memref<320x32xi32, #tpu.memory_space<vmem>>, %arg12: memref<10240xf32, #tpu.memory_space<vmem>>, %arg13: memref<10240xi32, #tpu.memory_space<vmem>>) attributes {dimension_semantics = [#tpu.dimension_semantics<core_parallel>, #tpu.dimension_semantics<subcore_parallel>], iteration_bounds = array<i64: 2, 16>, scalar_prefetch = 0 : i64, scratch_operands = 6 : i64, tpu.core_type = #tpu.core_type<sc_vector_subcore>, window_params = [{transform_indices = #map}, {transform_indices = #map}, {transform_indices = #map}, {transform_indices = #map1}, {transform_indices = #map}, {transform_indices = #map}]} {
    %mul3A = arith.constant 2 : i32
    %mul3A_0 = arith.muli %arg1, %mul3A : i32
    %add3A = arith.addi %mul3A_0, %arg0 : i32
    %mul3A_1 = arith.constant 320 : i32
    %mul3A_2 = arith.muli %add3A, %mul3A_1 : i32
    "tpu.region"() ({
      %run_scoped3A = tpu.sem_alloc : memref<!tpu.dma_semaphore, #tpu.memory_space<semaphore_mem>>
      tpu.enqueue_dma source(%arg2 : memref<10240xf32, #tpu.memory_space<hbm>>) target(%arg8 : memref<10240xf32, #tpu.memory_space<vmem>>) target_semaphore(%run_scoped3A : memref<!tpu.dma_semaphore, #tpu.memory_space<semaphore_mem>>)
      tpu.wait_dma2 semaphore(%run_scoped3A : memref<!tpu.dma_semaphore, #tpu.memory_space<semaphore_mem>>) src(%arg2 : memref<10240xf32, #tpu.memory_space<hbm>>) dst(%arg8 : memref<10240xf32, #tpu.memory_space<vmem>>)
      tpu.yield
    }) : () -> ()
    "tpu.region"() ({
      %run_scoped3A = tpu.sem_alloc : memref<!tpu.dma_semaphore, #tpu.memory_space<semaphore_mem>>
      tpu.enqueue_dma source(%arg3 : memref<10240xf32, #tpu.memory_space<hbm>>) target(%arg9 : memref<10240xf32, #tpu.memory_space<vmem>>) target_semaphore(%run_scoped3A : memref<!tpu.dma_semaphore, #tpu.memory_space<semaphore_mem>>)
      tpu.wait_dma2 semaphore(%run_scoped3A : memref<!tpu.dma_semaphore, #tpu.memory_space<semaphore_mem>>) src(%arg3 : memref<10240xf32, #tpu.memory_space<hbm>>) dst(%arg9 : memref<10240xf32, #tpu.memory_space<vmem>>)
      tpu.yield
    }) : () -> ()
    "tpu.region"() ({
      %run_scoped3A = tpu.sem_alloc : memref<!tpu.dma_semaphore, #tpu.memory_space<semaphore_mem>>
      tpu.enqueue_dma source(%arg4 : memref<10240xf32, #tpu.memory_space<hbm>>) target(%arg10 : memref<10240xf32, #tpu.memory_space<vmem>>) target_semaphore(%run_scoped3A : memref<!tpu.dma_semaphore, #tpu.memory_space<semaphore_mem>>)
      tpu.wait_dma2 semaphore(%run_scoped3A : memref<!tpu.dma_semaphore, #tpu.memory_space<semaphore_mem>>) src(%arg4 : memref<10240xf32, #tpu.memory_space<hbm>>) dst(%arg10 : memref<10240xf32, #tpu.memory_space<vmem>>)
      tpu.yield
    }) : () -> ()
    "tpu.region"() ({
      %run_scoped3A = tpu.sem_alloc : memref<!tpu.dma_semaphore, #tpu.memory_space<semaphore_mem>>
      %dma_start3A = arith.constant 0 : i32
      %dma_start3A_14 = tpu.memref_slice %arg5[%mul3A_2, %dma_start3A] : memref<10240x32xi32, #tpu.memory_space<hbm>> -> memref<320x32xi32, #tpu.memory_space<hbm>>
      %dma_start3A_15 = arith.constant 0 : i32
      %dma_start3A_16 = tpu.memref_slice %arg5[%mul3A_2, %dma_start3A_15] : memref<10240x32xi32, #tpu.memory_space<hbm>> -> memref<320x32xi32, #tpu.memory_space<hbm>>
      tpu.enqueue_dma source(%dma_start3A_16 : memref<320x32xi32, #tpu.memory_space<hbm>>) target(%arg11 : memref<320x32xi32, #tpu.memory_space<vmem>>) target_semaphore(%run_scoped3A : memref<!tpu.dma_semaphore, #tpu.memory_space<semaphore_mem>>)
      %dma_wait3A = arith.constant 0 : i32
      %dma_wait3A_17 = tpu.memref_slice %arg5[%mul3A_2, %dma_wait3A] : memref<10240x32xi32, #tpu.memory_space<hbm>> -> memref<320x32xi32, #tpu.memory_space<hbm>>
      %dma_wait3A_18 = arith.constant 0 : i32
      %dma_wait3A_19 = tpu.memref_slice %arg5[%mul3A_2, %dma_wait3A_18] : memref<10240x32xi32, #tpu.memory_space<hbm>> -> memref<320x32xi32, #tpu.memory_space<hbm>>
      tpu.wait_dma2 semaphore(%run_scoped3A : memref<!tpu.dma_semaphore, #tpu.memory_space<semaphore_mem>>) src(%dma_wait3A_19 : memref<320x32xi32, #tpu.memory_space<hbm>>) dst(%arg11 : memref<320x32xi32, #tpu.memory_space<vmem>>)
      tpu.yield
    }) : () -> ()
    %broadcast_in_dim3A = arith.constant 0 : i32
    %broadcast_in_dim3A_3 = vector.broadcast %broadcast_in_dim3A : i32 to vector<16xi32>
    %iota3A = tpu.iota {dimensions = array<i32: 0>} : vector<16xi32>
    %scan3A = arith.constant 0 : i32
    %scan3A_4 = arith.constant 0 : i32
    %scan3A_5 = arith.constant 320 : i32
    %scan3A_6 = arith.addi %scan3A_4, %scan3A_5 : i32
    %scan3A_7 = arith.constant 1 : i32
    %scan3A_8 = scf.for %scan3A_14 = %scan3A_4 to %scan3A_6 step %scan3A_7 iter_args(%scan3A_15 = %scan3A) -> (i32)  : i32 {
      %add3A_16 = arith.addi %mul3A_2, %scan3A_14 : i32
      %add3A_17 = vector.broadcast %add3A_16 : i32 to vector<16xi32>
      %add3A_18 = arith.addi %broadcast_in_dim3A_3, %add3A_17 : vector<16xi32>
      %gather3A = tpu.vector_load_idx %arg8[%add3A_18] : memref<10240xf32, #tpu.memory_space<vmem>>[vector<16xi32>], vector<16xf32>,
      %gather3A_19 = tpu.vector_load_idx %arg9[%add3A_18] : memref<10240xf32, #tpu.memory_space<vmem>>[vector<16xi32>], vector<16xf32>,
      %gather3A_20 = tpu.vector_load_idx %arg10[%add3A_18] : memref<10240xf32, #tpu.memory_space<vmem>>[vector<16xi32>], vector<16xf32>,
      %get3A = arith.index_cast %scan3A_14 : i32 to index
      %get3A_21 = arith.constant 0 : index
      %get3A_22 = tpu.vector_load %arg11[%get3A, %get3A_21] {strides = array<i32>} : memref<320x32xi32, #tpu.memory_space<vmem>>, vector<16xi32>,
      %gather3A_23 = tpu.vector_load_idx %arg8[%get3A_22] : memref<10240xf32, #tpu.memory_space<vmem>>[vector<16xi32>], vector<16xf32>,
      %gather3A_24 = tpu.vector_load_idx %arg9[%get3A_22] : memref<10240xf32, #tpu.memory_space<vmem>>[vector<16xi32>], vector<16xf32>,
      %gather3A_25 = tpu.vector_load_idx %arg10[%get3A_22] : memref<10240xf32, #tpu.memory_space<vmem>>[vector<16xi32>], vector<16xf32>,
      %sub3A = arith.subf %gather3A, %gather3A_23 : vector<16xf32>
      %sub3A_26 = arith.subf %gather3A_19, %gather3A_24 : vector<16xf32>
      %sub3A_27 = arith.subf %gather3A_20, %gather3A_25 : vector<16xf32>
      %mul3A_28 = arith.mulf %sub3A, %sub3A : vector<16xf32>
      %mul3A_29 = arith.mulf %sub3A_26, %sub3A_26 : vector<16xf32>
      %add3A_30 = arith.addf %mul3A_28, %mul3A_29 : vector<16xf32>
      %mul3A_31 = arith.mulf %sub3A_27, %sub3A_27 : vector<16xf32>
      %add3A_32 = arith.addf %add3A_30, %mul3A_31 : vector<16xf32>
      %eq3A = arith.constant 0.000000e+00 : f32
      %eq3A_33 = vector.broadcast %eq3A : f32 to vector<16xf32>
      %eq3A_34 = arith.cmpf oeq, %add3A_32, %eq3A_33 : vector<16xf32>
      %bitcast3A = vector.bitcast %add3A_32 : vector<16xf32> to vector<16xi32>
      %shift_right_logical3A = arith.constant 1 : i32
      %shift_right_logical3A_35 = vector.broadcast %shift_right_logical3A : i32 to vector<16xi32>
      %shift_right_logical3A_36 = arith.shrui %bitcast3A, %shift_right_logical3A_35 : vector<16xi32>
      %sub3A_37 = arith.constant 1597463007 : i32
      %sub3A_38 = vector.broadcast %sub3A_37 : i32 to vector<16xi32>
      %sub3A_39 = arith.subi %sub3A_38, %shift_right_logical3A_36 : vector<16xi32>
      %bitcast3A_40 = vector.bitcast %sub3A_39 : vector<16xi32> to vector<16xf32>
      %mul3A_41 = arith.constant 5.000000e-01 : f32
      %mul3A_42 = vector.broadcast %mul3A_41 : f32 to vector<16xf32>
      %mul3A_43 = arith.mulf %mul3A_42, %add3A_32 : vector<16xf32>
      %mul3A_44 = arith.mulf %mul3A_43, %bitcast3A_40 : vector<16xf32>
      %mul3A_45 = arith.mulf %mul3A_44, %bitcast3A_40 : vector<16xf32>
      %sub3A_46 = arith.constant 1.500000e+00 : f32
      %sub3A_47 = vector.broadcast %sub3A_46 : f32 to vector<16xf32>
      %sub3A_48 = arith.subf %sub3A_47, %mul3A_45 : vector<16xf32>
      %mul3A_49 = arith.mulf %bitcast3A_40, %sub3A_48 : vector<16xf32>
      %mul3A_50 = arith.constant 5.000000e-01 : f32
      %mul3A_51 = vector.broadcast %mul3A_50 : f32 to vector<16xf32>
      %mul3A_52 = arith.mulf %mul3A_51, %add3A_32 : vector<16xf32>
      %mul3A_53 = arith.mulf %mul3A_52, %mul3A_49 : vector<16xf32>
      %mul3A_54 = arith.mulf %mul3A_53, %mul3A_49 : vector<16xf32>
      %sub3A_55 = arith.constant 1.500000e+00 : f32
      %sub3A_56 = vector.broadcast %sub3A_55 : f32 to vector<16xf32>
      %sub3A_57 = arith.subf %sub3A_56, %mul3A_54 : vector<16xf32>
      %mul3A_58 = arith.mulf %mul3A_49, %sub3A_57 : vector<16xf32>
      %mul3A_59 = arith.constant 5.000000e-01 : f32
      %mul3A_60 = vector.broadcast %mul3A_59 : f32 to vector<16xf32>
      %mul3A_61 = arith.mulf %mul3A_60, %add3A_32 : vector<16xf32>
      %mul3A_62 = arith.mulf %mul3A_61, %mul3A_58 : vector<16xf32>
      %mul3A_63 = arith.mulf %mul3A_62, %mul3A_58 : vector<16xf32>
      %sub3A_64 = arith.constant 1.500000e+00 : f32
      %sub3A_65 = vector.broadcast %sub3A_64 : f32 to vector<16xf32>
      %sub3A_66 = arith.subf %sub3A_65, %mul3A_63 : vector<16xf32>
      %mul3A_67 = arith.mulf %mul3A_58, %sub3A_66 : vector<16xf32>
      %jit3A = arith.constant 2.000000e+00 : f32
      %broadcast_in_dim3A_68 = vector.broadcast %jit3A : f32 to vector<16xf32>
      %select_n3A = arith.select %eq3A_34, %broadcast_in_dim3A_68, %mul3A_67 : vector<16xi1>, vector<16xf32>
      %add3A_69 = arith.constant 0 : i32
      %add3A_70 = vector.broadcast %add3A_69 : i32 to vector<16xi32>
      %add3A_71 = arith.addi %iota3A, %add3A_70 : vector<16xi32>
      %mul3A_72 = arith.constant 10240 : i32
      %mul3A_73 = vector.broadcast %mul3A_72 : i32 to vector<16xi32>
      %mul3A_74 = arith.muli %add3A_71, %mul3A_73 : vector<16xi32>
      %add3A_75 = arith.addi %get3A_22, %mul3A_74 : vector<16xi32>
      %mul3A_76 = arith.constant 32 : i32
      %mul3A_77 = arith.muli %scan3A_14, %mul3A_76 : i32
      %add3A_78 = arith.constant 0 : i32
      %add3A_79 = arith.addi %mul3A_77, %add3A_78 : i32
      %swap3A = arith.index_cast %add3A_79 : i32 to index
      %swap3A_80 = tpu.vector_load %arg12[%swap3A] {strides = array<i32>} : memref<10240xf32, #tpu.memory_space<vmem>>, vector<16xf32>,
      tpu.vector_store %arg12[%swap3A], %select_n3A {strides = array<i32>} : memref<10240xf32, #tpu.memory_space<vmem>>, vector<16xf32>,
      %swap3A_81 = arith.index_cast %add3A_79 : i32 to index
      %swap3A_82 = tpu.vector_load %arg13[%swap3A_81] {strides = array<i32>} : memref<10240xi32, #tpu.memory_space<vmem>>, vector<16xi32>,
      tpu.vector_store %arg13[%swap3A_81], %add3A_75 {strides = array<i32>} : memref<10240xi32, #tpu.memory_space<vmem>>, vector<16xi32>,
      %get3A_83 = arith.index_cast %scan3A_14 : i32 to index
      %get3A_84 = arith.constant 16 : index
      %get3A_85 = tpu.vector_load %arg11[%get3A_83, %get3A_84] {strides = array<i32>} : memref<320x32xi32, #tpu.memory_space<vmem>>, vector<16xi32>,
      %gather3A_86 = tpu.vector_load_idx %arg8[%get3A_85] : memref<10240xf32, #tpu.memory_space<vmem>>[vector<16xi32>], vector<16xf32>,
      %gather3A_87 = tpu.vector_load_idx %arg9[%get3A_85] : memref<10240xf32, #tpu.memory_space<vmem>>[vector<16xi32>], vector<16xf32>,
      %gather3A_88 = tpu.vector_load_idx %arg10[%get3A_85] : memref<10240xf32, #tpu.memory_space<vmem>>[vector<16xi32>], vector<16xf32>,
      %sub3A_89 = arith.subf %gather3A, %gather3A_86 : vector<16xf32>
      %sub3A_90 = arith.subf %gather3A_19, %gather3A_87 : vector<16xf32>
      %sub3A_91 = arith.subf %gather3A_20, %gather3A_88 : vector<16xf32>
      %mul3A_92 = arith.mulf %sub3A_89, %sub3A_89 : vector<16xf32>
      %mul3A_93 = arith.mulf %sub3A_90, %sub3A_90 : vector<16xf32>
      %add3A_94 = arith.addf %mul3A_92, %mul3A_93 : vector<16xf32>
      %mul3A_95 = arith.mulf %sub3A_91, %sub3A_91 : vector<16xf32>
      %add3A_96 = arith.addf %add3A_94, %mul3A_95 : vector<16xf32>
      %eq3A_97 = arith.constant 0.000000e+00 : f32
      %eq3A_98 = vector.broadcast %eq3A_97 : f32 to vector<16xf32>
      %eq3A_99 = arith.cmpf oeq, %add3A_96, %eq3A_98 : vector<16xf32>
      %bitcast3A_100 = vector.bitcast %add3A_96 : vector<16xf32> to vector<16xi32>
      %shift_right_logical3A_101 = arith.constant 1 : i32
      %shift_right_logical3A_102 = vector.broadcast %shift_right_logical3A_101 : i32 to vector<16xi32>
      %shift_right_logical3A_103 = arith.shrui %bitcast3A_100, %shift_right_logical3A_102 : vector<16xi32>
      %sub3A_104 = arith.constant 1597463007 : i32
      %sub3A_105 = vector.broadcast %sub3A_104 : i32 to vector<16xi32>
      %sub3A_106 = arith.subi %sub3A_105, %shift_right_logical3A_103 : vector<16xi32>
      %bitcast3A_107 = vector.bitcast %sub3A_106 : vector<16xi32> to vector<16xf32>
      %mul3A_108 = arith.constant 5.000000e-01 : f32
      %mul3A_109 = vector.broadcast %mul3A_108 : f32 to vector<16xf32>
      %mul3A_110 = arith.mulf %mul3A_109, %add3A_96 : vector<16xf32>
      %mul3A_111 = arith.mulf %mul3A_110, %bitcast3A_107 : vector<16xf32>
      %mul3A_112 = arith.mulf %mul3A_111, %bitcast3A_107 : vector<16xf32>
      %sub3A_113 = arith.constant 1.500000e+00 : f32
      %sub3A_114 = vector.broadcast %sub3A_113 : f32 to vector<16xf32>
      %sub3A_115 = arith.subf %sub3A_114, %mul3A_112 : vector<16xf32>
      %mul3A_116 = arith.mulf %bitcast3A_107, %sub3A_115 : vector<16xf32>
      %mul3A_117 = arith.constant 5.000000e-01 : f32
      %mul3A_118 = vector.broadcast %mul3A_117 : f32 to vector<16xf32>
      %mul3A_119 = arith.mulf %mul3A_118, %add3A_96 : vector<16xf32>
      %mul3A_120 = arith.mulf %mul3A_119, %mul3A_116 : vector<16xf32>
      %mul3A_121 = arith.mulf %mul3A_120, %mul3A_116 : vector<16xf32>
      %sub3A_122 = arith.constant 1.500000e+00 : f32
      %sub3A_123 = vector.broadcast %sub3A_122 : f32 to vector<16xf32>
      %sub3A_124 = arith.subf %sub3A_123, %mul3A_121 : vector<16xf32>
      %mul3A_125 = arith.mulf %mul3A_116, %sub3A_124 : vector<16xf32>
      %mul3A_126 = arith.constant 5.000000e-01 : f32
      %mul3A_127 = vector.broadcast %mul3A_126 : f32 to vector<16xf32>
      %mul3A_128 = arith.mulf %mul3A_127, %add3A_96 : vector<16xf32>
      %mul3A_129 = arith.mulf %mul3A_128, %mul3A_125 : vector<16xf32>
      %mul3A_130 = arith.mulf %mul3A_129, %mul3A_125 : vector<16xf32>
      %sub3A_131 = arith.constant 1.500000e+00 : f32
      %sub3A_132 = vector.broadcast %sub3A_131 : f32 to vector<16xf32>
      %sub3A_133 = arith.subf %sub3A_132, %mul3A_130 : vector<16xf32>
      %mul3A_134 = arith.mulf %mul3A_125, %sub3A_133 : vector<16xf32>
      %jit3A_135 = arith.constant 2.000000e+00 : f32
      %broadcast_in_dim3A_136 = vector.broadcast %jit3A_135 : f32 to vector<16xf32>
      %select_n3A_137 = arith.select %eq3A_99, %broadcast_in_dim3A_136, %mul3A_134 : vector<16xi1>, vector<16xf32>
      %add3A_138 = arith.constant 16 : i32
      %add3A_139 = vector.broadcast %add3A_138 : i32 to vector<16xi32>
      %add3A_140 = arith.addi %iota3A, %add3A_139 : vector<16xi32>
      %mul3A_141 = arith.constant 10240 : i32
      %mul3A_142 = vector.broadcast %mul3A_141 : i32 to vector<16xi32>
      %mul3A_143 = arith.muli %add3A_140, %mul3A_142 : vector<16xi32>
      %add3A_144 = arith.addi %get3A_85, %mul3A_143 : vector<16xi32>
      %mul3A_145 = arith.constant 32 : i32
      %mul3A_146 = arith.muli %scan3A_14, %mul3A_145 : i32
      %add3A_147 = arith.constant 16 : i32
      %add3A_148 = arith.addi %mul3A_146, %add3A_147 : i32
      %swap3A_149 = arith.index_cast %add3A_148 : i32 to index
      %swap3A_150 = tpu.vector_load %arg12[%swap3A_149] {strides = array<i32>} : memref<10240xf32, #tpu.memory_space<vmem>>, vector<16xf32>,
      tpu.vector_store %arg12[%swap3A_149], %select_n3A_137 {strides = array<i32>} : memref<10240xf32, #tpu.memory_space<vmem>>, vector<16xf32>,
      %swap3A_151 = arith.index_cast %add3A_148 : i32 to index
      %swap3A_152 = tpu.vector_load %arg13[%swap3A_151] {strides = array<i32>} : memref<10240xi32, #tpu.memory_space<vmem>>, vector<16xi32>,
      tpu.vector_store %arg13[%swap3A_151], %add3A_144 {strides = array<i32>} : memref<10240xi32, #tpu.memory_space<vmem>>, vector<16xi32>,
      %scan3A_153 = arith.constant 0 : i32
      scf.yield %scan3A_153 : i32
    }
    %scan3A_9 = arith.constant 320 : i32
    %mul3A_10 = arith.constant 32 : i32
    %mul3A_11 = arith.muli %mul3A_2, %mul3A_10 : i32
    "tpu.region"() ({
      %run_scoped3A = tpu.sem_alloc : memref<!tpu.dma_semaphore, #tpu.memory_space<semaphore_mem>>
      %dma_start3A = tpu.memref_slice %arg6[%mul3A_11] : memref<327680xf32, #tpu.memory_space<hbm>> -> memref<10240xf32, #tpu.memory_space<hbm>>
      %dma_start3A_14 = tpu.memref_slice %arg6[%mul3A_11] : memref<327680xf32, #tpu.memory_space<hbm>> -> memref<10240xf32, #tpu.memory_space<hbm>>
      tpu.enqueue_dma source(%arg12 : memref<10240xf32, #tpu.memory_space<vmem>>) target(%dma_start3A_14 : memref<10240xf32, #tpu.memory_space<hbm>>) target_semaphore(%run_scoped3A : memref<!tpu.dma_semaphore, #tpu.memory_space<semaphore_mem>>)
      %dma_wait3A = tpu.memref_slice %arg6[%mul3A_11] : memref<327680xf32, #tpu.memory_space<hbm>> -> memref<10240xf32, #tpu.memory_space<hbm>>
      %dma_wait3A_15 = tpu.memref_slice %arg6[%mul3A_11] : memref<327680xf32, #tpu.memory_space<hbm>> -> memref<10240xf32, #tpu.memory_space<hbm>>
      tpu.wait_dma2 semaphore(%run_scoped3A : memref<!tpu.dma_semaphore, #tpu.memory_space<semaphore_mem>>) src(%arg12 : memref<10240xf32, #tpu.memory_space<vmem>>) dst(%dma_wait3A_15 : memref<10240xf32, #tpu.memory_space<hbm>>)
      tpu.yield
    }) : () -> ()
    %mul3A_12 = arith.constant 32 : i32
    %mul3A_13 = arith.muli %mul3A_2, %mul3A_12 : i32
    "tpu.region"() ({
      %run_scoped3A = tpu.sem_alloc : memref<!tpu.dma_semaphore, #tpu.memory_space<semaphore_mem>>
      %dma_start3A = tpu.memref_slice %arg7[%mul3A_13] : memref<327680xi32, #tpu.memory_space<hbm>> -> memref<10240xi32, #tpu.memory_space<hbm>>
      %dma_start3A_14 = tpu.memref_slice %arg7[%mul3A_13] : memref<327680xi32, #tpu.memory_space<hbm>> -> memref<10240xi32, #tpu.memory_space<hbm>>
      tpu.enqueue_dma source(%arg13 : memref<10240xi32, #tpu.memory_space<vmem>>) target(%dma_start3A_14 : memref<10240xi32, #tpu.memory_space<hbm>>) target_semaphore(%run_scoped3A : memref<!tpu.dma_semaphore, #tpu.memory_space<semaphore_mem>>)
      %dma_wait3A = tpu.memref_slice %arg7[%mul3A_13] : memref<327680xi32, #tpu.memory_space<hbm>> -> memref<10240xi32, #tpu.memory_space<hbm>>
      %dma_wait3A_15 = tpu.memref_slice %arg7[%mul3A_13] : memref<327680xi32, #tpu.memory_space<hbm>> -> memref<10240xi32, #tpu.memory_space<hbm>>
      tpu.wait_dma2 semaphore(%run_scoped3A : memref<!tpu.dma_semaphore, #tpu.memory_space<semaphore_mem>>) src(%arg13 : memref<10240xi32, #tpu.memory_space<vmem>>) dst(%dma_wait3A_15 : memref<10240xi32, #tpu.memory_space<hbm>>)
      tpu.yield
    }) : () -> ()
    return
  }
}

#map = affine_map<(d0, d1) -> (0, 0)>
#map1 = affine_map<(d0, d1) -> (0, 0, 0)>
module attributes {stable_mosaic.version = 14 : i64} {
  func.func @_combine(%arg0: i32, %arg1: i32, %arg2: memref<327680x128xf32, #tpu.memory_space<hbm>>, %arg3: memref<32x80x128xi32, #tpu.memory_space<hbm>>, %arg4: memref<32x10240xf32, #tpu.memory_space<hbm>>, %arg5: memref<1x128xf32, #tpu.memory_space<hbm>>, %arg6: memref<10240x128xf32, #tpu.memory_space<hbm>>, %arg7: memref<80x128xi32, #tpu.memory_space<vmem>>, %arg8: memref<10240xf32, #tpu.memory_space<vmem>>, %arg9: memref<128x128xf32, #tpu.memory_space<vmem>>, %arg10: memref<128x128xf32, #tpu.memory_space<vmem>>, %arg11: memref<320x128xf32, #tpu.memory_space<vmem>>, %arg12: memref<1x128xf32, #tpu.memory_space<vmem>>, %arg13: memref<!tpu.dma_semaphore, #tpu.memory_space<semaphore_mem>>, %arg14: memref<!tpu.dma_semaphore, #tpu.memory_space<semaphore_mem>>) attributes {dimension_semantics = [#tpu.dimension_semantics<core_parallel>, #tpu.dimension_semantics<subcore_parallel>], iteration_bounds = array<i64: 2, 16>, scalar_prefetch = 0 : i64, scratch_operands = 8 : i64, tpu.core_type = #tpu.core_type<sc_vector_subcore>, window_params = [{transform_indices = #map}, {transform_indices = #map1}, {transform_indices = #map}, {transform_indices = #map}, {transform_indices = #map}]} {
    %mul3A = arith.constant 2 : i32
    %mul3A_0 = arith.muli %arg1, %mul3A : i32
    %add3A = arith.addi %mul3A_0, %arg0 : i32
    "tpu.region"() ({
      %run_scoped3A = tpu.sem_alloc : memref<!tpu.dma_semaphore, #tpu.memory_space<semaphore_mem>>
      %dma_start3A_47 = arith.constant 0 : i32
      %dma_start3A_48 = arith.constant 0 : i32
      %dma_start3A_49 = tpu.memref_slice %arg3[%add3A, %dma_start3A_47, %dma_start3A_48] : memref<32x80x128xi32, #tpu.memory_space<hbm>> -> memref<1x80x128xi32, #tpu.memory_space<hbm>>
      %dma_start3A_50 = tpu.memref_squeeze %dma_start3A_49 : memref<1x80x128xi32, #tpu.memory_space<hbm>> -> memref<80x128xi32, #tpu.memory_space<hbm>>
      %dma_start3A_51 = arith.constant 0 : i32
      %dma_start3A_52 = arith.constant 0 : i32
      %dma_start3A_53 = tpu.memref_slice %arg3[%add3A, %dma_start3A_51, %dma_start3A_52] : memref<32x80x128xi32, #tpu.memory_space<hbm>> -> memref<1x80x128xi32, #tpu.memory_space<hbm>>
      %dma_start3A_54 = tpu.memref_squeeze %dma_start3A_53 : memref<1x80x128xi32, #tpu.memory_space<hbm>> -> memref<80x128xi32, #tpu.memory_space<hbm>>
      tpu.enqueue_dma source(%dma_start3A_54 : memref<80x128xi32, #tpu.memory_space<hbm>>) target(%arg7 : memref<80x128xi32, #tpu.memory_space<vmem>>) target_semaphore(%run_scoped3A : memref<!tpu.dma_semaphore, #tpu.memory_space<semaphore_mem>>)
      %dma_wait3A = arith.constant 0 : i32
      %dma_wait3A_55 = arith.constant 0 : i32
      %dma_wait3A_56 = tpu.memref_slice %arg3[%add3A, %dma_wait3A, %dma_wait3A_55] : memref<32x80x128xi32, #tpu.memory_space<hbm>> -> memref<1x80x128xi32, #tpu.memory_space<hbm>>
      %dma_wait3A_57 = tpu.memref_squeeze %dma_wait3A_56 : memref<1x80x128xi32, #tpu.memory_space<hbm>> -> memref<80x128xi32, #tpu.memory_space<hbm>>
      %dma_wait3A_58 = arith.constant 0 : i32
      %dma_wait3A_59 = arith.constant 0 : i32
      %dma_wait3A_60 = tpu.memref_slice %arg3[%add3A, %dma_wait3A_58, %dma_wait3A_59] : memref<32x80x128xi32, #tpu.memory_space<hbm>> -> memref<1x80x128xi32, #tpu.memory_space<hbm>>
      %dma_wait3A_61 = tpu.memref_squeeze %dma_wait3A_60 : memref<1x80x128xi32, #tpu.memory_space<hbm>> -> memref<80x128xi32, #tpu.memory_space<hbm>>
      tpu.wait_dma2 semaphore(%run_scoped3A : memref<!tpu.dma_semaphore, #tpu.memory_space<semaphore_mem>>) src(%dma_wait3A_61 : memref<80x128xi32, #tpu.memory_space<hbm>>) dst(%arg7 : memref<80x128xi32, #tpu.memory_space<vmem>>)
      tpu.yield
    }) : () -> ()
    "tpu.region"() ({
      %run_scoped3A = tpu.sem_alloc : memref<!tpu.dma_semaphore, #tpu.memory_space<semaphore_mem>>
      %dma_start3A_47 = arith.constant 0 : i32
      %dma_start3A_48 = tpu.memref_slice %arg4[%add3A, %dma_start3A_47] : memref<32x10240xf32, #tpu.memory_space<hbm>> -> memref<1x10240xf32, #tpu.memory_space<hbm>>
      %dma_start3A_49 = tpu.memref_squeeze %dma_start3A_48 : memref<1x10240xf32, #tpu.memory_space<hbm>> -> memref<10240xf32, #tpu.memory_space<hbm>>
      %dma_start3A_50 = arith.constant 0 : i32
      %dma_start3A_51 = tpu.memref_slice %arg4[%add3A, %dma_start3A_50] : memref<32x10240xf32, #tpu.memory_space<hbm>> -> memref<1x10240xf32, #tpu.memory_space<hbm>>
      %dma_start3A_52 = tpu.memref_squeeze %dma_start3A_51 : memref<1x10240xf32, #tpu.memory_space<hbm>> -> memref<10240xf32, #tpu.memory_space<hbm>>
      tpu.enqueue_dma source(%dma_start3A_52 : memref<10240xf32, #tpu.memory_space<hbm>>) target(%arg8 : memref<10240xf32, #tpu.memory_space<vmem>>) target_semaphore(%run_scoped3A : memref<!tpu.dma_semaphore, #tpu.memory_space<semaphore_mem>>)
      %dma_wait3A = arith.constant 0 : i32
      %dma_wait3A_53 = tpu.memref_slice %arg4[%add3A, %dma_wait3A] : memref<32x10240xf32, #tpu.memory_space<hbm>> -> memref<1x10240xf32, #tpu.memory_space<hbm>>
      %dma_wait3A_54 = tpu.memref_squeeze %dma_wait3A_53 : memref<1x10240xf32, #tpu.memory_space<hbm>> -> memref<10240xf32, #tpu.memory_space<hbm>>
      %dma_wait3A_55 = arith.constant 0 : i32
      %dma_wait3A_56 = tpu.memref_slice %arg4[%add3A, %dma_wait3A_55] : memref<32x10240xf32, #tpu.memory_space<hbm>> -> memref<1x10240xf32, #tpu.memory_space<hbm>>
      %dma_wait3A_57 = tpu.memref_squeeze %dma_wait3A_56 : memref<1x10240xf32, #tpu.memory_space<hbm>> -> memref<10240xf32, #tpu.memory_space<hbm>>
      tpu.wait_dma2 semaphore(%run_scoped3A : memref<!tpu.dma_semaphore, #tpu.memory_space<semaphore_mem>>) src(%dma_wait3A_57 : memref<10240xf32, #tpu.memory_space<hbm>>) dst(%arg8 : memref<10240xf32, #tpu.memory_space<vmem>>)
      tpu.yield
    }) : () -> ()
    "tpu.region"() ({
      %run_scoped3A = tpu.sem_alloc : memref<!tpu.dma_semaphore, #tpu.memory_space<semaphore_mem>>
      tpu.enqueue_dma source(%arg5 : memref<1x128xf32, #tpu.memory_space<hbm>>) target(%arg12 : memref<1x128xf32, #tpu.memory_space<vmem>>) target_semaphore(%run_scoped3A : memref<!tpu.dma_semaphore, #tpu.memory_space<semaphore_mem>>)
      tpu.wait_dma2 semaphore(%run_scoped3A : memref<!tpu.dma_semaphore, #tpu.memory_space<semaphore_mem>>) src(%arg5 : memref<1x128xf32, #tpu.memory_space<hbm>>) dst(%arg12 : memref<1x128xf32, #tpu.memory_space<vmem>>)
      tpu.yield
    }) : () -> ()
    %get3A = arith.constant 0 : i32
    %get3A_1 = arith.index_cast %get3A : i32 to index
    %get3A_2 = arith.constant 0 : index
    %get3A_3 = tpu.vector_load %arg12[%get3A_1, %get3A_2] {strides = array<i32>} : memref<1x128xf32, #tpu.memory_space<vmem>>, vector<16xf32>,
    %get3A_4 = arith.constant 0 : i32
    %get3A_5 = arith.index_cast %get3A_4 : i32 to index
    %get3A_6 = arith.constant 16 : index
    %get3A_7 = tpu.vector_load %arg12[%get3A_5, %get3A_6] {strides = array<i32>} : memref<1x128xf32, #tpu.memory_space<vmem>>, vector<16xf32>,
    %get3A_8 = arith.constant 0 : i32
    %get3A_9 = arith.index_cast %get3A_8 : i32 to index
    %get3A_10 = arith.constant 32 : index
    %get3A_11 = tpu.vector_load %arg12[%get3A_9, %get3A_10] {strides = array<i32>} : memref<1x128xf32, #tpu.memory_space<vmem>>, vector<16xf32>,
    %get3A_12 = arith.constant 0 : i32
    %get3A_13 = arith.index_cast %get3A_12 : i32 to index
    %get3A_14 = arith.constant 48 : index
    %get3A_15 = tpu.vector_load %arg12[%get3A_13, %get3A_14] {strides = array<i32>} : memref<1x128xf32, #tpu.memory_space<vmem>>, vector<16xf32>,
    %get3A_16 = arith.constant 0 : i32
    %get3A_17 = arith.index_cast %get3A_16 : i32 to index
    %get3A_18 = arith.constant 64 : index
    %get3A_19 = tpu.vector_load %arg12[%get3A_17, %get3A_18] {strides = array<i32>} : memref<1x128xf32, #tpu.memory_space<vmem>>, vector<16xf32>,
    %get3A_20 = arith.constant 0 : i32
    %get3A_21 = arith.index_cast %get3A_20 : i32 to index
    %get3A_22 = arith.constant 80 : index
    %get3A_23 = tpu.vector_load %arg12[%get3A_21, %get3A_22] {strides = array<i32>} : memref<1x128xf32, #tpu.memory_space<vmem>>, vector<16xf32>,
    %get3A_24 = arith.constant 0 : i32
    %get3A_25 = arith.index_cast %get3A_24 : i32 to index
    %get3A_26 = arith.constant 96 : index
    %get3A_27 = tpu.vector_load %arg12[%get3A_25, %get3A_26] {strides = array<i32>} : memref<1x128xf32, #tpu.memory_space<vmem>>, vector<16xf32>,
    %get3A_28 = arith.constant 0 : i32
    %get3A_29 = arith.index_cast %get3A_28 : i32 to index
    %get3A_30 = arith.constant 112 : index
    %get3A_31 = tpu.vector_load %arg12[%get3A_29, %get3A_30] {strides = array<i32>} : memref<1x128xf32, #tpu.memory_space<vmem>>, vector<16xf32>,
    %broadcast_in_dim3A = arith.constant 0 : i32
    %broadcast_in_dim3A_32 = vector.broadcast %broadcast_in_dim3A : i32 to vector<16xi32>
    %dma_start3A = arith.constant 0 : i32
    %dma_start3A_33 = arith.constant 0 : i32
    %dma_start3A_34 = tpu.memref_slice %arg7[%dma_start3A, %dma_start3A_33] : memref<80x128xi32, #tpu.memory_space<vmem>> -> memref<1x128xi32, #tpu.memory_space<vmem>>
    %dma_start3A_35 = tpu.memref_squeeze %dma_start3A_34 : memref<1x128xi32, #tpu.memory_space<vmem>> -> memref<128xi32, #tpu.memory_space<vmem>>
    %dma_start3A_36 = arith.constant 0 : i32
    %dma_start3A_37 = arith.constant 0 : i32
    %dma_start3A_38 = tpu.memref_slice %arg2[%dma_start3A_36, %dma_start3A_37] : memref<327680x128xf32, #tpu.memory_space<hbm>> -> memref<327680x128xf32, #tpu.memory_space<hbm>>
    tpu.enqueue_indirect_dma source(%dma_start3A_38 : memref<327680x128xf32, #tpu.memory_space<hbm>>) target(%arg9 : memref<128x128xf32, #tpu.memory_space<vmem>>) offsets(%dma_start3A_35 : memref<128xi32, #tpu.memory_space<vmem>>) semaphore(%arg13 : memref<!tpu.dma_semaphore, #tpu.memory_space<semaphore_mem>>)
    %scan3A = arith.constant 0 : i32
    %scan3A_39 = arith.constant 0 : i32
    %scan3A_40 = arith.constant 40 : i32
    %scan3A_41 = arith.addi %scan3A_39, %scan3A_40 : i32
    %scan3A_42 = arith.constant 1 : i32
    %scan3A_43 = scf.for %scan3A_47 = %scan3A_39 to %scan3A_41 step %scan3A_42 iter_args(%scan3A_48 = %scan3A) -> (i32)  : i32 {
      %mul3A_49 = arith.constant 2 : i32
      %mul3A_50 = arith.muli %scan3A_47, %mul3A_49 : i32
      %add3A_51 = arith.constant 1 : i32
      %add3A_52 = arith.addi %mul3A_50, %add3A_51 : i32
      %dma_start3A_53 = arith.constant 0 : i32
      %dma_start3A_54 = tpu.memref_slice %arg7[%add3A_52, %dma_start3A_53] : memref<80x128xi32, #tpu.memory_space<vmem>> -> memref<1x128xi32, #tpu.memory_space<vmem>>
      %dma_start3A_55 = tpu.memref_squeeze %dma_start3A_54 : memref<1x128xi32, #tpu.memory_space<vmem>> -> memref<128xi32, #tpu.memory_space<vmem>>
      %dma_start3A_56 = arith.constant 0 : i32
      %dma_start3A_57 = arith.constant 0 : i32
      %dma_start3A_58 = tpu.memref_slice %arg2[%dma_start3A_56, %dma_start3A_57] : memref<327680x128xf32, #tpu.memory_space<hbm>> -> memref<327680x128xf32, #tpu.memory_space<hbm>>
      tpu.enqueue_indirect_dma source(%dma_start3A_58 : memref<327680x128xf32, #tpu.memory_space<hbm>>) target(%arg10 : memref<128x128xf32, #tpu.memory_space<vmem>>) offsets(%dma_start3A_55 : memref<128xi32, #tpu.memory_space<vmem>>) semaphore(%arg14 : memref<!tpu.dma_semaphore, #tpu.memory_space<semaphore_mem>>)
      %dma_wait3A = arith.constant 0 : i32
      %dma_wait3A_59 = tpu.memref_slice %arg7[%mul3A_50, %dma_wait3A] : memref<80x128xi32, #tpu.memory_space<vmem>> -> memref<1x128xi32, #tpu.memory_space<vmem>>
      %dma_wait3A_60 = tpu.memref_squeeze %dma_wait3A_59 : memref<1x128xi32, #tpu.memory_space<vmem>> -> memref<128xi32, #tpu.memory_space<vmem>>
      %dma_wait3A_61 = arith.constant 0 : i32
      %dma_wait3A_62 = arith.constant 0 : i32
      %dma_wait3A_63 = tpu.memref_slice %arg2[%dma_wait3A_61, %dma_wait3A_62] : memref<327680x128xf32, #tpu.memory_space<hbm>> -> memref<327680x128xf32, #tpu.memory_space<hbm>>
      tpu.wait_indirect_dma semaphore(%arg13 : memref<!tpu.dma_semaphore, #tpu.memory_space<semaphore_mem>>) src(%dma_wait3A_63 : memref<327680x128xf32, #tpu.memory_space<hbm>>) dst(%arg9 : memref<128x128xf32, #tpu.memory_space<vmem>>)
      %mul3A_64 = arith.constant 128 : i32
      %mul3A_65 = arith.muli %mul3A_50, %mul3A_64 : i32
      %scan3A_66 = arith.constant 0 : i32
      %scan3A_67 = arith.constant 32 : i32
      %scan3A_68 = arith.addi %scan3A_66, %scan3A_67 : i32
      %scan3A_69 = arith.constant 1 : i32
      %scan3A_70:32 = scf.for %scan3A_312 = %scan3A_66 to %scan3A_68 step %scan3A_69 iter_args(%scan3A_313 = %get3A_3, %scan3A_314 = %get3A_7, %scan3A_315 = %get3A_11, %scan3A_316 = %get3A_15, %scan3A_317 = %get3A_19, %scan3A_318 = %get3A_23, %scan3A_319 = %get3A_27, %scan3A_320 = %get3A_31, %scan3A_321 = %get3A_3, %scan3A_322 = %get3A_7, %scan3A_323 = %get3A_11, %scan3A_324 = %get3A_15, %scan3A_325 = %get3A_19, %scan3A_326 = %get3A_23, %scan3A_327 = %get3A_27, %scan3A_328 = %get3A_31, %scan3A_329 = %get3A_3, %scan3A_330 = %get3A_7, %scan3A_331 = %get3A_11, %scan3A_332 = %get3A_15, %scan3A_333 = %get3A_19, %scan3A_334 = %get3A_23, %scan3A_335 = %get3A_27, %scan3A_336 = %get3A_31, %scan3A_337 = %get3A_3, %scan3A_338 = %get3A_7, %scan3A_339 = %get3A_11, %scan3A_340 = %get3A_15, %scan3A_341 = %get3A_19, %scan3A_342 = %get3A_23, %scan3A_343 = %get3A_27, %scan3A_344 = %get3A_31) -> (vector<16xf32>, vector<16xf32>, vector<16xf32>, vector<16xf32>, vector<16xf32>, vector<16xf32>, vector<16xf32>, vector<16xf32>, vector<16xf32>, vector<16xf32>, vector<16xf32>, vector<16xf32>, vector<16xf32>, vector<16xf32>, vector<16xf32>, vector<16xf32>, vector<16xf32>, vector<16xf32>, vector<16xf32>, vector<16xf32>, vector<16xf32>, vector<16xf32>, vector<16xf32>, vector<16xf32>, vector<16xf32>, vector<16xf32>, vector<16xf32>, vector<16xf32>, vector<16xf32>, vector<16xf32>, vector<16xf32>, vector<16xf32>)  : i32 {
        %add3A_345 = arith.constant 0 : i32
        %add3A_346 = arith.addi %mul3A_65, %add3A_345 : i32
        %add3A_347 = arith.addi %add3A_346, %scan3A_312 : i32
        %add3A_348 = vector.broadcast %add3A_347 : i32 to vector<16xi32>
        %add3A_349 = arith.addi %broadcast_in_dim3A_32, %add3A_348 : vector<16xi32>
        %gather3A = tpu.vector_load_idx %arg8[%add3A_349] : memref<10240xf32, #tpu.memory_space<vmem>>[vector<16xi32>], vector<16xf32>,
        %add3A_350 = arith.constant 0 : i32
        %add3A_351 = arith.addi %add3A_350, %scan3A_312 : i32
        %get3A_352 = arith.index_cast %add3A_351 : i32 to index
        %get3A_353 = arith.constant 0 : index
        %get3A_354 = tpu.vector_load %arg9[%get3A_352, %get3A_353] {strides = array<i32>} : memref<128x128xf32, #tpu.memory_space<vmem>>, vector<16xf32>,
        %mul3A_355 = arith.mulf %gather3A, %get3A_354 : vector<16xf32>
        %add3A_356 = arith.addf %scan3A_313, %mul3A_355 : vector<16xf32>
        %add3A_357 = arith.constant 0 : i32
        %add3A_358 = arith.addi %add3A_357, %scan3A_312 : i32
        %get3A_359 = arith.index_cast %add3A_358 : i32 to index
        %get3A_360 = arith.constant 16 : index
        %get3A_361 = tpu.vector_load %arg9[%get3A_359, %get3A_360] {strides = array<i32>} : memref<128x128xf32, #tpu.memory_space<vmem>>, vector<16xf32>,
        %mul3A_362 = arith.mulf %gather3A, %get3A_361 : vector<16xf32>
        %add3A_363 = arith.addf %scan3A_314, %mul3A_362 : vector<16xf32>
        %add3A_364 = arith.constant 0 : i32
        %add3A_365 = arith.addi %add3A_364, %scan3A_312 : i32
        %get3A_366 = arith.index_cast %add3A_365 : i32 to index
        %get3A_367 = arith.constant 32 : index
        %get3A_368 = tpu.vector_load %arg9[%get3A_366, %get3A_367] {strides = array<i32>} : memref<128x128xf32, #tpu.memory_space<vmem>>, vector<16xf32>,
        %mul3A_369 = arith.mulf %gather3A, %get3A_368 : vector<16xf32>
        %add3A_370 = arith.addf %scan3A_315, %mul3A_369 : vector<16xf32>
        %add3A_371 = arith.constant 0 : i32
        %add3A_372 = arith.addi %add3A_371, %scan3A_312 : i32
        %get3A_373 = arith.index_cast %add3A_372 : i32 to index
        %get3A_374 = arith.constant 48 : index
        %get3A_375 = tpu.vector_load %arg9[%get3A_373, %get3A_374] {strides = array<i32>} : memref<128x128xf32, #tpu.memory_space<vmem>>, vector<16xf32>,
        %mul3A_376 = arith.mulf %gather3A, %get3A_375 : vector<16xf32>
        %add3A_377 = arith.addf %scan3A_316, %mul3A_376 : vector<16xf32>
        %add3A_378 = arith.constant 0 : i32
        %add3A_379 = arith.addi %add3A_378, %scan3A_312 : i32
        %get3A_380 = arith.index_cast %add3A_379 : i32 to index
        %get3A_381 = arith.constant 64 : index
        %get3A_382 = tpu.vector_load %arg9[%get3A_380, %get3A_381] {strides = array<i32>} : memref<128x128xf32, #tpu.memory_space<vmem>>, vector<16xf32>,
        %mul3A_383 = arith.mulf %gather3A, %get3A_382 : vector<16xf32>
        %add3A_384 = arith.addf %scan3A_317, %mul3A_383 : vector<16xf32>
        %add3A_385 = arith.constant 0 : i32
        %add3A_386 = arith.addi %add3A_385, %scan3A_312 : i32
        %get3A_387 = arith.index_cast %add3A_386 : i32 to index
        %get3A_388 = arith.constant 80 : index
        %get3A_389 = tpu.vector_load %arg9[%get3A_387, %get3A_388] {strides = array<i32>} : memref<128x128xf32, #tpu.memory_space<vmem>>, vector<16xf32>,
        %mul3A_390 = arith.mulf %gather3A, %get3A_389 : vector<16xf32>
        %add3A_391 = arith.addf %scan3A_318, %mul3A_390 : vector<16xf32>
        %add3A_392 = arith.constant 0 : i32
        %add3A_393 = arith.addi %add3A_392, %scan3A_312 : i32
        %get3A_394 = arith.index_cast %add3A_393 : i32 to index
        %get3A_395 = arith.constant 96 : index
        %get3A_396 = tpu.vector_load %arg9[%get3A_394, %get3A_395] {strides = array<i32>} : memref<128x128xf32, #tpu.memory_space<vmem>>, vector<16xf32>,
        %mul3A_397 = arith.mulf %gather3A, %get3A_396 : vector<16xf32>
        %add3A_398 = arith.addf %scan3A_319, %mul3A_397 : vector<16xf32>
        %add3A_399 = arith.constant 0 : i32
        %add3A_400 = arith.addi %add3A_399, %scan3A_312 : i32
        %get3A_401 = arith.index_cast %add3A_400 : i32 to index
        %get3A_402 = arith.constant 112 : index
        %get3A_403 = tpu.vector_load %arg9[%get3A_401, %get3A_402] {strides = array<i32>} : memref<128x128xf32, #tpu.memory_space<vmem>>, vector<16xf32>,
        %mul3A_404 = arith.mulf %gather3A, %get3A_403 : vector<16xf32>
        %add3A_405 = arith.addf %scan3A_320, %mul3A_404 : vector<16xf32>
        %add3A_406 = arith.constant 32 : i32
        %add3A_407 = arith.addi %mul3A_65, %add3A_406 : i32
        %add3A_408 = arith.addi %add3A_407, %scan3A_312 : i32
        %add3A_409 = vector.broadcast %add3A_408 : i32 to vector<16xi32>
        %add3A_410 = arith.addi %broadcast_in_dim3A_32, %add3A_409 : vector<16xi32>
        %gather3A_411 = tpu.vector_load_idx %arg8[%add3A_410] : memref<10240xf32, #tpu.memory_space<vmem>>[vector<16xi32>], vector<16xf32>,
        %add3A_412 = arith.constant 32 : i32
        %add3A_413 = arith.addi %add3A_412, %scan3A_312 : i32
        %get3A_414 = arith.index_cast %add3A_413 : i32 to index
        %get3A_415 = arith.constant 0 : index
        %get3A_416 = tpu.vector_load %arg9[%get3A_414, %get3A_415] {strides = array<i32>} : memref<128x128xf32, #tpu.memory_space<vmem>>, vector<16xf32>,
        %mul3A_417 = arith.mulf %gather3A_411, %get3A_416 : vector<16xf32>
        %add3A_418 = arith.addf %scan3A_321, %mul3A_417 : vector<16xf32>
        %add3A_419 = arith.constant 32 : i32
        %add3A_420 = arith.addi %add3A_419, %scan3A_312 : i32
        %get3A_421 = arith.index_cast %add3A_420 : i32 to index
        %get3A_422 = arith.constant 16 : index
        %get3A_423 = tpu.vector_load %arg9[%get3A_421, %get3A_422] {strides = array<i32>} : memref<128x128xf32, #tpu.memory_space<vmem>>, vector<16xf32>,
        %mul3A_424 = arith.mulf %gather3A_411, %get3A_423 : vector<16xf32>
        %add3A_425 = arith.addf %scan3A_322, %mul3A_424 : vector<16xf32>
        %add3A_426 = arith.constant 32 : i32
        %add3A_427 = arith.addi %add3A_426, %scan3A_312 : i32
        %get3A_428 = arith.index_cast %add3A_427 : i32 to index
        %get3A_429 = arith.constant 32 : index
        %get3A_430 = tpu.vector_load %arg9[%get3A_428, %get3A_429] {strides = array<i32>} : memref<128x128xf32, #tpu.memory_space<vmem>>, vector<16xf32>,
        %mul3A_431 = arith.mulf %gather3A_411, %get3A_430 : vector<16xf32>
        %add3A_432 = arith.addf %scan3A_323, %mul3A_431 : vector<16xf32>
        %add3A_433 = arith.constant 32 : i32
        %add3A_434 = arith.addi %add3A_433, %scan3A_312 : i32
        %get3A_435 = arith.index_cast %add3A_434 : i32 to index
        %get3A_436 = arith.constant 48 : index
        %get3A_437 = tpu.vector_load %arg9[%get3A_435, %get3A_436] {strides = array<i32>} : memref<128x128xf32, #tpu.memory_space<vmem>>, vector<16xf32>,
        %mul3A_438 = arith.mulf %gather3A_411, %get3A_437 : vector<16xf32>
        %add3A_439 = arith.addf %scan3A_324, %mul3A_438 : vector<16xf32>
        %add3A_440 = arith.constant 32 : i32
        %add3A_441 = arith.addi %add3A_440, %scan3A_312 : i32
        %get3A_442 = arith.index_cast %add3A_441 : i32 to index
        %get3A_443 = arith.constant 64 : index
        %get3A_444 = tpu.vector_load %arg9[%get3A_442, %get3A_443] {strides = array<i32>} : memref<128x128xf32, #tpu.memory_space<vmem>>, vector<16xf32>,
        %mul3A_445 = arith.mulf %gather3A_411, %get3A_444 : vector<16xf32>
        %add3A_446 = arith.addf %scan3A_325, %mul3A_445 : vector<16xf32>
        %add3A_447 = arith.constant 32 : i32
        %add3A_448 = arith.addi %add3A_447, %scan3A_312 : i32
        %get3A_449 = arith.index_cast %add3A_448 : i32 to index
        %get3A_450 = arith.constant 80 : index
        %get3A_451 = tpu.vector_load %arg9[%get3A_449, %get3A_450] {strides = array<i32>} : memref<128x128xf32, #tpu.memory_space<vmem>>, vector<16xf32>,
        %mul3A_452 = arith.mulf %gather3A_411, %get3A_451 : vector<16xf32>
        %add3A_453 = arith.addf %scan3A_326, %mul3A_452 : vector<16xf32>
        %add3A_454 = arith.constant 32 : i32
        %add3A_455 = arith.addi %add3A_454, %scan3A_312 : i32
        %get3A_456 = arith.index_cast %add3A_455 : i32 to index
        %get3A_457 = arith.constant 96 : index
        %get3A_458 = tpu.vector_load %arg9[%get3A_456, %get3A_457] {strides = array<i32>} : memref<128x128xf32, #tpu.memory_space<vmem>>, vector<16xf32>,
        %mul3A_459 = arith.mulf %gather3A_411, %get3A_458 : vector<16xf32>
        %add3A_460 = arith.addf %scan3A_327, %mul3A_459 : vector<16xf32>
        %add3A_461 = arith.constant 32 : i32
        %add3A_462 = arith.addi %add3A_461, %scan3A_312 : i32
        %get3A_463 = arith.index_cast %add3A_462 : i32 to index
        %get3A_464 = arith.constant 112 : index
        %get3A_465 = tpu.vector_load %arg9[%get3A_463, %get3A_464] {strides = array<i32>} : memref<128x128xf32, #tpu.memory_space<vmem>>, vector<16xf32>,
        %mul3A_466 = arith.mulf %gather3A_411, %get3A_465 : vector<16xf32>
        %add3A_467 = arith.addf %scan3A_328, %mul3A_466 : vector<16xf32>
        %add3A_468 = arith.constant 64 : i32
        %add3A_469 = arith.addi %mul3A_65, %add3A_468 : i32
        %add3A_470 = arith.addi %add3A_469, %scan3A_312 : i32
        %add3A_471 = vector.broadcast %add3A_470 : i32 to vector<16xi32>
        %add3A_472 = arith.addi %broadcast_in_dim3A_32, %add3A_471 : vector<16xi32>
        %gather3A_473 = tpu.vector_load_idx %arg8[%add3A_472] : memref<10240xf32, #tpu.memory_space<vmem>>[vector<16xi32>], vector<16xf32>,
        %add3A_474 = arith.constant 64 : i32
        %add3A_475 = arith.addi %add3A_474, %scan3A_312 : i32
        %get3A_476 = arith.index_cast %add3A_475 : i32 to index
        %get3A_477 = arith.constant 0 : index
        %get3A_478 = tpu.vector_load %arg9[%get3A_476, %get3A_477] {strides = array<i32>} : memref<128x128xf32, #tpu.memory_space<vmem>>, vector<16xf32>,
        %mul3A_479 = arith.mulf %gather3A_473, %get3A_478 : vector<16xf32>
        %add3A_480 = arith.addf %scan3A_329, %mul3A_479 : vector<16xf32>
        %add3A_481 = arith.constant 64 : i32
        %add3A_482 = arith.addi %add3A_481, %scan3A_312 : i32
        %get3A_483 = arith.index_cast %add3A_482 : i32 to index
        %get3A_484 = arith.constant 16 : index
        %get3A_485 = tpu.vector_load %arg9[%get3A_483, %get3A_484] {strides = array<i32>} : memref<128x128xf32, #tpu.memory_space<vmem>>, vector<16xf32>,
        %mul3A_486 = arith.mulf %gather3A_473, %get3A_485 : vector<16xf32>
        %add3A_487 = arith.addf %scan3A_330, %mul3A_486 : vector<16xf32>
        %add3A_488 = arith.constant 64 : i32
        %add3A_489 = arith.addi %add3A_488, %scan3A_312 : i32
        %get3A_490 = arith.index_cast %add3A_489 : i32 to index
        %get3A_491 = arith.constant 32 : index
        %get3A_492 = tpu.vector_load %arg9[%get3A_490, %get3A_491] {strides = array<i32>} : memref<128x128xf32, #tpu.memory_space<vmem>>, vector<16xf32>,
        %mul3A_493 = arith.mulf %gather3A_473, %get3A_492 : vector<16xf32>
        %add3A_494 = arith.addf %scan3A_331, %mul3A_493 : vector<16xf32>
        %add3A_495 = arith.constant 64 : i32
        %add3A_496 = arith.addi %add3A_495, %scan3A_312 : i32
        %get3A_497 = arith.index_cast %add3A_496 : i32 to index
        %get3A_498 = arith.constant 48 : index
        %get3A_499 = tpu.vector_load %arg9[%get3A_497, %get3A_498] {strides = array<i32>} : memref<128x128xf32, #tpu.memory_space<vmem>>, vector<16xf32>,
        %mul3A_500 = arith.mulf %gather3A_473, %get3A_499 : vector<16xf32>
        %add3A_501 = arith.addf %scan3A_332, %mul3A_500 : vector<16xf32>
        %add3A_502 = arith.constant 64 : i32
        %add3A_503 = arith.addi %add3A_502, %scan3A_312 : i32
        %get3A_504 = arith.index_cast %add3A_503 : i32 to index
        %get3A_505 = arith.constant 64 : index
        %get3A_506 = tpu.vector_load %arg9[%get3A_504, %get3A_505] {strides = array<i32>} : memref<128x128xf32, #tpu.memory_space<vmem>>, vector<16xf32>,
        %mul3A_507 = arith.mulf %gather3A_473, %get3A_506 : vector<16xf32>
        %add3A_508 = arith.addf %scan3A_333, %mul3A_507 : vector<16xf32>
        %add3A_509 = arith.constant 64 : i32
        %add3A_510 = arith.addi %add3A_509, %scan3A_312 : i32
        %get3A_511 = arith.index_cast %add3A_510 : i32 to index
        %get3A_512 = arith.constant 80 : index
        %get3A_513 = tpu.vector_load %arg9[%get3A_511, %get3A_512] {strides = array<i32>} : memref<128x128xf32, #tpu.memory_space<vmem>>, vector<16xf32>,
        %mul3A_514 = arith.mulf %gather3A_473, %get3A_513 : vector<16xf32>
        %add3A_515 = arith.addf %scan3A_334, %mul3A_514 : vector<16xf32>
        %add3A_516 = arith.constant 64 : i32
        %add3A_517 = arith.addi %add3A_516, %scan3A_312 : i32
        %get3A_518 = arith.index_cast %add3A_517 : i32 to index
        %get3A_519 = arith.constant 96 : index
        %get3A_520 = tpu.vector_load %arg9[%get3A_518, %get3A_519] {strides = array<i32>} : memref<128x128xf32, #tpu.memory_space<vmem>>, vector<16xf32>,
        %mul3A_521 = arith.mulf %gather3A_473, %get3A_520 : vector<16xf32>
        %add3A_522 = arith.addf %scan3A_335, %mul3A_521 : vector<16xf32>
        %add3A_523 = arith.constant 64 : i32
        %add3A_524 = arith.addi %add3A_523, %scan3A_312 : i32
        %get3A_525 = arith.index_cast %add3A_524 : i32 to index
        %get3A_526 = arith.constant 112 : index
        %get3A_527 = tpu.vector_load %arg9[%get3A_525, %get3A_526] {strides = array<i32>} : memref<128x128xf32, #tpu.memory_space<vmem>>, vector<16xf32>,
        %mul3A_528 = arith.mulf %gather3A_473, %get3A_527 : vector<16xf32>
        %add3A_529 = arith.addf %scan3A_336, %mul3A_528 : vector<16xf32>
        %add3A_530 = arith.constant 96 : i32
        %add3A_531 = arith.addi %mul3A_65, %add3A_530 : i32
        %add3A_532 = arith.addi %add3A_531, %scan3A_312 : i32
        %add3A_533 = vector.broadcast %add3A_532 : i32 to vector<16xi32>
        %add3A_534 = arith.addi %broadcast_in_dim3A_32, %add3A_533 : vector<16xi32>
        %gather3A_535 = tpu.vector_load_idx %arg8[%add3A_534] : memref<10240xf32, #tpu.memory_space<vmem>>[vector<16xi32>], vector<16xf32>,
        %add3A_536 = arith.constant 96 : i32
        %add3A_537 = arith.addi %add3A_536, %scan3A_312 : i32
        %get3A_538 = arith.index_cast %add3A_537 : i32 to index
        %get3A_539 = arith.constant 0 : index
        %get3A_540 = tpu.vector_load %arg9[%get3A_538, %get3A_539] {strides = array<i32>} : memref<128x128xf32, #tpu.memory_space<vmem>>, vector<16xf32>,
        %mul3A_541 = arith.mulf %gather3A_535, %get3A_540 : vector<16xf32>
        %add3A_542 = arith.addf %scan3A_337, %mul3A_541 : vector<16xf32>
        %add3A_543 = arith.constant 96 : i32
        %add3A_544 = arith.addi %add3A_543, %scan3A_312 : i32
        %get3A_545 = arith.index_cast %add3A_544 : i32 to index
        %get3A_546 = arith.constant 16 : index
        %get3A_547 = tpu.vector_load %arg9[%get3A_545, %get3A_546] {strides = array<i32>} : memref<128x128xf32, #tpu.memory_space<vmem>>, vector<16xf32>,
        %mul3A_548 = arith.mulf %gather3A_535, %get3A_547 : vector<16xf32>
        %add3A_549 = arith.addf %scan3A_338, %mul3A_548 : vector<16xf32>
        %add3A_550 = arith.constant 96 : i32
        %add3A_551 = arith.addi %add3A_550, %scan3A_312 : i32
        %get3A_552 = arith.index_cast %add3A_551 : i32 to index
        %get3A_553 = arith.constant 32 : index
        %get3A_554 = tpu.vector_load %arg9[%get3A_552, %get3A_553] {strides = array<i32>} : memref<128x128xf32, #tpu.memory_space<vmem>>, vector<16xf32>,
        %mul3A_555 = arith.mulf %gather3A_535, %get3A_554 : vector<16xf32>
        %add3A_556 = arith.addf %scan3A_339, %mul3A_555 : vector<16xf32>
        %add3A_557 = arith.constant 96 : i32
        %add3A_558 = arith.addi %add3A_557, %scan3A_312 : i32
        %get3A_559 = arith.index_cast %add3A_558 : i32 to index
        %get3A_560 = arith.constant 48 : index
        %get3A_561 = tpu.vector_load %arg9[%get3A_559, %get3A_560] {strides = array<i32>} : memref<128x128xf32, #tpu.memory_space<vmem>>, vector<16xf32>,
        %mul3A_562 = arith.mulf %gather3A_535, %get3A_561 : vector<16xf32>
        %add3A_563 = arith.addf %scan3A_340, %mul3A_562 : vector<16xf32>
        %add3A_564 = arith.constant 96 : i32
        %add3A_565 = arith.addi %add3A_564, %scan3A_312 : i32
        %get3A_566 = arith.index_cast %add3A_565 : i32 to index
        %get3A_567 = arith.constant 64 : index
        %get3A_568 = tpu.vector_load %arg9[%get3A_566, %get3A_567] {strides = array<i32>} : memref<128x128xf32, #tpu.memory_space<vmem>>, vector<16xf32>,
        %mul3A_569 = arith.mulf %gather3A_535, %get3A_568 : vector<16xf32>
        %add3A_570 = arith.addf %scan3A_341, %mul3A_569 : vector<16xf32>
        %add3A_571 = arith.constant 96 : i32
        %add3A_572 = arith.addi %add3A_571, %scan3A_312 : i32
        %get3A_573 = arith.index_cast %add3A_572 : i32 to index
        %get3A_574 = arith.constant 80 : index
        %get3A_575 = tpu.vector_load %arg9[%get3A_573, %get3A_574] {strides = array<i32>} : memref<128x128xf32, #tpu.memory_space<vmem>>, vector<16xf32>,
        %mul3A_576 = arith.mulf %gather3A_535, %get3A_575 : vector<16xf32>
        %add3A_577 = arith.addf %scan3A_342, %mul3A_576 : vector<16xf32>
        %add3A_578 = arith.constant 96 : i32
        %add3A_579 = arith.addi %add3A_578, %scan3A_312 : i32
        %get3A_580 = arith.index_cast %add3A_579 : i32 to index
        %get3A_581 = arith.constant 96 : index
        %get3A_582 = tpu.vector_load %arg9[%get3A_580, %get3A_581] {strides = array<i32>} : memref<128x128xf32, #tpu.memory_space<vmem>>, vector<16xf32>,
        %mul3A_583 = arith.mulf %gather3A_535, %get3A_582 : vector<16xf32>
        %add3A_584 = arith.addf %scan3A_343, %mul3A_583 : vector<16xf32>
        %add3A_585 = arith.constant 96 : i32
        %add3A_586 = arith.addi %add3A_585, %scan3A_312 : i32
        %get3A_587 = arith.index_cast %add3A_586 : i32 to index
        %get3A_588 = arith.constant 112 : index
        %get3A_589 = tpu.vector_load %arg9[%get3A_587, %get3A_588] {strides = array<i32>} : memref<128x128xf32, #tpu.memory_space<vmem>>, vector<16xf32>,
        %mul3A_590 = arith.mulf %gather3A_535, %get3A_589 : vector<16xf32>
        %add3A_591 = arith.addf %scan3A_344, %mul3A_590 : vector<16xf32>
        scf.yield %add3A_356, %add3A_363, %add3A_370, %add3A_377, %add3A_384, %add3A_391, %add3A_398, %add3A_405, %add3A_418, %add3A_425, %add3A_432, %add3A_439, %add3A_446, %add3A_453, %add3A_460, %add3A_467, %add3A_480, %add3A_487, %add3A_494, %add3A_501, %add3A_508, %add3A_515, %add3A_522, %add3A_529, %add3A_542, %add3A_549, %add3A_556, %add3A_563, %add3A_570, %add3A_577, %add3A_584, %add3A_591 : vector<16xf32>, vector<16xf32>, vector<16xf32>, vector<16xf32>, vector<16xf32>, vector<16xf32>, vector<16xf32>, vector<16xf32>, vector<16xf32>, vector<16xf32>, vector<16xf32>, vector<16xf32>, vector<16xf32>, vector<16xf32>, vector<16xf32>, vector<16xf32>, vector<16xf32>, vector<16xf32>, vector<16xf32>, vector<16xf32>, vector<16xf32>, vector<16xf32>, vector<16xf32>, vector<16xf32>, vector<16xf32>, vector<16xf32>, vector<16xf32>, vector<16xf32>, vector<16xf32>, vector<16xf32>, vector<16xf32>, vector<16xf32>
      }
      %scan3A_71 = arith.constant 32 : i32
      %mul3A_72 = arith.constant 4 : i32
      %mul3A_73 = arith.muli %mul3A_50, %mul3A_72 : i32
      %add3A_74 = arith.constant 0 : i32
      %add3A_75 = arith.addi %mul3A_73, %add3A_74 : i32
      %swap3A = arith.index_cast %add3A_75 : i32 to index
      %swap3A_76 = arith.constant 0 : index
      %swap3A_77 = tpu.vector_load %arg11[%swap3A, %swap3A_76] {strides = array<i32>} : memref<320x128xf32, #tpu.memory_space<vmem>>, vector<16xf32>,
      tpu.vector_store %arg11[%swap3A, %swap3A_76], %scan3A_70#0 {strides = array<i32>} : memref<320x128xf32, #tpu.memory_space<vmem>>, vector<16xf32>,
      %swap3A_78 = arith.index_cast %add3A_75 : i32 to index
      %swap3A_79 = arith.constant 16 : index
      %swap3A_80 = tpu.vector_load %arg11[%swap3A_78, %swap3A_79] {strides = array<i32>} : memref<320x128xf32, #tpu.memory_space<vmem>>, vector<16xf32>,
      tpu.vector_store %arg11[%swap3A_78, %swap3A_79], %scan3A_70#1 {strides = array<i32>} : memref<320x128xf32, #tpu.memory_space<vmem>>, vector<16xf32>,
      %swap3A_81 = arith.index_cast %add3A_75 : i32 to index
      %swap3A_82 = arith.constant 32 : index
      %swap3A_83 = tpu.vector_load %arg11[%swap3A_81, %swap3A_82] {strides = array<i32>} : memref<320x128xf32, #tpu.memory_space<vmem>>, vector<16xf32>,
      tpu.vector_store %arg11[%swap3A_81, %swap3A_82], %scan3A_70#2 {strides = array<i32>} : memref<320x128xf32, #tpu.memory_space<vmem>>, vector<16xf32>,
      %swap3A_84 = arith.index_cast %add3A_75 : i32 to index
      %swap3A_85 = arith.constant 48 : index
      %swap3A_86 = tpu.vector_load %arg11[%swap3A_84, %swap3A_85] {strides = array<i32>} : memref<320x128xf32, #tpu.memory_space<vmem>>, vector<16xf32>,
      tpu.vector_store %arg11[%swap3A_84, %swap3A_85], %scan3A_70#3 {strides = array<i32>} : memref<320x128xf32, #tpu.memory_space<vmem>>, vector<16xf32>,
      %swap3A_87 = arith.index_cast %add3A_75 : i32 to index
      %swap3A_88 = arith.constant 64 : index
      %swap3A_89 = tpu.vector_load %arg11[%swap3A_87, %swap3A_88] {strides = array<i32>} : memref<320x128xf32, #tpu.memory_space<vmem>>, vector<16xf32>,
      tpu.vector_store %arg11[%swap3A_87, %swap3A_88], %scan3A_70#4 {strides = array<i32>} : memref<320x128xf32, #tpu.memory_space<vmem>>, vector<16xf32>,
      %swap3A_90 = arith.index_cast %add3A_75 : i32 to index
      %swap3A_91 = arith.constant 80 : index
      %swap3A_92 = tpu.vector_load %arg11[%swap3A_90, %swap3A_91] {strides = array<i32>} : memref<320x128xf32, #tpu.memory_space<vmem>>, vector<16xf32>,
      tpu.vector_store %arg11[%swap3A_90, %swap3A_91], %scan3A_70#5 {strides = array<i32>} : memref<320x128xf32, #tpu.memory_space<vmem>>, vector<16xf32>,
      %swap3A_93 = arith.index_cast %add3A_75 : i32 to index
      %swap3A_94 = arith.constant 96 : index
      %swap3A_95 = tpu.vector_load %arg11[%swap3A_93, %swap3A_94] {strides = array<i32>} : memref<320x128xf32, #tpu.memory_space<vmem>>, vector<16xf32>,
      tpu.vector_store %arg11[%swap3A_93, %swap3A_94], %scan3A_70#6 {strides = array<i32>} : memref<320x128xf32, #tpu.memory_space<vmem>>, vector<16xf32>,
      %swap3A_96 = arith.index_cast %add3A_75 : i32 to index
      %swap3A_97 = arith.constant 112 : index
      %swap3A_98 = tpu.vector_load %arg11[%swap3A_96, %swap3A_97] {strides = array<i32>} : memref<320x128xf32, #tpu.memory_space<vmem>>, vector<16xf32>,
      tpu.vector_store %arg11[%swap3A_96, %swap3A_97], %scan3A_70#7 {strides = array<i32>} : memref<320x128xf32, #tpu.memory_space<vmem>>, vector<16xf32>,
      %mul3A_99 = arith.constant 4 : i32
      %mul3A_100 = arith.muli %mul3A_50, %mul3A_99 : i32
      %add3A_101 = arith.constant 1 : i32
      %add3A_102 = arith.addi %mul3A_100, %add3A_101 : i32
      %swap3A_103 = arith.index_cast %add3A_102 : i32 to index
      %swap3A_104 = arith.constant 0 : index
      %swap3A_105 = tpu.vector_load %arg11[%swap3A_103, %swap3A_104] {strides = array<i32>} : memref<320x128xf32, #tpu.memory_space<vmem>>, vector<16xf32>,
      tpu.vector_store %arg11[%swap3A_103, %swap3A_104], %scan3A_70#8 {strides = array<i32>} : memref<320x128xf32, #tpu.memory_space<vmem>>, vector<16xf32>,
      %swap3A_106 = arith.index_cast %add3A_102 : i32 to index
      %swap3A_107 = arith.constant 16 : index
      %swap3A_108 = tpu.vector_load %arg11[%swap3A_106, %swap3A_107] {strides = array<i32>} : memref<320x128xf32, #tpu.memory_space<vmem>>, vector<16xf32>,
      tpu.vector_store %arg11[%swap3A_106, %swap3A_107], %scan3A_70#9 {strides = array<i32>} : memref<320x128xf32, #tpu.memory_space<vmem>>, vector<16xf32>,
      %swap3A_109 = arith.index_cast %add3A_102 : i32 to index
      %swap3A_110 = arith.constant 32 : index
      %swap3A_111 = tpu.vector_load %arg11[%swap3A_109, %swap3A_110] {strides = array<i32>} : memref<320x128xf32, #tpu.memory_space<vmem>>, vector<16xf32>,
      tpu.vector_store %arg11[%swap3A_109, %swap3A_110], %scan3A_70#10 {strides = array<i32>} : memref<320x128xf32, #tpu.memory_space<vmem>>, vector<16xf32>,
      %swap3A_112 = arith.index_cast %add3A_102 : i32 to index
      %swap3A_113 = arith.constant 48 : index
      %swap3A_114 = tpu.vector_load %arg11[%swap3A_112, %swap3A_113] {strides = array<i32>} : memref<320x128xf32, #tpu.memory_space<vmem>>, vector<16xf32>,
      tpu.vector_store %arg11[%swap3A_112, %swap3A_113], %scan3A_70#11 {strides = array<i32>} : memref<320x128xf32, #tpu.memory_space<vmem>>, vector<16xf32>,
      %swap3A_115 = arith.index_cast %add3A_102 : i32 to index
      %swap3A_116 = arith.constant 64 : index
      %swap3A_117 = tpu.vector_load %arg11[%swap3A_115, %swap3A_116] {strides = array<i32>} : memref<320x128xf32, #tpu.memory_space<vmem>>, vector<16xf32>,
      tpu.vector_store %arg11[%swap3A_115, %swap3A_116], %scan3A_70#12 {strides = array<i32>} : memref<320x128xf32, #tpu.memory_space<vmem>>, vector<16xf32>,
      %swap3A_118 = arith.index_cast %add3A_102 : i32 to index
      %swap3A_119 = arith.constant 80 : index
      %swap3A_120 = tpu.vector_load %arg11[%swap3A_118, %swap3A_119] {strides = array<i32>} : memref<320x128xf32, #tpu.memory_space<vmem>>, vector<16xf32>,
      tpu.vector_store %arg11[%swap3A_118, %swap3A_119], %scan3A_70#13 {strides = array<i32>} : memref<320x128xf32, #tpu.memory_space<vmem>>, vector<16xf32>,
      %swap3A_121 = arith.index_cast %add3A_102 : i32 to index
      %swap3A_122 = arith.constant 96 : index
      %swap3A_123 = tpu.vector_load %arg11[%swap3A_121, %swap3A_122] {strides = array<i32>} : memref<320x128xf32, #tpu.memory_space<vmem>>, vector<16xf32>,
      tpu.vector_store %arg11[%swap3A_121, %swap3A_122], %scan3A_70#14 {strides = array<i32>} : memref<320x128xf32, #tpu.memory_space<vmem>>, vector<16xf32>,
      %swap3A_124 = arith.index_cast %add3A_102 : i32 to index
      %swap3A_125 = arith.constant 112 : index
      %swap3A_126 = tpu.vector_load %arg11[%swap3A_124, %swap3A_125] {strides = array<i32>} : memref<320x128xf32, #tpu.memory_space<vmem>>, vector<16xf32>,
      tpu.vector_store %arg11[%swap3A_124, %swap3A_125], %scan3A_70#15 {strides = array<i32>} : memref<320x128xf32, #tpu.memory_space<vmem>>, vector<16xf32>,
      %mul3A_127 = arith.constant 4 : i32
      %mul3A_128 = arith.muli %mul3A_50, %mul3A_127 : i32
      %add3A_129 = arith.constant 2 : i32
      %add3A_130 = arith.addi %mul3A_128, %add3A_129 : i32
      %swap3A_131 = arith.index_cast %add3A_130 : i32 to index
      %swap3A_132 = arith.constant 0 : index
      %swap3A_133 = tpu.vector_load %arg11[%swap3A_131, %swap3A_132] {strides = array<i32>} : memref<320x128xf32, #tpu.memory_space<vmem>>, vector<16xf32>,
      tpu.vector_store %arg11[%swap3A_131, %swap3A_132], %scan3A_70#16 {strides = array<i32>} : memref<320x128xf32, #tpu.memory_space<vmem>>, vector<16xf32>,
      %swap3A_134 = arith.index_cast %add3A_130 : i32 to index
      %swap3A_135 = arith.constant 16 : index
      %swap3A_136 = tpu.vector_load %arg11[%swap3A_134, %swap3A_135] {strides = array<i32>} : memref<320x128xf32, #tpu.memory_space<vmem>>, vector<16xf32>,
      tpu.vector_store %arg11[%swap3A_134, %swap3A_135], %scan3A_70#17 {strides = array<i32>} : memref<320x128xf32, #tpu.memory_space<vmem>>, vector<16xf32>,
      %swap3A_137 = arith.index_cast %add3A_130 : i32 to index
      %swap3A_138 = arith.constant 32 : index
      %swap3A_139 = tpu.vector_load %arg11[%swap3A_137, %swap3A_138] {strides = array<i32>} : memref<320x128xf32, #tpu.memory_space<vmem>>, vector<16xf32>,
      tpu.vector_store %arg11[%swap3A_137, %swap3A_138], %scan3A_70#18 {strides = array<i32>} : memref<320x128xf32, #tpu.memory_space<vmem>>, vector<16xf32>,
      %swap3A_140 = arith.index_cast %add3A_130 : i32 to index
      %swap3A_141 = arith.constant 48 : index
      %swap3A_142 = tpu.vector_load %arg11[%swap3A_140, %swap3A_141] {strides = array<i32>} : memref<320x128xf32, #tpu.memory_space<vmem>>, vector<16xf32>,
      tpu.vector_store %arg11[%swap3A_140, %swap3A_141], %scan3A_70#19 {strides = array<i32>} : memref<320x128xf32, #tpu.memory_space<vmem>>, vector<16xf32>,
      %swap3A_143 = arith.index_cast %add3A_130 : i32 to index
      %swap3A_144 = arith.constant 64 : index
      %swap3A_145 = tpu.vector_load %arg11[%swap3A_143, %swap3A_144] {strides = array<i32>} : memref<320x128xf32, #tpu.memory_space<vmem>>, vector<16xf32>,
      tpu.vector_store %arg11[%swap3A_143, %swap3A_144], %scan3A_70#20 {strides = array<i32>} : memref<320x128xf32, #tpu.memory_space<vmem>>, vector<16xf32>,
      %swap3A_146 = arith.index_cast %add3A_130 : i32 to index
      %swap3A_147 = arith.constant 80 : index
      %swap3A_148 = tpu.vector_load %arg11[%swap3A_146, %swap3A_147] {strides = array<i32>} : memref<320x128xf32, #tpu.memory_space<vmem>>, vector<16xf32>,
      tpu.vector_store %arg11[%swap3A_146, %swap3A_147], %scan3A_70#21 {strides = array<i32>} : memref<320x128xf32, #tpu.memory_space<vmem>>, vector<16xf32>,
      %swap3A_149 = arith.index_cast %add3A_130 : i32 to index
      %swap3A_150 = arith.constant 96 : index
      %swap3A_151 = tpu.vector_load %arg11[%swap3A_149, %swap3A_150] {strides = array<i32>} : memref<320x128xf32, #tpu.memory_space<vmem>>, vector<16xf32>,
      tpu.vector_store %arg11[%swap3A_149, %swap3A_150], %scan3A_70#22 {strides = array<i32>} : memref<320x128xf32, #tpu.memory_space<vmem>>, vector<16xf32>,
      %swap3A_152 = arith.index_cast %add3A_130 : i32 to index
      %swap3A_153 = arith.constant 112 : index
      %swap3A_154 = tpu.vector_load %arg11[%swap3A_152, %swap3A_153] {strides = array<i32>} : memref<320x128xf32, #tpu.memory_space<vmem>>, vector<16xf32>,
      tpu.vector_store %arg11[%swap3A_152, %swap3A_153], %scan3A_70#23 {strides = array<i32>} : memref<320x128xf32, #tpu.memory_space<vmem>>, vector<16xf32>,
      %mul3A_155 = arith.constant 4 : i32
      %mul3A_156 = arith.muli %mul3A_50, %mul3A_155 : i32
      %add3A_157 = arith.constant 3 : i32
      %add3A_158 = arith.addi %mul3A_156, %add3A_157 : i32
      %swap3A_159 = arith.index_cast %add3A_158 : i32 to index
      %swap3A_160 = arith.constant 0 : index
      %swap3A_161 = tpu.vector_load %arg11[%swap3A_159, %swap3A_160] {strides = array<i32>} : memref<320x128xf32, #tpu.memory_space<vmem>>, vector<16xf32>,
      tpu.vector_store %arg11[%swap3A_159, %swap3A_160], %scan3A_70#24 {strides = array<i32>} : memref<320x128xf32, #tpu.memory_space<vmem>>, vector<16xf32>,
      %swap3A_162 = arith.index_cast %add3A_158 : i32 to index
      %swap3A_163 = arith.constant 16 : index
      %swap3A_164 = tpu.vector_load %arg11[%swap3A_162, %swap3A_163] {strides = array<i32>} : memref<320x128xf32, #tpu.memory_space<vmem>>, vector<16xf32>,
      tpu.vector_store %arg11[%swap3A_162, %swap3A_163], %scan3A_70#25 {strides = array<i32>} : memref<320x128xf32, #tpu.memory_space<vmem>>, vector<16xf32>,
      %swap3A_165 = arith.index_cast %add3A_158 : i32 to index
      %swap3A_166 = arith.constant 32 : index
      %swap3A_167 = tpu.vector_load %arg11[%swap3A_165, %swap3A_166] {strides = array<i32>} : memref<320x128xf32, #tpu.memory_space<vmem>>, vector<16xf32>,
      tpu.vector_store %arg11[%swap3A_165, %swap3A_166], %scan3A_70#26 {strides = array<i32>} : memref<320x128xf32, #tpu.memory_space<vmem>>, vector<16xf32>,
      %swap3A_168 = arith.index_cast %add3A_158 : i32 to index
      %swap3A_169 = arith.constant 48 : index
      %swap3A_170 = tpu.vector_load %arg11[%swap3A_168, %swap3A_169] {strides = array<i32>} : memref<320x128xf32, #tpu.memory_space<vmem>>, vector<16xf32>,
      tpu.vector_store %arg11[%swap3A_168, %swap3A_169], %scan3A_70#27 {strides = array<i32>} : memref<320x128xf32, #tpu.memory_space<vmem>>, vector<16xf32>,
      %swap3A_171 = arith.index_cast %add3A_158 : i32 to index
      %swap3A_172 = arith.constant 64 : index
      %swap3A_173 = tpu.vector_load %arg11[%swap3A_171, %swap3A_172] {strides = array<i32>} : memref<320x128xf32, #tpu.memory_space<vmem>>, vector<16xf32>,
      tpu.vector_store %arg11[%swap3A_171, %swap3A_172], %scan3A_70#28 {strides = array<i32>} : memref<320x128xf32, #tpu.memory_space<vmem>>, vector<16xf32>,
      %swap3A_174 = arith.index_cast %add3A_158 : i32 to index
      %swap3A_175 = arith.constant 80 : index
      %swap3A_176 = tpu.vector_load %arg11[%swap3A_174, %swap3A_175] {strides = array<i32>} : memref<320x128xf32, #tpu.memory_space<vmem>>, vector<16xf32>,
      tpu.vector_store %arg11[%swap3A_174, %swap3A_175], %scan3A_70#29 {strides = array<i32>} : memref<320x128xf32, #tpu.memory_space<vmem>>, vector<16xf32>,
      %swap3A_177 = arith.index_cast %add3A_158 : i32 to index
      %swap3A_178 = arith.constant 96 : index
      %swap3A_179 = tpu.vector_load %arg11[%swap3A_177, %swap3A_178] {strides = array<i32>} : memref<320x128xf32, #tpu.memory_space<vmem>>, vector<16xf32>,
      tpu.vector_store %arg11[%swap3A_177, %swap3A_178], %scan3A_70#30 {strides = array<i32>} : memref<320x128xf32, #tpu.memory_space<vmem>>, vector<16xf32>,
      %swap3A_180 = arith.index_cast %add3A_158 : i32 to index
      %swap3A_181 = arith.constant 112 : index
      %swap3A_182 = tpu.vector_load %arg11[%swap3A_180, %swap3A_181] {strides = array<i32>} : memref<320x128xf32, #tpu.memory_space<vmem>>, vector<16xf32>,
      tpu.vector_store %arg11[%swap3A_180, %swap3A_181], %scan3A_70#31 {strides = array<i32>} : memref<320x128xf32, #tpu.memory_space<vmem>>, vector<16xf32>,
      %lt3A = arith.constant 39 : i32
      %lt3A_183 = arith.cmpi slt, %scan3A_47, %lt3A : i32
      %convert_element_type3A = arith.extui %lt3A_183 : i1 to i32
      %cond3A = arith.constant 0 : i32
      %cond3A_184 = arith.cmpi ne, %convert_element_type3A, %cond3A : i32
      scf.if %cond3A_184 {
        %add3A_312 = arith.constant 2 : i32
        %add3A_313 = arith.addi %mul3A_50, %add3A_312 : i32
        %dma_start3A_314 = arith.constant 0 : i32
        %dma_start3A_315 = tpu.memref_slice %arg7[%add3A_313, %dma_start3A_314] : memref<80x128xi32, #tpu.memory_space<vmem>> -> memref<1x128xi32, #tpu.memory_space<vmem>>
        %dma_start3A_316 = tpu.memref_squeeze %dma_start3A_315 : memref<1x128xi32, #tpu.memory_space<vmem>> -> memref<128xi32, #tpu.memory_space<vmem>>
        %dma_start3A_317 = arith.constant 0 : i32
        %dma_start3A_318 = arith.constant 0 : i32
        %dma_start3A_319 = tpu.memref_slice %arg2[%dma_start3A_317, %dma_start3A_318] : memref<327680x128xf32, #tpu.memory_space<hbm>> -> memref<327680x128xf32, #tpu.memory_space<hbm>>
        tpu.enqueue_indirect_dma source(%dma_start3A_319 : memref<327680x128xf32, #tpu.memory_space<hbm>>) target(%arg9 : memref<128x128xf32, #tpu.memory_space<vmem>>) offsets(%dma_start3A_316 : memref<128xi32, #tpu.memory_space<vmem>>) semaphore(%arg13 : memref<!tpu.dma_semaphore, #tpu.memory_space<semaphore_mem>>)
      } else {
      }
      %dma_wait3A_185 = arith.constant 0 : i32
      %dma_wait3A_186 = tpu.memref_slice %arg7[%add3A_52, %dma_wait3A_185] : memref<80x128xi32, #tpu.memory_space<vmem>> -> memref<1x128xi32, #tpu.memory_space<vmem>>
      %dma_wait3A_187 = tpu.memref_squeeze %dma_wait3A_186 : memref<1x128xi32, #tpu.memory_space<vmem>> -> memref<128xi32, #tpu.memory_space<vmem>>
      %dma_wait3A_188 = arith.constant 0 : i32
      %dma_wait3A_189 = arith.constant 0 : i32
      %dma_wait3A_190 = tpu.memref_slice %arg2[%dma_wait3A_188, %dma_wait3A_189] : memref<327680x128xf32, #tpu.memory_space<hbm>> -> memref<327680x128xf32, #tpu.memory_space<hbm>>
      tpu.wait_indirect_dma semaphore(%arg14 : memref<!tpu.dma_semaphore, #tpu.memory_space<semaphore_mem>>) src(%dma_wait3A_190 : memref<327680x128xf32, #tpu.memory_space<hbm>>) dst(%arg10 : memref<128x128xf32, #tpu.memory_space<vmem>>)
      %mul3A_191 = arith.constant 128 : i32
      %mul3A_192 = arith.muli %add3A_52, %mul3A_191 : i32
      %scan3A_193 = arith.constant 0 : i32
      %scan3A_194 = arith.constant 32 : i32
      %scan3A_195 = arith.addi %scan3A_193, %scan3A_194 : i32
      %scan3A_196 = arith.constant 1 : i32
      %scan3A_197:32 = scf.for %scan3A_312 = %scan3A_193 to %scan3A_195 step %scan3A_196 iter_args(%scan3A_313 = %get3A_3, %scan3A_314 = %get3A_7, %scan3A_315 = %get3A_11, %scan3A_316 = %get3A_15, %scan3A_317 = %get3A_19, %scan3A_318 = %get3A_23, %scan3A_319 = %get3A_27, %scan3A_320 = %get3A_31, %scan3A_321 = %get3A_3, %scan3A_322 = %get3A_7, %scan3A_323 = %get3A_11, %scan3A_324 = %get3A_15, %scan3A_325 = %get3A_19, %scan3A_326 = %get3A_23, %scan3A_327 = %get3A_27, %scan3A_328 = %get3A_31, %scan3A_329 = %get3A_3, %scan3A_330 = %get3A_7, %scan3A_331 = %get3A_11, %scan3A_332 = %get3A_15, %scan3A_333 = %get3A_19, %scan3A_334 = %get3A_23, %scan3A_335 = %get3A_27, %scan3A_336 = %get3A_31, %scan3A_337 = %get3A_3, %scan3A_338 = %get3A_7, %scan3A_339 = %get3A_11, %scan3A_340 = %get3A_15, %scan3A_341 = %get3A_19, %scan3A_342 = %get3A_23, %scan3A_343 = %get3A_27, %scan3A_344 = %get3A_31) -> (vector<16xf32>, vector<16xf32>, vector<16xf32>, vector<16xf32>, vector<16xf32>, vector<16xf32>, vector<16xf32>, vector<16xf32>, vector<16xf32>, vector<16xf32>, vector<16xf32>, vector<16xf32>, vector<16xf32>, vector<16xf32>, vector<16xf32>, vector<16xf32>, vector<16xf32>, vector<16xf32>, vector<16xf32>, vector<16xf32>, vector<16xf32>, vector<16xf32>, vector<16xf32>, vector<16xf32>, vector<16xf32>, vector<16xf32>, vector<16xf32>, vector<16xf32>, vector<16xf32>, vector<16xf32>, vector<16xf32>, vector<16xf32>)  : i32 {
        %add3A_345 = arith.constant 0 : i32
        %add3A_346 = arith.addi %mul3A_192, %add3A_345 : i32
        %add3A_347 = arith.addi %add3A_346, %scan3A_312 : i32
        %add3A_348 = vector.broadcast %add3A_347 : i32 to vector<16xi32>
        %add3A_349 = arith.addi %broadcast_in_dim3A_32, %add3A_348 : vector<16xi32>
        %gather3A = tpu.vector_load_idx %arg8[%add3A_349] : memref<10240xf32, #tpu.memory_space<vmem>>[vector<16xi32>], vector<16xf32>,
        %add3A_350 = arith.constant 0 : i32
        %add3A_351 = arith.addi %add3A_350, %scan3A_312 : i32
        %get3A_352 = arith.index_cast %add3A_351 : i32 to index
        %get3A_353 = arith.constant 0 : index
        %get3A_354 = tpu.vector_load %arg10[%get3A_352, %get3A_353] {strides = array<i32>} : memref<128x128xf32, #tpu.memory_space<vmem>>, vector<16xf32>,
        %mul3A_355 = arith.mulf %gather3A, %get3A_354 : vector<16xf32>
        %add3A_356 = arith.addf %scan3A_313, %mul3A_355 : vector<16xf32>
        %add3A_357 = arith.constant 0 : i32
        %add3A_358 = arith.addi %add3A_357, %scan3A_312 : i32
        %get3A_359 = arith.index_cast %add3A_358 : i32 to index
        %get3A_360 = arith.constant 16 : index
        %get3A_361 = tpu.vector_load %arg10[%get3A_359, %get3A_360] {strides = array<i32>} : memref<128x128xf32, #tpu.memory_space<vmem>>, vector<16xf32>,
        %mul3A_362 = arith.mulf %gather3A, %get3A_361 : vector<16xf32>
        %add3A_363 = arith.addf %scan3A_314, %mul3A_362 : vector<16xf32>
        %add3A_364 = arith.constant 0 : i32
        %add3A_365 = arith.addi %add3A_364, %scan3A_312 : i32
        %get3A_366 = arith.index_cast %add3A_365 : i32 to index
        %get3A_367 = arith.constant 32 : index
        %get3A_368 = tpu.vector_load %arg10[%get3A_366, %get3A_367] {strides = array<i32>} : memref<128x128xf32, #tpu.memory_space<vmem>>, vector<16xf32>,
        %mul3A_369 = arith.mulf %gather3A, %get3A_368 : vector<16xf32>
        %add3A_370 = arith.addf %scan3A_315, %mul3A_369 : vector<16xf32>
        %add3A_371 = arith.constant 0 : i32
        %add3A_372 = arith.addi %add3A_371, %scan3A_312 : i32
        %get3A_373 = arith.index_cast %add3A_372 : i32 to index
        %get3A_374 = arith.constant 48 : index
        %get3A_375 = tpu.vector_load %arg10[%get3A_373, %get3A_374] {strides = array<i32>} : memref<128x128xf32, #tpu.memory_space<vmem>>, vector<16xf32>,
        %mul3A_376 = arith.mulf %gather3A, %get3A_375 : vector<16xf32>
        %add3A_377 = arith.addf %scan3A_316, %mul3A_376 : vector<16xf32>
        %add3A_378 = arith.constant 0 : i32
        %add3A_379 = arith.addi %add3A_378, %scan3A_312 : i32
        %get3A_380 = arith.index_cast %add3A_379 : i32 to index
        %get3A_381 = arith.constant 64 : index
        %get3A_382 = tpu.vector_load %arg10[%get3A_380, %get3A_381] {strides = array<i32>} : memref<128x128xf32, #tpu.memory_space<vmem>>, vector<16xf32>,
        %mul3A_383 = arith.mulf %gather3A, %get3A_382 : vector<16xf32>
        %add3A_384 = arith.addf %scan3A_317, %mul3A_383 : vector<16xf32>
        %add3A_385 = arith.constant 0 : i32
        %add3A_386 = arith.addi %add3A_385, %scan3A_312 : i32
        %get3A_387 = arith.index_cast %add3A_386 : i32 to index
        %get3A_388 = arith.constant 80 : index
        %get3A_389 = tpu.vector_load %arg10[%get3A_387, %get3A_388] {strides = array<i32>} : memref<128x128xf32, #tpu.memory_space<vmem>>, vector<16xf32>,
        %mul3A_390 = arith.mulf %gather3A, %get3A_389 : vector<16xf32>
        %add3A_391 = arith.addf %scan3A_318, %mul3A_390 : vector<16xf32>
        %add3A_392 = arith.constant 0 : i32
        %add3A_393 = arith.addi %add3A_392, %scan3A_312 : i32
        %get3A_394 = arith.index_cast %add3A_393 : i32 to index
        %get3A_395 = arith.constant 96 : index
        %get3A_396 = tpu.vector_load %arg10[%get3A_394, %get3A_395] {strides = array<i32>} : memref<128x128xf32, #tpu.memory_space<vmem>>, vector<16xf32>,
        %mul3A_397 = arith.mulf %gather3A, %get3A_396 : vector<16xf32>
        %add3A_398 = arith.addf %scan3A_319, %mul3A_397 : vector<16xf32>
        %add3A_399 = arith.constant 0 : i32
        %add3A_400 = arith.addi %add3A_399, %scan3A_312 : i32
        %get3A_401 = arith.index_cast %add3A_400 : i32 to index
        %get3A_402 = arith.constant 112 : index
        %get3A_403 = tpu.vector_load %arg10[%get3A_401, %get3A_402] {strides = array<i32>} : memref<128x128xf32, #tpu.memory_space<vmem>>, vector<16xf32>,
        %mul3A_404 = arith.mulf %gather3A, %get3A_403 : vector<16xf32>
        %add3A_405 = arith.addf %scan3A_320, %mul3A_404 : vector<16xf32>
        %add3A_406 = arith.constant 32 : i32
        %add3A_407 = arith.addi %mul3A_192, %add3A_406 : i32
        %add3A_408 = arith.addi %add3A_407, %scan3A_312 : i32
        %add3A_409 = vector.broadcast %add3A_408 : i32 to vector<16xi32>
        %add3A_410 = arith.addi %broadcast_in_dim3A_32, %add3A_409 : vector<16xi32>
        %gather3A_411 = tpu.vector_load_idx %arg8[%add3A_410] : memref<10240xf32, #tpu.memory_space<vmem>>[vector<16xi32>], vector<16xf32>,
        %add3A_412 = arith.constant 32 : i32
        %add3A_413 = arith.addi %add3A_412, %scan3A_312 : i32
        %get3A_414 = arith.index_cast %add3A_413 : i32 to index
        %get3A_415 = arith.constant 0 : index
        %get3A_416 = tpu.vector_load %arg10[%get3A_414, %get3A_415] {strides = array<i32>} : memref<128x128xf32, #tpu.memory_space<vmem>>, vector<16xf32>,
        %mul3A_417 = arith.mulf %gather3A_411, %get3A_416 : vector<16xf32>
        %add3A_418 = arith.addf %scan3A_321, %mul3A_417 : vector<16xf32>
        %add3A_419 = arith.constant 32 : i32
        %add3A_420 = arith.addi %add3A_419, %scan3A_312 : i32
        %get3A_421 = arith.index_cast %add3A_420 : i32 to index
        %get3A_422 = arith.constant 16 : index
        %get3A_423 = tpu.vector_load %arg10[%get3A_421, %get3A_422] {strides = array<i32>} : memref<128x128xf32, #tpu.memory_space<vmem>>, vector<16xf32>,
        %mul3A_424 = arith.mulf %gather3A_411, %get3A_423 : vector<16xf32>
        %add3A_425 = arith.addf %scan3A_322, %mul3A_424 : vector<16xf32>
        %add3A_426 = arith.constant 32 : i32
        %add3A_427 = arith.addi %add3A_426, %scan3A_312 : i32
        %get3A_428 = arith.index_cast %add3A_427 : i32 to index
        %get3A_429 = arith.constant 32 : index
        %get3A_430 = tpu.vector_load %arg10[%get3A_428, %get3A_429] {strides = array<i32>} : memref<128x128xf32, #tpu.memory_space<vmem>>, vector<16xf32>,
        %mul3A_431 = arith.mulf %gather3A_411, %get3A_430 : vector<16xf32>
        %add3A_432 = arith.addf %scan3A_323, %mul3A_431 : vector<16xf32>
        %add3A_433 = arith.constant 32 : i32
        %add3A_434 = arith.addi %add3A_433, %scan3A_312 : i32
        %get3A_435 = arith.index_cast %add3A_434 : i32 to index
        %get3A_436 = arith.constant 48 : index
        %get3A_437 = tpu.vector_load %arg10[%get3A_435, %get3A_436] {strides = array<i32>} : memref<128x128xf32, #tpu.memory_space<vmem>>, vector<16xf32>,
        %mul3A_438 = arith.mulf %gather3A_411, %get3A_437 : vector<16xf32>
        %add3A_439 = arith.addf %scan3A_324, %mul3A_438 : vector<16xf32>
        %add3A_440 = arith.constant 32 : i32
        %add3A_441 = arith.addi %add3A_440, %scan3A_312 : i32
        %get3A_442 = arith.index_cast %add3A_441 : i32 to index
        %get3A_443 = arith.constant 64 : index
        %get3A_444 = tpu.vector_load %arg10[%get3A_442, %get3A_443] {strides = array<i32>} : memref<128x128xf32, #tpu.memory_space<vmem>>, vector<16xf32>,
        %mul3A_445 = arith.mulf %gather3A_411, %get3A_444 : vector<16xf32>
        %add3A_446 = arith.addf %scan3A_325, %mul3A_445 : vector<16xf32>
        %add3A_447 = arith.constant 32 : i32
        %add3A_448 = arith.addi %add3A_447, %scan3A_312 : i32
        %get3A_449 = arith.index_cast %add3A_448 : i32 to index
        %get3A_450 = arith.constant 80 : index
        %get3A_451 = tpu.vector_load %arg10[%get3A_449, %get3A_450] {strides = array<i32>} : memref<128x128xf32, #tpu.memory_space<vmem>>, vector<16xf32>,
        %mul3A_452 = arith.mulf %gather3A_411, %get3A_451 : vector<16xf32>
        %add3A_453 = arith.addf %scan3A_326, %mul3A_452 : vector<16xf32>
        %add3A_454 = arith.constant 32 : i32
        %add3A_455 = arith.addi %add3A_454, %scan3A_312 : i32
        %get3A_456 = arith.index_cast %add3A_455 : i32 to index
        %get3A_457 = arith.constant 96 : index
        %get3A_458 = tpu.vector_load %arg10[%get3A_456, %get3A_457] {strides = array<i32>} : memref<128x128xf32, #tpu.memory_space<vmem>>, vector<16xf32>,
        %mul3A_459 = arith.mulf %gather3A_411, %get3A_458 : vector<16xf32>
        %add3A_460 = arith.addf %scan3A_327, %mul3A_459 : vector<16xf32>
        %add3A_461 = arith.constant 32 : i32
        %add3A_462 = arith.addi %add3A_461, %scan3A_312 : i32
        %get3A_463 = arith.index_cast %add3A_462 : i32 to index
        %get3A_464 = arith.constant 112 : index
        %get3A_465 = tpu.vector_load %arg10[%get3A_463, %get3A_464] {strides = array<i32>} : memref<128x128xf32, #tpu.memory_space<vmem>>, vector<16xf32>,
        %mul3A_466 = arith.mulf %gather3A_411, %get3A_465 : vector<16xf32>
        %add3A_467 = arith.addf %scan3A_328, %mul3A_466 : vector<16xf32>
        %add3A_468 = arith.constant 64 : i32
        %add3A_469 = arith.addi %mul3A_192, %add3A_468 : i32
        %add3A_470 = arith.addi %add3A_469, %scan3A_312 : i32
        %add3A_471 = vector.broadcast %add3A_470 : i32 to vector<16xi32>
        %add3A_472 = arith.addi %broadcast_in_dim3A_32, %add3A_471 : vector<16xi32>
        %gather3A_473 = tpu.vector_load_idx %arg8[%add3A_472] : memref<10240xf32, #tpu.memory_space<vmem>>[vector<16xi32>], vector<16xf32>,
        %add3A_474 = arith.constant 64 : i32
        %add3A_475 = arith.addi %add3A_474, %scan3A_312 : i32
        %get3A_476 = arith.index_cast %add3A_475 : i32 to index
        %get3A_477 = arith.constant 0 : index
        %get3A_478 = tpu.vector_load %arg10[%get3A_476, %get3A_477] {strides = array<i32>} : memref<128x128xf32, #tpu.memory_space<vmem>>, vector<16xf32>,
        %mul3A_479 = arith.mulf %gather3A_473, %get3A_478 : vector<16xf32>
        %add3A_480 = arith.addf %scan3A_329, %mul3A_479 : vector<16xf32>
        %add3A_481 = arith.constant 64 : i32
        %add3A_482 = arith.addi %add3A_481, %scan3A_312 : i32
        %get3A_483 = arith.index_cast %add3A_482 : i32 to index
        %get3A_484 = arith.constant 16 : index
        %get3A_485 = tpu.vector_load %arg10[%get3A_483, %get3A_484] {strides = array<i32>} : memref<128x128xf32, #tpu.memory_space<vmem>>, vector<16xf32>,
        %mul3A_486 = arith.mulf %gather3A_473, %get3A_485 : vector<16xf32>
        %add3A_487 = arith.addf %scan3A_330, %mul3A_486 : vector<16xf32>
        %add3A_488 = arith.constant 64 : i32
        %add3A_489 = arith.addi %add3A_488, %scan3A_312 : i32
        %get3A_490 = arith.index_cast %add3A_489 : i32 to index
        %get3A_491 = arith.constant 32 : index
        %get3A_492 = tpu.vector_load %arg10[%get3A_490, %get3A_491] {strides = array<i32>} : memref<128x128xf32, #tpu.memory_space<vmem>>, vector<16xf32>,
        %mul3A_493 = arith.mulf %gather3A_473, %get3A_492 : vector<16xf32>
        %add3A_494 = arith.addf %scan3A_331, %mul3A_493 : vector<16xf32>
        %add3A_495 = arith.constant 64 : i32
        %add3A_496 = arith.addi %add3A_495, %scan3A_312 : i32
        %get3A_497 = arith.index_cast %add3A_496 : i32 to index
        %get3A_498 = arith.constant 48 : index
        %get3A_499 = tpu.vector_load %arg10[%get3A_497, %get3A_498] {strides = array<i32>} : memref<128x128xf32, #tpu.memory_space<vmem>>, vector<16xf32>,
        %mul3A_500 = arith.mulf %gather3A_473, %get3A_499 : vector<16xf32>
        %add3A_501 = arith.addf %scan3A_332, %mul3A_500 : vector<16xf32>
        %add3A_502 = arith.constant 64 : i32
        %add3A_503 = arith.addi %add3A_502, %scan3A_312 : i32
        %get3A_504 = arith.index_cast %add3A_503 : i32 to index
        %get3A_505 = arith.constant 64 : index
        %get3A_506 = tpu.vector_load %arg10[%get3A_504, %get3A_505] {strides = array<i32>} : memref<128x128xf32, #tpu.memory_space<vmem>>, vector<16xf32>,
        %mul3A_507 = arith.mulf %gather3A_473, %get3A_506 : vector<16xf32>
        %add3A_508 = arith.addf %scan3A_333, %mul3A_507 : vector<16xf32>
        %add3A_509 = arith.constant 64 : i32
        %add3A_510 = arith.addi %add3A_509, %scan3A_312 : i32
        %get3A_511 = arith.index_cast %add3A_510 : i32 to index
        %get3A_512 = arith.constant 80 : index
        %get3A_513 = tpu.vector_load %arg10[%get3A_511, %get3A_512] {strides = array<i32>} : memref<128x128xf32, #tpu.memory_space<vmem>>, vector<16xf32>,
        %mul3A_514 = arith.mulf %gather3A_473, %get3A_513 : vector<16xf32>
        %add3A_515 = arith.addf %scan3A_334, %mul3A_514 : vector<16xf32>
        %add3A_516 = arith.constant 64 : i32
        %add3A_517 = arith.addi %add3A_516, %scan3A_312 : i32
        %get3A_518 = arith.index_cast %add3A_517 : i32 to index
        %get3A_519 = arith.constant 96 : index
        %get3A_520 = tpu.vector_load %arg10[%get3A_518, %get3A_519] {strides = array<i32>} : memref<128x128xf32, #tpu.memory_space<vmem>>, vector<16xf32>,
        %mul3A_521 = arith.mulf %gather3A_473, %get3A_520 : vector<16xf32>
        %add3A_522 = arith.addf %scan3A_335, %mul3A_521 : vector<16xf32>
        %add3A_523 = arith.constant 64 : i32
        %add3A_524 = arith.addi %add3A_523, %scan3A_312 : i32
        %get3A_525 = arith.index_cast %add3A_524 : i32 to index
        %get3A_526 = arith.constant 112 : index
        %get3A_527 = tpu.vector_load %arg10[%get3A_525, %get3A_526] {strides = array<i32>} : memref<128x128xf32, #tpu.memory_space<vmem>>, vector<16xf32>,
        %mul3A_528 = arith.mulf %gather3A_473, %get3A_527 : vector<16xf32>
        %add3A_529 = arith.addf %scan3A_336, %mul3A_528 : vector<16xf32>
        %add3A_530 = arith.constant 96 : i32
        %add3A_531 = arith.addi %mul3A_192, %add3A_530 : i32
        %add3A_532 = arith.addi %add3A_531, %scan3A_312 : i32
        %add3A_533 = vector.broadcast %add3A_532 : i32 to vector<16xi32>
        %add3A_534 = arith.addi %broadcast_in_dim3A_32, %add3A_533 : vector<16xi32>
        %gather3A_535 = tpu.vector_load_idx %arg8[%add3A_534] : memref<10240xf32, #tpu.memory_space<vmem>>[vector<16xi32>], vector<16xf32>,
        %add3A_536 = arith.constant 96 : i32
        %add3A_537 = arith.addi %add3A_536, %scan3A_312 : i32
        %get3A_538 = arith.index_cast %add3A_537 : i32 to index
        %get3A_539 = arith.constant 0 : index
        %get3A_540 = tpu.vector_load %arg10[%get3A_538, %get3A_539] {strides = array<i32>} : memref<128x128xf32, #tpu.memory_space<vmem>>, vector<16xf32>,
        %mul3A_541 = arith.mulf %gather3A_535, %get3A_540 : vector<16xf32>
        %add3A_542 = arith.addf %scan3A_337, %mul3A_541 : vector<16xf32>
        %add3A_543 = arith.constant 96 : i32
        %add3A_544 = arith.addi %add3A_543, %scan3A_312 : i32
        %get3A_545 = arith.index_cast %add3A_544 : i32 to index
        %get3A_546 = arith.constant 16 : index
        %get3A_547 = tpu.vector_load %arg10[%get3A_545, %get3A_546] {strides = array<i32>} : memref<128x128xf32, #tpu.memory_space<vmem>>, vector<16xf32>,
        %mul3A_548 = arith.mulf %gather3A_535, %get3A_547 : vector<16xf32>
        %add3A_549 = arith.addf %scan3A_338, %mul3A_548 : vector<16xf32>
        %add3A_550 = arith.constant 96 : i32
        %add3A_551 = arith.addi %add3A_550, %scan3A_312 : i32
        %get3A_552 = arith.index_cast %add3A_551 : i32 to index
        %get3A_553 = arith.constant 32 : index
        %get3A_554 = tpu.vector_load %arg10[%get3A_552, %get3A_553] {strides = array<i32>} : memref<128x128xf32, #tpu.memory_space<vmem>>, vector<16xf32>,
        %mul3A_555 = arith.mulf %gather3A_535, %get3A_554 : vector<16xf32>
        %add3A_556 = arith.addf %scan3A_339, %mul3A_555 : vector<16xf32>
        %add3A_557 = arith.constant 96 : i32
        %add3A_558 = arith.addi %add3A_557, %scan3A_312 : i32
        %get3A_559 = arith.index_cast %add3A_558 : i32 to index
        %get3A_560 = arith.constant 48 : index
        %get3A_561 = tpu.vector_load %arg10[%get3A_559, %get3A_560] {strides = array<i32>} : memref<128x128xf32, #tpu.memory_space<vmem>>, vector<16xf32>,
        %mul3A_562 = arith.mulf %gather3A_535, %get3A_561 : vector<16xf32>
        %add3A_563 = arith.addf %scan3A_340, %mul3A_562 : vector<16xf32>
        %add3A_564 = arith.constant 96 : i32
        %add3A_565 = arith.addi %add3A_564, %scan3A_312 : i32
        %get3A_566 = arith.index_cast %add3A_565 : i32 to index
        %get3A_567 = arith.constant 64 : index
        %get3A_568 = tpu.vector_load %arg10[%get3A_566, %get3A_567] {strides = array<i32>} : memref<128x128xf32, #tpu.memory_space<vmem>>, vector<16xf32>,
        %mul3A_569 = arith.mulf %gather3A_535, %get3A_568 : vector<16xf32>
        %add3A_570 = arith.addf %scan3A_341, %mul3A_569 : vector<16xf32>
        %add3A_571 = arith.constant 96 : i32
        %add3A_572 = arith.addi %add3A_571, %scan3A_312 : i32
        %get3A_573 = arith.index_cast %add3A_572 : i32 to index
        %get3A_574 = arith.constant 80 : index
        %get3A_575 = tpu.vector_load %arg10[%get3A_573, %get3A_574] {strides = array<i32>} : memref<128x128xf32, #tpu.memory_space<vmem>>, vector<16xf32>,
        %mul3A_576 = arith.mulf %gather3A_535, %get3A_575 : vector<16xf32>
        %add3A_577 = arith.addf %scan3A_342, %mul3A_576 : vector<16xf32>
        %add3A_578 = arith.constant 96 : i32
        %add3A_579 = arith.addi %add3A_578, %scan3A_312 : i32
        %get3A_580 = arith.index_cast %add3A_579 : i32 to index
        %get3A_581 = arith.constant 96 : index
        %get3A_582 = tpu.vector_load %arg10[%get3A_580, %get3A_581] {strides = array<i32>} : memref<128x128xf32, #tpu.memory_space<vmem>>, vector<16xf32>,
        %mul3A_583 = arith.mulf %gather3A_535, %get3A_582 : vector<16xf32>
        %add3A_584 = arith.addf %scan3A_343, %mul3A_583 : vector<16xf32>
        %add3A_585 = arith.constant 96 : i32
        %add3A_586 = arith.addi %add3A_585, %scan3A_312 : i32
        %get3A_587 = arith.index_cast %add3A_586 : i32 to index
        %get3A_588 = arith.constant 112 : index
        %get3A_589 = tpu.vector_load %arg10[%get3A_587, %get3A_588] {strides = array<i32>} : memref<128x128xf32, #tpu.memory_space<vmem>>, vector<16xf32>,
        %mul3A_590 = arith.mulf %gather3A_535, %get3A_589 : vector<16xf32>
        %add3A_591 = arith.addf %scan3A_344, %mul3A_590 : vector<16xf32>
        scf.yield %add3A_356, %add3A_363, %add3A_370, %add3A_377, %add3A_384, %add3A_391, %add3A_398, %add3A_405, %add3A_418, %add3A_425, %add3A_432, %add3A_439, %add3A_446, %add3A_453, %add3A_460, %add3A_467, %add3A_480, %add3A_487, %add3A_494, %add3A_501, %add3A_508, %add3A_515, %add3A_522, %add3A_529, %add3A_542, %add3A_549, %add3A_556, %add3A_563, %add3A_570, %add3A_577, %add3A_584, %add3A_591 : vector<16xf32>, vector<16xf32>, vector<16xf32>, vector<16xf32>, vector<16xf32>, vector<16xf32>, vector<16xf32>, vector<16xf32>, vector<16xf32>, vector<16xf32>, vector<16xf32>, vector<16xf32>, vector<16xf32>, vector<16xf32>, vector<16xf32>, vector<16xf32>, vector<16xf32>, vector<16xf32>, vector<16xf32>, vector<16xf32>, vector<16xf32>, vector<16xf32>, vector<16xf32>, vector<16xf32>, vector<16xf32>, vector<16xf32>, vector<16xf32>, vector<16xf32>, vector<16xf32>, vector<16xf32>, vector<16xf32>, vector<16xf32>
      }
      %scan3A_198 = arith.constant 32 : i32
      %mul3A_199 = arith.constant 4 : i32
      %mul3A_200 = arith.muli %add3A_52, %mul3A_199 : i32
      %add3A_201 = arith.constant 0 : i32
      %add3A_202 = arith.addi %mul3A_200, %add3A_201 : i32
      %swap3A_203 = arith.index_cast %add3A_202 : i32 to index
      %swap3A_204 = arith.constant 0 : index
      %swap3A_205 = tpu.vector_load %arg11[%swap3A_203, %swap3A_204] {strides = array<i32>} : memref<320x128xf32, #tpu.memory_space<vmem>>, vector<16xf32>,
      tpu.vector_store %arg11[%swap3A_203, %swap3A_204], %scan3A_197#0 {strides = array<i32>} : memref<320x128xf32, #tpu.memory_space<vmem>>, vector<16xf32>,
      %swap3A_206 = arith.index_cast %add3A_202 : i32 to index
      %swap3A_207 = arith.constant 16 : index
      %swap3A_208 = tpu.vector_load %arg11[%swap3A_206, %swap3A_207] {strides = array<i32>} : memref<320x128xf32, #tpu.memory_space<vmem>>, vector<16xf32>,
      tpu.vector_store %arg11[%swap3A_206, %swap3A_207], %scan3A_197#1 {strides = array<i32>} : memref<320x128xf32, #tpu.memory_space<vmem>>, vector<16xf32>,
      %swap3A_209 = arith.index_cast %add3A_202 : i32 to index
      %swap3A_210 = arith.constant 32 : index
      %swap3A_211 = tpu.vector_load %arg11[%swap3A_209, %swap3A_210] {strides = array<i32>} : memref<320x128xf32, #tpu.memory_space<vmem>>, vector<16xf32>,
      tpu.vector_store %arg11[%swap3A_209, %swap3A_210], %scan3A_197#2 {strides = array<i32>} : memref<320x128xf32, #tpu.memory_space<vmem>>, vector<16xf32>,
      %swap3A_212 = arith.index_cast %add3A_202 : i32 to index
      %swap3A_213 = arith.constant 48 : index
      %swap3A_214 = tpu.vector_load %arg11[%swap3A_212, %swap3A_213] {strides = array<i32>} : memref<320x128xf32, #tpu.memory_space<vmem>>, vector<16xf32>,
      tpu.vector_store %arg11[%swap3A_212, %swap3A_213], %scan3A_197#3 {strides = array<i32>} : memref<320x128xf32, #tpu.memory_space<vmem>>, vector<16xf32>,
      %swap3A_215 = arith.index_cast %add3A_202 : i32 to index
      %swap3A_216 = arith.constant 64 : index
      %swap3A_217 = tpu.vector_load %arg11[%swap3A_215, %swap3A_216] {strides = array<i32>} : memref<320x128xf32, #tpu.memory_space<vmem>>, vector<16xf32>,
      tpu.vector_store %arg11[%swap3A_215, %swap3A_216], %scan3A_197#4 {strides = array<i32>} : memref<320x128xf32, #tpu.memory_space<vmem>>, vector<16xf32>,
      %swap3A_218 = arith.index_cast %add3A_202 : i32 to index
      %swap3A_219 = arith.constant 80 : index
      %swap3A_220 = tpu.vector_load %arg11[%swap3A_218, %swap3A_219] {strides = array<i32>} : memref<320x128xf32, #tpu.memory_space<vmem>>, vector<16xf32>,
      tpu.vector_store %arg11[%swap3A_218, %swap3A_219], %scan3A_197#5 {strides = array<i32>} : memref<320x128xf32, #tpu.memory_space<vmem>>, vector<16xf32>,
      %swap3A_221 = arith.index_cast %add3A_202 : i32 to index
      %swap3A_222 = arith.constant 96 : index
      %swap3A_223 = tpu.vector_load %arg11[%swap3A_221, %swap3A_222] {strides = array<i32>} : memref<320x128xf32, #tpu.memory_space<vmem>>, vector<16xf32>,
      tpu.vector_store %arg11[%swap3A_221, %swap3A_222], %scan3A_197#6 {strides = array<i32>} : memref<320x128xf32, #tpu.memory_space<vmem>>, vector<16xf32>,
      %swap3A_224 = arith.index_cast %add3A_202 : i32 to index
      %swap3A_225 = arith.constant 112 : index
      %swap3A_226 = tpu.vector_load %arg11[%swap3A_224, %swap3A_225] {strides = array<i32>} : memref<320x128xf32, #tpu.memory_space<vmem>>, vector<16xf32>,
      tpu.vector_store %arg11[%swap3A_224, %swap3A_225], %scan3A_197#7 {strides = array<i32>} : memref<320x128xf32, #tpu.memory_space<vmem>>, vector<16xf32>,
      %mul3A_227 = arith.constant 4 : i32
      %mul3A_228 = arith.muli %add3A_52, %mul3A_227 : i32
      %add3A_229 = arith.constant 1 : i32
      %add3A_230 = arith.addi %mul3A_228, %add3A_229 : i32
      %swap3A_231 = arith.index_cast %add3A_230 : i32 to index
      %swap3A_232 = arith.constant 0 : index
      %swap3A_233 = tpu.vector_load %arg11[%swap3A_231, %swap3A_232] {strides = array<i32>} : memref<320x128xf32, #tpu.memory_space<vmem>>, vector<16xf32>,
      tpu.vector_store %arg11[%swap3A_231, %swap3A_232], %scan3A_197#8 {strides = array<i32>} : memref<320x128xf32, #tpu.memory_space<vmem>>, vector<16xf32>,
      %swap3A_234 = arith.index_cast %add3A_230 : i32 to index
      %swap3A_235 = arith.constant 16 : index
      %swap3A_236 = tpu.vector_load %arg11[%swap3A_234, %swap3A_235] {strides = array<i32>} : memref<320x128xf32, #tpu.memory_space<vmem>>, vector<16xf32>,
      tpu.vector_store %arg11[%swap3A_234, %swap3A_235], %scan3A_197#9 {strides = array<i32>} : memref<320x128xf32, #tpu.memory_space<vmem>>, vector<16xf32>,
      %swap3A_237 = arith.index_cast %add3A_230 : i32 to index
      %swap3A_238 = arith.constant 32 : index
      %swap3A_239 = tpu.vector_load %arg11[%swap3A_237, %swap3A_238] {strides = array<i32>} : memref<320x128xf32, #tpu.memory_space<vmem>>, vector<16xf32>,
      tpu.vector_store %arg11[%swap3A_237, %swap3A_238], %scan3A_197#10 {strides = array<i32>} : memref<320x128xf32, #tpu.memory_space<vmem>>, vector<16xf32>,
      %swap3A_240 = arith.index_cast %add3A_230 : i32 to index
      %swap3A_241 = arith.constant 48 : index
      %swap3A_242 = tpu.vector_load %arg11[%swap3A_240, %swap3A_241] {strides = array<i32>} : memref<320x128xf32, #tpu.memory_space<vmem>>, vector<16xf32>,
      tpu.vector_store %arg11[%swap3A_240, %swap3A_241], %scan3A_197#11 {strides = array<i32>} : memref<320x128xf32, #tpu.memory_space<vmem>>, vector<16xf32>,
      %swap3A_243 = arith.index_cast %add3A_230 : i32 to index
      %swap3A_244 = arith.constant 64 : index
      %swap3A_245 = tpu.vector_load %arg11[%swap3A_243, %swap3A_244] {strides = array<i32>} : memref<320x128xf32, #tpu.memory_space<vmem>>, vector<16xf32>,
      tpu.vector_store %arg11[%swap3A_243, %swap3A_244], %scan3A_197#12 {strides = array<i32>} : memref<320x128xf32, #tpu.memory_space<vmem>>, vector<16xf32>,
      %swap3A_246 = arith.index_cast %add3A_230 : i32 to index
      %swap3A_247 = arith.constant 80 : index
      %swap3A_248 = tpu.vector_load %arg11[%swap3A_246, %swap3A_247] {strides = array<i32>} : memref<320x128xf32, #tpu.memory_space<vmem>>, vector<16xf32>,
      tpu.vector_store %arg11[%swap3A_246, %swap3A_247], %scan3A_197#13 {strides = array<i32>} : memref<320x128xf32, #tpu.memory_space<vmem>>, vector<16xf32>,
      %swap3A_249 = arith.index_cast %add3A_230 : i32 to index
      %swap3A_250 = arith.constant 96 : index
      %swap3A_251 = tpu.vector_load %arg11[%swap3A_249, %swap3A_250] {strides = array<i32>} : memref<320x128xf32, #tpu.memory_space<vmem>>, vector<16xf32>,
      tpu.vector_store %arg11[%swap3A_249, %swap3A_250], %scan3A_197#14 {strides = array<i32>} : memref<320x128xf32, #tpu.memory_space<vmem>>, vector<16xf32>,
      %swap3A_252 = arith.index_cast %add3A_230 : i32 to index
      %swap3A_253 = arith.constant 112 : index
      %swap3A_254 = tpu.vector_load %arg11[%swap3A_252, %swap3A_253] {strides = array<i32>} : memref<320x128xf32, #tpu.memory_space<vmem>>, vector<16xf32>,
      tpu.vector_store %arg11[%swap3A_252, %swap3A_253], %scan3A_197#15 {strides = array<i32>} : memref<320x128xf32, #tpu.memory_space<vmem>>, vector<16xf32>,
      %mul3A_255 = arith.constant 4 : i32
      %mul3A_256 = arith.muli %add3A_52, %mul3A_255 : i32
      %add3A_257 = arith.constant 2 : i32
      %add3A_258 = arith.addi %mul3A_256, %add3A_257 : i32
      %swap3A_259 = arith.index_cast %add3A_258 : i32 to index
      %swap3A_260 = arith.constant 0 : index
      %swap3A_261 = tpu.vector_load %arg11[%swap3A_259, %swap3A_260] {strides = array<i32>} : memref<320x128xf32, #tpu.memory_space<vmem>>, vector<16xf32>,
      tpu.vector_store %arg11[%swap3A_259, %swap3A_260], %scan3A_197#16 {strides = array<i32>} : memref<320x128xf32, #tpu.memory_space<vmem>>, vector<16xf32>,
      %swap3A_262 = arith.index_cast %add3A_258 : i32 to index
      %swap3A_263 = arith.constant 16 : index
      %swap3A_264 = tpu.vector_load %arg11[%swap3A_262, %swap3A_263] {strides = array<i32>} : memref<320x128xf32, #tpu.memory_space<vmem>>, vector<16xf32>,
      tpu.vector_store %arg11[%swap3A_262, %swap3A_263], %scan3A_197#17 {strides = array<i32>} : memref<320x128xf32, #tpu.memory_space<vmem>>, vector<16xf32>,
      %swap3A_265 = arith.index_cast %add3A_258 : i32 to index
      %swap3A_266 = arith.constant 32 : index
      %swap3A_267 = tpu.vector_load %arg11[%swap3A_265, %swap3A_266] {strides = array<i32>} : memref<320x128xf32, #tpu.memory_space<vmem>>, vector<16xf32>,
      tpu.vector_store %arg11[%swap3A_265, %swap3A_266], %scan3A_197#18 {strides = array<i32>} : memref<320x128xf32, #tpu.memory_space<vmem>>, vector<16xf32>,
      %swap3A_268 = arith.index_cast %add3A_258 : i32 to index
      %swap3A_269 = arith.constant 48 : index
      %swap3A_270 = tpu.vector_load %arg11[%swap3A_268, %swap3A_269] {strides = array<i32>} : memref<320x128xf32, #tpu.memory_space<vmem>>, vector<16xf32>,
      tpu.vector_store %arg11[%swap3A_268, %swap3A_269], %scan3A_197#19 {strides = array<i32>} : memref<320x128xf32, #tpu.memory_space<vmem>>, vector<16xf32>,
      %swap3A_271 = arith.index_cast %add3A_258 : i32 to index
      %swap3A_272 = arith.constant 64 : index
      %swap3A_273 = tpu.vector_load %arg11[%swap3A_271, %swap3A_272] {strides = array<i32>} : memref<320x128xf32, #tpu.memory_space<vmem>>, vector<16xf32>,
      tpu.vector_store %arg11[%swap3A_271, %swap3A_272], %scan3A_197#20 {strides = array<i32>} : memref<320x128xf32, #tpu.memory_space<vmem>>, vector<16xf32>,
      %swap3A_274 = arith.index_cast %add3A_258 : i32 to index
      %swap3A_275 = arith.constant 80 : index
      %swap3A_276 = tpu.vector_load %arg11[%swap3A_274, %swap3A_275] {strides = array<i32>} : memref<320x128xf32, #tpu.memory_space<vmem>>, vector<16xf32>,
      tpu.vector_store %arg11[%swap3A_274, %swap3A_275], %scan3A_197#21 {strides = array<i32>} : memref<320x128xf32, #tpu.memory_space<vmem>>, vector<16xf32>,
      %swap3A_277 = arith.index_cast %add3A_258 : i32 to index
      %swap3A_278 = arith.constant 96 : index
      %swap3A_279 = tpu.vector_load %arg11[%swap3A_277, %swap3A_278] {strides = array<i32>} : memref<320x128xf32, #tpu.memory_space<vmem>>, vector<16xf32>,
      tpu.vector_store %arg11[%swap3A_277, %swap3A_278], %scan3A_197#22 {strides = array<i32>} : memref<320x128xf32, #tpu.memory_space<vmem>>, vector<16xf32>,
      %swap3A_280 = arith.index_cast %add3A_258 : i32 to index
      %swap3A_281 = arith.constant 112 : index
      %swap3A_282 = tpu.vector_load %arg11[%swap3A_280, %swap3A_281] {strides = array<i32>} : memref<320x128xf32, #tpu.memory_space<vmem>>, vector<16xf32>,
      tpu.vector_store %arg11[%swap3A_280, %swap3A_281], %scan3A_197#23 {strides = array<i32>} : memref<320x128xf32, #tpu.memory_space<vmem>>, vector<16xf32>,
      %mul3A_283 = arith.constant 4 : i32
      %mul3A_284 = arith.muli %add3A_52, %mul3A_283 : i32
      %add3A_285 = arith.constant 3 : i32
      %add3A_286 = arith.addi %mul3A_284, %add3A_285 : i32
      %swap3A_287 = arith.index_cast %add3A_286 : i32 to index
      %swap3A_288 = arith.constant 0 : index
      %swap3A_289 = tpu.vector_load %arg11[%swap3A_287, %swap3A_288] {strides = array<i32>} : memref<320x128xf32, #tpu.memory_space<vmem>>, vector<16xf32>,
      tpu.vector_store %arg11[%swap3A_287, %swap3A_288], %scan3A_197#24 {strides = array<i32>} : memref<320x128xf32, #tpu.memory_space<vmem>>, vector<16xf32>,
      %swap3A_290 = arith.index_cast %add3A_286 : i32 to index
      %swap3A_291 = arith.constant 16 : index
      %swap3A_292 = tpu.vector_load %arg11[%swap3A_290, %swap3A_291] {strides = array<i32>} : memref<320x128xf32, #tpu.memory_space<vmem>>, vector<16xf32>,
      tpu.vector_store %arg11[%swap3A_290, %swap3A_291], %scan3A_197#25 {strides = array<i32>} : memref<320x128xf32, #tpu.memory_space<vmem>>, vector<16xf32>,
      %swap3A_293 = arith.index_cast %add3A_286 : i32 to index
      %swap3A_294 = arith.constant 32 : index
      %swap3A_295 = tpu.vector_load %arg11[%swap3A_293, %swap3A_294] {strides = array<i32>} : memref<320x128xf32, #tpu.memory_space<vmem>>, vector<16xf32>,
      tpu.vector_store %arg11[%swap3A_293, %swap3A_294], %scan3A_197#26 {strides = array<i32>} : memref<320x128xf32, #tpu.memory_space<vmem>>, vector<16xf32>,
      %swap3A_296 = arith.index_cast %add3A_286 : i32 to index
      %swap3A_297 = arith.constant 48 : index
      %swap3A_298 = tpu.vector_load %arg11[%swap3A_296, %swap3A_297] {strides = array<i32>} : memref<320x128xf32, #tpu.memory_space<vmem>>, vector<16xf32>,
      tpu.vector_store %arg11[%swap3A_296, %swap3A_297], %scan3A_197#27 {strides = array<i32>} : memref<320x128xf32, #tpu.memory_space<vmem>>, vector<16xf32>,
      %swap3A_299 = arith.index_cast %add3A_286 : i32 to index
      %swap3A_300 = arith.constant 64 : index
      %swap3A_301 = tpu.vector_load %arg11[%swap3A_299, %swap3A_300] {strides = array<i32>} : memref<320x128xf32, #tpu.memory_space<vmem>>, vector<16xf32>,
      tpu.vector_store %arg11[%swap3A_299, %swap3A_300], %scan3A_197#28 {strides = array<i32>} : memref<320x128xf32, #tpu.memory_space<vmem>>, vector<16xf32>,
      %swap3A_302 = arith.index_cast %add3A_286 : i32 to index
      %swap3A_303 = arith.constant 80 : index
      %swap3A_304 = tpu.vector_load %arg11[%swap3A_302, %swap3A_303] {strides = array<i32>} : memref<320x128xf32, #tpu.memory_space<vmem>>, vector<16xf32>,
      tpu.vector_store %arg11[%swap3A_302, %swap3A_303], %scan3A_197#29 {strides = array<i32>} : memref<320x128xf32, #tpu.memory_space<vmem>>, vector<16xf32>,
      %swap3A_305 = arith.index_cast %add3A_286 : i32 to index
      %swap3A_306 = arith.constant 96 : index
      %swap3A_307 = tpu.vector_load %arg11[%swap3A_305, %swap3A_306] {strides = array<i32>} : memref<320x128xf32, #tpu.memory_space<vmem>>, vector<16xf32>,
      tpu.vector_store %arg11[%swap3A_305, %swap3A_306], %scan3A_197#30 {strides = array<i32>} : memref<320x128xf32, #tpu.memory_space<vmem>>, vector<16xf32>,
      %swap3A_308 = arith.index_cast %add3A_286 : i32 to index
      %swap3A_309 = arith.constant 112 : index
      %swap3A_310 = tpu.vector_load %arg11[%swap3A_308, %swap3A_309] {strides = array<i32>} : memref<320x128xf32, #tpu.memory_space<vmem>>, vector<16xf32>,
      tpu.vector_store %arg11[%swap3A_308, %swap3A_309], %scan3A_197#31 {strides = array<i32>} : memref<320x128xf32, #tpu.memory_space<vmem>>, vector<16xf32>,
      %scan3A_311 = arith.constant 0 : i32
      scf.yield %scan3A_311 : i32
    }
    %scan3A_44 = arith.constant 40 : i32
    %mul3A_45 = arith.constant 320 : i32
    %mul3A_46 = arith.muli %add3A, %mul3A_45 : i32
    "tpu.region"() ({
      %run_scoped3A = tpu.sem_alloc : memref<!tpu.dma_semaphore, #tpu.memory_space<semaphore_mem>>
      %dma_start3A_47 = arith.constant 0 : i32
      %dma_start3A_48 = tpu.memref_slice %arg6[%mul3A_46, %dma_start3A_47] : memref<10240x128xf32, #tpu.memory_space<hbm>> -> memref<320x128xf32, #tpu.memory_space<hbm>>
      %dma_start3A_49 = arith.constant 0 : i32
      %dma_start3A_50 = tpu.memref_slice %arg6[%mul3A_46, %dma_start3A_49] : memref<10240x128xf32, #tpu.memory_space<hbm>> -> memref<320x128xf32, #tpu.memory_space<hbm>>
      tpu.enqueue_dma source(%arg11 : memref<320x128xf32, #tpu.memory_space<vmem>>) target(%dma_start3A_50 : memref<320x128xf32, #tpu.memory_space<hbm>>) target_semaphore(%run_scoped3A : memref<!tpu.dma_semaphore, #tpu.memory_space<semaphore_mem>>)
      %dma_wait3A = arith.constant 0 : i32
      %dma_wait3A_51 = tpu.memref_slice %arg6[%mul3A_46, %dma_wait3A] : memref<10240x128xf32, #tpu.memory_space<hbm>> -> memref<320x128xf32, #tpu.memory_space<hbm>>
      %dma_wait3A_52 = arith.constant 0 : i32
      %dma_wait3A_53 = tpu.memref_slice %arg6[%mul3A_46, %dma_wait3A_52] : memref<10240x128xf32, #tpu.memory_space<hbm>> -> memref<320x128xf32, #tpu.memory_space<hbm>>
      tpu.wait_dma2 semaphore(%run_scoped3A : memref<!tpu.dma_semaphore, #tpu.memory_space<semaphore_mem>>) src(%arg11 : memref<320x128xf32, #tpu.memory_space<vmem>>) dst(%dma_wait3A_53 : memref<320x128xf32, #tpu.memory_space<hbm>>)
      tpu.yield
    }) : () -> ()
    return
  }
}

#map = affine_map<(d0, d1) -> (0, 0)>
#map1 = affine_map<(d0, d1) -> (0, 0, 0)>
module attributes {stable_mosaic.version = 14 : i64} {
  func.func @_combine(%arg0: i32, %arg1: i32, %arg2: memref<327680x128xf32, #tpu.memory_space<hbm>>, %arg3: memref<32x80x128xi32, #tpu.memory_space<hbm>>, %arg4: memref<32x10240xf32, #tpu.memory_space<hbm>>, %arg5: memref<1x128xf32, #tpu.memory_space<hbm>>, %arg6: memref<10240x128xf32, #tpu.memory_space<hbm>>, %arg7: memref<80x128xi32, #tpu.memory_space<vmem>>, %arg8: memref<10240xf32, #tpu.memory_space<vmem>>, %arg9: memref<128x128xf32, #tpu.memory_space<vmem>>, %arg10: memref<128x128xf32, #tpu.memory_space<vmem>>, %arg11: memref<320x128xf32, #tpu.memory_space<vmem>>, %arg12: memref<1x128xf32, #tpu.memory_space<vmem>>, %arg13: memref<!tpu.dma_semaphore, #tpu.memory_space<semaphore_mem>>, %arg14: memref<!tpu.dma_semaphore, #tpu.memory_space<semaphore_mem>>) attributes {dimension_semantics = [#tpu.dimension_semantics<core_parallel>, #tpu.dimension_semantics<subcore_parallel>], iteration_bounds = array<i64: 2, 16>, scalar_prefetch = 0 : i64, scratch_operands = 8 : i64, tpu.core_type = #tpu.core_type<sc_vector_subcore>, window_params = [{transform_indices = #map}, {transform_indices = #map1}, {transform_indices = #map}, {transform_indices = #map}, {transform_indices = #map}]} {
    %mul3A = arith.constant 2 : i32
    %mul3A_0 = arith.muli %arg1, %mul3A : i32
    %add3A = arith.addi %mul3A_0, %arg0 : i32
    "tpu.region"() ({
      %run_scoped3A = tpu.sem_alloc : memref<!tpu.dma_semaphore, #tpu.memory_space<semaphore_mem>>
      %dma_start3A_47 = arith.constant 0 : i32
      %dma_start3A_48 = arith.constant 0 : i32
      %dma_start3A_49 = tpu.memref_slice %arg3[%add3A, %dma_start3A_47, %dma_start3A_48] : memref<32x80x128xi32, #tpu.memory_space<hbm>> -> memref<1x80x128xi32, #tpu.memory_space<hbm>>
      %dma_start3A_50 = tpu.memref_squeeze %dma_start3A_49 : memref<1x80x128xi32, #tpu.memory_space<hbm>> -> memref<80x128xi32, #tpu.memory_space<hbm>>
      %dma_start3A_51 = arith.constant 0 : i32
      %dma_start3A_52 = arith.constant 0 : i32
      %dma_start3A_53 = tpu.memref_slice %arg3[%add3A, %dma_start3A_51, %dma_start3A_52] : memref<32x80x128xi32, #tpu.memory_space<hbm>> -> memref<1x80x128xi32, #tpu.memory_space<hbm>>
      %dma_start3A_54 = tpu.memref_squeeze %dma_start3A_53 : memref<1x80x128xi32, #tpu.memory_space<hbm>> -> memref<80x128xi32, #tpu.memory_space<hbm>>
      tpu.enqueue_dma source(%dma_start3A_54 : memref<80x128xi32, #tpu.memory_space<hbm>>) target(%arg7 : memref<80x128xi32, #tpu.memory_space<vmem>>) target_semaphore(%run_scoped3A : memref<!tpu.dma_semaphore, #tpu.memory_space<semaphore_mem>>)
      %dma_wait3A = arith.constant 0 : i32
      %dma_wait3A_55 = arith.constant 0 : i32
      %dma_wait3A_56 = tpu.memref_slice %arg3[%add3A, %dma_wait3A, %dma_wait3A_55] : memref<32x80x128xi32, #tpu.memory_space<hbm>> -> memref<1x80x128xi32, #tpu.memory_space<hbm>>
      %dma_wait3A_57 = tpu.memref_squeeze %dma_wait3A_56 : memref<1x80x128xi32, #tpu.memory_space<hbm>> -> memref<80x128xi32, #tpu.memory_space<hbm>>
      %dma_wait3A_58 = arith.constant 0 : i32
      %dma_wait3A_59 = arith.constant 0 : i32
      %dma_wait3A_60 = tpu.memref_slice %arg3[%add3A, %dma_wait3A_58, %dma_wait3A_59] : memref<32x80x128xi32, #tpu.memory_space<hbm>> -> memref<1x80x128xi32, #tpu.memory_space<hbm>>
      %dma_wait3A_61 = tpu.memref_squeeze %dma_wait3A_60 : memref<1x80x128xi32, #tpu.memory_space<hbm>> -> memref<80x128xi32, #tpu.memory_space<hbm>>
      tpu.wait_dma2 semaphore(%run_scoped3A : memref<!tpu.dma_semaphore, #tpu.memory_space<semaphore_mem>>) src(%dma_wait3A_61 : memref<80x128xi32, #tpu.memory_space<hbm>>) dst(%arg7 : memref<80x128xi32, #tpu.memory_space<vmem>>)
      tpu.yield
    }) : () -> ()
    "tpu.region"() ({
      %run_scoped3A = tpu.sem_alloc : memref<!tpu.dma_semaphore, #tpu.memory_space<semaphore_mem>>
      %dma_start3A_47 = arith.constant 0 : i32
      %dma_start3A_48 = tpu.memref_slice %arg4[%add3A, %dma_start3A_47] : memref<32x10240xf32, #tpu.memory_space<hbm>> -> memref<1x10240xf32, #tpu.memory_space<hbm>>
      %dma_start3A_49 = tpu.memref_squeeze %dma_start3A_48 : memref<1x10240xf32, #tpu.memory_space<hbm>> -> memref<10240xf32, #tpu.memory_space<hbm>>
      %dma_start3A_50 = arith.constant 0 : i32
      %dma_start3A_51 = tpu.memref_slice %arg4[%add3A, %dma_start3A_50] : memref<32x10240xf32, #tpu.memory_space<hbm>> -> memref<1x10240xf32, #tpu.memory_space<hbm>>
      %dma_start3A_52 = tpu.memref_squeeze %dma_start3A_51 : memref<1x10240xf32, #tpu.memory_space<hbm>> -> memref<10240xf32, #tpu.memory_space<hbm>>
      tpu.enqueue_dma source(%dma_start3A_52 : memref<10240xf32, #tpu.memory_space<hbm>>) target(%arg8 : memref<10240xf32, #tpu.memory_space<vmem>>) target_semaphore(%run_scoped3A : memref<!tpu.dma_semaphore, #tpu.memory_space<semaphore_mem>>)
      %dma_wait3A = arith.constant 0 : i32
      %dma_wait3A_53 = tpu.memref_slice %arg4[%add3A, %dma_wait3A] : memref<32x10240xf32, #tpu.memory_space<hbm>> -> memref<1x10240xf32, #tpu.memory_space<hbm>>
      %dma_wait3A_54 = tpu.memref_squeeze %dma_wait3A_53 : memref<1x10240xf32, #tpu.memory_space<hbm>> -> memref<10240xf32, #tpu.memory_space<hbm>>
      %dma_wait3A_55 = arith.constant 0 : i32
      %dma_wait3A_56 = tpu.memref_slice %arg4[%add3A, %dma_wait3A_55] : memref<32x10240xf32, #tpu.memory_space<hbm>> -> memref<1x10240xf32, #tpu.memory_space<hbm>>
      %dma_wait3A_57 = tpu.memref_squeeze %dma_wait3A_56 : memref<1x10240xf32, #tpu.memory_space<hbm>> -> memref<10240xf32, #tpu.memory_space<hbm>>
      tpu.wait_dma2 semaphore(%run_scoped3A : memref<!tpu.dma_semaphore, #tpu.memory_space<semaphore_mem>>) src(%dma_wait3A_57 : memref<10240xf32, #tpu.memory_space<hbm>>) dst(%arg8 : memref<10240xf32, #tpu.memory_space<vmem>>)
      tpu.yield
    }) : () -> ()
    "tpu.region"() ({
      %run_scoped3A = tpu.sem_alloc : memref<!tpu.dma_semaphore, #tpu.memory_space<semaphore_mem>>
      tpu.enqueue_dma source(%arg5 : memref<1x128xf32, #tpu.memory_space<hbm>>) target(%arg12 : memref<1x128xf32, #tpu.memory_space<vmem>>) target_semaphore(%run_scoped3A : memref<!tpu.dma_semaphore, #tpu.memory_space<semaphore_mem>>)
      tpu.wait_dma2 semaphore(%run_scoped3A : memref<!tpu.dma_semaphore, #tpu.memory_space<semaphore_mem>>) src(%arg5 : memref<1x128xf32, #tpu.memory_space<hbm>>) dst(%arg12 : memref<1x128xf32, #tpu.memory_space<vmem>>)
      tpu.yield
    }) : () -> ()
    %get3A = arith.constant 0 : i32
    %get3A_1 = arith.index_cast %get3A : i32 to index
    %get3A_2 = arith.constant 0 : index
    %get3A_3 = tpu.vector_load %arg12[%get3A_1, %get3A_2] {strides = array<i32>} : memref<1x128xf32, #tpu.memory_space<vmem>>, vector<16xf32>,
    %get3A_4 = arith.constant 0 : i32
    %get3A_5 = arith.index_cast %get3A_4 : i32 to index
    %get3A_6 = arith.constant 16 : index
    %get3A_7 = tpu.vector_load %arg12[%get3A_5, %get3A_6] {strides = array<i32>} : memref<1x128xf32, #tpu.memory_space<vmem>>, vector<16xf32>,
    %get3A_8 = arith.constant 0 : i32
    %get3A_9 = arith.index_cast %get3A_8 : i32 to index
    %get3A_10 = arith.constant 32 : index
    %get3A_11 = tpu.vector_load %arg12[%get3A_9, %get3A_10] {strides = array<i32>} : memref<1x128xf32, #tpu.memory_space<vmem>>, vector<16xf32>,
    %get3A_12 = arith.constant 0 : i32
    %get3A_13 = arith.index_cast %get3A_12 : i32 to index
    %get3A_14 = arith.constant 48 : index
    %get3A_15 = tpu.vector_load %arg12[%get3A_13, %get3A_14] {strides = array<i32>} : memref<1x128xf32, #tpu.memory_space<vmem>>, vector<16xf32>,
    %get3A_16 = arith.constant 0 : i32
    %get3A_17 = arith.index_cast %get3A_16 : i32 to index
    %get3A_18 = arith.constant 64 : index
    %get3A_19 = tpu.vector_load %arg12[%get3A_17, %get3A_18] {strides = array<i32>} : memref<1x128xf32, #tpu.memory_space<vmem>>, vector<16xf32>,
    %get3A_20 = arith.constant 0 : i32
    %get3A_21 = arith.index_cast %get3A_20 : i32 to index
    %get3A_22 = arith.constant 80 : index
    %get3A_23 = tpu.vector_load %arg12[%get3A_21, %get3A_22] {strides = array<i32>} : memref<1x128xf32, #tpu.memory_space<vmem>>, vector<16xf32>,
    %get3A_24 = arith.constant 0 : i32
    %get3A_25 = arith.index_cast %get3A_24 : i32 to index
    %get3A_26 = arith.constant 96 : index
    %get3A_27 = tpu.vector_load %arg12[%get3A_25, %get3A_26] {strides = array<i32>} : memref<1x128xf32, #tpu.memory_space<vmem>>, vector<16xf32>,
    %get3A_28 = arith.constant 0 : i32
    %get3A_29 = arith.index_cast %get3A_28 : i32 to index
    %get3A_30 = arith.constant 112 : index
    %get3A_31 = tpu.vector_load %arg12[%get3A_29, %get3A_30] {strides = array<i32>} : memref<1x128xf32, #tpu.memory_space<vmem>>, vector<16xf32>,
    %broadcast_in_dim3A = arith.constant 0 : i32
    %broadcast_in_dim3A_32 = vector.broadcast %broadcast_in_dim3A : i32 to vector<16xi32>
    %dma_start3A = arith.constant 0 : i32
    %dma_start3A_33 = arith.constant 0 : i32
    %dma_start3A_34 = tpu.memref_slice %arg7[%dma_start3A, %dma_start3A_33] : memref<80x128xi32, #tpu.memory_space<vmem>> -> memref<1x128xi32, #tpu.memory_space<vmem>>
    %dma_start3A_35 = tpu.memref_squeeze %dma_start3A_34 : memref<1x128xi32, #tpu.memory_space<vmem>> -> memref<128xi32, #tpu.memory_space<vmem>>
    %dma_start3A_36 = arith.constant 0 : i32
    %dma_start3A_37 = arith.constant 0 : i32
    %dma_start3A_38 = tpu.memref_slice %arg2[%dma_start3A_36, %dma_start3A_37] : memref<327680x128xf32, #tpu.memory_space<hbm>> -> memref<327680x128xf32, #tpu.memory_space<hbm>>
    tpu.enqueue_indirect_dma source(%dma_start3A_38 : memref<327680x128xf32, #tpu.memory_space<hbm>>) target(%arg9 : memref<128x128xf32, #tpu.memory_space<vmem>>) offsets(%dma_start3A_35 : memref<128xi32, #tpu.memory_space<vmem>>) semaphore(%arg13 : memref<!tpu.dma_semaphore, #tpu.memory_space<semaphore_mem>>)
    %scan3A = arith.constant 0 : i32
    %scan3A_39 = arith.constant 0 : i32
    %scan3A_40 = arith.constant 40 : i32
    %scan3A_41 = arith.addi %scan3A_39, %scan3A_40 : i32
    %scan3A_42 = arith.constant 1 : i32
    %scan3A_43 = scf.for %scan3A_47 = %scan3A_39 to %scan3A_41 step %scan3A_42 iter_args(%scan3A_48 = %scan3A) -> (i32)  : i32 {
      %mul3A_49 = arith.constant 2 : i32
      %mul3A_50 = arith.muli %scan3A_47, %mul3A_49 : i32
      %add3A_51 = arith.constant 1 : i32
      %add3A_52 = arith.addi %mul3A_50, %add3A_51 : i32
      %dma_start3A_53 = arith.constant 0 : i32
      %dma_start3A_54 = tpu.memref_slice %arg7[%add3A_52, %dma_start3A_53] : memref<80x128xi32, #tpu.memory_space<vmem>> -> memref<1x128xi32, #tpu.memory_space<vmem>>
      %dma_start3A_55 = tpu.memref_squeeze %dma_start3A_54 : memref<1x128xi32, #tpu.memory_space<vmem>> -> memref<128xi32, #tpu.memory_space<vmem>>
      %dma_start3A_56 = arith.constant 0 : i32
      %dma_start3A_57 = arith.constant 0 : i32
      %dma_start3A_58 = tpu.memref_slice %arg2[%dma_start3A_56, %dma_start3A_57] : memref<327680x128xf32, #tpu.memory_space<hbm>> -> memref<327680x128xf32, #tpu.memory_space<hbm>>
      tpu.enqueue_indirect_dma source(%dma_start3A_58 : memref<327680x128xf32, #tpu.memory_space<hbm>>) target(%arg10 : memref<128x128xf32, #tpu.memory_space<vmem>>) offsets(%dma_start3A_55 : memref<128xi32, #tpu.memory_space<vmem>>) semaphore(%arg14 : memref<!tpu.dma_semaphore, #tpu.memory_space<semaphore_mem>>)
      %dma_wait3A = arith.constant 0 : i32
      %dma_wait3A_59 = tpu.memref_slice %arg7[%mul3A_50, %dma_wait3A] : memref<80x128xi32, #tpu.memory_space<vmem>> -> memref<1x128xi32, #tpu.memory_space<vmem>>
      %dma_wait3A_60 = tpu.memref_squeeze %dma_wait3A_59 : memref<1x128xi32, #tpu.memory_space<vmem>> -> memref<128xi32, #tpu.memory_space<vmem>>
      %dma_wait3A_61 = arith.constant 0 : i32
      %dma_wait3A_62 = arith.constant 0 : i32
      %dma_wait3A_63 = tpu.memref_slice %arg2[%dma_wait3A_61, %dma_wait3A_62] : memref<327680x128xf32, #tpu.memory_space<hbm>> -> memref<327680x128xf32, #tpu.memory_space<hbm>>
      tpu.wait_indirect_dma semaphore(%arg13 : memref<!tpu.dma_semaphore, #tpu.memory_space<semaphore_mem>>) src(%dma_wait3A_63 : memref<327680x128xf32, #tpu.memory_space<hbm>>) dst(%arg9 : memref<128x128xf32, #tpu.memory_space<vmem>>)
      %mul3A_64 = arith.constant 128 : i32
      %mul3A_65 = arith.muli %mul3A_50, %mul3A_64 : i32
      %scan3A_66 = arith.constant 0 : i32
      %scan3A_67 = arith.constant 32 : i32
      %scan3A_68 = arith.addi %scan3A_66, %scan3A_67 : i32
      %scan3A_69 = arith.constant 1 : i32
      %scan3A_70:32 = scf.for %scan3A_312 = %scan3A_66 to %scan3A_68 step %scan3A_69 iter_args(%scan3A_313 = %get3A_3, %scan3A_314 = %get3A_7, %scan3A_315 = %get3A_11, %scan3A_316 = %get3A_15, %scan3A_317 = %get3A_19, %scan3A_318 = %get3A_23, %scan3A_319 = %get3A_27, %scan3A_320 = %get3A_31, %scan3A_321 = %get3A_3, %scan3A_322 = %get3A_7, %scan3A_323 = %get3A_11, %scan3A_324 = %get3A_15, %scan3A_325 = %get3A_19, %scan3A_326 = %get3A_23, %scan3A_327 = %get3A_27, %scan3A_328 = %get3A_31, %scan3A_329 = %get3A_3, %scan3A_330 = %get3A_7, %scan3A_331 = %get3A_11, %scan3A_332 = %get3A_15, %scan3A_333 = %get3A_19, %scan3A_334 = %get3A_23, %scan3A_335 = %get3A_27, %scan3A_336 = %get3A_31, %scan3A_337 = %get3A_3, %scan3A_338 = %get3A_7, %scan3A_339 = %get3A_11, %scan3A_340 = %get3A_15, %scan3A_341 = %get3A_19, %scan3A_342 = %get3A_23, %scan3A_343 = %get3A_27, %scan3A_344 = %get3A_31) -> (vector<16xf32>, vector<16xf32>, vector<16xf32>, vector<16xf32>, vector<16xf32>, vector<16xf32>, vector<16xf32>, vector<16xf32>, vector<16xf32>, vector<16xf32>, vector<16xf32>, vector<16xf32>, vector<16xf32>, vector<16xf32>, vector<16xf32>, vector<16xf32>, vector<16xf32>, vector<16xf32>, vector<16xf32>, vector<16xf32>, vector<16xf32>, vector<16xf32>, vector<16xf32>, vector<16xf32>, vector<16xf32>, vector<16xf32>, vector<16xf32>, vector<16xf32>, vector<16xf32>, vector<16xf32>, vector<16xf32>, vector<16xf32>)  : i32 {
        %add3A_345 = arith.constant 0 : i32
        %add3A_346 = arith.addi %mul3A_65, %add3A_345 : i32
        %add3A_347 = arith.addi %add3A_346, %scan3A_312 : i32
        %add3A_348 = vector.broadcast %add3A_347 : i32 to vector<16xi32>
        %add3A_349 = arith.addi %broadcast_in_dim3A_32, %add3A_348 : vector<16xi32>
        %gather3A = tpu.vector_load_idx %arg8[%add3A_349] : memref<10240xf32, #tpu.memory_space<vmem>>[vector<16xi32>], vector<16xf32>,
        %add3A_350 = arith.constant 0 : i32
        %add3A_351 = arith.addi %add3A_350, %scan3A_312 : i32
        %get3A_352 = arith.index_cast %add3A_351 : i32 to index
        %get3A_353 = arith.constant 0 : index
        %get3A_354 = tpu.vector_load %arg9[%get3A_352, %get3A_353] {strides = array<i32>} : memref<128x128xf32, #tpu.memory_space<vmem>>, vector<16xf32>,
        %mul3A_355 = arith.mulf %gather3A, %get3A_354 : vector<16xf32>
        %add3A_356 = arith.addf %scan3A_313, %mul3A_355 : vector<16xf32>
        %add3A_357 = arith.constant 0 : i32
        %add3A_358 = arith.addi %add3A_357, %scan3A_312 : i32
        %get3A_359 = arith.index_cast %add3A_358 : i32 to index
        %get3A_360 = arith.constant 16 : index
        %get3A_361 = tpu.vector_load %arg9[%get3A_359, %get3A_360] {strides = array<i32>} : memref<128x128xf32, #tpu.memory_space<vmem>>, vector<16xf32>,
        %mul3A_362 = arith.mulf %gather3A, %get3A_361 : vector<16xf32>
        %add3A_363 = arith.addf %scan3A_314, %mul3A_362 : vector<16xf32>
        %add3A_364 = arith.constant 0 : i32
        %add3A_365 = arith.addi %add3A_364, %scan3A_312 : i32
        %get3A_366 = arith.index_cast %add3A_365 : i32 to index
        %get3A_367 = arith.constant 32 : index
        %get3A_368 = tpu.vector_load %arg9[%get3A_366, %get3A_367] {strides = array<i32>} : memref<128x128xf32, #tpu.memory_space<vmem>>, vector<16xf32>,
        %mul3A_369 = arith.mulf %gather3A, %get3A_368 : vector<16xf32>
        %add3A_370 = arith.addf %scan3A_315, %mul3A_369 : vector<16xf32>
        %add3A_371 = arith.constant 0 : i32
        %add3A_372 = arith.addi %add3A_371, %scan3A_312 : i32
        %get3A_373 = arith.index_cast %add3A_372 : i32 to index
        %get3A_374 = arith.constant 48 : index
        %get3A_375 = tpu.vector_load %arg9[%get3A_373, %get3A_374] {strides = array<i32>} : memref<128x128xf32, #tpu.memory_space<vmem>>, vector<16xf32>,
        %mul3A_376 = arith.mulf %gather3A, %get3A_375 : vector<16xf32>
        %add3A_377 = arith.addf %scan3A_316, %mul3A_376 : vector<16xf32>
        %add3A_378 = arith.constant 0 : i32
        %add3A_379 = arith.addi %add3A_378, %scan3A_312 : i32
        %get3A_380 = arith.index_cast %add3A_379 : i32 to index
        %get3A_381 = arith.constant 64 : index
        %get3A_382 = tpu.vector_load %arg9[%get3A_380, %get3A_381] {strides = array<i32>} : memref<128x128xf32, #tpu.memory_space<vmem>>, vector<16xf32>,
        %mul3A_383 = arith.mulf %gather3A, %get3A_382 : vector<16xf32>
        %add3A_384 = arith.addf %scan3A_317, %mul3A_383 : vector<16xf32>
        %add3A_385 = arith.constant 0 : i32
        %add3A_386 = arith.addi %add3A_385, %scan3A_312 : i32
        %get3A_387 = arith.index_cast %add3A_386 : i32 to index
        %get3A_388 = arith.constant 80 : index
        %get3A_389 = tpu.vector_load %arg9[%get3A_387, %get3A_388] {strides = array<i32>} : memref<128x128xf32, #tpu.memory_space<vmem>>, vector<16xf32>,
        %mul3A_390 = arith.mulf %gather3A, %get3A_389 : vector<16xf32>
        %add3A_391 = arith.addf %scan3A_318, %mul3A_390 : vector<16xf32>
        %add3A_392 = arith.constant 0 : i32
        %add3A_393 = arith.addi %add3A_392, %scan3A_312 : i32
        %get3A_394 = arith.index_cast %add3A_393 : i32 to index
        %get3A_395 = arith.constant 96 : index
        %get3A_396 = tpu.vector_load %arg9[%get3A_394, %get3A_395] {strides = array<i32>} : memref<128x128xf32, #tpu.memory_space<vmem>>, vector<16xf32>,
        %mul3A_397 = arith.mulf %gather3A, %get3A_396 : vector<16xf32>
        %add3A_398 = arith.addf %scan3A_319, %mul3A_397 : vector<16xf32>
        %add3A_399 = arith.constant 0 : i32
        %add3A_400 = arith.addi %add3A_399, %scan3A_312 : i32
        %get3A_401 = arith.index_cast %add3A_400 : i32 to index
        %get3A_402 = arith.constant 112 : index
        %get3A_403 = tpu.vector_load %arg9[%get3A_401, %get3A_402] {strides = array<i32>} : memref<128x128xf32, #tpu.memory_space<vmem>>, vector<16xf32>,
        %mul3A_404 = arith.mulf %gather3A, %get3A_403 : vector<16xf32>
        %add3A_405 = arith.addf %scan3A_320, %mul3A_404 : vector<16xf32>
        %add3A_406 = arith.constant 32 : i32
        %add3A_407 = arith.addi %mul3A_65, %add3A_406 : i32
        %add3A_408 = arith.addi %add3A_407, %scan3A_312 : i32
        %add3A_409 = vector.broadcast %add3A_408 : i32 to vector<16xi32>
        %add3A_410 = arith.addi %broadcast_in_dim3A_32, %add3A_409 : vector<16xi32>
        %gather3A_411 = tpu.vector_load_idx %arg8[%add3A_410] : memref<10240xf32, #tpu.memory_space<vmem>>[vector<16xi32>], vector<16xf32>,
        %add3A_412 = arith.constant 32 : i32
        %add3A_413 = arith.addi %add3A_412, %scan3A_312 : i32
        %get3A_414 = arith.index_cast %add3A_413 : i32 to index
        %get3A_415 = arith.constant 0 : index
        %get3A_416 = tpu.vector_load %arg9[%get3A_414, %get3A_415] {strides = array<i32>} : memref<128x128xf32, #tpu.memory_space<vmem>>, vector<16xf32>,
        %mul3A_417 = arith.mulf %gather3A_411, %get3A_416 : vector<16xf32>
        %add3A_418 = arith.addf %scan3A_321, %mul3A_417 : vector<16xf32>
        %add3A_419 = arith.constant 32 : i32
        %add3A_420 = arith.addi %add3A_419, %scan3A_312 : i32
        %get3A_421 = arith.index_cast %add3A_420 : i32 to index
        %get3A_422 = arith.constant 16 : index
        %get3A_423 = tpu.vector_load %arg9[%get3A_421, %get3A_422] {strides = array<i32>} : memref<128x128xf32, #tpu.memory_space<vmem>>, vector<16xf32>,
        %mul3A_424 = arith.mulf %gather3A_411, %get3A_423 : vector<16xf32>
        %add3A_425 = arith.addf %scan3A_322, %mul3A_424 : vector<16xf32>
        %add3A_426 = arith.constant 32 : i32
        %add3A_427 = arith.addi %add3A_426, %scan3A_312 : i32
        %get3A_428 = arith.index_cast %add3A_427 : i32 to index
        %get3A_429 = arith.constant 32 : index
        %get3A_430 = tpu.vector_load %arg9[%get3A_428, %get3A_429] {strides = array<i32>} : memref<128x128xf32, #tpu.memory_space<vmem>>, vector<16xf32>,
        %mul3A_431 = arith.mulf %gather3A_411, %get3A_430 : vector<16xf32>
        %add3A_432 = arith.addf %scan3A_323, %mul3A_431 : vector<16xf32>
        %add3A_433 = arith.constant 32 : i32
        %add3A_434 = arith.addi %add3A_433, %scan3A_312 : i32
        %get3A_435 = arith.index_cast %add3A_434 : i32 to index
        %get3A_436 = arith.constant 48 : index
        %get3A_437 = tpu.vector_load %arg9[%get3A_435, %get3A_436] {strides = array<i32>} : memref<128x128xf32, #tpu.memory_space<vmem>>, vector<16xf32>,
        %mul3A_438 = arith.mulf %gather3A_411, %get3A_437 : vector<16xf32>
        %add3A_439 = arith.addf %scan3A_324, %mul3A_438 : vector<16xf32>
        %add3A_440 = arith.constant 32 : i32
        %add3A_441 = arith.addi %add3A_440, %scan3A_312 : i32
        %get3A_442 = arith.index_cast %add3A_441 : i32 to index
        %get3A_443 = arith.constant 64 : index
        %get3A_444 = tpu.vector_load %arg9[%get3A_442, %get3A_443] {strides = array<i32>} : memref<128x128xf32, #tpu.memory_space<vmem>>, vector<16xf32>,
        %mul3A_445 = arith.mulf %gather3A_411, %get3A_444 : vector<16xf32>
        %add3A_446 = arith.addf %scan3A_325, %mul3A_445 : vector<16xf32>
        %add3A_447 = arith.constant 32 : i32
        %add3A_448 = arith.addi %add3A_447, %scan3A_312 : i32
        %get3A_449 = arith.index_cast %add3A_448 : i32 to index
        %get3A_450 = arith.constant 80 : index
        %get3A_451 = tpu.vector_load %arg9[%get3A_449, %get3A_450] {strides = array<i32>} : memref<128x128xf32, #tpu.memory_space<vmem>>, vector<16xf32>,
        %mul3A_452 = arith.mulf %gather3A_411, %get3A_451 : vector<16xf32>
        %add3A_453 = arith.addf %scan3A_326, %mul3A_452 : vector<16xf32>
        %add3A_454 = arith.constant 32 : i32
        %add3A_455 = arith.addi %add3A_454, %scan3A_312 : i32
        %get3A_456 = arith.index_cast %add3A_455 : i32 to index
        %get3A_457 = arith.constant 96 : index
        %get3A_458 = tpu.vector_load %arg9[%get3A_456, %get3A_457] {strides = array<i32>} : memref<128x128xf32, #tpu.memory_space<vmem>>, vector<16xf32>,
        %mul3A_459 = arith.mulf %gather3A_411, %get3A_458 : vector<16xf32>
        %add3A_460 = arith.addf %scan3A_327, %mul3A_459 : vector<16xf32>
        %add3A_461 = arith.constant 32 : i32
        %add3A_462 = arith.addi %add3A_461, %scan3A_312 : i32
        %get3A_463 = arith.index_cast %add3A_462 : i32 to index
        %get3A_464 = arith.constant 112 : index
        %get3A_465 = tpu.vector_load %arg9[%get3A_463, %get3A_464] {strides = array<i32>} : memref<128x128xf32, #tpu.memory_space<vmem>>, vector<16xf32>,
        %mul3A_466 = arith.mulf %gather3A_411, %get3A_465 : vector<16xf32>
        %add3A_467 = arith.addf %scan3A_328, %mul3A_466 : vector<16xf32>
        %add3A_468 = arith.constant 64 : i32
        %add3A_469 = arith.addi %mul3A_65, %add3A_468 : i32
        %add3A_470 = arith.addi %add3A_469, %scan3A_312 : i32
        %add3A_471 = vector.broadcast %add3A_470 : i32 to vector<16xi32>
        %add3A_472 = arith.addi %broadcast_in_dim3A_32, %add3A_471 : vector<16xi32>
        %gather3A_473 = tpu.vector_load_idx %arg8[%add3A_472] : memref<10240xf32, #tpu.memory_space<vmem>>[vector<16xi32>], vector<16xf32>,
        %add3A_474 = arith.constant 64 : i32
        %add3A_475 = arith.addi %add3A_474, %scan3A_312 : i32
        %get3A_476 = arith.index_cast %add3A_475 : i32 to index
        %get3A_477 = arith.constant 0 : index
        %get3A_478 = tpu.vector_load %arg9[%get3A_476, %get3A_477] {strides = array<i32>} : memref<128x128xf32, #tpu.memory_space<vmem>>, vector<16xf32>,
        %mul3A_479 = arith.mulf %gather3A_473, %get3A_478 : vector<16xf32>
        %add3A_480 = arith.addf %scan3A_329, %mul3A_479 : vector<16xf32>
        %add3A_481 = arith.constant 64 : i32
        %add3A_482 = arith.addi %add3A_481, %scan3A_312 : i32
        %get3A_483 = arith.index_cast %add3A_482 : i32 to index
        %get3A_484 = arith.constant 16 : index
        %get3A_485 = tpu.vector_load %arg9[%get3A_483, %get3A_484] {strides = array<i32>} : memref<128x128xf32, #tpu.memory_space<vmem>>, vector<16xf32>,
        %mul3A_486 = arith.mulf %gather3A_473, %get3A_485 : vector<16xf32>
        %add3A_487 = arith.addf %scan3A_330, %mul3A_486 : vector<16xf32>
        %add3A_488 = arith.constant 64 : i32
        %add3A_489 = arith.addi %add3A_488, %scan3A_312 : i32
        %get3A_490 = arith.index_cast %add3A_489 : i32 to index
        %get3A_491 = arith.constant 32 : index
        %get3A_492 = tpu.vector_load %arg9[%get3A_490, %get3A_491] {strides = array<i32>} : memref<128x128xf32, #tpu.memory_space<vmem>>, vector<16xf32>,
        %mul3A_493 = arith.mulf %gather3A_473, %get3A_492 : vector<16xf32>
        %add3A_494 = arith.addf %scan3A_331, %mul3A_493 : vector<16xf32>
        %add3A_495 = arith.constant 64 : i32
        %add3A_496 = arith.addi %add3A_495, %scan3A_312 : i32
        %get3A_497 = arith.index_cast %add3A_496 : i32 to index
        %get3A_498 = arith.constant 48 : index
        %get3A_499 = tpu.vector_load %arg9[%get3A_497, %get3A_498] {strides = array<i32>} : memref<128x128xf32, #tpu.memory_space<vmem>>, vector<16xf32>,
        %mul3A_500 = arith.mulf %gather3A_473, %get3A_499 : vector<16xf32>
        %add3A_501 = arith.addf %scan3A_332, %mul3A_500 : vector<16xf32>
        %add3A_502 = arith.constant 64 : i32
        %add3A_503 = arith.addi %add3A_502, %scan3A_312 : i32
        %get3A_504 = arith.index_cast %add3A_503 : i32 to index
        %get3A_505 = arith.constant 64 : index
        %get3A_506 = tpu.vector_load %arg9[%get3A_504, %get3A_505] {strides = array<i32>} : memref<128x128xf32, #tpu.memory_space<vmem>>, vector<16xf32>,
        %mul3A_507 = arith.mulf %gather3A_473, %get3A_506 : vector<16xf32>
        %add3A_508 = arith.addf %scan3A_333, %mul3A_507 : vector<16xf32>
        %add3A_509 = arith.constant 64 : i32
        %add3A_510 = arith.addi %add3A_509, %scan3A_312 : i32
        %get3A_511 = arith.index_cast %add3A_510 : i32 to index
        %get3A_512 = arith.constant 80 : index
        %get3A_513 = tpu.vector_load %arg9[%get3A_511, %get3A_512] {strides = array<i32>} : memref<128x128xf32, #tpu.memory_space<vmem>>, vector<16xf32>,
        %mul3A_514 = arith.mulf %gather3A_473, %get3A_513 : vector<16xf32>
        %add3A_515 = arith.addf %scan3A_334, %mul3A_514 : vector<16xf32>
        %add3A_516 = arith.constant 64 : i32
        %add3A_517 = arith.addi %add3A_516, %scan3A_312 : i32
        %get3A_518 = arith.index_cast %add3A_517 : i32 to index
        %get3A_519 = arith.constant 96 : index
        %get3A_520 = tpu.vector_load %arg9[%get3A_518, %get3A_519] {strides = array<i32>} : memref<128x128xf32, #tpu.memory_space<vmem>>, vector<16xf32>,
        %mul3A_521 = arith.mulf %gather3A_473, %get3A_520 : vector<16xf32>
        %add3A_522 = arith.addf %scan3A_335, %mul3A_521 : vector<16xf32>
        %add3A_523 = arith.constant 64 : i32
        %add3A_524 = arith.addi %add3A_523, %scan3A_312 : i32
        %get3A_525 = arith.index_cast %add3A_524 : i32 to index
        %get3A_526 = arith.constant 112 : index
        %get3A_527 = tpu.vector_load %arg9[%get3A_525, %get3A_526] {strides = array<i32>} : memref<128x128xf32, #tpu.memory_space<vmem>>, vector<16xf32>,
        %mul3A_528 = arith.mulf %gather3A_473, %get3A_527 : vector<16xf32>
        %add3A_529 = arith.addf %scan3A_336, %mul3A_528 : vector<16xf32>
        %add3A_530 = arith.constant 96 : i32
        %add3A_531 = arith.addi %mul3A_65, %add3A_530 : i32
        %add3A_532 = arith.addi %add3A_531, %scan3A_312 : i32
        %add3A_533 = vector.broadcast %add3A_532 : i32 to vector<16xi32>
        %add3A_534 = arith.addi %broadcast_in_dim3A_32, %add3A_533 : vector<16xi32>
        %gather3A_535 = tpu.vector_load_idx %arg8[%add3A_534] : memref<10240xf32, #tpu.memory_space<vmem>>[vector<16xi32>], vector<16xf32>,
        %add3A_536 = arith.constant 96 : i32
        %add3A_537 = arith.addi %add3A_536, %scan3A_312 : i32
        %get3A_538 = arith.index_cast %add3A_537 : i32 to index
        %get3A_539 = arith.constant 0 : index
        %get3A_540 = tpu.vector_load %arg9[%get3A_538, %get3A_539] {strides = array<i32>} : memref<128x128xf32, #tpu.memory_space<vmem>>, vector<16xf32>,
        %mul3A_541 = arith.mulf %gather3A_535, %get3A_540 : vector<16xf32>
        %add3A_542 = arith.addf %scan3A_337, %mul3A_541 : vector<16xf32>
        %add3A_543 = arith.constant 96 : i32
        %add3A_544 = arith.addi %add3A_543, %scan3A_312 : i32
        %get3A_545 = arith.index_cast %add3A_544 : i32 to index
        %get3A_546 = arith.constant 16 : index
        %get3A_547 = tpu.vector_load %arg9[%get3A_545, %get3A_546] {strides = array<i32>} : memref<128x128xf32, #tpu.memory_space<vmem>>, vector<16xf32>,
        %mul3A_548 = arith.mulf %gather3A_535, %get3A_547 : vector<16xf32>
        %add3A_549 = arith.addf %scan3A_338, %mul3A_548 : vector<16xf32>
        %add3A_550 = arith.constant 96 : i32
        %add3A_551 = arith.addi %add3A_550, %scan3A_312 : i32
        %get3A_552 = arith.index_cast %add3A_551 : i32 to index
        %get3A_553 = arith.constant 32 : index
        %get3A_554 = tpu.vector_load %arg9[%get3A_552, %get3A_553] {strides = array<i32>} : memref<128x128xf32, #tpu.memory_space<vmem>>, vector<16xf32>,
        %mul3A_555 = arith.mulf %gather3A_535, %get3A_554 : vector<16xf32>
        %add3A_556 = arith.addf %scan3A_339, %mul3A_555 : vector<16xf32>
        %add3A_557 = arith.constant 96 : i32
        %add3A_558 = arith.addi %add3A_557, %scan3A_312 : i32
        %get3A_559 = arith.index_cast %add3A_558 : i32 to index
        %get3A_560 = arith.constant 48 : index
        %get3A_561 = tpu.vector_load %arg9[%get3A_559, %get3A_560] {strides = array<i32>} : memref<128x128xf32, #tpu.memory_space<vmem>>, vector<16xf32>,
        %mul3A_562 = arith.mulf %gather3A_535, %get3A_561 : vector<16xf32>
        %add3A_563 = arith.addf %scan3A_340, %mul3A_562 : vector<16xf32>
        %add3A_564 = arith.constant 96 : i32
        %add3A_565 = arith.addi %add3A_564, %scan3A_312 : i32
        %get3A_566 = arith.index_cast %add3A_565 : i32 to index
        %get3A_567 = arith.constant 64 : index
        %get3A_568 = tpu.vector_load %arg9[%get3A_566, %get3A_567] {strides = array<i32>} : memref<128x128xf32, #tpu.memory_space<vmem>>, vector<16xf32>,
        %mul3A_569 = arith.mulf %gather3A_535, %get3A_568 : vector<16xf32>
        %add3A_570 = arith.addf %scan3A_341, %mul3A_569 : vector<16xf32>
        %add3A_571 = arith.constant 96 : i32
        %add3A_572 = arith.addi %add3A_571, %scan3A_312 : i32
        %get3A_573 = arith.index_cast %add3A_572 : i32 to index
        %get3A_574 = arith.constant 80 : index
        %get3A_575 = tpu.vector_load %arg9[%get3A_573, %get3A_574] {strides = array<i32>} : memref<128x128xf32, #tpu.memory_space<vmem>>, vector<16xf32>,
        %mul3A_576 = arith.mulf %gather3A_535, %get3A_575 : vector<16xf32>
        %add3A_577 = arith.addf %scan3A_342, %mul3A_576 : vector<16xf32>
        %add3A_578 = arith.constant 96 : i32
        %add3A_579 = arith.addi %add3A_578, %scan3A_312 : i32
        %get3A_580 = arith.index_cast %add3A_579 : i32 to index
        %get3A_581 = arith.constant 96 : index
        %get3A_582 = tpu.vector_load %arg9[%get3A_580, %get3A_581] {strides = array<i32>} : memref<128x128xf32, #tpu.memory_space<vmem>>, vector<16xf32>,
        %mul3A_583 = arith.mulf %gather3A_535, %get3A_582 : vector<16xf32>
        %add3A_584 = arith.addf %scan3A_343, %mul3A_583 : vector<16xf32>
        %add3A_585 = arith.constant 96 : i32
        %add3A_586 = arith.addi %add3A_585, %scan3A_312 : i32
        %get3A_587 = arith.index_cast %add3A_586 : i32 to index
        %get3A_588 = arith.constant 112 : index
        %get3A_589 = tpu.vector_load %arg9[%get3A_587, %get3A_588] {strides = array<i32>} : memref<128x128xf32, #tpu.memory_space<vmem>>, vector<16xf32>,
        %mul3A_590 = arith.mulf %gather3A_535, %get3A_589 : vector<16xf32>
        %add3A_591 = arith.addf %scan3A_344, %mul3A_590 : vector<16xf32>
        scf.yield %add3A_356, %add3A_363, %add3A_370, %add3A_377, %add3A_384, %add3A_391, %add3A_398, %add3A_405, %add3A_418, %add3A_425, %add3A_432, %add3A_439, %add3A_446, %add3A_453, %add3A_460, %add3A_467, %add3A_480, %add3A_487, %add3A_494, %add3A_501, %add3A_508, %add3A_515, %add3A_522, %add3A_529, %add3A_542, %add3A_549, %add3A_556, %add3A_563, %add3A_570, %add3A_577, %add3A_584, %add3A_591 : vector<16xf32>, vector<16xf32>, vector<16xf32>, vector<16xf32>, vector<16xf32>, vector<16xf32>, vector<16xf32>, vector<16xf32>, vector<16xf32>, vector<16xf32>, vector<16xf32>, vector<16xf32>, vector<16xf32>, vector<16xf32>, vector<16xf32>, vector<16xf32>, vector<16xf32>, vector<16xf32>, vector<16xf32>, vector<16xf32>, vector<16xf32>, vector<16xf32>, vector<16xf32>, vector<16xf32>, vector<16xf32>, vector<16xf32>, vector<16xf32>, vector<16xf32>, vector<16xf32>, vector<16xf32>, vector<16xf32>, vector<16xf32>
      }
      %scan3A_71 = arith.constant 32 : i32
      %mul3A_72 = arith.constant 4 : i32
      %mul3A_73 = arith.muli %mul3A_50, %mul3A_72 : i32
      %add3A_74 = arith.constant 0 : i32
      %add3A_75 = arith.addi %mul3A_73, %add3A_74 : i32
      %swap3A = arith.index_cast %add3A_75 : i32 to index
      %swap3A_76 = arith.constant 0 : index
      %swap3A_77 = tpu.vector_load %arg11[%swap3A, %swap3A_76] {strides = array<i32>} : memref<320x128xf32, #tpu.memory_space<vmem>>, vector<16xf32>,
      tpu.vector_store %arg11[%swap3A, %swap3A_76], %scan3A_70#0 {strides = array<i32>} : memref<320x128xf32, #tpu.memory_space<vmem>>, vector<16xf32>,
      %swap3A_78 = arith.index_cast %add3A_75 : i32 to index
      %swap3A_79 = arith.constant 16 : index
      %swap3A_80 = tpu.vector_load %arg11[%swap3A_78, %swap3A_79] {strides = array<i32>} : memref<320x128xf32, #tpu.memory_space<vmem>>, vector<16xf32>,
      tpu.vector_store %arg11[%swap3A_78, %swap3A_79], %scan3A_70#1 {strides = array<i32>} : memref<320x128xf32, #tpu.memory_space<vmem>>, vector<16xf32>,
      %swap3A_81 = arith.index_cast %add3A_75 : i32 to index
      %swap3A_82 = arith.constant 32 : index
      %swap3A_83 = tpu.vector_load %arg11[%swap3A_81, %swap3A_82] {strides = array<i32>} : memref<320x128xf32, #tpu.memory_space<vmem>>, vector<16xf32>,
      tpu.vector_store %arg11[%swap3A_81, %swap3A_82], %scan3A_70#2 {strides = array<i32>} : memref<320x128xf32, #tpu.memory_space<vmem>>, vector<16xf32>,
      %swap3A_84 = arith.index_cast %add3A_75 : i32 to index
      %swap3A_85 = arith.constant 48 : index
      %swap3A_86 = tpu.vector_load %arg11[%swap3A_84, %swap3A_85] {strides = array<i32>} : memref<320x128xf32, #tpu.memory_space<vmem>>, vector<16xf32>,
      tpu.vector_store %arg11[%swap3A_84, %swap3A_85], %scan3A_70#3 {strides = array<i32>} : memref<320x128xf32, #tpu.memory_space<vmem>>, vector<16xf32>,
      %swap3A_87 = arith.index_cast %add3A_75 : i32 to index
      %swap3A_88 = arith.constant 64 : index
      %swap3A_89 = tpu.vector_load %arg11[%swap3A_87, %swap3A_88] {strides = array<i32>} : memref<320x128xf32, #tpu.memory_space<vmem>>, vector<16xf32>,
      tpu.vector_store %arg11[%swap3A_87, %swap3A_88], %scan3A_70#4 {strides = array<i32>} : memref<320x128xf32, #tpu.memory_space<vmem>>, vector<16xf32>,
      %swap3A_90 = arith.index_cast %add3A_75 : i32 to index
      %swap3A_91 = arith.constant 80 : index
      %swap3A_92 = tpu.vector_load %arg11[%swap3A_90, %swap3A_91] {strides = array<i32>} : memref<320x128xf32, #tpu.memory_space<vmem>>, vector<16xf32>,
      tpu.vector_store %arg11[%swap3A_90, %swap3A_91], %scan3A_70#5 {strides = array<i32>} : memref<320x128xf32, #tpu.memory_space<vmem>>, vector<16xf32>,
      %swap3A_93 = arith.index_cast %add3A_75 : i32 to index
      %swap3A_94 = arith.constant 96 : index
      %swap3A_95 = tpu.vector_load %arg11[%swap3A_93, %swap3A_94] {strides = array<i32>} : memref<320x128xf32, #tpu.memory_space<vmem>>, vector<16xf32>,
      tpu.vector_store %arg11[%swap3A_93, %swap3A_94], %scan3A_70#6 {strides = array<i32>} : memref<320x128xf32, #tpu.memory_space<vmem>>, vector<16xf32>,
      %swap3A_96 = arith.index_cast %add3A_75 : i32 to index
      %swap3A_97 = arith.constant 112 : index
      %swap3A_98 = tpu.vector_load %arg11[%swap3A_96, %swap3A_97] {strides = array<i32>} : memref<320x128xf32, #tpu.memory_space<vmem>>, vector<16xf32>,
      tpu.vector_store %arg11[%swap3A_96, %swap3A_97], %scan3A_70#7 {strides = array<i32>} : memref<320x128xf32, #tpu.memory_space<vmem>>, vector<16xf32>,
      %mul3A_99 = arith.constant 4 : i32
      %mul3A_100 = arith.muli %mul3A_50, %mul3A_99 : i32
      %add3A_101 = arith.constant 1 : i32
      %add3A_102 = arith.addi %mul3A_100, %add3A_101 : i32
      %swap3A_103 = arith.index_cast %add3A_102 : i32 to index
      %swap3A_104 = arith.constant 0 : index
      %swap3A_105 = tpu.vector_load %arg11[%swap3A_103, %swap3A_104] {strides = array<i32>} : memref<320x128xf32, #tpu.memory_space<vmem>>, vector<16xf32>,
      tpu.vector_store %arg11[%swap3A_103, %swap3A_104], %scan3A_70#8 {strides = array<i32>} : memref<320x128xf32, #tpu.memory_space<vmem>>, vector<16xf32>,
      %swap3A_106 = arith.index_cast %add3A_102 : i32 to index
      %swap3A_107 = arith.constant 16 : index
      %swap3A_108 = tpu.vector_load %arg11[%swap3A_106, %swap3A_107] {strides = array<i32>} : memref<320x128xf32, #tpu.memory_space<vmem>>, vector<16xf32>,
      tpu.vector_store %arg11[%swap3A_106, %swap3A_107], %scan3A_70#9 {strides = array<i32>} : memref<320x128xf32, #tpu.memory_space<vmem>>, vector<16xf32>,
      %swap3A_109 = arith.index_cast %add3A_102 : i32 to index
      %swap3A_110 = arith.constant 32 : index
      %swap3A_111 = tpu.vector_load %arg11[%swap3A_109, %swap3A_110] {strides = array<i32>} : memref<320x128xf32, #tpu.memory_space<vmem>>, vector<16xf32>,
      tpu.vector_store %arg11[%swap3A_109, %swap3A_110], %scan3A_70#10 {strides = array<i32>} : memref<320x128xf32, #tpu.memory_space<vmem>>, vector<16xf32>,
      %swap3A_112 = arith.index_cast %add3A_102 : i32 to index
      %swap3A_113 = arith.constant 48 : index
      %swap3A_114 = tpu.vector_load %arg11[%swap3A_112, %swap3A_113] {strides = array<i32>} : memref<320x128xf32, #tpu.memory_space<vmem>>, vector<16xf32>,
      tpu.vector_store %arg11[%swap3A_112, %swap3A_113], %scan3A_70#11 {strides = array<i32>} : memref<320x128xf32, #tpu.memory_space<vmem>>, vector<16xf32>,
      %swap3A_115 = arith.index_cast %add3A_102 : i32 to index
      %swap3A_116 = arith.constant 64 : index
      %swap3A_117 = tpu.vector_load %arg11[%swap3A_115, %swap3A_116] {strides = array<i32>} : memref<320x128xf32, #tpu.memory_space<vmem>>, vector<16xf32>,
      tpu.vector_store %arg11[%swap3A_115, %swap3A_116], %scan3A_70#12 {strides = array<i32>} : memref<320x128xf32, #tpu.memory_space<vmem>>, vector<16xf32>,
      %swap3A_118 = arith.index_cast %add3A_102 : i32 to index
      %swap3A_119 = arith.constant 80 : index
      %swap3A_120 = tpu.vector_load %arg11[%swap3A_118, %swap3A_119] {strides = array<i32>} : memref<320x128xf32, #tpu.memory_space<vmem>>, vector<16xf32>,
      tpu.vector_store %arg11[%swap3A_118, %swap3A_119], %scan3A_70#13 {strides = array<i32>} : memref<320x128xf32, #tpu.memory_space<vmem>>, vector<16xf32>,
      %swap3A_121 = arith.index_cast %add3A_102 : i32 to index
      %swap3A_122 = arith.constant 96 : index
      %swap3A_123 = tpu.vector_load %arg11[%swap3A_121, %swap3A_122] {strides = array<i32>} : memref<320x128xf32, #tpu.memory_space<vmem>>, vector<16xf32>,
      tpu.vector_store %arg11[%swap3A_121, %swap3A_122], %scan3A_70#14 {strides = array<i32>} : memref<320x128xf32, #tpu.memory_space<vmem>>, vector<16xf32>,
      %swap3A_124 = arith.index_cast %add3A_102 : i32 to index
      %swap3A_125 = arith.constant 112 : index
      %swap3A_126 = tpu.vector_load %arg11[%swap3A_124, %swap3A_125] {strides = array<i32>} : memref<320x128xf32, #tpu.memory_space<vmem>>, vector<16xf32>,
      tpu.vector_store %arg11[%swap3A_124, %swap3A_125], %scan3A_70#15 {strides = array<i32>} : memref<320x128xf32, #tpu.memory_space<vmem>>, vector<16xf32>,
      %mul3A_127 = arith.constant 4 : i32
      %mul3A_128 = arith.muli %mul3A_50, %mul3A_127 : i32
      %add3A_129 = arith.constant 2 : i32
      %add3A_130 = arith.addi %mul3A_128, %add3A_129 : i32
      %swap3A_131 = arith.index_cast %add3A_130 : i32 to index
      %swap3A_132 = arith.constant 0 : index
      %swap3A_133 = tpu.vector_load %arg11[%swap3A_131, %swap3A_132] {strides = array<i32>} : memref<320x128xf32, #tpu.memory_space<vmem>>, vector<16xf32>,
      tpu.vector_store %arg11[%swap3A_131, %swap3A_132], %scan3A_70#16 {strides = array<i32>} : memref<320x128xf32, #tpu.memory_space<vmem>>, vector<16xf32>,
      %swap3A_134 = arith.index_cast %add3A_130 : i32 to index
      %swap3A_135 = arith.constant 16 : index
      %swap3A_136 = tpu.vector_load %arg11[%swap3A_134, %swap3A_135] {strides = array<i32>} : memref<320x128xf32, #tpu.memory_space<vmem>>, vector<16xf32>,
      tpu.vector_store %arg11[%swap3A_134, %swap3A_135], %scan3A_70#17 {strides = array<i32>} : memref<320x128xf32, #tpu.memory_space<vmem>>, vector<16xf32>,
      %swap3A_137 = arith.index_cast %add3A_130 : i32 to index
      %swap3A_138 = arith.constant 32 : index
      %swap3A_139 = tpu.vector_load %arg11[%swap3A_137, %swap3A_138] {strides = array<i32>} : memref<320x128xf32, #tpu.memory_space<vmem>>, vector<16xf32>,
      tpu.vector_store %arg11[%swap3A_137, %swap3A_138], %scan3A_70#18 {strides = array<i32>} : memref<320x128xf32, #tpu.memory_space<vmem>>, vector<16xf32>,
      %swap3A_140 = arith.index_cast %add3A_130 : i32 to index
      %swap3A_141 = arith.constant 48 : index
      %swap3A_142 = tpu.vector_load %arg11[%swap3A_140, %swap3A_141] {strides = array<i32>} : memref<320x128xf32, #tpu.memory_space<vmem>>, vector<16xf32>,
      tpu.vector_store %arg11[%swap3A_140, %swap3A_141], %scan3A_70#19 {strides = array<i32>} : memref<320x128xf32, #tpu.memory_space<vmem>>, vector<16xf32>,
      %swap3A_143 = arith.index_cast %add3A_130 : i32 to index
      %swap3A_144 = arith.constant 64 : index
      %swap3A_145 = tpu.vector_load %arg11[%swap3A_143, %swap3A_144] {strides = array<i32>} : memref<320x128xf32, #tpu.memory_space<vmem>>, vector<16xf32>,
      tpu.vector_store %arg11[%swap3A_143, %swap3A_144], %scan3A_70#20 {strides = array<i32>} : memref<320x128xf32, #tpu.memory_space<vmem>>, vector<16xf32>,
      %swap3A_146 = arith.index_cast %add3A_130 : i32 to index
      %swap3A_147 = arith.constant 80 : index
      %swap3A_148 = tpu.vector_load %arg11[%swap3A_146, %swap3A_147] {strides = array<i32>} : memref<320x128xf32, #tpu.memory_space<vmem>>, vector<16xf32>,
      tpu.vector_store %arg11[%swap3A_146, %swap3A_147], %scan3A_70#21 {strides = array<i32>} : memref<320x128xf32, #tpu.memory_space<vmem>>, vector<16xf32>,
      %swap3A_149 = arith.index_cast %add3A_130 : i32 to index
      %swap3A_150 = arith.constant 96 : index
      %swap3A_151 = tpu.vector_load %arg11[%swap3A_149, %swap3A_150] {strides = array<i32>} : memref<320x128xf32, #tpu.memory_space<vmem>>, vector<16xf32>,
      tpu.vector_store %arg11[%swap3A_149, %swap3A_150], %scan3A_70#22 {strides = array<i32>} : memref<320x128xf32, #tpu.memory_space<vmem>>, vector<16xf32>,
      %swap3A_152 = arith.index_cast %add3A_130 : i32 to index
      %swap3A_153 = arith.constant 112 : index
      %swap3A_154 = tpu.vector_load %arg11[%swap3A_152, %swap3A_153] {strides = array<i32>} : memref<320x128xf32, #tpu.memory_space<vmem>>, vector<16xf32>,
      tpu.vector_store %arg11[%swap3A_152, %swap3A_153], %scan3A_70#23 {strides = array<i32>} : memref<320x128xf32, #tpu.memory_space<vmem>>, vector<16xf32>,
      %mul3A_155 = arith.constant 4 : i32
      %mul3A_156 = arith.muli %mul3A_50, %mul3A_155 : i32
      %add3A_157 = arith.constant 3 : i32
      %add3A_158 = arith.addi %mul3A_156, %add3A_157 : i32
      %swap3A_159 = arith.index_cast %add3A_158 : i32 to index
      %swap3A_160 = arith.constant 0 : index
      %swap3A_161 = tpu.vector_load %arg11[%swap3A_159, %swap3A_160] {strides = array<i32>} : memref<320x128xf32, #tpu.memory_space<vmem>>, vector<16xf32>,
      tpu.vector_store %arg11[%swap3A_159, %swap3A_160], %scan3A_70#24 {strides = array<i32>} : memref<320x128xf32, #tpu.memory_space<vmem>>, vector<16xf32>,
      %swap3A_162 = arith.index_cast %add3A_158 : i32 to index
      %swap3A_163 = arith.constant 16 : index
      %swap3A_164 = tpu.vector_load %arg11[%swap3A_162, %swap3A_163] {strides = array<i32>} : memref<320x128xf32, #tpu.memory_space<vmem>>, vector<16xf32>,
      tpu.vector_store %arg11[%swap3A_162, %swap3A_163], %scan3A_70#25 {strides = array<i32>} : memref<320x128xf32, #tpu.memory_space<vmem>>, vector<16xf32>,
      %swap3A_165 = arith.index_cast %add3A_158 : i32 to index
      %swap3A_166 = arith.constant 32 : index
      %swap3A_167 = tpu.vector_load %arg11[%swap3A_165, %swap3A_166] {strides = array<i32>} : memref<320x128xf32, #tpu.memory_space<vmem>>, vector<16xf32>,
      tpu.vector_store %arg11[%swap3A_165, %swap3A_166], %scan3A_70#26 {strides = array<i32>} : memref<320x128xf32, #tpu.memory_space<vmem>>, vector<16xf32>,
      %swap3A_168 = arith.index_cast %add3A_158 : i32 to index
      %swap3A_169 = arith.constant 48 : index
      %swap3A_170 = tpu.vector_load %arg11[%swap3A_168, %swap3A_169] {strides = array<i32>} : memref<320x128xf32, #tpu.memory_space<vmem>>, vector<16xf32>,
      tpu.vector_store %arg11[%swap3A_168, %swap3A_169], %scan3A_70#27 {strides = array<i32>} : memref<320x128xf32, #tpu.memory_space<vmem>>, vector<16xf32>,
      %swap3A_171 = arith.index_cast %add3A_158 : i32 to index
      %swap3A_172 = arith.constant 64 : index
      %swap3A_173 = tpu.vector_load %arg11[%swap3A_171, %swap3A_172] {strides = array<i32>} : memref<320x128xf32, #tpu.memory_space<vmem>>, vector<16xf32>,
      tpu.vector_store %arg11[%swap3A_171, %swap3A_172], %scan3A_70#28 {strides = array<i32>} : memref<320x128xf32, #tpu.memory_space<vmem>>, vector<16xf32>,
      %swap3A_174 = arith.index_cast %add3A_158 : i32 to index
      %swap3A_175 = arith.constant 80 : index
      %swap3A_176 = tpu.vector_load %arg11[%swap3A_174, %swap3A_175] {strides = array<i32>} : memref<320x128xf32, #tpu.memory_space<vmem>>, vector<16xf32>,
      tpu.vector_store %arg11[%swap3A_174, %swap3A_175], %scan3A_70#29 {strides = array<i32>} : memref<320x128xf32, #tpu.memory_space<vmem>>, vector<16xf32>,
      %swap3A_177 = arith.index_cast %add3A_158 : i32 to index
      %swap3A_178 = arith.constant 96 : index
      %swap3A_179 = tpu.vector_load %arg11[%swap3A_177, %swap3A_178] {strides = array<i32>} : memref<320x128xf32, #tpu.memory_space<vmem>>, vector<16xf32>,
      tpu.vector_store %arg11[%swap3A_177, %swap3A_178], %scan3A_70#30 {strides = array<i32>} : memref<320x128xf32, #tpu.memory_space<vmem>>, vector<16xf32>,
      %swap3A_180 = arith.index_cast %add3A_158 : i32 to index
      %swap3A_181 = arith.constant 112 : index
      %swap3A_182 = tpu.vector_load %arg11[%swap3A_180, %swap3A_181] {strides = array<i32>} : memref<320x128xf32, #tpu.memory_space<vmem>>, vector<16xf32>,
      tpu.vector_store %arg11[%swap3A_180, %swap3A_181], %scan3A_70#31 {strides = array<i32>} : memref<320x128xf32, #tpu.memory_space<vmem>>, vector<16xf32>,
      %lt3A = arith.constant 39 : i32
      %lt3A_183 = arith.cmpi slt, %scan3A_47, %lt3A : i32
      %convert_element_type3A = arith.extui %lt3A_183 : i1 to i32
      %cond3A = arith.constant 0 : i32
      %cond3A_184 = arith.cmpi ne, %convert_element_type3A, %cond3A : i32
      scf.if %cond3A_184 {
        %add3A_312 = arith.constant 2 : i32
        %add3A_313 = arith.addi %mul3A_50, %add3A_312 : i32
        %dma_start3A_314 = arith.constant 0 : i32
        %dma_start3A_315 = tpu.memref_slice %arg7[%add3A_313, %dma_start3A_314] : memref<80x128xi32, #tpu.memory_space<vmem>> -> memref<1x128xi32, #tpu.memory_space<vmem>>
        %dma_start3A_316 = tpu.memref_squeeze %dma_start3A_315 : memref<1x128xi32, #tpu.memory_space<vmem>> -> memref<128xi32, #tpu.memory_space<vmem>>
        %dma_start3A_317 = arith.constant 0 : i32
        %dma_start3A_318 = arith.constant 0 : i32
        %dma_start3A_319 = tpu.memref_slice %arg2[%dma_start3A_317, %dma_start3A_318] : memref<327680x128xf32, #tpu.memory_space<hbm>> -> memref<327680x128xf32, #tpu.memory_space<hbm>>
        tpu.enqueue_indirect_dma source(%dma_start3A_319 : memref<327680x128xf32, #tpu.memory_space<hbm>>) target(%arg9 : memref<128x128xf32, #tpu.memory_space<vmem>>) offsets(%dma_start3A_316 : memref<128xi32, #tpu.memory_space<vmem>>) semaphore(%arg13 : memref<!tpu.dma_semaphore, #tpu.memory_space<semaphore_mem>>)
      } else {
      }
      %dma_wait3A_185 = arith.constant 0 : i32
      %dma_wait3A_186 = tpu.memref_slice %arg7[%add3A_52, %dma_wait3A_185] : memref<80x128xi32, #tpu.memory_space<vmem>> -> memref<1x128xi32, #tpu.memory_space<vmem>>
      %dma_wait3A_187 = tpu.memref_squeeze %dma_wait3A_186 : memref<1x128xi32, #tpu.memory_space<vmem>> -> memref<128xi32, #tpu.memory_space<vmem>>
      %dma_wait3A_188 = arith.constant 0 : i32
      %dma_wait3A_189 = arith.constant 0 : i32
      %dma_wait3A_190 = tpu.memref_slice %arg2[%dma_wait3A_188, %dma_wait3A_189] : memref<327680x128xf32, #tpu.memory_space<hbm>> -> memref<327680x128xf32, #tpu.memory_space<hbm>>
      tpu.wait_indirect_dma semaphore(%arg14 : memref<!tpu.dma_semaphore, #tpu.memory_space<semaphore_mem>>) src(%dma_wait3A_190 : memref<327680x128xf32, #tpu.memory_space<hbm>>) dst(%arg10 : memref<128x128xf32, #tpu.memory_space<vmem>>)
      %mul3A_191 = arith.constant 128 : i32
      %mul3A_192 = arith.muli %add3A_52, %mul3A_191 : i32
      %scan3A_193 = arith.constant 0 : i32
      %scan3A_194 = arith.constant 32 : i32
      %scan3A_195 = arith.addi %scan3A_193, %scan3A_194 : i32
      %scan3A_196 = arith.constant 1 : i32
      %scan3A_197:32 = scf.for %scan3A_312 = %scan3A_193 to %scan3A_195 step %scan3A_196 iter_args(%scan3A_313 = %get3A_3, %scan3A_314 = %get3A_7, %scan3A_315 = %get3A_11, %scan3A_316 = %get3A_15, %scan3A_317 = %get3A_19, %scan3A_318 = %get3A_23, %scan3A_319 = %get3A_27, %scan3A_320 = %get3A_31, %scan3A_321 = %get3A_3, %scan3A_322 = %get3A_7, %scan3A_323 = %get3A_11, %scan3A_324 = %get3A_15, %scan3A_325 = %get3A_19, %scan3A_326 = %get3A_23, %scan3A_327 = %get3A_27, %scan3A_328 = %get3A_31, %scan3A_329 = %get3A_3, %scan3A_330 = %get3A_7, %scan3A_331 = %get3A_11, %scan3A_332 = %get3A_15, %scan3A_333 = %get3A_19, %scan3A_334 = %get3A_23, %scan3A_335 = %get3A_27, %scan3A_336 = %get3A_31, %scan3A_337 = %get3A_3, %scan3A_338 = %get3A_7, %scan3A_339 = %get3A_11, %scan3A_340 = %get3A_15, %scan3A_341 = %get3A_19, %scan3A_342 = %get3A_23, %scan3A_343 = %get3A_27, %scan3A_344 = %get3A_31) -> (vector<16xf32>, vector<16xf32>, vector<16xf32>, vector<16xf32>, vector<16xf32>, vector<16xf32>, vector<16xf32>, vector<16xf32>, vector<16xf32>, vector<16xf32>, vector<16xf32>, vector<16xf32>, vector<16xf32>, vector<16xf32>, vector<16xf32>, vector<16xf32>, vector<16xf32>, vector<16xf32>, vector<16xf32>, vector<16xf32>, vector<16xf32>, vector<16xf32>, vector<16xf32>, vector<16xf32>, vector<16xf32>, vector<16xf32>, vector<16xf32>, vector<16xf32>, vector<16xf32>, vector<16xf32>, vector<16xf32>, vector<16xf32>)  : i32 {
        %add3A_345 = arith.constant 0 : i32
        %add3A_346 = arith.addi %mul3A_192, %add3A_345 : i32
        %add3A_347 = arith.addi %add3A_346, %scan3A_312 : i32
        %add3A_348 = vector.broadcast %add3A_347 : i32 to vector<16xi32>
        %add3A_349 = arith.addi %broadcast_in_dim3A_32, %add3A_348 : vector<16xi32>
        %gather3A = tpu.vector_load_idx %arg8[%add3A_349] : memref<10240xf32, #tpu.memory_space<vmem>>[vector<16xi32>], vector<16xf32>,
        %add3A_350 = arith.constant 0 : i32
        %add3A_351 = arith.addi %add3A_350, %scan3A_312 : i32
        %get3A_352 = arith.index_cast %add3A_351 : i32 to index
        %get3A_353 = arith.constant 0 : index
        %get3A_354 = tpu.vector_load %arg10[%get3A_352, %get3A_353] {strides = array<i32>} : memref<128x128xf32, #tpu.memory_space<vmem>>, vector<16xf32>,
        %mul3A_355 = arith.mulf %gather3A, %get3A_354 : vector<16xf32>
        %add3A_356 = arith.addf %scan3A_313, %mul3A_355 : vector<16xf32>
        %add3A_357 = arith.constant 0 : i32
        %add3A_358 = arith.addi %add3A_357, %scan3A_312 : i32
        %get3A_359 = arith.index_cast %add3A_358 : i32 to index
        %get3A_360 = arith.constant 16 : index
        %get3A_361 = tpu.vector_load %arg10[%get3A_359, %get3A_360] {strides = array<i32>} : memref<128x128xf32, #tpu.memory_space<vmem>>, vector<16xf32>,
        %mul3A_362 = arith.mulf %gather3A, %get3A_361 : vector<16xf32>
        %add3A_363 = arith.addf %scan3A_314, %mul3A_362 : vector<16xf32>
        %add3A_364 = arith.constant 0 : i32
        %add3A_365 = arith.addi %add3A_364, %scan3A_312 : i32
        %get3A_366 = arith.index_cast %add3A_365 : i32 to index
        %get3A_367 = arith.constant 32 : index
        %get3A_368 = tpu.vector_load %arg10[%get3A_366, %get3A_367] {strides = array<i32>} : memref<128x128xf32, #tpu.memory_space<vmem>>, vector<16xf32>,
        %mul3A_369 = arith.mulf %gather3A, %get3A_368 : vector<16xf32>
        %add3A_370 = arith.addf %scan3A_315, %mul3A_369 : vector<16xf32>
        %add3A_371 = arith.constant 0 : i32
        %add3A_372 = arith.addi %add3A_371, %scan3A_312 : i32
        %get3A_373 = arith.index_cast %add3A_372 : i32 to index
        %get3A_374 = arith.constant 48 : index
        %get3A_375 = tpu.vector_load %arg10[%get3A_373, %get3A_374] {strides = array<i32>} : memref<128x128xf32, #tpu.memory_space<vmem>>, vector<16xf32>,
        %mul3A_376 = arith.mulf %gather3A, %get3A_375 : vector<16xf32>
        %add3A_377 = arith.addf %scan3A_316, %mul3A_376 : vector<16xf32>
        %add3A_378 = arith.constant 0 : i32
        %add3A_379 = arith.addi %add3A_378, %scan3A_312 : i32
        %get3A_380 = arith.index_cast %add3A_379 : i32 to index
        %get3A_381 = arith.constant 64 : index
        %get3A_382 = tpu.vector_load %arg10[%get3A_380, %get3A_381] {strides = array<i32>} : memref<128x128xf32, #tpu.memory_space<vmem>>, vector<16xf32>,
        %mul3A_383 = arith.mulf %gather3A, %get3A_382 : vector<16xf32>
        %add3A_384 = arith.addf %scan3A_317, %mul3A_383 : vector<16xf32>
        %add3A_385 = arith.constant 0 : i32
        %add3A_386 = arith.addi %add3A_385, %scan3A_312 : i32
        %get3A_387 = arith.index_cast %add3A_386 : i32 to index
        %get3A_388 = arith.constant 80 : index
        %get3A_389 = tpu.vector_load %arg10[%get3A_387, %get3A_388] {strides = array<i32>} : memref<128x128xf32, #tpu.memory_space<vmem>>, vector<16xf32>,
        %mul3A_390 = arith.mulf %gather3A, %get3A_389 : vector<16xf32>
        %add3A_391 = arith.addf %scan3A_318, %mul3A_390 : vector<16xf32>
        %add3A_392 = arith.constant 0 : i32
        %add3A_393 = arith.addi %add3A_392, %scan3A_312 : i32
        %get3A_394 = arith.index_cast %add3A_393 : i32 to index
        %get3A_395 = arith.constant 96 : index
        %get3A_396 = tpu.vector_load %arg10[%get3A_394, %get3A_395] {strides = array<i32>} : memref<128x128xf32, #tpu.memory_space<vmem>>, vector<16xf32>,
        %mul3A_397 = arith.mulf %gather3A, %get3A_396 : vector<16xf32>
        %add3A_398 = arith.addf %scan3A_319, %mul3A_397 : vector<16xf32>
        %add3A_399 = arith.constant 0 : i32
        %add3A_400 = arith.addi %add3A_399, %scan3A_312 : i32
        %get3A_401 = arith.index_cast %add3A_400 : i32 to index
        %get3A_402 = arith.constant 112 : index
        %get3A_403 = tpu.vector_load %arg10[%get3A_401, %get3A_402] {strides = array<i32>} : memref<128x128xf32, #tpu.memory_space<vmem>>, vector<16xf32>,
        %mul3A_404 = arith.mulf %gather3A, %get3A_403 : vector<16xf32>
        %add3A_405 = arith.addf %scan3A_320, %mul3A_404 : vector<16xf32>
        %add3A_406 = arith.constant 32 : i32
        %add3A_407 = arith.addi %mul3A_192, %add3A_406 : i32
        %add3A_408 = arith.addi %add3A_407, %scan3A_312 : i32
        %add3A_409 = vector.broadcast %add3A_408 : i32 to vector<16xi32>
        %add3A_410 = arith.addi %broadcast_in_dim3A_32, %add3A_409 : vector<16xi32>
        %gather3A_411 = tpu.vector_load_idx %arg8[%add3A_410] : memref<10240xf32, #tpu.memory_space<vmem>>[vector<16xi32>], vector<16xf32>,
        %add3A_412 = arith.constant 32 : i32
        %add3A_413 = arith.addi %add3A_412, %scan3A_312 : i32
        %get3A_414 = arith.index_cast %add3A_413 : i32 to index
        %get3A_415 = arith.constant 0 : index
        %get3A_416 = tpu.vector_load %arg10[%get3A_414, %get3A_415] {strides = array<i32>} : memref<128x128xf32, #tpu.memory_space<vmem>>, vector<16xf32>,
        %mul3A_417 = arith.mulf %gather3A_411, %get3A_416 : vector<16xf32>
        %add3A_418 = arith.addf %scan3A_321, %mul3A_417 : vector<16xf32>
        %add3A_419 = arith.constant 32 : i32
        %add3A_420 = arith.addi %add3A_419, %scan3A_312 : i32
        %get3A_421 = arith.index_cast %add3A_420 : i32 to index
        %get3A_422 = arith.constant 16 : index
        %get3A_423 = tpu.vector_load %arg10[%get3A_421, %get3A_422] {strides = array<i32>} : memref<128x128xf32, #tpu.memory_space<vmem>>, vector<16xf32>,
        %mul3A_424 = arith.mulf %gather3A_411, %get3A_423 : vector<16xf32>
        %add3A_425 = arith.addf %scan3A_322, %mul3A_424 : vector<16xf32>
        %add3A_426 = arith.constant 32 : i32
        %add3A_427 = arith.addi %add3A_426, %scan3A_312 : i32
        %get3A_428 = arith.index_cast %add3A_427 : i32 to index
        %get3A_429 = arith.constant 32 : index
        %get3A_430 = tpu.vector_load %arg10[%get3A_428, %get3A_429] {strides = array<i32>} : memref<128x128xf32, #tpu.memory_space<vmem>>, vector<16xf32>,
        %mul3A_431 = arith.mulf %gather3A_411, %get3A_430 : vector<16xf32>
        %add3A_432 = arith.addf %scan3A_323, %mul3A_431 : vector<16xf32>
        %add3A_433 = arith.constant 32 : i32
        %add3A_434 = arith.addi %add3A_433, %scan3A_312 : i32
        %get3A_435 = arith.index_cast %add3A_434 : i32 to index
        %get3A_436 = arith.constant 48 : index
        %get3A_437 = tpu.vector_load %arg10[%get3A_435, %get3A_436] {strides = array<i32>} : memref<128x128xf32, #tpu.memory_space<vmem>>, vector<16xf32>,
        %mul3A_438 = arith.mulf %gather3A_411, %get3A_437 : vector<16xf32>
        %add3A_439 = arith.addf %scan3A_324, %mul3A_438 : vector<16xf32>
        %add3A_440 = arith.constant 32 : i32
        %add3A_441 = arith.addi %add3A_440, %scan3A_312 : i32
        %get3A_442 = arith.index_cast %add3A_441 : i32 to index
        %get3A_443 = arith.constant 64 : index
        %get3A_444 = tpu.vector_load %arg10[%get3A_442, %get3A_443] {strides = array<i32>} : memref<128x128xf32, #tpu.memory_space<vmem>>, vector<16xf32>,
        %mul3A_445 = arith.mulf %gather3A_411, %get3A_444 : vector<16xf32>
        %add3A_446 = arith.addf %scan3A_325, %mul3A_445 : vector<16xf32>
        %add3A_447 = arith.constant 32 : i32
        %add3A_448 = arith.addi %add3A_447, %scan3A_312 : i32
        %get3A_449 = arith.index_cast %add3A_448 : i32 to index
        %get3A_450 = arith.constant 80 : index
        %get3A_451 = tpu.vector_load %arg10[%get3A_449, %get3A_450] {strides = array<i32>} : memref<128x128xf32, #tpu.memory_space<vmem>>, vector<16xf32>,
        %mul3A_452 = arith.mulf %gather3A_411, %get3A_451 : vector<16xf32>
        %add3A_453 = arith.addf %scan3A_326, %mul3A_452 : vector<16xf32>
        %add3A_454 = arith.constant 32 : i32
        %add3A_455 = arith.addi %add3A_454, %scan3A_312 : i32
        %get3A_456 = arith.index_cast %add3A_455 : i32 to index
        %get3A_457 = arith.constant 96 : index
        %get3A_458 = tpu.vector_load %arg10[%get3A_456, %get3A_457] {strides = array<i32>} : memref<128x128xf32, #tpu.memory_space<vmem>>, vector<16xf32>,
        %mul3A_459 = arith.mulf %gather3A_411, %get3A_458 : vector<16xf32>
        %add3A_460 = arith.addf %scan3A_327, %mul3A_459 : vector<16xf32>
        %add3A_461 = arith.constant 32 : i32
        %add3A_462 = arith.addi %add3A_461, %scan3A_312 : i32
        %get3A_463 = arith.index_cast %add3A_462 : i32 to index
        %get3A_464 = arith.constant 112 : index
        %get3A_465 = tpu.vector_load %arg10[%get3A_463, %get3A_464] {strides = array<i32>} : memref<128x128xf32, #tpu.memory_space<vmem>>, vector<16xf32>,
        %mul3A_466 = arith.mulf %gather3A_411, %get3A_465 : vector<16xf32>
        %add3A_467 = arith.addf %scan3A_328, %mul3A_466 : vector<16xf32>
        %add3A_468 = arith.constant 64 : i32
        %add3A_469 = arith.addi %mul3A_192, %add3A_468 : i32
        %add3A_470 = arith.addi %add3A_469, %scan3A_312 : i32
        %add3A_471 = vector.broadcast %add3A_470 : i32 to vector<16xi32>
        %add3A_472 = arith.addi %broadcast_in_dim3A_32, %add3A_471 : vector<16xi32>
        %gather3A_473 = tpu.vector_load_idx %arg8[%add3A_472] : memref<10240xf32, #tpu.memory_space<vmem>>[vector<16xi32>], vector<16xf32>,
        %add3A_474 = arith.constant 64 : i32
        %add3A_475 = arith.addi %add3A_474, %scan3A_312 : i32
        %get3A_476 = arith.index_cast %add3A_475 : i32 to index
        %get3A_477 = arith.constant 0 : index
        %get3A_478 = tpu.vector_load %arg10[%get3A_476, %get3A_477] {strides = array<i32>} : memref<128x128xf32, #tpu.memory_space<vmem>>, vector<16xf32>,
        %mul3A_479 = arith.mulf %gather3A_473, %get3A_478 : vector<16xf32>
        %add3A_480 = arith.addf %scan3A_329, %mul3A_479 : vector<16xf32>
        %add3A_481 = arith.constant 64 : i32
        %add3A_482 = arith.addi %add3A_481, %scan3A_312 : i32
        %get3A_483 = arith.index_cast %add3A_482 : i32 to index
        %get3A_484 = arith.constant 16 : index
        %get3A_485 = tpu.vector_load %arg10[%get3A_483, %get3A_484] {strides = array<i32>} : memref<128x128xf32, #tpu.memory_space<vmem>>, vector<16xf32>,
        %mul3A_486 = arith.mulf %gather3A_473, %get3A_485 : vector<16xf32>
        %add3A_487 = arith.addf %scan3A_330, %mul3A_486 : vector<16xf32>
        %add3A_488 = arith.constant 64 : i32
        %add3A_489 = arith.addi %add3A_488, %scan3A_312 : i32
        %get3A_490 = arith.index_cast %add3A_489 : i32 to index
        %get3A_491 = arith.constant 32 : index
        %get3A_492 = tpu.vector_load %arg10[%get3A_490, %get3A_491] {strides = array<i32>} : memref<128x128xf32, #tpu.memory_space<vmem>>, vector<16xf32>,
        %mul3A_493 = arith.mulf %gather3A_473, %get3A_492 : vector<16xf32>
        %add3A_494 = arith.addf %scan3A_331, %mul3A_493 : vector<16xf32>
        %add3A_495 = arith.constant 64 : i32
        %add3A_496 = arith.addi %add3A_495, %scan3A_312 : i32
        %get3A_497 = arith.index_cast %add3A_496 : i32 to index
        %get3A_498 = arith.constant 48 : index
        %get3A_499 = tpu.vector_load %arg10[%get3A_497, %get3A_498] {strides = array<i32>} : memref<128x128xf32, #tpu.memory_space<vmem>>, vector<16xf32>,
        %mul3A_500 = arith.mulf %gather3A_473, %get3A_499 : vector<16xf32>
        %add3A_501 = arith.addf %scan3A_332, %mul3A_500 : vector<16xf32>
        %add3A_502 = arith.constant 64 : i32
        %add3A_503 = arith.addi %add3A_502, %scan3A_312 : i32
        %get3A_504 = arith.index_cast %add3A_503 : i32 to index
        %get3A_505 = arith.constant 64 : index
        %get3A_506 = tpu.vector_load %arg10[%get3A_504, %get3A_505] {strides = array<i32>} : memref<128x128xf32, #tpu.memory_space<vmem>>, vector<16xf32>,
        %mul3A_507 = arith.mulf %gather3A_473, %get3A_506 : vector<16xf32>
        %add3A_508 = arith.addf %scan3A_333, %mul3A_507 : vector<16xf32>
        %add3A_509 = arith.constant 64 : i32
        %add3A_510 = arith.addi %add3A_509, %scan3A_312 : i32
        %get3A_511 = arith.index_cast %add3A_510 : i32 to index
        %get3A_512 = arith.constant 80 : index
        %get3A_513 = tpu.vector_load %arg10[%get3A_511, %get3A_512] {strides = array<i32>} : memref<128x128xf32, #tpu.memory_space<vmem>>, vector<16xf32>,
        %mul3A_514 = arith.mulf %gather3A_473, %get3A_513 : vector<16xf32>
        %add3A_515 = arith.addf %scan3A_334, %mul3A_514 : vector<16xf32>
        %add3A_516 = arith.constant 64 : i32
        %add3A_517 = arith.addi %add3A_516, %scan3A_312 : i32
        %get3A_518 = arith.index_cast %add3A_517 : i32 to index
        %get3A_519 = arith.constant 96 : index
        %get3A_520 = tpu.vector_load %arg10[%get3A_518, %get3A_519] {strides = array<i32>} : memref<128x128xf32, #tpu.memory_space<vmem>>, vector<16xf32>,
        %mul3A_521 = arith.mulf %gather3A_473, %get3A_520 : vector<16xf32>
        %add3A_522 = arith.addf %scan3A_335, %mul3A_521 : vector<16xf32>
        %add3A_523 = arith.constant 64 : i32
        %add3A_524 = arith.addi %add3A_523, %scan3A_312 : i32
        %get3A_525 = arith.index_cast %add3A_524 : i32 to index
        %get3A_526 = arith.constant 112 : index
        %get3A_527 = tpu.vector_load %arg10[%get3A_525, %get3A_526] {strides = array<i32>} : memref<128x128xf32, #tpu.memory_space<vmem>>, vector<16xf32>,
        %mul3A_528 = arith.mulf %gather3A_473, %get3A_527 : vector<16xf32>
        %add3A_529 = arith.addf %scan3A_336, %mul3A_528 : vector<16xf32>
        %add3A_530 = arith.constant 96 : i32
        %add3A_531 = arith.addi %mul3A_192, %add3A_530 : i32
        %add3A_532 = arith.addi %add3A_531, %scan3A_312 : i32
        %add3A_533 = vector.broadcast %add3A_532 : i32 to vector<16xi32>
        %add3A_534 = arith.addi %broadcast_in_dim3A_32, %add3A_533 : vector<16xi32>
        %gather3A_535 = tpu.vector_load_idx %arg8[%add3A_534] : memref<10240xf32, #tpu.memory_space<vmem>>[vector<16xi32>], vector<16xf32>,
        %add3A_536 = arith.constant 96 : i32
        %add3A_537 = arith.addi %add3A_536, %scan3A_312 : i32
        %get3A_538 = arith.index_cast %add3A_537 : i32 to index
        %get3A_539 = arith.constant 0 : index
        %get3A_540 = tpu.vector_load %arg10[%get3A_538, %get3A_539] {strides = array<i32>} : memref<128x128xf32, #tpu.memory_space<vmem>>, vector<16xf32>,
        %mul3A_541 = arith.mulf %gather3A_535, %get3A_540 : vector<16xf32>
        %add3A_542 = arith.addf %scan3A_337, %mul3A_541 : vector<16xf32>
        %add3A_543 = arith.constant 96 : i32
        %add3A_544 = arith.addi %add3A_543, %scan3A_312 : i32
        %get3A_545 = arith.index_cast %add3A_544 : i32 to index
        %get3A_546 = arith.constant 16 : index
        %get3A_547 = tpu.vector_load %arg10[%get3A_545, %get3A_546] {strides = array<i32>} : memref<128x128xf32, #tpu.memory_space<vmem>>, vector<16xf32>,
        %mul3A_548 = arith.mulf %gather3A_535, %get3A_547 : vector<16xf32>
        %add3A_549 = arith.addf %scan3A_338, %mul3A_548 : vector<16xf32>
        %add3A_550 = arith.constant 96 : i32
        %add3A_551 = arith.addi %add3A_550, %scan3A_312 : i32
        %get3A_552 = arith.index_cast %add3A_551 : i32 to index
        %get3A_553 = arith.constant 32 : index
        %get3A_554 = tpu.vector_load %arg10[%get3A_552, %get3A_553] {strides = array<i32>} : memref<128x128xf32, #tpu.memory_space<vmem>>, vector<16xf32>,
        %mul3A_555 = arith.mulf %gather3A_535, %get3A_554 : vector<16xf32>
        %add3A_556 = arith.addf %scan3A_339, %mul3A_555 : vector<16xf32>
        %add3A_557 = arith.constant 96 : i32
        %add3A_558 = arith.addi %add3A_557, %scan3A_312 : i32
        %get3A_559 = arith.index_cast %add3A_558 : i32 to index
        %get3A_560 = arith.constant 48 : index
        %get3A_561 = tpu.vector_load %arg10[%get3A_559, %get3A_560] {strides = array<i32>} : memref<128x128xf32, #tpu.memory_space<vmem>>, vector<16xf32>,
        %mul3A_562 = arith.mulf %gather3A_535, %get3A_561 : vector<16xf32>
        %add3A_563 = arith.addf %scan3A_340, %mul3A_562 : vector<16xf32>
        %add3A_564 = arith.constant 96 : i32
        %add3A_565 = arith.addi %add3A_564, %scan3A_312 : i32
        %get3A_566 = arith.index_cast %add3A_565 : i32 to index
        %get3A_567 = arith.constant 64 : index
        %get3A_568 = tpu.vector_load %arg10[%get3A_566, %get3A_567] {strides = array<i32>} : memref<128x128xf32, #tpu.memory_space<vmem>>, vector<16xf32>,
        %mul3A_569 = arith.mulf %gather3A_535, %get3A_568 : vector<16xf32>
        %add3A_570 = arith.addf %scan3A_341, %mul3A_569 : vector<16xf32>
        %add3A_571 = arith.constant 96 : i32
        %add3A_572 = arith.addi %add3A_571, %scan3A_312 : i32
        %get3A_573 = arith.index_cast %add3A_572 : i32 to index
        %get3A_574 = arith.constant 80 : index
        %get3A_575 = tpu.vector_load %arg10[%get3A_573, %get3A_574] {strides = array<i32>} : memref<128x128xf32, #tpu.memory_space<vmem>>, vector<16xf32>,
        %mul3A_576 = arith.mulf %gather3A_535, %get3A_575 : vector<16xf32>
        %add3A_577 = arith.addf %scan3A_342, %mul3A_576 : vector<16xf32>
        %add3A_578 = arith.constant 96 : i32
        %add3A_579 = arith.addi %add3A_578, %scan3A_312 : i32
        %get3A_580 = arith.index_cast %add3A_579 : i32 to index
        %get3A_581 = arith.constant 96 : index
        %get3A_582 = tpu.vector_load %arg10[%get3A_580, %get3A_581] {strides = array<i32>} : memref<128x128xf32, #tpu.memory_space<vmem>>, vector<16xf32>,
        %mul3A_583 = arith.mulf %gather3A_535, %get3A_582 : vector<16xf32>
        %add3A_584 = arith.addf %scan3A_343, %mul3A_583 : vector<16xf32>
        %add3A_585 = arith.constant 96 : i32
        %add3A_586 = arith.addi %add3A_585, %scan3A_312 : i32
        %get3A_587 = arith.index_cast %add3A_586 : i32 to index
        %get3A_588 = arith.constant 112 : index
        %get3A_589 = tpu.vector_load %arg10[%get3A_587, %get3A_588] {strides = array<i32>} : memref<128x128xf32, #tpu.memory_space<vmem>>, vector<16xf32>,
        %mul3A_590 = arith.mulf %gather3A_535, %get3A_589 : vector<16xf32>
        %add3A_591 = arith.addf %scan3A_344, %mul3A_590 : vector<16xf32>
        scf.yield %add3A_356, %add3A_363, %add3A_370, %add3A_377, %add3A_384, %add3A_391, %add3A_398, %add3A_405, %add3A_418, %add3A_425, %add3A_432, %add3A_439, %add3A_446, %add3A_453, %add3A_460, %add3A_467, %add3A_480, %add3A_487, %add3A_494, %add3A_501, %add3A_508, %add3A_515, %add3A_522, %add3A_529, %add3A_542, %add3A_549, %add3A_556, %add3A_563, %add3A_570, %add3A_577, %add3A_584, %add3A_591 : vector<16xf32>, vector<16xf32>, vector<16xf32>, vector<16xf32>, vector<16xf32>, vector<16xf32>, vector<16xf32>, vector<16xf32>, vector<16xf32>, vector<16xf32>, vector<16xf32>, vector<16xf32>, vector<16xf32>, vector<16xf32>, vector<16xf32>, vector<16xf32>, vector<16xf32>, vector<16xf32>, vector<16xf32>, vector<16xf32>, vector<16xf32>, vector<16xf32>, vector<16xf32>, vector<16xf32>, vector<16xf32>, vector<16xf32>, vector<16xf32>, vector<16xf32>, vector<16xf32>, vector<16xf32>, vector<16xf32>, vector<16xf32>
      }
      %scan3A_198 = arith.constant 32 : i32
      %mul3A_199 = arith.constant 4 : i32
      %mul3A_200 = arith.muli %add3A_52, %mul3A_199 : i32
      %add3A_201 = arith.constant 0 : i32
      %add3A_202 = arith.addi %mul3A_200, %add3A_201 : i32
      %swap3A_203 = arith.index_cast %add3A_202 : i32 to index
      %swap3A_204 = arith.constant 0 : index
      %swap3A_205 = tpu.vector_load %arg11[%swap3A_203, %swap3A_204] {strides = array<i32>} : memref<320x128xf32, #tpu.memory_space<vmem>>, vector<16xf32>,
      tpu.vector_store %arg11[%swap3A_203, %swap3A_204], %scan3A_197#0 {strides = array<i32>} : memref<320x128xf32, #tpu.memory_space<vmem>>, vector<16xf32>,
      %swap3A_206 = arith.index_cast %add3A_202 : i32 to index
      %swap3A_207 = arith.constant 16 : index
      %swap3A_208 = tpu.vector_load %arg11[%swap3A_206, %swap3A_207] {strides = array<i32>} : memref<320x128xf32, #tpu.memory_space<vmem>>, vector<16xf32>,
      tpu.vector_store %arg11[%swap3A_206, %swap3A_207], %scan3A_197#1 {strides = array<i32>} : memref<320x128xf32, #tpu.memory_space<vmem>>, vector<16xf32>,
      %swap3A_209 = arith.index_cast %add3A_202 : i32 to index
      %swap3A_210 = arith.constant 32 : index
      %swap3A_211 = tpu.vector_load %arg11[%swap3A_209, %swap3A_210] {strides = array<i32>} : memref<320x128xf32, #tpu.memory_space<vmem>>, vector<16xf32>,
      tpu.vector_store %arg11[%swap3A_209, %swap3A_210], %scan3A_197#2 {strides = array<i32>} : memref<320x128xf32, #tpu.memory_space<vmem>>, vector<16xf32>,
      %swap3A_212 = arith.index_cast %add3A_202 : i32 to index
      %swap3A_213 = arith.constant 48 : index
      %swap3A_214 = tpu.vector_load %arg11[%swap3A_212, %swap3A_213] {strides = array<i32>} : memref<320x128xf32, #tpu.memory_space<vmem>>, vector<16xf32>,
      tpu.vector_store %arg11[%swap3A_212, %swap3A_213], %scan3A_197#3 {strides = array<i32>} : memref<320x128xf32, #tpu.memory_space<vmem>>, vector<16xf32>,
      %swap3A_215 = arith.index_cast %add3A_202 : i32 to index
      %swap3A_216 = arith.constant 64 : index
      %swap3A_217 = tpu.vector_load %arg11[%swap3A_215, %swap3A_216] {strides = array<i32>} : memref<320x128xf32, #tpu.memory_space<vmem>>, vector<16xf32>,
      tpu.vector_store %arg11[%swap3A_215, %swap3A_216], %scan3A_197#4 {strides = array<i32>} : memref<320x128xf32, #tpu.memory_space<vmem>>, vector<16xf32>,
      %swap3A_218 = arith.index_cast %add3A_202 : i32 to index
      %swap3A_219 = arith.constant 80 : index
      %swap3A_220 = tpu.vector_load %arg11[%swap3A_218, %swap3A_219] {strides = array<i32>} : memref<320x128xf32, #tpu.memory_space<vmem>>, vector<16xf32>,
      tpu.vector_store %arg11[%swap3A_218, %swap3A_219], %scan3A_197#5 {strides = array<i32>} : memref<320x128xf32, #tpu.memory_space<vmem>>, vector<16xf32>,
      %swap3A_221 = arith.index_cast %add3A_202 : i32 to index
      %swap3A_222 = arith.constant 96 : index
      %swap3A_223 = tpu.vector_load %arg11[%swap3A_221, %swap3A_222] {strides = array<i32>} : memref<320x128xf32, #tpu.memory_space<vmem>>, vector<16xf32>,
      tpu.vector_store %arg11[%swap3A_221, %swap3A_222], %scan3A_197#6 {strides = array<i32>} : memref<320x128xf32, #tpu.memory_space<vmem>>, vector<16xf32>,
      %swap3A_224 = arith.index_cast %add3A_202 : i32 to index
      %swap3A_225 = arith.constant 112 : index
      %swap3A_226 = tpu.vector_load %arg11[%swap3A_224, %swap3A_225] {strides = array<i32>} : memref<320x128xf32, #tpu.memory_space<vmem>>, vector<16xf32>,
      tpu.vector_store %arg11[%swap3A_224, %swap3A_225], %scan3A_197#7 {strides = array<i32>} : memref<320x128xf32, #tpu.memory_space<vmem>>, vector<16xf32>,
      %mul3A_227 = arith.constant 4 : i32
      %mul3A_228 = arith.muli %add3A_52, %mul3A_227 : i32
      %add3A_229 = arith.constant 1 : i32
      %add3A_230 = arith.addi %mul3A_228, %add3A_229 : i32
      %swap3A_231 = arith.index_cast %add3A_230 : i32 to index
      %swap3A_232 = arith.constant 0 : index
      %swap3A_233 = tpu.vector_load %arg11[%swap3A_231, %swap3A_232] {strides = array<i32>} : memref<320x128xf32, #tpu.memory_space<vmem>>, vector<16xf32>,
      tpu.vector_store %arg11[%swap3A_231, %swap3A_232], %scan3A_197#8 {strides = array<i32>} : memref<320x128xf32, #tpu.memory_space<vmem>>, vector<16xf32>,
      %swap3A_234 = arith.index_cast %add3A_230 : i32 to index
      %swap3A_235 = arith.constant 16 : index
      %swap3A_236 = tpu.vector_load %arg11[%swap3A_234, %swap3A_235] {strides = array<i32>} : memref<320x128xf32, #tpu.memory_space<vmem>>, vector<16xf32>,
      tpu.vector_store %arg11[%swap3A_234, %swap3A_235], %scan3A_197#9 {strides = array<i32>} : memref<320x128xf32, #tpu.memory_space<vmem>>, vector<16xf32>,
      %swap3A_237 = arith.index_cast %add3A_230 : i32 to index
      %swap3A_238 = arith.constant 32 : index
      %swap3A_239 = tpu.vector_load %arg11[%swap3A_237, %swap3A_238] {strides = array<i32>} : memref<320x128xf32, #tpu.memory_space<vmem>>, vector<16xf32>,
      tpu.vector_store %arg11[%swap3A_237, %swap3A_238], %scan3A_197#10 {strides = array<i32>} : memref<320x128xf32, #tpu.memory_space<vmem>>, vector<16xf32>,
      %swap3A_240 = arith.index_cast %add3A_230 : i32 to index
      %swap3A_241 = arith.constant 48 : index
      %swap3A_242 = tpu.vector_load %arg11[%swap3A_240, %swap3A_241] {strides = array<i32>} : memref<320x128xf32, #tpu.memory_space<vmem>>, vector<16xf32>,
      tpu.vector_store %arg11[%swap3A_240, %swap3A_241], %scan3A_197#11 {strides = array<i32>} : memref<320x128xf32, #tpu.memory_space<vmem>>, vector<16xf32>,
      %swap3A_243 = arith.index_cast %add3A_230 : i32 to index
      %swap3A_244 = arith.constant 64 : index
      %swap3A_245 = tpu.vector_load %arg11[%swap3A_243, %swap3A_244] {strides = array<i32>} : memref<320x128xf32, #tpu.memory_space<vmem>>, vector<16xf32>,
      tpu.vector_store %arg11[%swap3A_243, %swap3A_244], %scan3A_197#12 {strides = array<i32>} : memref<320x128xf32, #tpu.memory_space<vmem>>, vector<16xf32>,
      %swap3A_246 = arith.index_cast %add3A_230 : i32 to index
      %swap3A_247 = arith.constant 80 : index
      %swap3A_248 = tpu.vector_load %arg11[%swap3A_246, %swap3A_247] {strides = array<i32>} : memref<320x128xf32, #tpu.memory_space<vmem>>, vector<16xf32>,
      tpu.vector_store %arg11[%swap3A_246, %swap3A_247], %scan3A_197#13 {strides = array<i32>} : memref<320x128xf32, #tpu.memory_space<vmem>>, vector<16xf32>,
      %swap3A_249 = arith.index_cast %add3A_230 : i32 to index
      %swap3A_250 = arith.constant 96 : index
      %swap3A_251 = tpu.vector_load %arg11[%swap3A_249, %swap3A_250] {strides = array<i32>} : memref<320x128xf32, #tpu.memory_space<vmem>>, vector<16xf32>,
      tpu.vector_store %arg11[%swap3A_249, %swap3A_250], %scan3A_197#14 {strides = array<i32>} : memref<320x128xf32, #tpu.memory_space<vmem>>, vector<16xf32>,
      %swap3A_252 = arith.index_cast %add3A_230 : i32 to index
      %swap3A_253 = arith.constant 112 : index
      %swap3A_254 = tpu.vector_load %arg11[%swap3A_252, %swap3A_253] {strides = array<i32>} : memref<320x128xf32, #tpu.memory_space<vmem>>, vector<16xf32>,
      tpu.vector_store %arg11[%swap3A_252, %swap3A_253], %scan3A_197#15 {strides = array<i32>} : memref<320x128xf32, #tpu.memory_space<vmem>>, vector<16xf32>,
      %mul3A_255 = arith.constant 4 : i32
      %mul3A_256 = arith.muli %add3A_52, %mul3A_255 : i32
      %add3A_257 = arith.constant 2 : i32
      %add3A_258 = arith.addi %mul3A_256, %add3A_257 : i32
      %swap3A_259 = arith.index_cast %add3A_258 : i32 to index
      %swap3A_260 = arith.constant 0 : index
      %swap3A_261 = tpu.vector_load %arg11[%swap3A_259, %swap3A_260] {strides = array<i32>} : memref<320x128xf32, #tpu.memory_space<vmem>>, vector<16xf32>,
      tpu.vector_store %arg11[%swap3A_259, %swap3A_260], %scan3A_197#16 {strides = array<i32>} : memref<320x128xf32, #tpu.memory_space<vmem>>, vector<16xf32>,
      %swap3A_262 = arith.index_cast %add3A_258 : i32 to index
      %swap3A_263 = arith.constant 16 : index
      %swap3A_264 = tpu.vector_load %arg11[%swap3A_262, %swap3A_263] {strides = array<i32>} : memref<320x128xf32, #tpu.memory_space<vmem>>, vector<16xf32>,
      tpu.vector_store %arg11[%swap3A_262, %swap3A_263], %scan3A_197#17 {strides = array<i32>} : memref<320x128xf32, #tpu.memory_space<vmem>>, vector<16xf32>,
      %swap3A_265 = arith.index_cast %add3A_258 : i32 to index
      %swap3A_266 = arith.constant 32 : index
      %swap3A_267 = tpu.vector_load %arg11[%swap3A_265, %swap3A_266] {strides = array<i32>} : memref<320x128xf32, #tpu.memory_space<vmem>>, vector<16xf32>,
      tpu.vector_store %arg11[%swap3A_265, %swap3A_266], %scan3A_197#18 {strides = array<i32>} : memref<320x128xf32, #tpu.memory_space<vmem>>, vector<16xf32>,
      %swap3A_268 = arith.index_cast %add3A_258 : i32 to index
      %swap3A_269 = arith.constant 48 : index
      %swap3A_270 = tpu.vector_load %arg11[%swap3A_268, %swap3A_269] {strides = array<i32>} : memref<320x128xf32, #tpu.memory_space<vmem>>, vector<16xf32>,
      tpu.vector_store %arg11[%swap3A_268, %swap3A_269], %scan3A_197#19 {strides = array<i32>} : memref<320x128xf32, #tpu.memory_space<vmem>>, vector<16xf32>,
      %swap3A_271 = arith.index_cast %add3A_258 : i32 to index
      %swap3A_272 = arith.constant 64 : index
      %swap3A_273 = tpu.vector_load %arg11[%swap3A_271, %swap3A_272] {strides = array<i32>} : memref<320x128xf32, #tpu.memory_space<vmem>>, vector<16xf32>,
      tpu.vector_store %arg11[%swap3A_271, %swap3A_272], %scan3A_197#20 {strides = array<i32>} : memref<320x128xf32, #tpu.memory_space<vmem>>, vector<16xf32>,
      %swap3A_274 = arith.index_cast %add3A_258 : i32 to index
      %swap3A_275 = arith.constant 80 : index
      %swap3A_276 = tpu.vector_load %arg11[%swap3A_274, %swap3A_275] {strides = array<i32>} : memref<320x128xf32, #tpu.memory_space<vmem>>, vector<16xf32>,
      tpu.vector_store %arg11[%swap3A_274, %swap3A_275], %scan3A_197#21 {strides = array<i32>} : memref<320x128xf32, #tpu.memory_space<vmem>>, vector<16xf32>,
      %swap3A_277 = arith.index_cast %add3A_258 : i32 to index
      %swap3A_278 = arith.constant 96 : index
      %swap3A_279 = tpu.vector_load %arg11[%swap3A_277, %swap3A_278] {strides = array<i32>} : memref<320x128xf32, #tpu.memory_space<vmem>>, vector<16xf32>,
      tpu.vector_store %arg11[%swap3A_277, %swap3A_278], %scan3A_197#22 {strides = array<i32>} : memref<320x128xf32, #tpu.memory_space<vmem>>, vector<16xf32>,
      %swap3A_280 = arith.index_cast %add3A_258 : i32 to index
      %swap3A_281 = arith.constant 112 : index
      %swap3A_282 = tpu.vector_load %arg11[%swap3A_280, %swap3A_281] {strides = array<i32>} : memref<320x128xf32, #tpu.memory_space<vmem>>, vector<16xf32>,
      tpu.vector_store %arg11[%swap3A_280, %swap3A_281], %scan3A_197#23 {strides = array<i32>} : memref<320x128xf32, #tpu.memory_space<vmem>>, vector<16xf32>,
      %mul3A_283 = arith.constant 4 : i32
      %mul3A_284 = arith.muli %add3A_52, %mul3A_283 : i32
      %add3A_285 = arith.constant 3 : i32
      %add3A_286 = arith.addi %mul3A_284, %add3A_285 : i32
      %swap3A_287 = arith.index_cast %add3A_286 : i32 to index
      %swap3A_288 = arith.constant 0 : index
      %swap3A_289 = tpu.vector_load %arg11[%swap3A_287, %swap3A_288] {strides = array<i32>} : memref<320x128xf32, #tpu.memory_space<vmem>>, vector<16xf32>,
      tpu.vector_store %arg11[%swap3A_287, %swap3A_288], %scan3A_197#24 {strides = array<i32>} : memref<320x128xf32, #tpu.memory_space<vmem>>, vector<16xf32>,
      %swap3A_290 = arith.index_cast %add3A_286 : i32 to index
      %swap3A_291 = arith.constant 16 : index
      %swap3A_292 = tpu.vector_load %arg11[%swap3A_290, %swap3A_291] {strides = array<i32>} : memref<320x128xf32, #tpu.memory_space<vmem>>, vector<16xf32>,
      tpu.vector_store %arg11[%swap3A_290, %swap3A_291], %scan3A_197#25 {strides = array<i32>} : memref<320x128xf32, #tpu.memory_space<vmem>>, vector<16xf32>,
      %swap3A_293 = arith.index_cast %add3A_286 : i32 to index
      %swap3A_294 = arith.constant 32 : index
      %swap3A_295 = tpu.vector_load %arg11[%swap3A_293, %swap3A_294] {strides = array<i32>} : memref<320x128xf32, #tpu.memory_space<vmem>>, vector<16xf32>,
      tpu.vector_store %arg11[%swap3A_293, %swap3A_294], %scan3A_197#26 {strides = array<i32>} : memref<320x128xf32, #tpu.memory_space<vmem>>, vector<16xf32>,
      %swap3A_296 = arith.index_cast %add3A_286 : i32 to index
      %swap3A_297 = arith.constant 48 : index
      %swap3A_298 = tpu.vector_load %arg11[%swap3A_296, %swap3A_297] {strides = array<i32>} : memref<320x128xf32, #tpu.memory_space<vmem>>, vector<16xf32>,
      tpu.vector_store %arg11[%swap3A_296, %swap3A_297], %scan3A_197#27 {strides = array<i32>} : memref<320x128xf32, #tpu.memory_space<vmem>>, vector<16xf32>,
      %swap3A_299 = arith.index_cast %add3A_286 : i32 to index
      %swap3A_300 = arith.constant 64 : index
      %swap3A_301 = tpu.vector_load %arg11[%swap3A_299, %swap3A_300] {strides = array<i32>} : memref<320x128xf32, #tpu.memory_space<vmem>>, vector<16xf32>,
      tpu.vector_store %arg11[%swap3A_299, %swap3A_300], %scan3A_197#28 {strides = array<i32>} : memref<320x128xf32, #tpu.memory_space<vmem>>, vector<16xf32>,
      %swap3A_302 = arith.index_cast %add3A_286 : i32 to index
      %swap3A_303 = arith.constant 80 : index
      %swap3A_304 = tpu.vector_load %arg11[%swap3A_302, %swap3A_303] {strides = array<i32>} : memref<320x128xf32, #tpu.memory_space<vmem>>, vector<16xf32>,
      tpu.vector_store %arg11[%swap3A_302, %swap3A_303], %scan3A_197#29 {strides = array<i32>} : memref<320x128xf32, #tpu.memory_space<vmem>>, vector<16xf32>,
      %swap3A_305 = arith.index_cast %add3A_286 : i32 to index
      %swap3A_306 = arith.constant 96 : index
      %swap3A_307 = tpu.vector_load %arg11[%swap3A_305, %swap3A_306] {strides = array<i32>} : memref<320x128xf32, #tpu.memory_space<vmem>>, vector<16xf32>,
      tpu.vector_store %arg11[%swap3A_305, %swap3A_306], %scan3A_197#30 {strides = array<i32>} : memref<320x128xf32, #tpu.memory_space<vmem>>, vector<16xf32>,
      %swap3A_308 = arith.index_cast %add3A_286 : i32 to index
      %swap3A_309 = arith.constant 112 : index
      %swap3A_310 = tpu.vector_load %arg11[%swap3A_308, %swap3A_309] {strides = array<i32>} : memref<320x128xf32, #tpu.memory_space<vmem>>, vector<16xf32>,
      tpu.vector_store %arg11[%swap3A_308, %swap3A_309], %scan3A_197#31 {strides = array<i32>} : memref<320x128xf32, #tpu.memory_space<vmem>>, vector<16xf32>,
      %scan3A_311 = arith.constant 0 : i32
      scf.yield %scan3A_311 : i32
    }
    %scan3A_44 = arith.constant 40 : i32
    %mul3A_45 = arith.constant 320 : i32
    %mul3A_46 = arith.muli %add3A, %mul3A_45 : i32
    "tpu.region"() ({
      %run_scoped3A = tpu.sem_alloc : memref<!tpu.dma_semaphore, #tpu.memory_space<semaphore_mem>>
      %dma_start3A_47 = arith.constant 0 : i32
      %dma_start3A_48 = tpu.memref_slice %arg6[%mul3A_46, %dma_start3A_47] : memref<10240x128xf32, #tpu.memory_space<hbm>> -> memref<320x128xf32, #tpu.memory_space<hbm>>
      %dma_start3A_49 = arith.constant 0 : i32
      %dma_start3A_50 = tpu.memref_slice %arg6[%mul3A_46, %dma_start3A_49] : memref<10240x128xf32, #tpu.memory_space<hbm>> -> memref<320x128xf32, #tpu.memory_space<hbm>>
      tpu.enqueue_dma source(%arg11 : memref<320x128xf32, #tpu.memory_space<vmem>>) target(%dma_start3A_50 : memref<320x128xf32, #tpu.memory_space<hbm>>) target_semaphore(%run_scoped3A : memref<!tpu.dma_semaphore, #tpu.memory_space<semaphore_mem>>)
      %dma_wait3A = arith.constant 0 : i32
      %dma_wait3A_51 = tpu.memref_slice %arg6[%mul3A_46, %dma_wait3A] : memref<10240x128xf32, #tpu.memory_space<hbm>> -> memref<320x128xf32, #tpu.memory_space<hbm>>
      %dma_wait3A_52 = arith.constant 0 : i32
      %dma_wait3A_53 = tpu.memref_slice %arg6[%mul3A_46, %dma_wait3A_52] : memref<10240x128xf32, #tpu.memory_space<hbm>> -> memref<320x128xf32, #tpu.memory_space<hbm>>
      tpu.wait_dma2 semaphore(%run_scoped3A : memref<!tpu.dma_semaphore, #tpu.memory_space<semaphore_mem>>) src(%arg11 : memref<320x128xf32, #tpu.memory_space<vmem>>) dst(%dma_wait3A_53 : memref<320x128xf32, #tpu.memory_space<hbm>>)
      tpu.yield
    }) : () -> ()
    return
  }
}

module attributes {stable_mosaic.version = 14 : i64} {
  func.func @_mm_body(%arg0: i32, %arg1: memref<512x128xf32, #tpu.memory_space<vmem>>, %arg2: memref<128x4096xf32, #tpu.memory_space<vmem>>, %arg3: memref<32x512x128xf32, #tpu.memory_space<vmem>>) attributes {dimension_semantics = [#tpu.dimension_semantics<arbitrary>], iteration_bounds = array<i64: 20>, scalar_prefetch = 0 : i64, scratch_operands = 0 : i64, tpu.core_type = #tpu.core_type<tc>, window_params = [{transform_indices = @transform_0, window_bounds = array<i64: 512, 128>}, {pipeline_mode = #tpu.pipeline_mode<synchronous>, transform_indices = @transform_1, window_bounds = array<i64: 128, 4096>}, {transform_indices = @transform_2, window_bounds = array<i64: 32, 512, 128>}]} {
    %get3A = arith.constant 0 : index
    %get3A_0 = arith.constant 0 : index
    %get3A_1 = vector.load %arg1[%get3A, %get3A_0] : memref<512x128xf32, #tpu.memory_space<vmem>>, vector<512x128xf32>
    %get3A_2 = arith.constant 0 : index
    %get3A_3 = arith.constant 0 : index
    %get3A_4 = vector.load %arg2[%get3A_2, %get3A_3] : memref<128x4096xf32, #tpu.memory_space<vmem>>, vector<128x1024xf32>
    %dot_general3A = arith.constant dense<0.000000e+00> : vector<512x1024xf32>
    %dot_general3A_5 = tpu.matmul %get3A_1, %get3A_4, %dot_general3A {dimension_numbers = #tpu.dot_dimension_numbers<[1], [0], [0], [1], [0, 0, 1, 1], [], []>, transpose_lhs_hint = false} : vector<512x128xf32>, vector<128x1024xf32>, vector<512x1024xf32> -> vector<512x1024xf32>
    %slice3A = vector.extract_strided_slice %dot_general3A_5 {offsets = [0, 0], sizes = [512, 128], strides = [1, 1]} : vector<512x1024xf32> to vector<512x128xf32>
    %swap3A = arith.constant 0 : index
    %swap3A_6 = arith.constant 0 : index
    %swap3A_7 = arith.constant 0 : index
    %swap3A_8 = vector.load %arg3[%swap3A, %swap3A_6, %swap3A_7] : memref<32x512x128xf32, #tpu.memory_space<vmem>>, vector<1x512x128xf32>
    %swap3A_9 = vector.shape_cast %swap3A_8 : vector<1x512x128xf32> to vector<512x128xf32>
    %swap3A_10 = vector.shape_cast %slice3A : vector<512x128xf32> to vector<1x512x128xf32>
    tpu.vector_store %arg3[%swap3A, %swap3A_6, %swap3A_7], %swap3A_10 {strides = array<i32>} : memref<32x512x128xf32, #tpu.memory_space<vmem>>, vector<1x512x128xf32>,
    %slice3A_11 = vector.extract_strided_slice %dot_general3A_5 {offsets = [0, 128], sizes = [512, 128], strides = [1, 1]} : vector<512x1024xf32> to vector<512x128xf32>
    %swap3A_12 = arith.constant 1 : index
    %swap3A_13 = arith.constant 0 : index
    %swap3A_14 = arith.constant 0 : index
    %swap3A_15 = vector.load %arg3[%swap3A_12, %swap3A_13, %swap3A_14] : memref<32x512x128xf32, #tpu.memory_space<vmem>>, vector<1x512x128xf32>
    %swap3A_16 = vector.shape_cast %swap3A_15 : vector<1x512x128xf32> to vector<512x128xf32>
    %swap3A_17 = vector.shape_cast %slice3A_11 : vector<512x128xf32> to vector<1x512x128xf32>
    tpu.vector_store %arg3[%swap3A_12, %swap3A_13, %swap3A_14], %swap3A_17 {strides = array<i32>} : memref<32x512x128xf32, #tpu.memory_space<vmem>>, vector<1x512x128xf32>,
    %slice3A_18 = vector.extract_strided_slice %dot_general3A_5 {offsets = [0, 256], sizes = [512, 128], strides = [1, 1]} : vector<512x1024xf32> to vector<512x128xf32>
    %swap3A_19 = arith.constant 2 : index
    %swap3A_20 = arith.constant 0 : index
    %swap3A_21 = arith.constant 0 : index
    %swap3A_22 = vector.load %arg3[%swap3A_19, %swap3A_20, %swap3A_21] : memref<32x512x128xf32, #tpu.memory_space<vmem>>, vector<1x512x128xf32>
    %swap3A_23 = vector.shape_cast %swap3A_22 : vector<1x512x128xf32> to vector<512x128xf32>
    %swap3A_24 = vector.shape_cast %slice3A_18 : vector<512x128xf32> to vector<1x512x128xf32>
    tpu.vector_store %arg3[%swap3A_19, %swap3A_20, %swap3A_21], %swap3A_24 {strides = array<i32>} : memref<32x512x128xf32, #tpu.memory_space<vmem>>, vector<1x512x128xf32>,
    %slice3A_25 = vector.extract_strided_slice %dot_general3A_5 {offsets = [0, 384], sizes = [512, 128], strides = [1, 1]} : vector<512x1024xf32> to vector<512x128xf32>
    %swap3A_26 = arith.constant 3 : index
    %swap3A_27 = arith.constant 0 : index
    %swap3A_28 = arith.constant 0 : index
    %swap3A_29 = vector.load %arg3[%swap3A_26, %swap3A_27, %swap3A_28] : memref<32x512x128xf32, #tpu.memory_space<vmem>>, vector<1x512x128xf32>
    %swap3A_30 = vector.shape_cast %swap3A_29 : vector<1x512x128xf32> to vector<512x128xf32>
    %swap3A_31 = vector.shape_cast %slice3A_25 : vector<512x128xf32> to vector<1x512x128xf32>
    tpu.vector_store %arg3[%swap3A_26, %swap3A_27, %swap3A_28], %swap3A_31 {strides = array<i32>} : memref<32x512x128xf32, #tpu.memory_space<vmem>>, vector<1x512x128xf32>,
    %slice3A_32 = vector.extract_strided_slice %dot_general3A_5 {offsets = [0, 512], sizes = [512, 128], strides = [1, 1]} : vector<512x1024xf32> to vector<512x128xf32>
    %swap3A_33 = arith.constant 4 : index
    %swap3A_34 = arith.constant 0 : index
    %swap3A_35 = arith.constant 0 : index
    %swap3A_36 = vector.load %arg3[%swap3A_33, %swap3A_34, %swap3A_35] : memref<32x512x128xf32, #tpu.memory_space<vmem>>, vector<1x512x128xf32>
    %swap3A_37 = vector.shape_cast %swap3A_36 : vector<1x512x128xf32> to vector<512x128xf32>
    %swap3A_38 = vector.shape_cast %slice3A_32 : vector<512x128xf32> to vector<1x512x128xf32>
    tpu.vector_store %arg3[%swap3A_33, %swap3A_34, %swap3A_35], %swap3A_38 {strides = array<i32>} : memref<32x512x128xf32, #tpu.memory_space<vmem>>, vector<1x512x128xf32>,
    %slice3A_39 = vector.extract_strided_slice %dot_general3A_5 {offsets = [0, 640], sizes = [512, 128], strides = [1, 1]} : vector<512x1024xf32> to vector<512x128xf32>
    %swap3A_40 = arith.constant 5 : index
    %swap3A_41 = arith.constant 0 : index
    %swap3A_42 = arith.constant 0 : index
    %swap3A_43 = vector.load %arg3[%swap3A_40, %swap3A_41, %swap3A_42] : memref<32x512x128xf32, #tpu.memory_space<vmem>>, vector<1x512x128xf32>
    %swap3A_44 = vector.shape_cast %swap3A_43 : vector<1x512x128xf32> to vector<512x128xf32>
    %swap3A_45 = vector.shape_cast %slice3A_39 : vector<512x128xf32> to vector<1x512x128xf32>
    tpu.vector_store %arg3[%swap3A_40, %swap3A_41, %swap3A_42], %swap3A_45 {strides = array<i32>} : memref<32x512x128xf32, #tpu.memory_space<vmem>>, vector<1x512x128xf32>,
    %slice3A_46 = vector.extract_strided_slice %dot_general3A_5 {offsets = [0, 768], sizes = [512, 128], strides = [1, 1]} : vector<512x1024xf32> to vector<512x128xf32>
    %swap3A_47 = arith.constant 6 : index
    %swap3A_48 = arith.constant 0 : index
    %swap3A_49 = arith.constant 0 : index
    %swap3A_50 = vector.load %arg3[%swap3A_47, %swap3A_48, %swap3A_49] : memref<32x512x128xf32, #tpu.memory_space<vmem>>, vector<1x512x128xf32>
    %swap3A_51 = vector.shape_cast %swap3A_50 : vector<1x512x128xf32> to vector<512x128xf32>
    %swap3A_52 = vector.shape_cast %slice3A_46 : vector<512x128xf32> to vector<1x512x128xf32>
    tpu.vector_store %arg3[%swap3A_47, %swap3A_48, %swap3A_49], %swap3A_52 {strides = array<i32>} : memref<32x512x128xf32, #tpu.memory_space<vmem>>, vector<1x512x128xf32>,
    %slice3A_53 = vector.extract_strided_slice %dot_general3A_5 {offsets = [0, 896], sizes = [512, 128], strides = [1, 1]} : vector<512x1024xf32> to vector<512x128xf32>
    %swap3A_54 = arith.constant 7 : index
    %swap3A_55 = arith.constant 0 : index
    %swap3A_56 = arith.constant 0 : index
    %swap3A_57 = vector.load %arg3[%swap3A_54, %swap3A_55, %swap3A_56] : memref<32x512x128xf32, #tpu.memory_space<vmem>>, vector<1x512x128xf32>
    %swap3A_58 = vector.shape_cast %swap3A_57 : vector<1x512x128xf32> to vector<512x128xf32>
    %swap3A_59 = vector.shape_cast %slice3A_53 : vector<512x128xf32> to vector<1x512x128xf32>
    tpu.vector_store %arg3[%swap3A_54, %swap3A_55, %swap3A_56], %swap3A_59 {strides = array<i32>} : memref<32x512x128xf32, #tpu.memory_space<vmem>>, vector<1x512x128xf32>,
    %get3A_60 = arith.constant 0 : index
    %get3A_61 = arith.constant 1024 : index
    %get3A_62 = vector.load %arg2[%get3A_60, %get3A_61] : memref<128x4096xf32, #tpu.memory_space<vmem>>, vector<128x1024xf32>
    %dot_general3A_63 = arith.constant dense<0.000000e+00> : vector<512x1024xf32>
    %dot_general3A_64 = tpu.matmul %get3A_1, %get3A_62, %dot_general3A_63 {dimension_numbers = #tpu.dot_dimension_numbers<[1], [0], [0], [1], [0, 0, 1, 1], [], []>, transpose_lhs_hint = false} : vector<512x128xf32>, vector<128x1024xf32>, vector<512x1024xf32> -> vector<512x1024xf32>
    %slice3A_65 = vector.extract_strided_slice %dot_general3A_64 {offsets = [0, 0], sizes = [512, 128], strides = [1, 1]} : vector<512x1024xf32> to vector<512x128xf32>
    %swap3A_66 = arith.constant 8 : index
    %swap3A_67 = arith.constant 0 : index
    %swap3A_68 = arith.constant 0 : index
    %swap3A_69 = vector.load %arg3[%swap3A_66, %swap3A_67, %swap3A_68] : memref<32x512x128xf32, #tpu.memory_space<vmem>>, vector<1x512x128xf32>
    %swap3A_70 = vector.shape_cast %swap3A_69 : vector<1x512x128xf32> to vector<512x128xf32>
    %swap3A_71 = vector.shape_cast %slice3A_65 : vector<512x128xf32> to vector<1x512x128xf32>
    tpu.vector_store %arg3[%swap3A_66, %swap3A_67, %swap3A_68], %swap3A_71 {strides = array<i32>} : memref<32x512x128xf32, #tpu.memory_space<vmem>>, vector<1x512x128xf32>,
    %slice3A_72 = vector.extract_strided_slice %dot_general3A_64 {offsets = [0, 128], sizes = [512, 128], strides = [1, 1]} : vector<512x1024xf32> to vector<512x128xf32>
    %swap3A_73 = arith.constant 9 : index
    %swap3A_74 = arith.constant 0 : index
    %swap3A_75 = arith.constant 0 : index
    %swap3A_76 = vector.load %arg3[%swap3A_73, %swap3A_74, %swap3A_75] : memref<32x512x128xf32, #tpu.memory_space<vmem>>, vector<1x512x128xf32>
    %swap3A_77 = vector.shape_cast %swap3A_76 : vector<1x512x128xf32> to vector<512x128xf32>
    %swap3A_78 = vector.shape_cast %slice3A_72 : vector<512x128xf32> to vector<1x512x128xf32>
    tpu.vector_store %arg3[%swap3A_73, %swap3A_74, %swap3A_75], %swap3A_78 {strides = array<i32>} : memref<32x512x128xf32, #tpu.memory_space<vmem>>, vector<1x512x128xf32>,
    %slice3A_79 = vector.extract_strided_slice %dot_general3A_64 {offsets = [0, 256], sizes = [512, 128], strides = [1, 1]} : vector<512x1024xf32> to vector<512x128xf32>
    %swap3A_80 = arith.constant 10 : index
    %swap3A_81 = arith.constant 0 : index
    %swap3A_82 = arith.constant 0 : index
    %swap3A_83 = vector.load %arg3[%swap3A_80, %swap3A_81, %swap3A_82] : memref<32x512x128xf32, #tpu.memory_space<vmem>>, vector<1x512x128xf32>
    %swap3A_84 = vector.shape_cast %swap3A_83 : vector<1x512x128xf32> to vector<512x128xf32>
    %swap3A_85 = vector.shape_cast %slice3A_79 : vector<512x128xf32> to vector<1x512x128xf32>
    tpu.vector_store %arg3[%swap3A_80, %swap3A_81, %swap3A_82], %swap3A_85 {strides = array<i32>} : memref<32x512x128xf32, #tpu.memory_space<vmem>>, vector<1x512x128xf32>,
    %slice3A_86 = vector.extract_strided_slice %dot_general3A_64 {offsets = [0, 384], sizes = [512, 128], strides = [1, 1]} : vector<512x1024xf32> to vector<512x128xf32>
    %swap3A_87 = arith.constant 11 : index
    %swap3A_88 = arith.constant 0 : index
    %swap3A_89 = arith.constant 0 : index
    %swap3A_90 = vector.load %arg3[%swap3A_87, %swap3A_88, %swap3A_89] : memref<32x512x128xf32, #tpu.memory_space<vmem>>, vector<1x512x128xf32>
    %swap3A_91 = vector.shape_cast %swap3A_90 : vector<1x512x128xf32> to vector<512x128xf32>
    %swap3A_92 = vector.shape_cast %slice3A_86 : vector<512x128xf32> to vector<1x512x128xf32>
    tpu.vector_store %arg3[%swap3A_87, %swap3A_88, %swap3A_89], %swap3A_92 {strides = array<i32>} : memref<32x512x128xf32, #tpu.memory_space<vmem>>, vector<1x512x128xf32>,
    %slice3A_93 = vector.extract_strided_slice %dot_general3A_64 {offsets = [0, 512], sizes = [512, 128], strides = [1, 1]} : vector<512x1024xf32> to vector<512x128xf32>
    %swap3A_94 = arith.constant 12 : index
    %swap3A_95 = arith.constant 0 : index
    %swap3A_96 = arith.constant 0 : index
    %swap3A_97 = vector.load %arg3[%swap3A_94, %swap3A_95, %swap3A_96] : memref<32x512x128xf32, #tpu.memory_space<vmem>>, vector<1x512x128xf32>
    %swap3A_98 = vector.shape_cast %swap3A_97 : vector<1x512x128xf32> to vector<512x128xf32>
    %swap3A_99 = vector.shape_cast %slice3A_93 : vector<512x128xf32> to vector<1x512x128xf32>
    tpu.vector_store %arg3[%swap3A_94, %swap3A_95, %swap3A_96], %swap3A_99 {strides = array<i32>} : memref<32x512x128xf32, #tpu.memory_space<vmem>>, vector<1x512x128xf32>,
    %slice3A_100 = vector.extract_strided_slice %dot_general3A_64 {offsets = [0, 640], sizes = [512, 128], strides = [1, 1]} : vector<512x1024xf32> to vector<512x128xf32>
    %swap3A_101 = arith.constant 13 : index
    %swap3A_102 = arith.constant 0 : index
    %swap3A_103 = arith.constant 0 : index
    %swap3A_104 = vector.load %arg3[%swap3A_101, %swap3A_102, %swap3A_103] : memref<32x512x128xf32, #tpu.memory_space<vmem>>, vector<1x512x128xf32>
    %swap3A_105 = vector.shape_cast %swap3A_104 : vector<1x512x128xf32> to vector<512x128xf32>
    %swap3A_106 = vector.shape_cast %slice3A_100 : vector<512x128xf32> to vector<1x512x128xf32>
    tpu.vector_store %arg3[%swap3A_101, %swap3A_102, %swap3A_103], %swap3A_106 {strides = array<i32>} : memref<32x512x128xf32, #tpu.memory_space<vmem>>, vector<1x512x128xf32>,
    %slice3A_107 = vector.extract_strided_slice %dot_general3A_64 {offsets = [0, 768], sizes = [512, 128], strides = [1, 1]} : vector<512x1024xf32> to vector<512x128xf32>
    %swap3A_108 = arith.constant 14 : index
    %swap3A_109 = arith.constant 0 : index
    %swap3A_110 = arith.constant 0 : index
    %swap3A_111 = vector.load %arg3[%swap3A_108, %swap3A_109, %swap3A_110] : memref<32x512x128xf32, #tpu.memory_space<vmem>>, vector<1x512x128xf32>
    %swap3A_112 = vector.shape_cast %swap3A_111 : vector<1x512x128xf32> to vector<512x128xf32>
    %swap3A_113 = vector.shape_cast %slice3A_107 : vector<512x128xf32> to vector<1x512x128xf32>
    tpu.vector_store %arg3[%swap3A_108, %swap3A_109, %swap3A_110], %swap3A_113 {strides = array<i32>} : memref<32x512x128xf32, #tpu.memory_space<vmem>>, vector<1x512x128xf32>,
    %slice3A_114 = vector.extract_strided_slice %dot_general3A_64 {offsets = [0, 896], sizes = [512, 128], strides = [1, 1]} : vector<512x1024xf32> to vector<512x128xf32>
    %swap3A_115 = arith.constant 15 : index
    %swap3A_116 = arith.constant 0 : index
    %swap3A_117 = arith.constant 0 : index
    %swap3A_118 = vector.load %arg3[%swap3A_115, %swap3A_116, %swap3A_117] : memref<32x512x128xf32, #tpu.memory_space<vmem>>, vector<1x512x128xf32>
    %swap3A_119 = vector.shape_cast %swap3A_118 : vector<1x512x128xf32> to vector<512x128xf32>
    %swap3A_120 = vector.shape_cast %slice3A_114 : vector<512x128xf32> to vector<1x512x128xf32>
    tpu.vector_store %arg3[%swap3A_115, %swap3A_116, %swap3A_117], %swap3A_120 {strides = array<i32>} : memref<32x512x128xf32, #tpu.memory_space<vmem>>, vector<1x512x128xf32>,
    %get3A_121 = arith.constant 0 : index
    %get3A_122 = arith.constant 2048 : index
    %get3A_123 = vector.load %arg2[%get3A_121, %get3A_122] : memref<128x4096xf32, #tpu.memory_space<vmem>>, vector<128x1024xf32>
    %dot_general3A_124 = arith.constant dense<0.000000e+00> : vector<512x1024xf32>
    %dot_general3A_125 = tpu.matmul %get3A_1, %get3A_123, %dot_general3A_124 {dimension_numbers = #tpu.dot_dimension_numbers<[1], [0], [0], [1], [0, 0, 1, 1], [], []>, transpose_lhs_hint = false} : vector<512x128xf32>, vector<128x1024xf32>, vector<512x1024xf32> -> vector<512x1024xf32>
    %slice3A_126 = vector.extract_strided_slice %dot_general3A_125 {offsets = [0, 0], sizes = [512, 128], strides = [1, 1]} : vector<512x1024xf32> to vector<512x128xf32>
    %swap3A_127 = arith.constant 16 : index
    %swap3A_128 = arith.constant 0 : index
    %swap3A_129 = arith.constant 0 : index
    %swap3A_130 = vector.load %arg3[%swap3A_127, %swap3A_128, %swap3A_129] : memref<32x512x128xf32, #tpu.memory_space<vmem>>, vector<1x512x128xf32>
    %swap3A_131 = vector.shape_cast %swap3A_130 : vector<1x512x128xf32> to vector<512x128xf32>
    %swap3A_132 = vector.shape_cast %slice3A_126 : vector<512x128xf32> to vector<1x512x128xf32>
    tpu.vector_store %arg3[%swap3A_127, %swap3A_128, %swap3A_129], %swap3A_132 {strides = array<i32>} : memref<32x512x128xf32, #tpu.memory_space<vmem>>, vector<1x512x128xf32>,
    %slice3A_133 = vector.extract_strided_slice %dot_general3A_125 {offsets = [0, 128], sizes = [512, 128], strides = [1, 1]} : vector<512x1024xf32> to vector<512x128xf32>
    %swap3A_134 = arith.constant 17 : index
    %swap3A_135 = arith.constant 0 : index
    %swap3A_136 = arith.constant 0 : index
    %swap3A_137 = vector.load %arg3[%swap3A_134, %swap3A_135, %swap3A_136] : memref<32x512x128xf32, #tpu.memory_space<vmem>>, vector<1x512x128xf32>
    %swap3A_138 = vector.shape_cast %swap3A_137 : vector<1x512x128xf32> to vector<512x128xf32>
    %swap3A_139 = vector.shape_cast %slice3A_133 : vector<512x128xf32> to vector<1x512x128xf32>
    tpu.vector_store %arg3[%swap3A_134, %swap3A_135, %swap3A_136], %swap3A_139 {strides = array<i32>} : memref<32x512x128xf32, #tpu.memory_space<vmem>>, vector<1x512x128xf32>,
    %slice3A_140 = vector.extract_strided_slice %dot_general3A_125 {offsets = [0, 256], sizes = [512, 128], strides = [1, 1]} : vector<512x1024xf32> to vector<512x128xf32>
    %swap3A_141 = arith.constant 18 : index
    %swap3A_142 = arith.constant 0 : index
    %swap3A_143 = arith.constant 0 : index
    %swap3A_144 = vector.load %arg3[%swap3A_141, %swap3A_142, %swap3A_143] : memref<32x512x128xf32, #tpu.memory_space<vmem>>, vector<1x512x128xf32>
    %swap3A_145 = vector.shape_cast %swap3A_144 : vector<1x512x128xf32> to vector<512x128xf32>
    %swap3A_146 = vector.shape_cast %slice3A_140 : vector<512x128xf32> to vector<1x512x128xf32>
    tpu.vector_store %arg3[%swap3A_141, %swap3A_142, %swap3A_143], %swap3A_146 {strides = array<i32>} : memref<32x512x128xf32, #tpu.memory_space<vmem>>, vector<1x512x128xf32>,
    %slice3A_147 = vector.extract_strided_slice %dot_general3A_125 {offsets = [0, 384], sizes = [512, 128], strides = [1, 1]} : vector<512x1024xf32> to vector<512x128xf32>
    %swap3A_148 = arith.constant 19 : index
    %swap3A_149 = arith.constant 0 : index
    %swap3A_150 = arith.constant 0 : index
    %swap3A_151 = vector.load %arg3[%swap3A_148, %swap3A_149, %swap3A_150] : memref<32x512x128xf32, #tpu.memory_space<vmem>>, vector<1x512x128xf32>
    %swap3A_152 = vector.shape_cast %swap3A_151 : vector<1x512x128xf32> to vector<512x128xf32>
    %swap3A_153 = vector.shape_cast %slice3A_147 : vector<512x128xf32> to vector<1x512x128xf32>
    tpu.vector_store %arg3[%swap3A_148, %swap3A_149, %swap3A_150], %swap3A_153 {strides = array<i32>} : memref<32x512x128xf32, #tpu.memory_space<vmem>>, vector<1x512x128xf32>,
    %slice3A_154 = vector.extract_strided_slice %dot_general3A_125 {offsets = [0, 512], sizes = [512, 128], strides = [1, 1]} : vector<512x1024xf32> to vector<512x128xf32>
    %swap3A_155 = arith.constant 20 : index
    %swap3A_156 = arith.constant 0 : index
    %swap3A_157 = arith.constant 0 : index
    %swap3A_158 = vector.load %arg3[%swap3A_155, %swap3A_156, %swap3A_157] : memref<32x512x128xf32, #tpu.memory_space<vmem>>, vector<1x512x128xf32>
    %swap3A_159 = vector.shape_cast %swap3A_158 : vector<1x512x128xf32> to vector<512x128xf32>
    %swap3A_160 = vector.shape_cast %slice3A_154 : vector<512x128xf32> to vector<1x512x128xf32>
    tpu.vector_store %arg3[%swap3A_155, %swap3A_156, %swap3A_157], %swap3A_160 {strides = array<i32>} : memref<32x512x128xf32, #tpu.memory_space<vmem>>, vector<1x512x128xf32>,
    %slice3A_161 = vector.extract_strided_slice %dot_general3A_125 {offsets = [0, 640], sizes = [512, 128], strides = [1, 1]} : vector<512x1024xf32> to vector<512x128xf32>
    %swap3A_162 = arith.constant 21 : index
    %swap3A_163 = arith.constant 0 : index
    %swap3A_164 = arith.constant 0 : index
    %swap3A_165 = vector.load %arg3[%swap3A_162, %swap3A_163, %swap3A_164] : memref<32x512x128xf32, #tpu.memory_space<vmem>>, vector<1x512x128xf32>
    %swap3A_166 = vector.shape_cast %swap3A_165 : vector<1x512x128xf32> to vector<512x128xf32>
    %swap3A_167 = vector.shape_cast %slice3A_161 : vector<512x128xf32> to vector<1x512x128xf32>
    tpu.vector_store %arg3[%swap3A_162, %swap3A_163, %swap3A_164], %swap3A_167 {strides = array<i32>} : memref<32x512x128xf32, #tpu.memory_space<vmem>>, vector<1x512x128xf32>,
    %slice3A_168 = vector.extract_strided_slice %dot_general3A_125 {offsets = [0, 768], sizes = [512, 128], strides = [1, 1]} : vector<512x1024xf32> to vector<512x128xf32>
    %swap3A_169 = arith.constant 22 : index
    %swap3A_170 = arith.constant 0 : index
    %swap3A_171 = arith.constant 0 : index
    %swap3A_172 = vector.load %arg3[%swap3A_169, %swap3A_170, %swap3A_171] : memref<32x512x128xf32, #tpu.memory_space<vmem>>, vector<1x512x128xf32>
    %swap3A_173 = vector.shape_cast %swap3A_172 : vector<1x512x128xf32> to vector<512x128xf32>
    %swap3A_174 = vector.shape_cast %slice3A_168 : vector<512x128xf32> to vector<1x512x128xf32>
    tpu.vector_store %arg3[%swap3A_169, %swap3A_170, %swap3A_171], %swap3A_174 {strides = array<i32>} : memref<32x512x128xf32, #tpu.memory_space<vmem>>, vector<1x512x128xf32>,
    %slice3A_175 = vector.extract_strided_slice %dot_general3A_125 {offsets = [0, 896], sizes = [512, 128], strides = [1, 1]} : vector<512x1024xf32> to vector<512x128xf32>
    %swap3A_176 = arith.constant 23 : index
    %swap3A_177 = arith.constant 0 : index
    %swap3A_178 = arith.constant 0 : index
    %swap3A_179 = vector.load %arg3[%swap3A_176, %swap3A_177, %swap3A_178] : memref<32x512x128xf32, #tpu.memory_space<vmem>>, vector<1x512x128xf32>
    %swap3A_180 = vector.shape_cast %swap3A_179 : vector<1x512x128xf32> to vector<512x128xf32>
    %swap3A_181 = vector.shape_cast %slice3A_175 : vector<512x128xf32> to vector<1x512x128xf32>
    tpu.vector_store %arg3[%swap3A_176, %swap3A_177, %swap3A_178], %swap3A_181 {strides = array<i32>} : memref<32x512x128xf32, #tpu.memory_space<vmem>>, vector<1x512x128xf32>,
    %get3A_182 = arith.constant 0 : index
    %get3A_183 = arith.constant 3072 : index
    %get3A_184 = vector.load %arg2[%get3A_182, %get3A_183] : memref<128x4096xf32, #tpu.memory_space<vmem>>, vector<128x1024xf32>
    %dot_general3A_185 = arith.constant dense<0.000000e+00> : vector<512x1024xf32>
    %dot_general3A_186 = tpu.matmul %get3A_1, %get3A_184, %dot_general3A_185 {dimension_numbers = #tpu.dot_dimension_numbers<[1], [0], [0], [1], [0, 0, 1, 1], [], []>, transpose_lhs_hint = false} : vector<512x128xf32>, vector<128x1024xf32>, vector<512x1024xf32> -> vector<512x1024xf32>
    %slice3A_187 = vector.extract_strided_slice %dot_general3A_186 {offsets = [0, 0], sizes = [512, 128], strides = [1, 1]} : vector<512x1024xf32> to vector<512x128xf32>
    %swap3A_188 = arith.constant 24 : index
    %swap3A_189 = arith.constant 0 : index
    %swap3A_190 = arith.constant 0 : index
    %swap3A_191 = vector.load %arg3[%swap3A_188, %swap3A_189, %swap3A_190] : memref<32x512x128xf32, #tpu.memory_space<vmem>>, vector<1x512x128xf32>
    %swap3A_192 = vector.shape_cast %swap3A_191 : vector<1x512x128xf32> to vector<512x128xf32>
    %swap3A_193 = vector.shape_cast %slice3A_187 : vector<512x128xf32> to vector<1x512x128xf32>
    tpu.vector_store %arg3[%swap3A_188, %swap3A_189, %swap3A_190], %swap3A_193 {strides = array<i32>} : memref<32x512x128xf32, #tpu.memory_space<vmem>>, vector<1x512x128xf32>,
    %slice3A_194 = vector.extract_strided_slice %dot_general3A_186 {offsets = [0, 128], sizes = [512, 128], strides = [1, 1]} : vector<512x1024xf32> to vector<512x128xf32>
    %swap3A_195 = arith.constant 25 : index
    %swap3A_196 = arith.constant 0 : index
    %swap3A_197 = arith.constant 0 : index
    %swap3A_198 = vector.load %arg3[%swap3A_195, %swap3A_196, %swap3A_197] : memref<32x512x128xf32, #tpu.memory_space<vmem>>, vector<1x512x128xf32>
    %swap3A_199 = vector.shape_cast %swap3A_198 : vector<1x512x128xf32> to vector<512x128xf32>
    %swap3A_200 = vector.shape_cast %slice3A_194 : vector<512x128xf32> to vector<1x512x128xf32>
    tpu.vector_store %arg3[%swap3A_195, %swap3A_196, %swap3A_197], %swap3A_200 {strides = array<i32>} : memref<32x512x128xf32, #tpu.memory_space<vmem>>, vector<1x512x128xf32>,
    %slice3A_201 = vector.extract_strided_slice %dot_general3A_186 {offsets = [0, 256], sizes = [512, 128], strides = [1, 1]} : vector<512x1024xf32> to vector<512x128xf32>
    %swap3A_202 = arith.constant 26 : index
    %swap3A_203 = arith.constant 0 : index
    %swap3A_204 = arith.constant 0 : index
    %swap3A_205 = vector.load %arg3[%swap3A_202, %swap3A_203, %swap3A_204] : memref<32x512x128xf32, #tpu.memory_space<vmem>>, vector<1x512x128xf32>
    %swap3A_206 = vector.shape_cast %swap3A_205 : vector<1x512x128xf32> to vector<512x128xf32>
    %swap3A_207 = vector.shape_cast %slice3A_201 : vector<512x128xf32> to vector<1x512x128xf32>
    tpu.vector_store %arg3[%swap3A_202, %swap3A_203, %swap3A_204], %swap3A_207 {strides = array<i32>} : memref<32x512x128xf32, #tpu.memory_space<vmem>>, vector<1x512x128xf32>,
    %slice3A_208 = vector.extract_strided_slice %dot_general3A_186 {offsets = [0, 384], sizes = [512, 128], strides = [1, 1]} : vector<512x1024xf32> to vector<512x128xf32>
    %swap3A_209 = arith.constant 27 : index
    %swap3A_210 = arith.constant 0 : index
    %swap3A_211 = arith.constant 0 : index
    %swap3A_212 = vector.load %arg3[%swap3A_209, %swap3A_210, %swap3A_211] : memref<32x512x128xf32, #tpu.memory_space<vmem>>, vector<1x512x128xf32>
    %swap3A_213 = vector.shape_cast %swap3A_212 : vector<1x512x128xf32> to vector<512x128xf32>
    %swap3A_214 = vector.shape_cast %slice3A_208 : vector<512x128xf32> to vector<1x512x128xf32>
    tpu.vector_store %arg3[%swap3A_209, %swap3A_210, %swap3A_211], %swap3A_214 {strides = array<i32>} : memref<32x512x128xf32, #tpu.memory_space<vmem>>, vector<1x512x128xf32>,
    %slice3A_215 = vector.extract_strided_slice %dot_general3A_186 {offsets = [0, 512], sizes = [512, 128], strides = [1, 1]} : vector<512x1024xf32> to vector<512x128xf32>
    %swap3A_216 = arith.constant 28 : index
    %swap3A_217 = arith.constant 0 : index
    %swap3A_218 = arith.constant 0 : index
    %swap3A_219 = vector.load %arg3[%swap3A_216, %swap3A_217, %swap3A_218] : memref<32x512x128xf32, #tpu.memory_space<vmem>>, vector<1x512x128xf32>
    %swap3A_220 = vector.shape_cast %swap3A_219 : vector<1x512x128xf32> to vector<512x128xf32>
    %swap3A_221 = vector.shape_cast %slice3A_215 : vector<512x128xf32> to vector<1x512x128xf32>
    tpu.vector_store %arg3[%swap3A_216, %swap3A_217, %swap3A_218], %swap3A_221 {strides = array<i32>} : memref<32x512x128xf32, #tpu.memory_space<vmem>>, vector<1x512x128xf32>,
    %slice3A_222 = vector.extract_strided_slice %dot_general3A_186 {offsets = [0, 640], sizes = [512, 128], strides = [1, 1]} : vector<512x1024xf32> to vector<512x128xf32>
    %swap3A_223 = arith.constant 29 : index
    %swap3A_224 = arith.constant 0 : index
    %swap3A_225 = arith.constant 0 : index
    %swap3A_226 = vector.load %arg3[%swap3A_223, %swap3A_224, %swap3A_225] : memref<32x512x128xf32, #tpu.memory_space<vmem>>, vector<1x512x128xf32>
    %swap3A_227 = vector.shape_cast %swap3A_226 : vector<1x512x128xf32> to vector<512x128xf32>
    %swap3A_228 = vector.shape_cast %slice3A_222 : vector<512x128xf32> to vector<1x512x128xf32>
    tpu.vector_store %arg3[%swap3A_223, %swap3A_224, %swap3A_225], %swap3A_228 {strides = array<i32>} : memref<32x512x128xf32, #tpu.memory_space<vmem>>, vector<1x512x128xf32>,
    %slice3A_229 = vector.extract_strided_slice %dot_general3A_186 {offsets = [0, 768], sizes = [512, 128], strides = [1, 1]} : vector<512x1024xf32> to vector<512x128xf32>
    %swap3A_230 = arith.constant 30 : index
    %swap3A_231 = arith.constant 0 : index
    %swap3A_232 = arith.constant 0 : index
    %swap3A_233 = vector.load %arg3[%swap3A_230, %swap3A_231, %swap3A_232] : memref<32x512x128xf32, #tpu.memory_space<vmem>>, vector<1x512x128xf32>
    %swap3A_234 = vector.shape_cast %swap3A_233 : vector<1x512x128xf32> to vector<512x128xf32>
    %swap3A_235 = vector.shape_cast %slice3A_229 : vector<512x128xf32> to vector<1x512x128xf32>
    tpu.vector_store %arg3[%swap3A_230, %swap3A_231, %swap3A_232], %swap3A_235 {strides = array<i32>} : memref<32x512x128xf32, #tpu.memory_space<vmem>>, vector<1x512x128xf32>,
    %slice3A_236 = vector.extract_strided_slice %dot_general3A_186 {offsets = [0, 896], sizes = [512, 128], strides = [1, 1]} : vector<512x1024xf32> to vector<512x128xf32>
    %swap3A_237 = arith.constant 31 : index
    %swap3A_238 = arith.constant 0 : index
    %swap3A_239 = arith.constant 0 : index
    %swap3A_240 = vector.load %arg3[%swap3A_237, %swap3A_238, %swap3A_239] : memref<32x512x128xf32, #tpu.memory_space<vmem>>, vector<1x512x128xf32>
    %swap3A_241 = vector.shape_cast %swap3A_240 : vector<1x512x128xf32> to vector<512x128xf32>
    %swap3A_242 = vector.shape_cast %slice3A_236 : vector<512x128xf32> to vector<1x512x128xf32>
    tpu.vector_store %arg3[%swap3A_237, %swap3A_238, %swap3A_239], %swap3A_242 {strides = array<i32>} : memref<32x512x128xf32, #tpu.memory_space<vmem>>, vector<1x512x128xf32>,
    return
  }
  func.func @transform_0(%arg0: i32) -> (i32, i32) {
    %c0_i32 = arith.constant 0 : i32
    %c0_i32_0 = arith.constant 0 : i32
    return %arg0, %c0_i32 : i32, i32
  }
  func.func @transform_1(%arg0: i32) -> (i32, i32) {
    %c0_i32 = arith.constant 0 : i32
    %c0_i32_0 = arith.constant 0 : i32
    %c0_i32_1 = arith.constant 0 : i32
    return %c0_i32, %c0_i32_0 : i32, i32
  }
  func.func @transform_2(%arg0: i32) -> (i32, i32, i32) {
    %c0_i32 = arith.constant 0 : i32
    %c0_i32_0 = arith.constant 0 : i32
    %c0_i32_1 = arith.constant 0 : i32
    return %c0_i32, %arg0, %c0_i32_0 : i32, i32, i32
  }
}

</mosaic_0001>

<sc_bundles>
// kernel: kernel.12.cloned.1.call-start
scs
__scs_entry_jumppad:
0x0: {  	(pc) =	sbr.rel $0x88, $3  }
0x1: {  	(tag) =	ssettag $0x0;
	lr =	simm.s32 $0x1  }
0x2: {  	[smem:$0x3F98] =	sst lr;
	_ =	strace $0xD0000000  }
0x3: {  	_ = 	snop  }
0x4: {  	_ = 	snop  }
0x5: {  	_ = 	snop  }
0x6: {  	_ = 	snop  }
0x7: {  	_ = 	snop  }
__scs_overlays_trampoline_lowered:
0x8: {  	[smem:$0x3FA7] =	sst s0  }
0x9: {  	[smem:$0x3FA8] =	sst s1  }
0xa: {  	[smem:$0x3FA9] =	sst s2  }
0xb: {  	[smem:$0x3FAA] =	sst s3  }
0xc: {  	[smem:$0x3FAB] =	sst s4  }
0xd: {  	[smem:$0x3FAC] =	sst s5  }
0xe: {  	[smem:$0x3FAD] =	sst s6  }
0xf: {  	[smem:$0x3FAE] =	sst s7  }
0x10: {  	[smem:$0x3FAF] =	sst s8  }
0x11: {  	[smem:$0x3FB0] =	sst s9;
	s0 =	simm.s32 @!p0 $0x0  }
0x12: {  	s1 =	sld [smem:$0x3F96];
	s0 =	simm.s32 @p0 $0x1  }
0x13: {  	[smem:$0x3FB1] =	sst s0;
	s0 =	simm.s32 @!p1 $0x0  }
0x14: {  	s2 =	sld [smem:$0x3F95];
	s0 =	simm.s32 @p1 $0x1  }
0x15: {  	[smem:$0x3FB2] =	sst s0;
	s0 =	simm.s32 @!p2 $0x0  }
0x16: {  	s3 =	sld [smem:$0x3FDB];
	s0 =	simm.s32 @p2 $0x1  }
0x17: {  	s4 =	simm.s32 $0x1BF5;
	[smem:$0x3FB4] =	sst s0  }
0x18: {  	s0 =	sld [smem:$0x3F97];
	_ =	swait.ge [sflag:s4], $0x0  }
0x19: {  	s7 =	sld [smem:$0x3F98]  }
0x1a: {  	s8 =	sadd.s32 $0xFFFFE003, lr  }
0x1b: {  	s9 =	sadd.s32 $0xFFFFFEF7, lr;
	s5 =	simm.s32 $0xFFFFFFFF;
	p2 =	slt.u32 s8, $0xFFFFF086  }
0x1c: {  	p1 =	slt.u32 s9, $0xF7A;
	s5 =	simm.s32 @!p2 $0x0  }
0x1d: {  	s5 =	simm.s32 @p1 $0x1;
	p0 =	seq.s32 s7, s2  }
0x1e: {  	s7 =	smul.u32 @!p0 $0xF7A, s2;
	p2 =	seq.s32 @!p0 s5, $0x0  }
0x1f: {  	s9 =	smul.u32 $0xF7A, s1;
	s8 =	simm.s32 @!p0 $0x1BF5;
	p2 =	por !p2, p0  }
0x20: {  	[sflag:s8] =	ssyncset.s32 @!p0 $0xFFFFF086;
	s6 =	sadd.s32 @!p0 s3, s7;
	s7 =	simm.s32 @!p0 $0x108  }
0x21: {  	s3 =	sadd.s32 s3, s9;
	s6 =	sadd.s32 @!p0 $0x88, s6;
	s7 =	simm.s32 @p2 $0x1082  }
0x22: {  	[simem:s7], [sflag:s8] =	dma.local @!p0 [hbm:s6], $0xF7A  }
0x23: {  	s9 =	sor.u32 $0xD0000000, s2;
	s6 =	simm.s32 $0x108;
	_ =	swait.ge @!p0 [sflag:s8], $0x0  }
0x24: {  	s3 =	sadd.s32 $0x88, s3;
	s6 =	simm.s32 @!p1 $0x1082;
	[sflag:s4] =	ssyncset.s32 $0xFFFFF086  }
0x25: {  	[simem:s6], [sflag:s4] =	dma.local [hbm:s3], $0xF7A  }
0x26: {  	[smem:$0x3F98] =	sst s1;
	(tag) =	ssettag s2;
	_ =	strace s9  }
0x27: {  	s1 =	sld [smem:$0x3FA8]  }
0x28: {  	s2 =	sld [smem:$0x3FA9]  }
0x29: {  	s4 =	sld [smem:$0x3FAB]  }
0x2a: {  	p0 =	seq.s32 s5, $0x0;
	s5 =	sld [smem:$0x3FAC]  }
0x2b: {  	s6 =	sld [smem:$0x3FAD]  }
0x2c: {  	s7 =	sld [smem:$0x3FAE]  }
0x2d: {  	s3 =	simm.s32 $0x108;
	s8 =	sld [smem:$0x3FAF]  }
0x2e: {  	s3 =	simm.s32 @!p0 $0x1082;
	s9 =	sld [smem:$0x3FB0]  }
0x2f: {  	lr =	sadd.s32 s0, s3;
	s0 =	sld [smem:$0x3FA7]  }
0x30: {  	s3 =	sld [smem:$0x3FAA]  }
0x31: {  	[smem:$0x3FB3] =	sst s10  }
0x32: {  	s10 =	sld [smem:$0x3FB1];
	_ =	sdelay $0x3  }
0x33: {  	p0 =	seq.s32 s10, $0x1;
	s10 =	sld [smem:$0x3FB3];
	_ =	sdelay $0x3  }
0x34: {  	[smem:$0x3FB3] =	sst s10  }
0x35: {  	s10 =	sld [smem:$0x3FB2];
	_ =	sdelay $0x3  }
0x36: {  	p1 =	seq.s32 s10, $0x1;
	s10 =	sld [smem:$0x3FB3];
	_ =	sdelay $0x3  }
0x37: {  	[smem:$0x3FB3] =	sst s10  }
0x38: {  	s10 =	sld [smem:$0x3FB4]  }
0x39: {  	_ = 	snop;
	(pc) =	sbr.ind lr, $3  }
0x3a: {  	_ = 	snop  }
0x3b: {  	_ = 	snop  }
0x3c: {  	p2 =	seq.s32 s10, $0x1;
	s10 =	sld [smem:$0x3FB3]  }
0x3d: {  	_ =	shalt  }
0x3e: {  	_ =	shalt  }
0x3f: {  	_ =	shalt  }
0x40: {  	_ =	shalt  }
0x41: {  	_ =	shalt  }
0x42: {  	_ =	shalt  }
0x43: {  	_ =	shalt  }
0x44: {  	_ =	shalt  }
0x45: {  	_ =	shalt  }
0x46: {  	_ =	shalt  }
0x47: {  	_ =	shalt  }
0x48: {  	_ =	shalt  }
0x49: {  	_ =	shalt  }
0x4a: {  	_ =	shalt  }
0x4b: {  	_ =	shalt  }
0x4c: {  	_ =	shalt  }
0x4d: {  	_ =	shalt  }
0x4e: {  	_ =	shalt  }
0x4f: {  	_ =	shalt  }
0x50: {  	_ =	shalt  }
0x51: {  	_ =	shalt  }
0x52: {  	_ =	shalt  }
0x53: {  	_ =	shalt  }
0x54: {  	_ =	shalt  }
0x55: {  	_ =	shalt  }
0x56: {  	_ =	shalt  }
0x57: {  	_ =	shalt  }
0x58: {  	_ =	shalt  }
0x59: {  	_ =	shalt  }
0x5a: {  	_ =	shalt  }
0x5b: {  	_ =	shalt  }
0x5c: {  	_ =	shalt  }
0x5d: {  	_ =	shalt  }
0x5e: {  	_ =	shalt  }
0x5f: {  	_ =	shalt  }
0x60: {  	_ =	shalt  }
0x61: {  	_ =	shalt  }
0x62: {  	_ =	shalt  }
0x63: {  	_ =	shalt  }
0x64: {  	_ =	shalt  }
0x65: {  	_ =	shalt  }
0x66: {  	_ =	shalt  }
0x67: {  	_ =	shalt  }
0x68: {  	_ =	shalt  }
0x69: {  	_ =	shalt  }
0x6a: {  	_ =	shalt  }
0x6b: {  	_ =	shalt  }
0x6c: {  	_ =	shalt  }
0x6d: {  	_ =	shalt  }
0x6e: {  	_ =	shalt  }
0x6f: {  	_ =	shalt  }
0x70: {  	_ =	shalt  }
0x71: {  	_ =	shalt  }
0x72: {  	_ =	shalt  }
0x73: {  	_ =	shalt  }
0x74: {  	_ =	shalt  }
0x75: {  	_ =	shalt  }
0x76: {  	_ =	shalt  }
0x77: {  	_ =	shalt  }
0x78: {  	_ =	shalt  }
0x79: {  	_ =	shalt  }
0x7a: {  	_ =	shalt  }
0x7b: {  	_ =	shalt  }
0x7c: {  	_ =	shalt  }
0x7d: {  	_ =	shalt  }
0x7e: {  	_ =	shalt  }
0x7f: {  	_ =	shalt  }
0x80: {  	_ =	shalt  }
0x81: {  	_ =	shalt  }
0x82: {  	_ =	shalt  }
0x83: {  	_ =	shalt  }
0x84: {  	_ =	shalt  }
0x85: {  	_ =	shalt  }
0x86: {  	_ =	shalt  }
0x87: {  	_ =	shalt  }
.Lfunc_end0:
.L_simem_size_0:
called_computation.1_lowered:
.L_overlay_start_0:
0x88: {  	s2 =	sld [smem:$0x3FD9]  }
0x89: {  	s3 =	sld [smem:$0x3FFE];
	_ =	sdelay $0x1  }
0x8a: {  	s1 =	srdreg.scid  }
0x8b: {  	s0 =	sand.u32 $0x1, s1  }
0x8c: {  	s17 =	sshll.u32 s0, $0xA;
	s2 =	sadd.s32 s3, s2  }
0x8d: {  	s2 =	sadd.s32 s2, s17  }
0x8e: {  	[smem:$0x3FBF] =	sst s2  }
0x8f: {  	_ = 	snop  }
0x90: {  	s2 =	sld [smem:$0x3FC5]  }
0x91: {  	s18 =	sld [smem:$0x3FD0];
	(tm) =	ssettm $0x1  }
0x92: {  	s4 =	sld [smem:$0x3FFB];
	_ =	sdelay $0x3  }
0x93: {  	_ =	strace s4  }
0x94: {  	s4 =	sld [smem:$0x3FFC];
	_ =	sdelay $0x3  }
0x95: {  	_ =	strace s4  }
0x96: {  	s4 =	sld [smem:$0x3FFD];
	_ =	sdelay $0x3  }
0x97: {  	_ =	strace s4  }
0x98: {  	_ =	strace $0x8FFFFFFF  }
0x99: {  	s19 =	sld [smem:$0x3FDB];
	_ =	sdelay $0x1  }
0x9a: {  	s5 =	simm.s32 $_scs_section_size  }
0x9b: {  	s6 =	simm.s32 $_size__tile_overlayer_lowered;
	s7 =	simm.s32 $_tile_overlayer_lowered  }
0x9c: {  	s22 =	simm.s32 $0x1BFF;
	s21 =	sshll.u32 s7, $0x1;
	s4 =	sadd.s32 s5, s19  }
0x9d: {  	s8 =	simm.s32 $0x0;
	s20 =	sshll.u32 s6, $0x1;
	s6 =	sadd.s32 s21, s4  }
0x9e: {  	[timem:s8], [sflag:s22] =	dma.local [hbm:s6], s20  }
0x9f: {  	_ =	swait.ge [sflag:s22], s20  }
0xa0: {  	s5 =	ssub.s32 $0x0, s20;
	[sflag:s22] =	ssyncset.done $0x0  }
0xa1: {  	[sflag:s22] =	ssyncadd.s32 s5;
	_ =	sdelay $0x1  }
0xa2: {  	s23 =	simm.s32 $0x1B8B  }
0xa3: {  	_ =	swait.ge [sflag:s23], $0x1  }
0xa4: {  	[sflag:s23] =	ssyncset.done $0x0  }
0xa5: {  	s25 =	simm.s32 $0x1B8E;
	s24 =	sld [smem:$0x3FFE];
	[sflag:s23] =	ssyncadd.s32 $0xFFFFFFFF  }
0xa6: {  	s26 =	simm.s32 $execute0_lowered;
	[smem:$0x3FD2] =	sst s25  }
0xa7: {  	s6 =	sshll.u32 s26, $0x1;
	_ =	strace $0x80000049;
	[dreg:$0x1] =	wrdreg $0xFFFFFFFF  }
0xa8: {  	s28 =	simm.s32 $_size_execute0_lowered;
	s4 =	sadd.s32 s4, s6;
	[dreg:$0x0] =	wrdreg $0x0  }
0xa9: {  	s6 =	sshll.u32 s28, $0x1;
	[dreg:$0x2] =	wrdreg s4  }
0xaa: {  	[dreg:$0x3] =	wrdreg s6  }
0xab: {  	[dreg:$0x4] =	wrdreg $0xC0  }
0xac: {  	_ =	task [dreg:s8], $0x5FFFF  }
0xad: {  	[dreg:$0x1] =	wrdreg $0xFFFFFFFF  }
0xae: {  	[dreg:$0x0] =	wrdreg $0x60  }
0xaf: {  	[dreg:$0x2] =	wrdreg s24  }
0xb0: {  	[dreg:$0x3] =	wrdreg s18  }
0xb1: {  	[dreg:$0x4] =	wrdreg s2  }
0xb2: {  	[dreg:$0x5] =	wrdreg $0x9  }
0xb3: {  	_ =	task.clear_ibuf [dreg:s8], $0x6FFFF;
	_ =	strace $0x90000049  }
0xb4: {  	s29 =	simm.s32 $0x9;
	_ =	strace $0x8000004B  }
0xb5: {  	_ =	swait.ge [sflag:s29], $0x1  }
0xb6: {  	[sflag:s29] =	ssyncadd.s32 $0xFFFFFFFF  }
0xb7: {  	_ =	strace $0x9000004B  }
0xb8: {  	_ =	sfence  }
0xb9: {  	s30 =	sld [smem:$0x0];
	_ =	sdelay $0x2  }
0xba: {  	s31 =	sshll.u32 s1, $0xD;
	s1 =	sshrl.u32 s1, $0x2  }
0xbb: {  	s3 =	sand.u32 $0x4000, s31;
	s1 =	sadd.s32 s1, s30  }
0xbc: {  	s0 =	sor.u32 s3, s0;
	s1 =	sshll.u32 s1, $0x11  }
0xbd: {  	s0 =	sor.u32 s1, s0  }
0xbe: {  	s0 =	sadd.s32 $0x8F2B, s0  }
0xbf: {  	[sflag:s0] =	ssyncadd.remote.s32 $0x1  }
0xc0: {  	_ =	sfence.sel $0xFFFF  }
0xc1: {  	[dreg:$0x0] =	wrdreg $0xFFFFFFFF;
	(pc) =	sbr.abs _section_cstart, $3  }
0xc2: {  	[dreg:$0x1] =	wrdreg $0xFFFFFFFF  }
0xc3: {  	_ =	task.clear_ibuf [dreg:s8], $0x2FFFF;
	_ =	strace $0x9FFFFFFF  }
0xc4: {  	(tm) =	ssettm $0x7FFFFFFF  }
0xc5: {  	_ =	shalt  }
tec
execute0_lowered:
.L_overlay_start_1:
0x0: {  	(tag) =	ssettag $0x1  }
0x1: {  	s5 =	rddreg [dreg:$0x0]  }
0x2: {  	s6 =	rddreg [dreg:$0x1]  }
0x3: {  	s2 =	rddreg [dreg:$0x2]  }
0x4: {  	s0 =	rddreg [dreg:$0x3];
	s4 =	srdreg.scid  }
0x5: {  	s1 =	stileid.u32;
	s3 =	simm.s32 $0x0;
	s13 =	simm.s32 $0x17000  }
0x6: {  	s14 =	simm.s32 $0x5000;
	s15 =	simm.s32 $0x9000;
	s16 =	simm.s32 $0x1  }
0x7: {  	s17 =	simm.s32 $0x2;
	s18 =	simm.s32 $0xD000;
	s19 =	simm.s32 $0x0  }
0x8: {  	s7 =	sand.u32 $0x1, s4;
	s29 =	sshll.u32 s1, $0x1;
	[smem:$0x7FF] =	sst s3  }
0x9: {  	s10 =	sshrl.u32 s1, $0x2;
	s4 =	sadd.s32 $0x3F400, s5;
	s8 =	sor.u32 s7, s29  }
0xa: {  	_ =	strace $0x8000004A;
	s10 =	smul.u32 $0x14000, s10;
	s7 =	ssub.s32 $0x2, s7  }
0xb: {  	s9 =	smul.u32 $0x500, s8;
	s11 =	sshll.u32 s8, $0x7;
	s12 =	sshrl.u32 s7, $0x1  }
0xc: {  	s8 =	smul.u32 $0x1400, s8;
	s11 =	sand.u32 $0x380, s11;
	s30 =	ssub.s32 s7, s12  }
0xd: {  	s12 =	simm.s32 $0x2800;
	s9 =	sadd.s32 s9, s5;
	s10 =	sor.u32 s10, s11  }
0xe: {  	s8 =	sadd.s32 s8, s5;
	s11 =	simm.s32 $0x400;
	s31 =	sshrl.u32 s10, $0x3  }
0xf: {  	s5 =	sadd.s32 $0x35400, s9;
	s7 =	sadd.s32 $0x2800, s8;
	s8 =	smax.u32 s30, $0x1  }
0x10: {  	s9 =	simm.s32 $0x3;
	s10 =	simm.s32 $0x80;
	s6 =	sadd.s32 s6, s31  }
.LBB2_1:
0x11: {  	[tilespmem:s3], [sflag:$0x3] =	stream.linear.gather [hbm4b:s5+s3], $0x2800, $0x38;
	[tilespmem:$0x17080] =	vst v63  }
0x12: {  	_ =	swait.ge [sflag:s9], $0x2800  }
0x13: {  	[sflag:s9] =	ssyncset.done $0x0  }
0x14: {  	[sflag:s9] =	ssyncadd.s32 $0xFFFFD800  }
0x15: {  	[tilespmem:s12], [sflag:$0x3] =	stream.strided.gather [hbm4b:s6+s10], $0x2800, s11, s10, $0x38;
	[tilespmem:$0x17080] =	vst v63  }
0x16: {  	_ =	swait.ge [sflag:s9], $0x2800  }
0x17: {  	[sflag:s9] =	ssyncset.done $0x0  }
0x18: {  	[sflag:s9] =	ssyncadd.s32 $0xFFFFD800  }
0x19: {  	[tilespmem:s13], [sflag:$0x3] =	stream.linear.gather [hbm4b:s2+s3], $0x80, $0x38;
	[tilespmem:$0x17080] =	vst v63  }
0x1a: {  	_ =	swait.ge [sflag:s9], $0x80  }
0x1b: {  	[sflag:s9] =	ssyncset.done $0x0  }
0x1c: {  	[sflag:s9] =	ssyncadd.s32 $0xFFFFFF80  }
0x1d: {  	v49 =	vld [tilespmem:$0x17000]  }
0x1e: {  	v50 =	vld [tilespmem:$0x17010]  }
0x1f: {  	v53 =	vld [tilespmem:$0x17020]  }
0x20: {  	v54 =	vld [tilespmem:$0x17030]  }
0x21: {  	v55 =	vld [tilespmem:$0x17040]  }
0x22: {  	v56 =	vld [tilespmem:$0x17050]  }
0x23: {  	v57 =	vld [tilespmem:$0x17060]  }
0x24: {  	v58 =	vld [tilespmem:$0x17070];
	[tilespmem:s14], [sflag:$0x1] =	stream.indirect.gather [hbm4b:s4+s10], $0x80, s3, s10, $0xb8  }
0x25: {  	[tilespmem:$0x1FF80] =	vst v49  }
0x26: {  	[tilespmem:$0x1FF90] =	vst v50  }
0x27: {  	[tilespmem:$0x1FFA0] =	vst v53  }
0x28: {  	[tilespmem:$0x1FFB0] =	vst v54  }
0x29: {  	[tilespmem:$0x1FFC0] =	vst v55  }
0x2a: {  	[tilespmem:$0x1FFD0] =	vst v56  }
0x2b: {  	[tilespmem:$0x1FFE0] =	vst v57  }
0x2c: {  	s20 =	simm.s32 $0x0;
	s21 =	simm.s32 $0x0;
	[tilespmem:$0x1FFF0] =	vst v58  }
.LBB2_2:
0x2d: {  	s22 =	sshllo.u32 s21, $0x1;
	s23 =	sadd.s32 $0x0, s20  }
0x2e: {  	s24 =	sshll.u32 s22, $0x7;
	v8 =	vmov s23  }
0x2f: {  	[tilespmem:s15], [sflag:$0x2] =	stream.indirect.gather [hbm4b:s4+s10], $0x80, s24, s10, $0xb8;
	[tilespmem:$0x17080] =	vst v63  }
0x30: {  	_ =	swait.ge [sflag:s16], $0x4000  }
0x31: {  	s25 =	sadd.s32 $0x60, s23;
	[sflag:s16] =	ssyncset.done $0x0  }
0x32: {  	s31 =	sadd.s32 $0x20, s23;
	s23 =	sadd.s32 $0x40, s23;
	[sflag:s16] =	ssyncadd.s32 $0xFFFFC000  }
0x33: {  	v11 =	vmov s23;
	s23 =	simm.s32 $0x7000;
	v12 =	vld.idx.msk [tilespmem:v8+s12+$0x0], $0xffff  }
0x34: {  	v8 =	vld [tilespmem:s23+$0x1070]  }
0x35: {  	v14 =	vld [tilespmem:s23+$0xFFFFE010]  }
0x36: {  	v15 =	vld [tilespmem:s23+$0xFFFFE020]  }
0x37: {  	v16 =	vld [tilespmem:s23+$0xFFFFE030]  }
0x38: {  	v17 =	vld [tilespmem:s23+$0xFFFFE040]  }
0x39: {  	v18 =	vld [tilespmem:s23+$0xFFFFE050]  }
0x3a: {  	v19 =	vld [tilespmem:s23+$0xFFFFE060]  }
0x3b: {  	v20 =	vld [tilespmem:s23+$0xFFFFE070]  }
0x3c: {  	v21 =	vld [tilespmem:s23+$0xFFFFF000]  }
0x3d: {  	v13 =	vld.idx.msk [tilespmem:v11+s12+$0x0], $0xffff  }
0x3e: {  	v11 =	vld [tilespmem:s23+$0xFFFFE000]  }
0x3f: {  	v10 =	vmov s31;
	v22 =	vld [tilespmem:s23+$0xFFFFF010]  }
0x40: {  	v9 =	vmov s25;
	v23 =	vld [tilespmem:s23+$0xFFFFF020]  }
0x41: {  	v24 =	vld [tilespmem:s23+$0xFFFFF030]  }
0x42: {  	v25 =	vld [tilespmem:s23+$0xFFFFF040];
	v14 =	vmul.f32 v14, v12  }
0x43: {  	v27 =	vld [tilespmem:s23+$0x20];
	v11 =	vmul.f32 v11, v12  }
0x44: {  	v10 =	vld.idx.msk [tilespmem:v10+s12+$0x0], $0xffff;
	v35 =	vadd.f32 v14, v50  }
0x45: {  	v9 =	vld.idx.msk [tilespmem:v9+s12+$0x0], $0xffff;
	v14 =	vmul.f32 v17, v12;
	v34 =	vadd.f32 v11, v49;
	v11 =	vmul.f32 v15, v12  }
0x46: {  	v17 =	vmul.f32 v18, v12;
	v18 =	vld [tilespmem:s23+$0xFFFFF060];
	v15 =	vmul.f32 v16, v12  }
0x47: {  	v16 =	vld [tilespmem:s23+$0xFFFFF050];
	v33 =	vadd.f32 v14, v55;
	v36 =	vadd.f32 v11, v53;
	v11 =	vmul.f32 v19, v12  }
0x48: {  	v28 =	vadd.f32 v17, v56;
	v32 =	vadd.f32 v15, v54;
	v15 =	vld [tilespmem:s23+$0xFFFFF070];
	v12 =	vmul.f32 v20, v12  }
0x49: {  	v14 =	vld [tilespmem:s23+$0x0];
	v17 =	vmul.f32 v22, v10;
	v29 =	vadd.f32 v11, v57;
	v11 =	vmul.f32 v21, v10  }
0x4a: {  	v19 =	vld [tilespmem:s23+$0x10];
	v20 =	vmul.f32 v24, v10;
	v30 =	vadd.f32 v12, v58;
	v12 =	vmul.f32 v23, v10  }
0x4b: {  	v26 =	vadd.f32 v17, v50;
	v17 =	vld [tilespmem:s23+$0x30];
	v31 =	vadd.f32 v11, v49;
	v11 =	vmul.f32 v25, v10  }
0x4c: {  	v24 =	vadd.f32 v20, v54;
	v20 =	vld [tilespmem:s23+$0x40];
	v25 =	vadd.f32 v12, v53;
	v12 =	vmul.f32 v16, v10  }
0x4d: {  	v21 =	vadd.f32 v11, v55;
	v11 =	vmul.f32 v18, v10;
	v10 =	vmul.f32 v15, v10  }
0x4e: {  	v8 =	vmul.f32 v8, v9;
	v22 =	vadd.f32 v12, v56;
	v12 =	vmul.f32 v14, v13  }
0x4f: {  	v48 =	vld [tilespmem:s23+$0x50];
	v14 =	vmul.f32 v19, v13;
	v19 =	vadd.f32 v10, v58;
	v10 =	vmul.f32 v27, v13  }
0x50: {  	v41 =	vmovc v54;
	v40 =	vmovc v55;
	v39 =	vmov v56;
	v38 =	vmov v57;
	v46 =	vld [tilespmem:s23+$0x60];
	v8 =	vadd.f32 v8, v58  }
0x51: {  	v37 =	vmovc v58;
	v47 =	vld [tilespmem:s23+$0x70];
	v52 =	vmul.f32 v17, v13;
	v51 =	vmul.f32 v20, v13;
	v23 =	vadd.f32 v11, v57  }
0x52: {  	v42 =	vld [tilespmem:s23+$0x1000];
	v15 =	vmovc v53;
	v20 =	vmovc v50;
	v18 =	vadd.f32 v12, v49;
	v16 =	vadd.f32 v14, v50;
	v27 =	vmov v49  }
0x53: {  	s25 =	sadd.s32 $0x1, s20;
	s24 =	simm.s32 $0x2;
	v43 =	vld [tilespmem:s23+$0x1010];
	v17 =	vadd.f32 v10, v53;
	v14 =	vmovc v54;
	v12 =	vmovc v55;
	v11 =	vmov v56;
	v10 =	vmov v57  }
.LBB2_3:
0x54: {  	p0 =	sne.s32 s24, $0x1F;
	v44 =	vmov s25;
	s26 =	sadd.s32 $0x20, s25;
	s28 =	sadd.s32 $0x60, s25;
	v41 =	vadd.f32 v52, v41;
	v45 =	vmul.f32 v48, v13;
	v48 =	vld [tilespmem:s23+$0x1020]  }
0x55: {  	s25 =	sadd.s32 $0x40, s25;
	v49 =	vmov s26;
	v50 =	vmov s28;
	v46 =	vmul.f32 v46, v13;
	v52 =	vld [tilespmem:s23+$0x1030]  }
0x56: {  	v53 =	vmov s25;
	v40 =	vadd.f32 v51, v40;
	v13 =	vmul.f32 v47, v13;
	v47 =	vld [tilespmem:s23+$0x1040]  }
0x57: {  	v39 =	vadd.f32 v45, v39;
	v38 =	vadd.f32 v46, v38;
	v42 =	vmul.f32 v42, v9;
	v45 =	vld [tilespmem:s23+$0x1050]  }
0x58: {  	v37 =	vadd.f32 v13, v37;
	v13 =	vmul.f32 v43, v9;
	v43 =	vld [tilespmem:s23+$0x1060]  }
0x59: {  	v44 =	vld.idx.msk [tilespmem:v44+s12+$0x0], $0xffff;
	v27 =	vadd.f32 v42, v27;
	v42 =	vmul.f32 v48, v9  }
0x5a: {  	s23 =	sadd.s32 $0x80, s23;
	v46 =	vld.idx.msk [tilespmem:v50+s12+$0x0], $0xffff;
	v20 =	vadd.f32 v13, v20;
	v13 =	vmul.f32 v52, v9  }
0x5b: {  	v48 =	vld [tilespmem:s23+$0x1070];
	v15 =	vadd.f32 v42, v15;
	v42 =	vmul.f32 v47, v9  }
0x5c: {  	v47 =	vld.idx.msk [tilespmem:v49+s12+$0x0], $0xffff;
	v14 =	vadd.f32 v13, v14;
	v45 =	vmul.f32 v45, v9  }
0x5d: {  	v13 =	vld.idx.msk [tilespmem:v53+s12+$0x0], $0xffff;
	v12 =	vadd.f32 v42, v12;
	v0 =	vmul.f32 v43, v9  }
0x5e: {  	v42 =	vld [tilespmem:s23+$0xFFFFE000];
	v11 =	vadd.f32 v45, v11  }
0x5f: {  	v43 =	vld [tilespmem:s23+$0xFFFFE010];
	v10 =	vadd.f32 v0, v10  }
0x60: {  	v9 =	vmov v46;
	v45 =	vld [tilespmem:s23+$0xFFFFE020];
	v48 =	vmul.f32 v48, v46  }
0x61: {  	v46 =	vld [tilespmem:s23+$0xFFFFE030]  }
0x62: {  	v49 =	vld [tilespmem:s23+$0xFFFFE040];
	v8 =	vadd.f32 v48, v8  }
0x63: {  	v42 =	vmul.f32 v42, v44;
	v48 =	vld [tilespmem:s23+$0xFFFFE050]  }
0x64: {  	v43 =	vmul.f32 v43, v44;
	v50 =	vld [tilespmem:s23+$0xFFFFE060]  }
0x65: {  	v34 =	vadd.f32 v42, v34;
	v42 =	vmul.f32 v45, v44;
	v45 =	vld [tilespmem:s23+$0xFFFFE070]  }
0x66: {  	v35 =	vadd.f32 v43, v35;
	v43 =	vmul.f32 v46, v44;
	v46 =	vld [tilespmem:s23+$0xFFFFF000]  }
0x67: {  	v36 =	vadd.f32 v42, v36;
	v42 =	vmul.f32 v49, v44;
	v49 =	vld [tilespmem:s23+$0xFFFFF010]  }
0x68: {  	v32 =	vadd.f32 v43, v32;
	v43 =	vmul.f32 v48, v44;
	v48 =	vld [tilespmem:s23+$0xFFFFF020]  }
0x69: {  	v33 =	vadd.f32 v42, v33;
	v42 =	vmul.f32 v50, v44;
	v50 =	vld [tilespmem:s23+$0xFFFFF030]  }
0x6a: {  	v28 =	vadd.f32 v43, v28;
	v43 =	vmul.f32 v45, v44;
	v44 =	vld [tilespmem:s23+$0xFFFFF040]  }
0x6b: {  	v29 =	vadd.f32 v42, v29;
	v42 =	vmul.f32 v46, v47;
	v45 =	vld [tilespmem:s23+$0xFFFFF050]  }
0x6c: {  	v30 =	vadd.f32 v43, v30;
	v43 =	vmul.f32 v49, v47;
	v46 =	vld [tilespmem:s23+$0xFFFFF060]  }
0x6d: {  	v31 =	vadd.f32 v42, v31;
	v42 =	vmul.f32 v48, v47;
	v48 =	vld [tilespmem:s23+$0xFFFFF070]  }
0x6e: {  	v26 =	vadd.f32 v43, v26;
	v43 =	vmul.f32 v50, v47;
	v49 =	vld [tilespmem:s23+$0x0]  }
0x6f: {  	v25 =	vadd.f32 v42, v25;
	v42 =	vmul.f32 v44, v47;
	v44 =	vld [tilespmem:s23+$0x10]  }
0x70: {  	v24 =	vadd.f32 v43, v24;
	v43 =	vmul.f32 v45, v47;
	v45 =	vld [tilespmem:s23+$0x20]  }
0x71: {  	v21 =	vadd.f32 v42, v21;
	v42 =	vmul.f32 v46, v47;
	v50 =	vld [tilespmem:s23+$0x30]  }
0x72: {  	v22 =	vadd.f32 v43, v22;
	v43 =	vmul.f32 v48, v47;
	v51 =	vld [tilespmem:s23+$0x40]  }
.Ltmp0:
0x73: {  	v23 =	vadd.f32 v42, v23;
	v42 =	vmul.f32 v49, v13;
	v48 =	vld [tilespmem:s23+$0x50];
	(pc) =	sbr.rel @p0 .LBB2_3-.Ltmp0, $4  }
0x74: {  	v19 =	vadd.f32 v43, v19;
	v43 =	vmul.f32 v44, v13;
	v46 =	vld [tilespmem:s23+$0x60]  }
0x75: {  	v18 =	vadd.f32 v42, v18;
	v44 =	vmul.f32 v45, v13;
	v47 =	vld [tilespmem:s23+$0x70]  }
0x76: {  	v16 =	vadd.f32 v43, v16;
	v52 =	vmul.f32 v50, v13;
	v42 =	vld [tilespmem:s23+$0x1000]  }
0x77: {  	s25 =	sadd.s32 s24, s20;
	s24 =	sadd.s32 $0x1, s24;
	v17 =	vadd.f32 v44, v17;
	v51 =	vmul.f32 v51, v13;
	v43 =	vld [tilespmem:s23+$0x1010]  }
0x78: {  	s30 =	sadd.s32 $0x80, s23  }
0x79: {  	v55 =	vld [tilespmem:s30+$0x20];
	_ =	sdelay $0x4  }
0x7a: {  	[tilespmem:$0x1FE70] =	vst v55;
	v55 =	vld [tilespmem:s30+$0x30];
	_ =	sdelay $0x4  }
0x7b: {  	[tilespmem:$0x1FE80] =	vst v55;
	v55 =	vld [tilespmem:s30+$0x40];
	_ =	sdelay $0x4  }
0x7c: {  	[tilespmem:$0x1FEA0] =	vst v55;
	v55 =	vld [tilespmem:s30+$0x50];
	_ =	sdelay $0x4  }
0x7d: {  	[tilespmem:$0x1FEB0] =	vst v55;
	v55 =	vld [tilespmem:s30+$0x60]  }
0x7e: {  	v0 =	vld [tilespmem:s23+$0x1020]  }
0x7f: {  	v5 =	vld [tilespmem:s23+$0x1030]  }
0x80: {  	v49 =	vld [tilespmem:s23+$0x1040]  }
0x81: {  	v50 =	vld [tilespmem:s23+$0x1050]  }
0x82: {  	[tilespmem:$0x1FED0] =	vst v55;
	v55 =	vld [tilespmem:s30+$0x70]  }
0x83: {  	v53 =	vld [tilespmem:s23+$0x1060]  }
0x84: {  	v54 =	vld [tilespmem:s30+$0x1070]  }
0x85: {  	v59 =	vld [tilespmem:s30+$0xFFFFE000]  }
0x86: {  	v60 =	vld [tilespmem:s30+$0xFFFFE010]  }
0x87: {  	[tilespmem:$0x1FEE0] =	vst v55;
	v55 =	vld [tilespmem:s30+$0x1000]  }
0x88: {  	v61 =	vld [tilespmem:s30+$0xFFFFE020]  }
0x89: {  	v62 =	vld [tilespmem:s30+$0xFFFFE030]  }
0x8a: {  	v63 =	vld [tilespmem:s30+$0xFFFFE040]  }
0x8b: {  	v1 =	vld [tilespmem:s30+$0xFFFFE060]  }
0x8c: {  	[tilespmem:$0x1FF00] =	vst v55;
	v55 =	vld [tilespmem:s30+$0x1010]  }
0x8d: {  	v2 =	vld [tilespmem:s30+$0xFFFFE070]  }
0x8e: {  	v44 =	vmov s25;
	v3 =	vld [tilespmem:s30+$0xFFFFF000]  }
0x8f: {  	v4 =	vld [tilespmem:s30+$0xFFFFF010]  }
0x90: {  	v6 =	vld [tilespmem:s30+$0xFFFFF030]  }
0x91: {  	[tilespmem:$0x1FF10] =	vst v55;
	v55 =	vld [tilespmem:s30+$0x1020]  }
0x92: {  	v7 =	vld [tilespmem:s30+$0xFFFFF040]  }
0x93: {  	v58 =	vld.idx.msk [tilespmem:v44+s12+$0x0], $0xffff  }
0x94: {  	s28 =	sadd.s32 $0x20, s25;
	[tilespmem:$0x1FE90] =	vst v0;
	v0 =	vld [tilespmem:s30+$0xFFFFE050]  }
0x95: {  	v56 =	vmov s28;
	[tilespmem:$0x1FEC0] =	vst v5;
	v5 =	vld [tilespmem:s30+$0xFFFFF020]  }
0x96: {  	s24 =	sadd.s32 $0x60, s25;
	[tilespmem:$0x1FF30] =	vst v55;
	v55 =	vld [tilespmem:s30+$0x1030]  }
0x97: {  	s29 =	sadd.s32 $0x40, s25;
	v45 =	vmov s24;
	[tilespmem:$0x1FEF0] =	vst v49;
	v49 =	vld [tilespmem:s30+$0xFFFFF060]  }
0x98: {  	v57 =	vmov s29;
	[tilespmem:$0x1FF20] =	vst v50;
	v50 =	vld [tilespmem:s30+$0xFFFFF070]  }
0x99: {  	[tilespmem:$0x1FF50] =	vst v53;
	v53 =	vld [tilespmem:s30+$0x0]  }
0x9a: {  	v56 =	vld.idx.msk [tilespmem:v56+s12+$0x0], $0xffff  }
0x9b: {  	v59 =	vmul.f32 v59, v58;
	[tilespmem:$0x1FF40] =	vst v55;
	v55 =	vld [tilespmem:s30+$0x1040]  }
0x9c: {  	v44 =	vld.idx.msk [tilespmem:v45+s12+$0x0], $0xffff;
	v60 =	vmul.f32 v60, v58;
	v0 =	vmul.f32 v0, v58  }
0x9d: {  	v46 =	vmul.f32 v46, v13;
	v57 =	vld.idx.msk [tilespmem:v57+s12+$0x0], $0xffff;
	v34 =	vadd.f32 v59, v34  }
0x9e: {  	[tilespmem:$0x1FF70] =	vst v54;
	v54 =	vld [tilespmem:s30+$0x10];
	v59 =	vmul.f32 v61, v58;
	v35 =	vadd.f32 v60, v35;
	v0 =	vadd.f32 v0, v28  }
0x9f: {  	v45 =	vld [tilespmem:s30+$0xFFFFF050];
	v28 =	vadd.f32 v52, v41;
	v41 =	vmul.f32 v6, v56;
	v6 =	vmul.f32 v7, v56  }
0xa0: {  	s23 =	sshll.u32 s21, $0xA;
	v61 =	vld [tilespmem:s30+$0x1050];
	v7 =	vmul.f32 v47, v13;
	[tilespmem:$0x1FF60] =	vst v55;
	v55 =	vmul.f32 v62, v58  }
0xa1: {  	v62 =	vld [tilespmem:s30+$0x1060];
	[tilespmem:s23+$0xD010] =	vst v35;
	v35 =	vadd.f32 v51, v40;
	v40 =	vmul.f32 v48, v13;
	v13 =	vmul.f32 v50, v56  }
0xa2: {  	v48 =	vmul.f32 v49, v56;
	v49 =	vadd.f32 v7, v37  }
0xa3: {  	v7 =	vmul.f32 v42, v9;
	v13 =	vadd.f32 v13, v19;
	v19 =	vmul.f32 v54, v57;
	_ =	sdelay $0x1  }
0xa4: {  	v51 =	vadd.f32 v7, v27;
	v7 =	vadd.f32 v19, v16;
	v16 =	vld [tilespmem:$0x1FE80]  }
0xa5: {  	v6 =	vadd.f32 v6, v21  }
0xa6: {  	v63 =	vmul.f32 v63, v58;
	v36 =	vadd.f32 v59, v36;
	[tilespmem:s23+$0xD000] =	vst v34  }
0xa7: {  	[tilespmem:s23+$0xD0C0] =	vst v6;
	v6 =	vmul.f32 v53, v57  }
0xa8: {  	v33 =	vadd.f32 v63, v33;
	[tilespmem:s23+$0xD020] =	vst v36  }
0xa9: {  	v6 =	vadd.f32 v6, v18;
	[tilespmem:s23+$0xD0F0] =	vst v13;
	v13 =	vld [tilespmem:$0x1FE90];
	v16 =	vmul.f32 v16, v57  }
0xaa: {  	[tilespmem:s23+$0xD040] =	vst v33;
	v53 =	vld [tilespmem:$0x1FF20]  }
0xab: {  	v1 =	vmul.f32 v1, v58;
	v18 =	vld [tilespmem:$0x1FE70];
	[tilespmem:s23+$0xD100] =	vst v6;
	v6 =	vadd.f32 v16, v28  }
0xac: {  	v2 =	vmul.f32 v2, v58;
	[tilespmem:s23+$0xD110] =	vst v7;
	v7 =	vld [tilespmem:$0x1FEC0]  }
0xad: {  	v3 =	vmul.f32 v3, v56;
	v1 =	vadd.f32 v1, v29;
	[tilespmem:s23+$0xD130] =	vst v6;
	v6 =	vld [tilespmem:$0x1FEF0]  }
0xae: {  	v2 =	vadd.f32 v2, v30;
	[tilespmem:s23+$0xD050] =	vst v0;
	v32 =	vadd.f32 v55, v32;
	v55 =	vld [tilespmem:$0x1FF50];
	v13 =	vmul.f32 v13, v9  }
0xaf: {  	v3 =	vadd.f32 v3, v31;
	v34 =	vmul.f32 v4, v56;
	[tilespmem:s23+$0xD060] =	vst v1;
	v36 =	vmul.f32 v5, v56;
	v16 =	vld [tilespmem:$0x1FEB0]  }
0xb0: {  	[tilespmem:s23+$0xD070] =	vst v2;
	v5 =	vadd.f32 v41, v24;
	v18 =	vmul.f32 v18, v57;
	v13 =	vadd.f32 v13, v15;
	v15 =	vld [tilespmem:$0x1FEE0]  }
0xb1: {  	v47 =	vmul.f32 v45, v56;
	[tilespmem:s23+$0xD080] =	vst v3;
	v0 =	vadd.f32 v34, v26;
	v19 =	vld [tilespmem:$0x1FED0];
	v7 =	vmul.f32 v7, v9  }
0xb2: {  	v1 =	vadd.f32 v36, v25;
	[tilespmem:s23+$0xD0B0] =	vst v5;
	v17 =	vadd.f32 v18, v17;
	v18 =	vld [tilespmem:$0x1FEA0];
	v6 =	vmul.f32 v6, v9  }
0xb3: {  	v2 =	vadd.f32 v40, v39;
	[tilespmem:s23+$0xD030] =	vst v32;
	v52 =	vadd.f32 v7, v14;
	v7 =	vld [tilespmem:$0x1FF10]  }
0xb4: {  	[tilespmem:s23+$0xD090] =	vst v0;
	v0 =	vadd.f32 v47, v22;
	v16 =	vmul.f32 v16, v57;
	v54 =	vadd.f32 v6, v12;
	v6 =	vld [tilespmem:$0x1FF40]  }
0xb5: {  	[tilespmem:s23+$0xD0A0] =	vst v1;
	v1 =	vadd.f32 v48, v23;
	v14 =	vld [tilespmem:$0x1FF30];
	v15 =	vmul.f32 v15, v57  }
0xb6: {  	v3 =	vadd.f32 v46, v38;
	v50 =	vmul.f32 v43, v9;
	[tilespmem:s23+$0xD0D0] =	vst v0;
	v2 =	vadd.f32 v16, v2  }
0xb7: {  	[tilespmem:s23+$0xD0E0] =	vst v1;
	v19 =	vmul.f32 v19, v57;
	v18 =	vmul.f32 v18, v57;
	v16 =	vld [tilespmem:$0x1FF00];
	v5 =	vadd.f32 v15, v49  }
0xb8: {  	v0 =	vadd.f32 v50, v20;
	v7 =	vmul.f32 v7, v44;
	[tilespmem:s23+$0xD150] =	vst v2;
	v2 =	vmul.f32 v53, v9  }
0xb9: {  	v3 =	vadd.f32 v19, v3;
	[tilespmem:s23+$0xD170] =	vst v5;
	v5 =	vmul.f32 v55, v9;
	v9 =	vld [tilespmem:$0x1FF60];
	v6 =	vmul.f32 v6, v44  }
0xba: {  	[tilespmem:s23+$0xD120] =	vst v17;
	v4 =	vadd.f32 v18, v35;
	v14 =	vmul.f32 v14, v44;
	v0 =	vadd.f32 v7, v0  }
0xbb: {  	v60 =	vmul.f32 v62, v44;
	[tilespmem:s23+$0xD160] =	vst v3;
	v59 =	vadd.f32 v5, v10;
	v57 =	vadd.f32 v6, v52;
	v6 =	vld [tilespmem:$0x1FF70]  }
0xbc: {  	[tilespmem:s23+$0xD140] =	vst v4;
	v7 =	vadd.f32 v14, v13;
	v16 =	vmul.f32 v16, v44  }
0xbd: {  	[tilespmem:s23+$0xD190] =	vst v0;
	v0 =	vadd.f32 v60, v59  }
0xbe: {  	[tilespmem:s23+$0xD1A0] =	vst v7;
	v1 =	vadd.f32 v16, v51;
	v9 =	vmul.f32 v9, v44  }
0xbf: {  	v58 =	vmul.f32 v61, v44;
	v56 =	vadd.f32 v2, v11;
	[tilespmem:s23+$0xD1E0] =	vst v0  }
0xc0: {  	[tilespmem:s23+$0xD180] =	vst v1;
	v3 =	vadd.f32 v9, v54;
	v6 =	vmul.f32 v6, v44  }
0xc1: {  	v1 =	vadd.f32 v58, v56;
	[tilespmem:s23+$0xD1B0] =	vst v57  }
0xc2: {  	p0 =	seq.s32 s21, $0x27;
	[tilespmem:s23+$0xD1C0] =	vst v3;
	v61 =	vadd.f32 v6, v8  }
0xc3: {  	s24 =	sshrl.u32 @!p0 s23, $0x2;
	[tilespmem:s23+$0xD1D0] =	vst v1  }
0xc4: {  	s26 =	simm.s32 @!p0 $0x5000;
	s24 =	sadd.s32 @!p0 $0x100, s24;
	[tilespmem:s23+$0xD1F0] =	vst v61;
	s23 =	simm.s32 @!p0 $0x80  }
0xc5: {  	[tilespmem:s26], [sflag:$0x1] =	stream.indirect.gather @!p0 [hbm4b:s4+s23], $0x80, s24, s23, $0xb8;
	[tilespmem:$0x17080] =	vst v63  }
0xc6: {  	_ =	swait.ge [sflag:s17], $0x4000  }
0xc7: {  	v58 =	vld [tilespmem:$0x1FFF0]  }
0xc8: {  	s31 =	sadd.s32 $0xFFFFFFE0, s20;
	v49 =	vld [tilespmem:$0x1FF80]  }
0xc9: {  	s28 =	sadd.s32 $0x100, s31;
	v50 =	vld [tilespmem:$0x1FF90]  }
0xca: {  	v62 =	vmov s28;
	v53 =	vld [tilespmem:$0x1FFA0]  }
0xcb: {  	s29 =	sadd.s32 $0xA0, s31;
	v54 =	vld [tilespmem:$0x1FFB0]  }
0xcc: {  	v63 =	vmov s29;
	s30 =	sadd.s32 $0xC0, s31;
	v55 =	vld [tilespmem:$0x1FFC0]  }
0xcd: {  	s31 =	sadd.s32 $0xE0, s31;
	v32 =	vmov s30;
	[sflag:s17] =	ssyncset.done $0x0;
	v56 =	vld [tilespmem:$0x1FFD0]  }
0xce: {  	v33 =	vmov s31;
	v57 =	vld [tilespmem:$0x1FFE0];
	[sflag:s17] =	ssyncadd.s32 $0xFFFFC000  }
0xcf: {  	s23 =	simm.s32 $0xB000;
	v8 =	vld.idx.msk [tilespmem:v62+s12+$0x0], $0xffff  }
0xd0: {  	v34 =	vld [tilespmem:s23+$0x1070]  }
0xd1: {  	v1 =	vld.idx.msk [tilespmem:v63+s12+$0x0], $0xffff  }
0xd2: {  	v2 =	vld.idx.msk [tilespmem:v32+s12+$0x0], $0xffff  }
0xd3: {  	v10 =	vld.idx.msk [tilespmem:v33+s12+$0x0], $0xffff  }
0xd4: {  	v35 =	vld [tilespmem:s23+$0xFFFFE000]  }
0xd5: {  	v36 =	vld [tilespmem:s23+$0xFFFFE010]  }
0xd6: {  	v37 =	vld [tilespmem:s23+$0xFFFFE020]  }
0xd7: {  	v6 =	vld [tilespmem:s23+$0xFFFFE030]  }
0xd8: {  	v7 =	vld [tilespmem:s23+$0xFFFFE040]  }
0xd9: {  	v15 =	vld [tilespmem:s23+$0xFFFFE050]  }
0xda: {  	v16 =	vld [tilespmem:s23+$0xFFFFE060]  }
0xdb: {  	v17 =	vld [tilespmem:s23+$0xFFFFE070]  }
0xdc: {  	v19 =	vld [tilespmem:s23+$0xFFFFF000]  }
0xdd: {  	v20 =	vld [tilespmem:s23+$0xFFFFF010]  }
0xde: {  	v23 =	vld [tilespmem:s23+$0xFFFFF020];
	v0 =	vmul.f32 v34, v8;
	v3 =	vmul.f32 v35, v1  }
0xdf: {  	v26 =	vld [tilespmem:s23+$0xFFFFF030];
	v4 =	vmul.f32 v36, v1;
	v38 =	vmul.f32 v37, v1  }
0xe0: {  	v41 =	vld [tilespmem:s23+$0xFFFFF050];
	v39 =	vmul.f32 v6, v1;
	v40 =	vmul.f32 v7, v1  }
0xe1: {  	v43 =	vld [tilespmem:s23+$0xFFFFF060];
	v42 =	vmul.f32 v15, v1;
	v48 =	vmul.f32 v16, v1  }
0xe2: {  	v59 =	vld [tilespmem:s23+$0x10];
	v1 =	vmul.f32 v17, v1;
	v51 =	vmul.f32 v19, v2  }
0xe3: {  	v31 =	vmovc v57;
	v6 =	vld [tilespmem:s23+$0xFFFFF040];
	v16 =	vmul.f32 v20, v2;
	v9 =	vadd.f32 v0, v58;
	v11 =	vadd.f32 v3, v49  }
0xe4: {  	v30 =	vmovc v58;
	v7 =	vld [tilespmem:s23+$0xFFFFF070];
	v52 =	vmul.f32 v23, v2;
	v12 =	vadd.f32 v4, v50;
	v13 =	vadd.f32 v38, v53  }
0xe5: {  	v28 =	vmovc v49;
	v17 =	vld [tilespmem:s23+$0x0];
	v60 =	vmul.f32 v26, v2;
	v14 =	vadd.f32 v39, v54;
	v15 =	vadd.f32 v40, v55  }
0xe6: {  	v62 =	vmul.f32 v43, v2;
	v37 =	vmovc v55;
	v18 =	vadd.f32 v42, v56;
	v21 =	vadd.f32 v48, v57  }
0xe7: {  	p0 =	por $0x0, $0x0;
	v34 =	vmovc v56;
	v26 =	vmovc v50;
	v23 =	vmov v53;
	v22 =	vadd.f32 v1, v58;
	v25 =	vadd.f32 v16, v50;
	v16 =	vld [tilespmem:s23+$0x20]  }
.Ltmp1:
0xe8: {  	v46 =	vld [tilespmem:s23+$0x30];
	v20 =	vmovc v54;
	v24 =	vadd.f32 v51, v49;
	v27 =	vadd.f32 v52, v53;
	v4 =	vmul.f32 v41, v2;
	(pc) =	sbr.rel @p0 .LBB2_6-.Ltmp1, $4  }
0xe9: {  	v44 =	vld [tilespmem:s23+$0x40];
	v19 =	vmovc v55;
	v29 =	vadd.f32 v60, v54;
	v48 =	vmul.f32 v59, v10;
	v61 =	vmul.f32 v6, v2  }
0xea: {  	v42 =	vld [tilespmem:s23+$0x50];
	v38 =	vadd.f32 v62, v57;
	v41 =	vmovc v50;
	v2 =	vmul.f32 v7, v2;
	v63 =	vmul.f32 v17, v10  }
0xeb: {  	v43 =	vld [tilespmem:s23+$0x60];
	v33 =	vadd.f32 v4, v56;
	v40 =	vmovc v53;
	v39 =	vmovc v54;
	v17 =	vmov v56;
	v32 =	vadd.f32 v61, v55  }
0xec: {  	s24 =	simm.s32 $0xFFFFFFE1;
	v45 =	vld [tilespmem:s23+$0x70];
	v35 =	vadd.f32 v2, v58;
	v36 =	vadd.f32 v63, v49;
	v47 =	vmul.f32 v16, v10;
	v16 =	vmovc v57  }
.LBB2_5:
0xed: {  	s25 =	sadd.s32 s24, s20;
	s24 =	sadd.s32 $0x1, s24;
	v41 =	vadd.f32 v48, v41;
	v0 =	vmul.f32 v46, v10;
	v1 =	vld [tilespmem:s23+$0x1000]  }
0xee: {  	s26 =	sadd.s32 $0xA0, s25;
	s28 =	sadd.s32 $0x100, s25;
	p0 =	seq.s32 s24, $0x0;
	v40 =	vadd.f32 v47, v40;
	v2 =	vmul.f32 v44, v10;
	v3 =	vld [tilespmem:s23+$0x1010]  }
0xef: {  	v4 =	vmov s26;
	s26 =	sadd.s32 $0xC0, s25;
	s25 =	sadd.s32 $0xE0, s25;
	v5 =	vmov s28;
	v6 =	vmul.f32 v42, v10;
	v7 =	vld [tilespmem:s23+$0x1020]  }
0xf0: {  	v42 =	vmov s26;
	v44 =	vmov s25;
	v43 =	vmul.f32 v43, v10;
	v46 =	vld [tilespmem:s23+$0x1030]  }
0xf1: {  	v39 =	vadd.f32 v0, v39;
	v37 =	vadd.f32 v2, v37;
	v0 =	vmul.f32 v45, v10;
	v2 =	vld [tilespmem:s23+$0x1040]  }
0xf2: {  	v34 =	vadd.f32 v6, v34;
	v31 =	vadd.f32 v43, v31;
	v1 =	vmul.f32 v1, v8;
	v6 =	vld [tilespmem:s23+$0x1050]  }
0xf3: {  	v30 =	vadd.f32 v0, v30;
	v0 =	vmul.f32 v3, v8;
	v3 =	vld [tilespmem:s23+$0x1060]  }
0xf4: {  	s23 =	sadd.s32 $0x80, s23;
	v5 =	vld.idx.msk [tilespmem:v5+s12+$0x0], $0xffff;
	v28 =	vadd.f32 v1, v28;
	v1 =	vmul.f32 v7, v8  }
0xf5: {  	v7 =	vld [tilespmem:s23+$0x1070];
	v26 =	vadd.f32 v0, v26;
	v0 =	vmul.f32 v46, v8  }
0xf6: {  	v4 =	vld.idx.msk [tilespmem:v4+s12+$0x0], $0xffff;
	v23 =	vadd.f32 v1, v23;
	v1 =	vmul.f32 v2, v8  }
0xf7: {  	v2 =	vld.idx.msk [tilespmem:v42+s12+$0x0], $0xffff;
	v20 =	vadd.f32 v0, v20;
	v0 =	vmul.f32 v6, v8  }
0xf8: {  	v10 =	vld.idx.msk [tilespmem:v44+s12+$0x0], $0xffff;
	v19 =	vadd.f32 v1, v19;
	v1 =	vmul.f32 v3, v8  }
0xf9: {  	v3 =	vld [tilespmem:s23+$0xFFFFE000];
	v17 =	vadd.f32 v0, v17  }
0xfa: {  	v8 =	vmov v5;
	v0 =	vld [tilespmem:s23+$0xFFFFE010];
	v6 =	vmul.f32 v7, v5;
	v16 =	vadd.f32 v1, v16  }
0xfb: {  	v1 =	vld [tilespmem:s23+$0xFFFFE020]  }
0xfc: {  	v5 =	vld [tilespmem:s23+$0xFFFFE030];
	v9 =	vadd.f32 v6, v9  }
0xfd: {  	v6 =	vld [tilespmem:s23+$0xFFFFE040]  }
0xfe: {  	v3 =	vmul.f32 v3, v4;
	v7 =	vld [tilespmem:s23+$0xFFFFE050]  }
0xff: {  	v0 =	vmul.f32 v0, v4;
	v42 =	vld [tilespmem:s23+$0xFFFFE060]  }
0x100: {  	v11 =	vadd.f32 v3, v11;
	v1 =	vmul.f32 v1, v4;
	v3 =	vld [tilespmem:s23+$0xFFFFE070]  }
0x101: {  	v12 =	vadd.f32 v0, v12;
	v0 =	vmul.f32 v5, v4;
	v5 =	vld [tilespmem:s23+$0xFFFFF000]  }
0x102: {  	v13 =	vadd.f32 v1, v13;
	v1 =	vmul.f32 v6, v4;
	v6 =	vld [tilespmem:s23+$0xFFFFF010]  }
0x103: {  	v14 =	vadd.f32 v0, v14;
	v0 =	vmul.f32 v7, v4;
	v7 =	vld [tilespmem:s23+$0xFFFFF020]  }
0x104: {  	v15 =	vadd.f32 v1, v15;
	v1 =	vmul.f32 v42, v4;
	v42 =	vld [tilespmem:s23+$0xFFFFF030]  }
0x105: {  	v18 =	vadd.f32 v0, v18;
	v0 =	vmul.f32 v3, v4;
	v3 =	vld [tilespmem:s23+$0xFFFFF040]  }
0x106: {  	v21 =	vadd.f32 v1, v21;
	v1 =	vmul.f32 v5, v2;
	v4 =	vld [tilespmem:s23+$0xFFFFF050]  }
0x107: {  	v22 =	vadd.f32 v0, v22;
	v0 =	vmul.f32 v6, v2;
	v5 =	vld [tilespmem:s23+$0xFFFFF060]  }
0x108: {  	v24 =	vadd.f32 v1, v24;
	v1 =	vmul.f32 v7, v2;
	v6 =	vld [tilespmem:s23+$0xFFFFF070]  }
0x109: {  	v25 =	vadd.f32 v0, v25;
	v0 =	vmul.f32 v42, v2;
	v7 =	vld [tilespmem:s23+$0x0]  }
0x10a: {  	v27 =	vadd.f32 v1, v27;
	v1 =	vmul.f32 v3, v2;
	v3 =	vld [tilespmem:s23+$0x10]  }
0x10b: {  	v29 =	vadd.f32 v0, v29;
	v0 =	vmul.f32 v4, v2;
	v4 =	vld [tilespmem:s23+$0x20]  }
.Ltmp2:
0x10c: {  	v32 =	vadd.f32 v1, v32;
	v1 =	vmul.f32 v5, v2;
	v46 =	vld [tilespmem:s23+$0x30];
	(pc) =	sbr.rel @!p0 .LBB2_5-.Ltmp2, $4  }
0x10d: {  	v33 =	vadd.f32 v0, v33;
	v0 =	vmul.f32 v6, v2;
	v44 =	vld [tilespmem:s23+$0x40]  }
0x10e: {  	v38 =	vadd.f32 v1, v38;
	v1 =	vmul.f32 v7, v10;
	v42 =	vld [tilespmem:s23+$0x50]  }
0x10f: {  	v35 =	vadd.f32 v0, v35;
	v48 =	vmul.f32 v3, v10;
	v43 =	vld [tilespmem:s23+$0x60]  }
0x110: {  	v36 =	vadd.f32 v1, v36;
	v47 =	vmul.f32 v4, v10;
	v45 =	vld [tilespmem:s23+$0x70]  }
.LBB2_6:
0x111: {  	v0 =	vld [tilespmem:s23+$0x1000]  }
0x112: {  	v1 =	vld [tilespmem:s23+$0x1010]  }
0x113: {  	v2 =	vld [tilespmem:s23+$0x1020]  }
0x114: {  	v3 =	vld [tilespmem:s23+$0x1030]  }
0x115: {  	v4 =	vld [tilespmem:s23+$0x1040];
	s22 =	sshll.u32 s22, $0x9  }
0x116: {  	v5 =	vld [tilespmem:s23+$0x1050];
	s22 =	sand.u32 $0x3FFFFE00, s22  }
0x117: {  	v6 =	vld [tilespmem:s23+$0x1060];
	[tilespmem:s22+$0xD000] =	vst v11  }
0x118: {  	[tilespmem:s22+$0xD010] =	vst v12  }
0x119: {  	[tilespmem:s22+$0xD020] =	vst v13  }
0x11a: {  	[tilespmem:s22+$0xD030] =	vst v14  }
0x11b: {  	[tilespmem:s22+$0xD040] =	vst v15  }
0x11c: {  	[tilespmem:s22+$0xD050] =	vst v18  }
0x11d: {  	[tilespmem:s22+$0xD060] =	vst v21  }
0x11e: {  	[tilespmem:s22+$0xD070] =	vst v22  }
0x11f: {  	[tilespmem:s22+$0xD080] =	vst v24  }
0x120: {  	[tilespmem:s22+$0xD090] =	vst v25  }
0x121: {  	[tilespmem:s22+$0xD0A0] =	vst v27  }
0x122: {  	[tilespmem:s22+$0xD0B0] =	vst v29  }
0x123: {  	[tilespmem:s22+$0xD0C0] =	vst v32  }
0x124: {  	[tilespmem:s22+$0xD0D0] =	vst v33  }
0x125: {  	[tilespmem:s22+$0xD0E0] =	vst v38  }
0x126: {  	v7 =	vadd.f32 v48, v41;
	[tilespmem:s22+$0xD0F0] =	vst v35  }
0x127: {  	v44 =	vmul.f32 v44, v10;
	[tilespmem:s22+$0xD100] =	vst v36  }
0x128: {  	v41 =	vadd.f32 v47, v40;
	v38 =	vmul.f32 v46, v10;
	[tilespmem:s22+$0xD110] =	vst v7  }
0x129: {  	v46 =	vmul.f32 v42, v10;
	[tilespmem:s22+$0xD1F0] =	vst v9;
	v13 =	vadd.f32 v44, v37  }
0x12a: {  	v47 =	vmul.f32 v43, v10;
	[tilespmem:s22+$0xD120] =	vst v41;
	v11 =	vadd.f32 v38, v39  }
0x12b: {  	v48 =	vmul.f32 v45, v10;
	v51 =	vadd.f32 v46, v34;
	[tilespmem:s22+$0xD140] =	vst v13  }
0x12c: {  	v7 =	vadd.f32 v47, v31;
	v0 =	vmul.f32 v0, v8;
	[tilespmem:s22+$0xD130] =	vst v11  }
0x12d: {  	v1 =	vmul.f32 v1, v8;
	v10 =	vadd.f32 v48, v30;
	[tilespmem:s22+$0xD150] =	vst v51  }
0x12e: {  	v2 =	vmul.f32 v2, v8;
	v0 =	vadd.f32 v0, v28;
	[tilespmem:s22+$0xD160] =	vst v7  }
0x12f: {  	v3 =	vmul.f32 v3, v8;
	v1 =	vadd.f32 v1, v26;
	[tilespmem:s22+$0xD170] =	vst v10  }
0x130: {  	s21 =	sadd.s32 $0x1, s21;
	v4 =	vmul.f32 v4, v8;
	v2 =	vadd.f32 v2, v23;
	[tilespmem:s22+$0xD180] =	vst v0  }
0x131: {  	p0 =	sne.s32 s21, $0x28;
	v59 =	vmul.f32 v5, v8;
	v52 =	vadd.f32 v3, v20;
	[tilespmem:s22+$0xD190] =	vst v1  }
.Ltmp3:
0x132: {  	v61 =	vmul.f32 v6, v8;
	v60 =	vadd.f32 v4, v19;
	[tilespmem:s22+$0xD1A0] =	vst v2;
	(pc) =	sbr.rel @p0 .LBB2_2-.Ltmp3, $4  }
0x133: {  	v62 =	vadd.f32 v59, v17;
	[tilespmem:s22+$0xD1B0] =	vst v52  }
0x134: {  	v63 =	vadd.f32 v61, v16;
	[tilespmem:s22+$0xD1C0] =	vst v60  }
0x135: {  	[tilespmem:s22+$0xD1D0] =	vst v62  }
0x136: {  	s20 =	sadd.s32 $0x100, s20;
	[tilespmem:s22+$0xD1E0] =	vst v63  }
0x137: {  	s19 =	sadd.s32 $0x1, s19  }
0x138: {  	p0 =	sne.s32 s19, s8  }
.Ltmp4:
0x139: {  	_ = 	snop;
	(pc) =	sbr.rel @p0 .LBB2_1-.Ltmp4, $4  }
0x13a: {  	[hbm4b:s7+s3] =	stream.linear.scatter [tilespmem:s18], [sflag:$0x3], $0xA000, $0x38;
	[tilespmem:$0x17080] =	vst v63  }
0x13b: {  	_ =	swait.ge [sflag:s9], $0xA000  }
0x13c: {  	[sflag:s9] =	ssyncset.done $0x0  }
0x13d: {  	[sflag:s9] =	ssyncadd.s32 $0xFFFF6000  }
0x13e: {  	_ =	sfence.sel $0x180000  }
0x13f: {  	[bflag:$0x0] =	sbarrier.arrive $0xFFFF  }
0x140: {  	p0 =	sne.s32 s1, $0x0;
	_ =	strace $0x9000004A  }
0x141: {  	s0 =	sadd.s32 @!p0 $0x100000, s0;
	[bflag:$0x2] =	sbarrier.arrive $0xFFFF  }
0x142: {  	[sflag:s0] =	ssyncadd.tile.s32 @!p0 $0x1;
	_ =	shalt  }
.Lfunc_end2:
_tile_overlayer_lowered:
.L_overlay_start_2:
0x143: {  	(tag) =	ssettag $0x2  }
0x144: {  	s0 =	rddreg [dreg:$0x0];
	s2 =	stileid.u32  }
0x145: {  	s1 =	rddreg [dreg:$0x1];
	p0 =	sne.s32 s2, $0x0  }
0x146: {  	s3 =	rddreg [dreg:$0x2];
	[bflag:$0x3] =	sbarrier.arrive $0xFFFF;
	s2 =	simm.s32 @!p0 $0x1C03  }
0x147: {  	[timem:s3], [sflag:s2] =	dma.local @!p0 [hbm:s0], s1  }
0x148: {  	s0 =	simm.s32 @!p0 $0x3  }
0x149: {  	_ =	swait.ge @!p0 [sflag:s0], s1  }
0x14a: {  	s1 =	ssub.s32 @!p0 $0x0, s1;
	[sflag:s0] =	ssyncset.done @!p0 $0x0  }
0x14b: {  	[sflag:s0] =	ssyncadd.s32 @!p0 s1  }
0x14c: {  	[bflag:$0x3] =	sbarrier.arrive $0xFFFF  }
0x14d: {  	_ =	shalt  }

// kernel: kernel.15.cloned.1.call-start
scs
__scs_entry_jumppad:
0x0: {  	(pc) =	sbr.rel $0x88, $3  }
0x1: {  	(tag) =	ssettag $0x0;
	lr =	simm.s32 $0x1  }
0x2: {  	[smem:$0x3F98] =	sst lr;
	_ =	strace $0xD0000000  }
0x3: {  	_ = 	snop  }
0x4: {  	_ = 	snop  }
0x5: {  	_ = 	snop  }
0x6: {  	_ = 	snop  }
0x7: {  	_ = 	snop  }
__scs_overlays_trampoline_lowered:
0x8: {  	[smem:$0x3FA7] =	sst s0  }
0x9: {  	[smem:$0x3FA8] =	sst s1  }
0xa: {  	[smem:$0x3FA9] =	sst s2  }
0xb: {  	[smem:$0x3FAA] =	sst s3  }
0xc: {  	[smem:$0x3FAB] =	sst s4  }
0xd: {  	[smem:$0x3FAC] =	sst s5  }
0xe: {  	[smem:$0x3FAD] =	sst s6  }
0xf: {  	[smem:$0x3FAE] =	sst s7  }
0x10: {  	[smem:$0x3FAF] =	sst s8  }
0x11: {  	[smem:$0x3FB0] =	sst s9;
	s0 =	simm.s32 @!p0 $0x0  }
0x12: {  	s1 =	sld [smem:$0x3F96];
	s0 =	simm.s32 @p0 $0x1  }
0x13: {  	[smem:$0x3FB1] =	sst s0;
	s0 =	simm.s32 @!p1 $0x0  }
0x14: {  	s2 =	sld [smem:$0x3F95];
	s0 =	simm.s32 @p1 $0x1  }
0x15: {  	[smem:$0x3FB2] =	sst s0;
	s0 =	simm.s32 @!p2 $0x0  }
0x16: {  	s3 =	sld [smem:$0x3FDB];
	s0 =	simm.s32 @p2 $0x1  }
0x17: {  	s4 =	simm.s32 $0x1BF5;
	[smem:$0x3FB4] =	sst s0  }
0x18: {  	s0 =	sld [smem:$0x3F97];
	_ =	swait.ge [sflag:s4], $0x0  }
0x19: {  	s7 =	sld [smem:$0x3F98]  }
0x1a: {  	s8 =	sadd.s32 $0xFFFFE003, lr  }
0x1b: {  	s9 =	sadd.s32 $0xFFFFFEF7, lr;
	s5 =	simm.s32 $0xFFFFFFFF;
	p2 =	slt.u32 s8, $0xFFFFF086  }
0x1c: {  	p1 =	slt.u32 s9, $0xF7A;
	s5 =	simm.s32 @!p2 $0x0  }
0x1d: {  	s5 =	simm.s32 @p1 $0x1;
	p0 =	seq.s32 s7, s2  }
0x1e: {  	s7 =	smul.u32 @!p0 $0xF7A, s2;
	p2 =	seq.s32 @!p0 s5, $0x0  }
0x1f: {  	s9 =	smul.u32 $0xF7A, s1;
	s8 =	simm.s32 @!p0 $0x1BF5;
	p2 =	por !p2, p0  }
0x20: {  	[sflag:s8] =	ssyncset.s32 @!p0 $0xFFFFF086;
	s6 =	sadd.s32 @!p0 s3, s7;
	s7 =	simm.s32 @!p0 $0x108  }
0x21: {  	s3 =	sadd.s32 s3, s9;
	s6 =	sadd.s32 @!p0 $0x88, s6;
	s7 =	simm.s32 @p2 $0x1082  }
0x22: {  	[simem:s7], [sflag:s8] =	dma.local @!p0 [hbm:s6], $0xF7A  }
0x23: {  	s9 =	sor.u32 $0xD0000000, s2;
	s6 =	simm.s32 $0x108;
	_ =	swait.ge @!p0 [sflag:s8], $0x0  }
0x24: {  	s3 =	sadd.s32 $0x88, s3;
	s6 =	simm.s32 @!p1 $0x1082;
	[sflag:s4] =	ssyncset.s32 $0xFFFFF086  }
0x25: {  	[simem:s6], [sflag:s4] =	dma.local [hbm:s3], $0xF7A  }
0x26: {  	[smem:$0x3F98] =	sst s1;
	(tag) =	ssettag s2;
	_ =	strace s9  }
0x27: {  	s1 =	sld [smem:$0x3FA8]  }
0x28: {  	s2 =	sld [smem:$0x3FA9]  }
0x29: {  	s4 =	sld [smem:$0x3FAB]  }
0x2a: {  	p0 =	seq.s32 s5, $0x0;
	s5 =	sld [smem:$0x3FAC]  }
0x2b: {  	s6 =	sld [smem:$0x3FAD]  }
0x2c: {  	s7 =	sld [smem:$0x3FAE]  }
0x2d: {  	s3 =	simm.s32 $0x108;
	s8 =	sld [smem:$0x3FAF]  }
0x2e: {  	s3 =	simm.s32 @!p0 $0x1082;
	s9 =	sld [smem:$0x3FB0]  }
0x2f: {  	lr =	sadd.s32 s0, s3;
	s0 =	sld [smem:$0x3FA7]  }
0x30: {  	s3 =	sld [smem:$0x3FAA]  }
0x31: {  	[smem:$0x3FB3] =	sst s10  }
0x32: {  	s10 =	sld [smem:$0x3FB1];
	_ =	sdelay $0x3  }
0x33: {  	p0 =	seq.s32 s10, $0x1;
	s10 =	sld [smem:$0x3FB3];
	_ =	sdelay $0x3  }
0x34: {  	[smem:$0x3FB3] =	sst s10  }
0x35: {  	s10 =	sld [smem:$0x3FB2];
	_ =	sdelay $0x3  }
0x36: {  	p1 =	seq.s32 s10, $0x1;
	s10 =	sld [smem:$0x3FB3];
	_ =	sdelay $0x3  }
0x37: {  	[smem:$0x3FB3] =	sst s10  }
0x38: {  	s10 =	sld [smem:$0x3FB4]  }
0x39: {  	_ = 	snop;
	(pc) =	sbr.ind lr, $3  }
0x3a: {  	_ = 	snop  }
0x3b: {  	_ = 	snop  }
0x3c: {  	p2 =	seq.s32 s10, $0x1;
	s10 =	sld [smem:$0x3FB3]  }
0x3d: {  	_ =	shalt  }
0x3e: {  	_ =	shalt  }
0x3f: {  	_ =	shalt  }
0x40: {  	_ =	shalt  }
0x41: {  	_ =	shalt  }
0x42: {  	_ =	shalt  }
0x43: {  	_ =	shalt  }
0x44: {  	_ =	shalt  }
0x45: {  	_ =	shalt  }
0x46: {  	_ =	shalt  }
0x47: {  	_ =	shalt  }
0x48: {  	_ =	shalt  }
0x49: {  	_ =	shalt  }
0x4a: {  	_ =	shalt  }
0x4b: {  	_ =	shalt  }
0x4c: {  	_ =	shalt  }
0x4d: {  	_ =	shalt  }
0x4e: {  	_ =	shalt  }
0x4f: {  	_ =	shalt  }
0x50: {  	_ =	shalt  }
0x51: {  	_ =	shalt  }
0x52: {  	_ =	shalt  }
0x53: {  	_ =	shalt  }
0x54: {  	_ =	shalt  }
0x55: {  	_ =	shalt  }
0x56: {  	_ =	shalt  }
0x57: {  	_ =	shalt  }
0x58: {  	_ =	shalt  }
0x59: {  	_ =	shalt  }
0x5a: {  	_ =	shalt  }
0x5b: {  	_ =	shalt  }
0x5c: {  	_ =	shalt  }
0x5d: {  	_ =	shalt  }
0x5e: {  	_ =	shalt  }
0x5f: {  	_ =	shalt  }
0x60: {  	_ =	shalt  }
0x61: {  	_ =	shalt  }
0x62: {  	_ =	shalt  }
0x63: {  	_ =	shalt  }
0x64: {  	_ =	shalt  }
0x65: {  	_ =	shalt  }
0x66: {  	_ =	shalt  }
0x67: {  	_ =	shalt  }
0x68: {  	_ =	shalt  }
0x69: {  	_ =	shalt  }
0x6a: {  	_ =	shalt  }
0x6b: {  	_ =	shalt  }
0x6c: {  	_ =	shalt  }
0x6d: {  	_ =	shalt  }
0x6e: {  	_ =	shalt  }
0x6f: {  	_ =	shalt  }
0x70: {  	_ =	shalt  }
0x71: {  	_ =	shalt  }
0x72: {  	_ =	shalt  }
0x73: {  	_ =	shalt  }
0x74: {  	_ =	shalt  }
0x75: {  	_ =	shalt  }
0x76: {  	_ =	shalt  }
0x77: {  	_ =	shalt  }
0x78: {  	_ =	shalt  }
0x79: {  	_ =	shalt  }
0x7a: {  	_ =	shalt  }
0x7b: {  	_ =	shalt  }
0x7c: {  	_ =	shalt  }
0x7d: {  	_ =	shalt  }
0x7e: {  	_ =	shalt  }
0x7f: {  	_ =	shalt  }
0x80: {  	_ =	shalt  }
0x81: {  	_ =	shalt  }
0x82: {  	_ =	shalt  }
0x83: {  	_ =	shalt  }
0x84: {  	_ =	shalt  }
0x85: {  	_ =	shalt  }
0x86: {  	_ =	shalt  }
0x87: {  	_ =	shalt  }
.Lfunc_end0:
.L_simem_size_0:
called_computation.2_lowered:
.L_overlay_start_0:
0x88: {  	s2 =	sld [smem:$0x3FD9]  }
0x89: {  	s3 =	sld [smem:$0x3FFE];
	_ =	sdelay $0x1  }
0x8a: {  	s1 =	srdreg.scid  }
0x8b: {  	s0 =	sand.u32 $0x1, s1  }
0x8c: {  	s17 =	sshll.u32 s0, $0xA;
	s2 =	sadd.s32 s3, s2  }
0x8d: {  	s2 =	sadd.s32 s2, s17  }
0x8e: {  	[smem:$0x3FBF] =	sst s2  }
0x8f: {  	_ = 	snop  }
0x90: {  	s2 =	sld [smem:$0x3FC3]  }
0x91: {  	s18 =	sld [smem:$0x3FD0];
	(tm) =	ssettm $0x1  }
0x92: {  	s4 =	sld [smem:$0x3FFB];
	_ =	sdelay $0x3  }
0x93: {  	_ =	strace s4  }
0x94: {  	s4 =	sld [smem:$0x3FFC];
	_ =	sdelay $0x3  }
0x95: {  	_ =	strace s4  }
0x96: {  	s4 =	sld [smem:$0x3FFD];
	_ =	sdelay $0x3  }
0x97: {  	_ =	strace s4  }
0x98: {  	_ =	strace $0x8FFFFFFF  }
0x99: {  	s19 =	sld [smem:$0x3FDB];
	_ =	sdelay $0x1  }
0x9a: {  	s5 =	simm.s32 $_scs_section_size  }
0x9b: {  	s6 =	simm.s32 $_size__tile_overlayer_lowered;
	s7 =	simm.s32 $_tile_overlayer_lowered  }
0x9c: {  	s22 =	simm.s32 $0x1BFF;
	s21 =	sshll.u32 s7, $0x1;
	s4 =	sadd.s32 s5, s19  }
0x9d: {  	s8 =	simm.s32 $0x0;
	s20 =	sshll.u32 s6, $0x1;
	s6 =	sadd.s32 s21, s4  }
0x9e: {  	[timem:s8], [sflag:s22] =	dma.local [hbm:s6], s20  }
0x9f: {  	_ =	swait.ge [sflag:s22], s20  }
0xa0: {  	s5 =	ssub.s32 $0x0, s20;
	[sflag:s22] =	ssyncset.done $0x0  }
0xa1: {  	[sflag:s22] =	ssyncadd.s32 s5;
	_ =	sdelay $0x1  }
0xa2: {  	s23 =	simm.s32 $0x1B8B  }
0xa3: {  	_ =	swait.ge [sflag:s23], $0x1  }
0xa4: {  	[sflag:s23] =	ssyncset.done $0x0  }
0xa5: {  	s25 =	simm.s32 $0x1B8E;
	s24 =	sld [smem:$0x3FFE];
	[sflag:s23] =	ssyncadd.s32 $0xFFFFFFFF  }
0xa6: {  	s26 =	simm.s32 $execute0_lowered;
	[smem:$0x3FD2] =	sst s25  }
0xa7: {  	s6 =	sshll.u32 s26, $0x1;
	_ =	strace $0x8000004C;
	[dreg:$0x1] =	wrdreg $0xFFFFFFFF  }
0xa8: {  	s28 =	simm.s32 $_size_execute0_lowered;
	s4 =	sadd.s32 s4, s6;
	[dreg:$0x0] =	wrdreg $0x0  }
0xa9: {  	s6 =	sshll.u32 s28, $0x1;
	[dreg:$0x2] =	wrdreg s4  }
0xaa: {  	[dreg:$0x3] =	wrdreg s6  }
0xab: {  	[dreg:$0x4] =	wrdreg $0xC0  }
0xac: {  	_ =	task [dreg:s8], $0x5FFFF  }
0xad: {  	[dreg:$0x1] =	wrdreg $0xFFFFFFFF  }
0xae: {  	[dreg:$0x0] =	wrdreg $0x60  }
0xaf: {  	[dreg:$0x2] =	wrdreg s24  }
0xb0: {  	[dreg:$0x3] =	wrdreg s18  }
0xb1: {  	[dreg:$0x4] =	wrdreg s2  }
0xb2: {  	[dreg:$0x5] =	wrdreg $0x9  }
0xb3: {  	_ =	task.clear_ibuf [dreg:s8], $0x6FFFF;
	_ =	strace $0x9000004C  }
0xb4: {  	s29 =	simm.s32 $0x9;
	_ =	strace $0x8000004E  }
0xb5: {  	_ =	swait.ge [sflag:s29], $0x1  }
0xb6: {  	[sflag:s29] =	ssyncadd.s32 $0xFFFFFFFF  }
0xb7: {  	_ =	strace $0x9000004E  }
0xb8: {  	_ =	sfence  }
0xb9: {  	s30 =	sld [smem:$0x0];
	_ =	sdelay $0x2  }
0xba: {  	s31 =	sshll.u32 s1, $0xD;
	s1 =	sshrl.u32 s1, $0x2  }
0xbb: {  	s3 =	sand.u32 $0x4000, s31;
	s1 =	sadd.s32 s1, s30  }
0xbc: {  	s0 =	sor.u32 s3, s0;
	s1 =	sshll.u32 s1, $0x11  }
0xbd: {  	s0 =	sor.u32 s1, s0  }
0xbe: {  	s0 =	sadd.s32 $0x8F2B, s0  }
0xbf: {  	[sflag:s0] =	ssyncadd.remote.s32 $0x1  }
0xc0: {  	_ =	sfence.sel $0xFFFF  }
0xc1: {  	[dreg:$0x0] =	wrdreg $0xFFFFFFFF;
	(pc) =	sbr.abs _section_cstart, $3  }
0xc2: {  	[dreg:$0x1] =	wrdreg $0xFFFFFFFF  }
0xc3: {  	_ =	task.clear_ibuf [dreg:s8], $0x2FFFF;
	_ =	strace $0x9FFFFFFF  }
0xc4: {  	(tm) =	ssettm $0x7FFFFFFF  }
0xc5: {  	_ =	shalt  }
tec
execute0_lowered:
.L_overlay_start_1:
0x0: {  	(tag) =	ssettag $0x1  }
0x1: {  	s5 =	rddreg [dreg:$0x0]  }
0x2: {  	s6 =	rddreg [dreg:$0x1]  }
0x3: {  	s2 =	rddreg [dreg:$0x2]  }
0x4: {  	s0 =	rddreg [dreg:$0x3];
	s4 =	srdreg.scid  }
0x5: {  	s1 =	stileid.u32;
	s3 =	simm.s32 $0x0;
	s13 =	simm.s32 $0x17000  }
0x6: {  	s14 =	simm.s32 $0x5000;
	s15 =	simm.s32 $0x9000;
	s16 =	simm.s32 $0x1  }
0x7: {  	s17 =	simm.s32 $0x2;
	s18 =	simm.s32 $0xD000;
	s19 =	simm.s32 $0x0  }
0x8: {  	s7 =	sand.u32 $0x1, s4;
	s29 =	sshll.u32 s1, $0x1;
	[smem:$0x7FF] =	sst s3  }
0x9: {  	s10 =	sshrl.u32 s1, $0x2;
	s4 =	sadd.s32 $0x3F400, s5;
	s8 =	sor.u32 s7, s29  }
0xa: {  	_ =	strace $0x8000004D;
	s10 =	smul.u32 $0x14000, s10;
	s7 =	ssub.s32 $0x2, s7  }
0xb: {  	s9 =	smul.u32 $0x500, s8;
	s11 =	sshll.u32 s8, $0x7;
	s12 =	sshrl.u32 s7, $0x1  }
0xc: {  	s8 =	smul.u32 $0x1400, s8;
	s11 =	sand.u32 $0x380, s11;
	s30 =	ssub.s32 s7, s12  }
0xd: {  	s12 =	simm.s32 $0x2800;
	s9 =	sadd.s32 s9, s5;
	s10 =	sor.u32 s10, s11  }
0xe: {  	s8 =	sadd.s32 s8, s5;
	s11 =	simm.s32 $0x400;
	s31 =	sshrl.u32 s10, $0x3  }
0xf: {  	s5 =	sadd.s32 $0x35400, s9;
	s7 =	sadd.s32 $0x2800, s8;
	s8 =	smax.u32 s30, $0x1  }
0x10: {  	s9 =	simm.s32 $0x3;
	s10 =	simm.s32 $0x80;
	s6 =	sadd.s32 s6, s31  }
.LBB2_1:
0x11: {  	[tilespmem:s3], [sflag:$0x3] =	stream.linear.gather [hbm4b:s5+s3], $0x2800, $0x38;
	[tilespmem:$0x17080] =	vst v63  }
0x12: {  	_ =	swait.ge [sflag:s9], $0x2800  }
0x13: {  	[sflag:s9] =	ssyncset.done $0x0  }
0x14: {  	[sflag:s9] =	ssyncadd.s32 $0xFFFFD800  }
0x15: {  	[tilespmem:s12], [sflag:$0x3] =	stream.strided.gather [hbm4b:s6+s10], $0x2800, s11, s10, $0x38;
	[tilespmem:$0x17080] =	vst v63  }
0x16: {  	_ =	swait.ge [sflag:s9], $0x2800  }
0x17: {  	[sflag:s9] =	ssyncset.done $0x0  }
0x18: {  	[sflag:s9] =	ssyncadd.s32 $0xFFFFD800  }
0x19: {  	[tilespmem:s13], [sflag:$0x3] =	stream.linear.gather [hbm4b:s2+s3], $0x80, $0x38;
	[tilespmem:$0x17080] =	vst v63  }
0x1a: {  	_ =	swait.ge [sflag:s9], $0x80  }
0x1b: {  	[sflag:s9] =	ssyncset.done $0x0  }
0x1c: {  	[sflag:s9] =	ssyncadd.s32 $0xFFFFFF80  }
0x1d: {  	v53 =	vld [tilespmem:$0x17000]  }
0x1e: {  	v54 =	vld [tilespmem:$0x17010]  }
0x1f: {  	v55 =	vld [tilespmem:$0x17020]  }
0x20: {  	v56 =	vld [tilespmem:$0x17030]  }
0x21: {  	v57 =	vld [tilespmem:$0x17040]  }
0x22: {  	v5 =	vld [tilespmem:$0x17050]  }
0x23: {  	v6 =	vld [tilespmem:$0x17060]  }
0x24: {  	v7 =	vld [tilespmem:$0x17070];
	[tilespmem:s14], [sflag:$0x1] =	stream.indirect.gather [hbm4b:s4+s10], $0x80, s3, s10, $0xb8  }
0x25: {  	[tilespmem:$0x1FFB0] =	vst v53  }
0x26: {  	[tilespmem:$0x1FFC0] =	vst v54  }
0x27: {  	[tilespmem:$0x1FFD0] =	vst v55  }
0x28: {  	[tilespmem:$0x1FFE0] =	vst v56  }
0x29: {  	s20 =	simm.s32 $0x0;
	s21 =	simm.s32 $0x0;
	[tilespmem:$0x1FFF0] =	vst v57  }
.LBB2_2:
0x2a: {  	s22 =	sshllo.u32 s21, $0x1;
	s23 =	sadd.s32 $0x0, s20  }
0x2b: {  	s24 =	sshll.u32 s22, $0x7;
	v8 =	vmov s23  }
0x2c: {  	[tilespmem:s15], [sflag:$0x2] =	stream.indirect.gather [hbm4b:s4+s10], $0x80, s24, s10, $0xb8;
	[tilespmem:$0x17080] =	vst v63  }
0x2d: {  	_ =	swait.ge [sflag:s16], $0x4000  }
0x2e: {  	s25 =	sadd.s32 $0x60, s23;
	[sflag:s16] =	ssyncset.done $0x0  }
0x2f: {  	s31 =	sadd.s32 $0x20, s23;
	s23 =	sadd.s32 $0x40, s23;
	[sflag:s16] =	ssyncadd.s32 $0xFFFFC000  }
0x30: {  	v11 =	vmov s23;
	s23 =	simm.s32 $0x7000;
	v12 =	vld.idx.msk [tilespmem:v8+s12+$0x0], $0xffff  }
0x31: {  	v8 =	vld [tilespmem:s23+$0x1070]  }
0x32: {  	v15 =	vld [tilespmem:s23+$0xFFFFE020]  }
0x33: {  	v16 =	vld [tilespmem:s23+$0xFFFFE030]  }
0x34: {  	v18 =	vld [tilespmem:s23+$0xFFFFE040]  }
0x35: {  	v10 =	vmov s31;
	v19 =	vld [tilespmem:s23+$0xFFFFE050]  }
0x36: {  	v20 =	vld [tilespmem:s23+$0xFFFFE060]  }
0x37: {  	v21 =	vld [tilespmem:s23+$0xFFFFE070]  }
0x38: {  	v22 =	vld [tilespmem:s23+$0xFFFFF000]  }
0x39: {  	v9 =	vmov s25;
	v33 =	vld [tilespmem:s23+$0x30]  }
0x3a: {  	v13 =	vld.idx.msk [tilespmem:v10+s12+$0x0], $0xffff  }
0x3b: {  	v29 =	vld.idx.msk [tilespmem:v11+s12+$0x0], $0xffff  }
0x3c: {  	v10 =	vld [tilespmem:s23+$0xFFFFE000]  }
0x3d: {  	v11 =	vld [tilespmem:s23+$0xFFFFE010]  }
0x3e: {  	v9 =	vld.idx.msk [tilespmem:v9+s12+$0x0], $0xffff  }
0x3f: {  	v24 =	vld [tilespmem:s23+$0xFFFFF010]  }
0x40: {  	v34 =	vld [tilespmem:s23+$0x40]  }
0x41: {  	v25 =	vld [tilespmem:s23+$0xFFFFF020];
	v10 =	vmul.f32 v10, v12  }
0x42: {  	v27 =	vld [tilespmem:s23+$0xFFFFF030];
	v19 =	vmul.f32 v19, v12;
	v11 =	vmul.f32 v11, v12  }
0x43: {  	v28 =	vld [tilespmem:s23+$0xFFFFF040];
	v8 =	vmul.f32 v8, v9;
	v49 =	vmul.f32 v33, v29;
	v14 =	vadd.f32 v10, v53  }
0x44: {  	v30 =	vld [tilespmem:s23+$0xFFFFF060];
	v10 =	vmul.f32 v15, v12;
	v17 =	vadd.f32 v11, v54;
	v11 =	vmul.f32 v18, v12  }
0x45: {  	v31 =	vld [tilespmem:s23+$0xFFFFF070];
	v48 =	vmul.f32 v34, v29;
	v15 =	vmul.f32 v16, v12  }
0x46: {  	v16 =	vld [tilespmem:s23+$0xFFFFF050];
	v26 =	vadd.f32 v10, v55;
	v18 =	vadd.f32 v11, v57;
	v11 =	vmul.f32 v21, v12  }
0x47: {  	v23 =	vadd.f32 v15, v56;
	v15 =	vmul.f32 v20, v12;
	v20 =	vmul.f32 v22, v13;
	v22 =	vld [tilespmem:s23+$0x10]  }
0x48: {  	v10 =	vadd.f32 v19, v5;
	v12 =	vld [tilespmem:s23+$0x0];
	v21 =	vmul.f32 v24, v13;
	v19 =	vadd.f32 v11, v7  }
0x49: {  	v41 =	vmovc v56;
	v32 =	vld [tilespmem:s23+$0x20];
	v11 =	vmul.f32 v25, v13;
	v25 =	vmul.f32 v27, v13;
	v27 =	vadd.f32 v20, v53  }
0x4a: {  	v40 =	vmovc v57;
	v24 =	vadd.f32 v21, v54;
	v21 =	vmul.f32 v28, v13;
	v28 =	vmul.f32 v30, v13  }
0x4b: {  	v39 =	vmovc v5;
	v20 =	vadd.f32 v11, v55;
	v11 =	vadd.f32 v25, v56;
	v25 =	vmul.f32 v16, v13  }
0x4c: {  	v38 =	vmovc v6;
	v46 =	vld [tilespmem:s23+$0x50];
	v8 =	vadd.f32 v8, v7;
	v13 =	vmul.f32 v31, v13;
	v30 =	vmul.f32 v22, v29  }
0x4d: {  	v37 =	vmovc v7;
	v44 =	vld [tilespmem:s23+$0x60];
	v15 =	vadd.f32 v15, v6;
	v16 =	vadd.f32 v21, v57;
	v12 =	vmul.f32 v12, v29  }
0x4e: {  	v35 =	vmovc v53;
	v45 =	vld [tilespmem:s23+$0x70];
	v21 =	vadd.f32 v25, v5;
	v25 =	vadd.f32 v13, v7;
	v13 =	vmul.f32 v32, v29  }
0x4f: {  	v36 =	vmovc v54;
	v43 =	vld [tilespmem:s23+$0x1000];
	v33 =	vmovc v55;
	v34 =	vmov v56;
	v28 =	vadd.f32 v28, v6;
	v22 =	vadd.f32 v12, v53  }
0x50: {  	s25 =	sadd.s32 $0x1, s20;
	s24 =	simm.s32 $0x2;
	v47 =	vld [tilespmem:s23+$0x1010];
	v31 =	vmovc v5;
	v32 =	vmovc v57;
	v12 =	vadd.f32 v30, v54;
	v13 =	vadd.f32 v13, v55;
	v30 =	vmov v6  }
.LBB2_3:
0x51: {  	p0 =	sne.s32 s24, $0x1F;
	v42 =	vmov s25;
	s26 =	sadd.s32 $0x20, s25;
	s28 =	sadd.s32 $0x60, s25;
	v41 =	vadd.f32 v49, v41;
	v46 =	vmul.f32 v46, v29;
	v49 =	vld [tilespmem:s23+$0x1020]  }
0x52: {  	s25 =	sadd.s32 $0x40, s25;
	v50 =	vmov s26;
	v51 =	vmov s28;
	v44 =	vmul.f32 v44, v29;
	v52 =	vld [tilespmem:s23+$0x1030]  }
0x53: {  	v53 =	vmov s25;
	v40 =	vadd.f32 v48, v40;
	v29 =	vmul.f32 v45, v29;
	v45 =	vld [tilespmem:s23+$0x1040]  }
0x54: {  	v39 =	vadd.f32 v46, v39;
	v38 =	vadd.f32 v44, v38;
	v43 =	vmul.f32 v43, v9;
	v44 =	vld [tilespmem:s23+$0x1050]  }
0x55: {  	v37 =	vadd.f32 v29, v37;
	v29 =	vmul.f32 v47, v9;
	v46 =	vld [tilespmem:s23+$0x1060]  }
0x56: {  	v42 =	vld.idx.msk [tilespmem:v42+s12+$0x0], $0xffff;
	v35 =	vadd.f32 v43, v35;
	v43 =	vmul.f32 v49, v9  }
0x57: {  	s23 =	sadd.s32 $0x80, s23;
	v47 =	vld.idx.msk [tilespmem:v51+s12+$0x0], $0xffff;
	v36 =	vadd.f32 v29, v36;
	v29 =	vmul.f32 v52, v9  }
0x58: {  	v48 =	vld [tilespmem:s23+$0x1070];
	v33 =	vadd.f32 v43, v33;
	v43 =	vmul.f32 v45, v9  }
0x59: {  	v45 =	vld.idx.msk [tilespmem:v50+s12+$0x0], $0xffff;
	v34 =	vadd.f32 v29, v34;
	v44 =	vmul.f32 v44, v9  }
0x5a: {  	v29 =	vld.idx.msk [tilespmem:v53+s12+$0x0], $0xffff;
	v32 =	vadd.f32 v43, v32;
	v0 =	vmul.f32 v46, v9  }
0x5b: {  	v43 =	vld [tilespmem:s23+$0xFFFFE000];
	v31 =	vadd.f32 v44, v31  }
0x5c: {  	v44 =	vld [tilespmem:s23+$0xFFFFE010];
	v30 =	vadd.f32 v0, v30  }
0x5d: {  	v9 =	vmov v47;
	v46 =	vld [tilespmem:s23+$0xFFFFE020];
	v48 =	vmul.f32 v48, v47  }
0x5e: {  	v47 =	vld [tilespmem:s23+$0xFFFFE030]  }
0x5f: {  	v49 =	vld [tilespmem:s23+$0xFFFFE040];
	v8 =	vadd.f32 v48, v8  }
0x60: {  	v43 =	vmul.f32 v43, v42;
	v48 =	vld [tilespmem:s23+$0xFFFFE050]  }
0x61: {  	v44 =	vmul.f32 v44, v42;
	v50 =	vld [tilespmem:s23+$0xFFFFE060]  }
0x62: {  	v14 =	vadd.f32 v43, v14;
	v43 =	vmul.f32 v46, v42;
	v46 =	vld [tilespmem:s23+$0xFFFFE070]  }
0x63: {  	v17 =	vadd.f32 v44, v17;
	v44 =	vmul.f32 v47, v42;
	v47 =	vld [tilespmem:s23+$0xFFFFF000]  }
0x64: {  	v26 =	vadd.f32 v43, v26;
	v43 =	vmul.f32 v49, v42;
	v49 =	vld [tilespmem:s23+$0xFFFFF010]  }
0x65: {  	v23 =	vadd.f32 v44, v23;
	v44 =	vmul.f32 v48, v42;
	v48 =	vld [tilespmem:s23+$0xFFFFF020]  }
0x66: {  	v18 =	vadd.f32 v43, v18;
	v43 =	vmul.f32 v50, v42;
	v50 =	vld [tilespmem:s23+$0xFFFFF030]  }
0x67: {  	v10 =	vadd.f32 v44, v10;
	v42 =	vmul.f32 v46, v42;
	v44 =	vld [tilespmem:s23+$0xFFFFF040]  }
0x68: {  	v15 =	vadd.f32 v43, v15;
	v43 =	vmul.f32 v47, v45;
	v46 =	vld [tilespmem:s23+$0xFFFFF050]  }
0x69: {  	v19 =	vadd.f32 v42, v19;
	v42 =	vmul.f32 v49, v45;
	v47 =	vld [tilespmem:s23+$0xFFFFF060]  }
0x6a: {  	v27 =	vadd.f32 v43, v27;
	v43 =	vmul.f32 v48, v45;
	v48 =	vld [tilespmem:s23+$0xFFFFF070]  }
0x6b: {  	v24 =	vadd.f32 v42, v24;
	v42 =	vmul.f32 v50, v45;
	v49 =	vld [tilespmem:s23+$0x0]  }
0x6c: {  	v20 =	vadd.f32 v43, v20;
	v43 =	vmul.f32 v44, v45;
	v44 =	vld [tilespmem:s23+$0x10]  }
0x6d: {  	v11 =	vadd.f32 v42, v11;
	v42 =	vmul.f32 v46, v45;
	v50 =	vld [tilespmem:s23+$0x20]  }
0x6e: {  	v16 =	vadd.f32 v43, v16;
	v43 =	vmul.f32 v47, v45;
	v47 =	vld [tilespmem:s23+$0x30]  }
0x6f: {  	v21 =	vadd.f32 v42, v21;
	v42 =	vmul.f32 v48, v45;
	v48 =	vld [tilespmem:s23+$0x40]  }
.Ltmp0:
0x70: {  	v28 =	vadd.f32 v43, v28;
	v43 =	vmul.f32 v49, v29;
	v46 =	vld [tilespmem:s23+$0x50];
	(pc) =	sbr.rel @p0 .LBB2_3-.Ltmp0, $4  }
0x71: {  	v25 =	vadd.f32 v42, v25;
	v42 =	vmul.f32 v44, v29;
	v44 =	vld [tilespmem:s23+$0x60]  }
0x72: {  	v22 =	vadd.f32 v43, v22;
	v50 =	vmul.f32 v50, v29;
	v45 =	vld [tilespmem:s23+$0x70]  }
0x73: {  	v12 =	vadd.f32 v42, v12;
	v49 =	vmul.f32 v47, v29;
	v43 =	vld [tilespmem:s23+$0x1000]  }
0x74: {  	s25 =	sadd.s32 s24, s20;
	s24 =	sadd.s32 $0x1, s24;
	v13 =	vadd.f32 v50, v13;
	v48 =	vmul.f32 v48, v29;
	v47 =	vld [tilespmem:s23+$0x1010]  }
0x75: {  	v50 =	vld [tilespmem:s23+$0x1020]  }
0x76: {  	v52 =	vld [tilespmem:s23+$0x1030]  }
0x77: {  	v53 =	vld [tilespmem:s23+$0x1040]  }
0x78: {  	v55 =	vld [tilespmem:s23+$0x1050]  }
0x79: {  	v57 =	vld [tilespmem:s23+$0x1060];
	s30 =	sadd.s32 $0x80, s23  }
0x7a: {  	v59 =	vld [tilespmem:s30+$0xFFFFE000]  }
0x7b: {  	v60 =	vld [tilespmem:s30+$0xFFFFE010]  }
0x7c: {  	v61 =	vld [tilespmem:s30+$0xFFFFE020]  }
0x7d: {  	v62 =	vld [tilespmem:s30+$0xFFFFE030]  }
0x7e: {  	v63 =	vld [tilespmem:s30+$0xFFFFE040]  }
0x7f: {  	v0 =	vld [tilespmem:s30+$0xFFFFE050]  }
0x80: {  	v1 =	vld [tilespmem:s30+$0xFFFFE060]  }
0x81: {  	v2 =	vld [tilespmem:s30+$0xFFFFE070]  }
0x82: {  	v3 =	vld [tilespmem:s30+$0xFFFFF000]  }
0x83: {  	v42 =	vmov s25;
	v4 =	vld [tilespmem:s30+$0xFFFFF010]  }
0x84: {  	s24 =	sadd.s32 $0x60, s25;
	v41 =	vadd.f32 v49, v41;
	v49 =	vld [tilespmem:s30+$0xFFFFF020]  }
0x85: {  	v46 =	vmul.f32 v46, v29;
	v51 =	vmov s24;
	v40 =	vadd.f32 v48, v40;
	v48 =	vld [tilespmem:s30+$0xFFFFF050]  }
0x86: {  	s28 =	sadd.s32 $0x20, s25;
	v44 =	vmul.f32 v44, v29;
	v29 =	vmul.f32 v45, v29;
	v45 =	vld [tilespmem:s30+$0xFFFFF030]  }
0x87: {  	s29 =	sadd.s32 $0x40, s25;
	v54 =	vmov s28;
	v39 =	vadd.f32 v46, v39;
	v46 =	vld [tilespmem:s30+$0xFFFFF040]  }
0x88: {  	v56 =	vmov s29;
	v58 =	vld.idx.msk [tilespmem:v42+s12+$0x0], $0xffff  }
0x89: {  	v43 =	vmul.f32 v43, v9;
	v37 =	vadd.f32 v29, v37;
	v29 =	vmul.f32 v50, v9;
	v50 =	vld [tilespmem:s30+$0xFFFFF060]  }
0x8a: {  	v38 =	vadd.f32 v44, v38;
	v42 =	vld.idx.msk [tilespmem:v51+s12+$0x0], $0xffff  }
0x8b: {  	v44 =	vmul.f32 v47, v9;
	v52 =	vmul.f32 v52, v9;
	v43 =	vadd.f32 v43, v35;
	v51 =	vld [tilespmem:s30+$0x1070]  }
0x8c: {  	v53 =	vmul.f32 v53, v9;
	v54 =	vld.idx.msk [tilespmem:v54+s12+$0x0], $0xffff;
	v35 =	vadd.f32 v29, v33;
	v29 =	vmul.f32 v55, v9  }
0x8d: {  	v57 =	vmul.f32 v57, v9;
	v56 =	vld.idx.msk [tilespmem:v56+s12+$0x0], $0xffff;
	v36 =	vadd.f32 v44, v36;
	v33 =	vadd.f32 v52, v34  }
0x8e: {  	v44 =	vld [tilespmem:s30+$0x1050];
	v9 =	vadd.f32 v29, v31;
	v59 =	vmul.f32 v59, v58;
	v31 =	vmul.f32 v60, v58  }
0x8f: {  	v34 =	vld [tilespmem:s30+$0xFFFFF070];
	v29 =	vadd.f32 v57, v30;
	v60 =	vmul.f32 v61, v58;
	v30 =	vmul.f32 v62, v58  }
0x90: {  	v32 =	vadd.f32 v53, v32;
	v52 =	vld [tilespmem:s30+$0x0];
	v0 =	vmul.f32 v0, v58;
	v1 =	vmul.f32 v1, v58  }
0x91: {  	v57 =	vld [tilespmem:s30+$0x20];
	v2 =	vmul.f32 v2, v58;
	v3 =	vmul.f32 v3, v54;
	v14 =	vadd.f32 v59, v14  }
0x92: {  	v61 =	vld [tilespmem:s30+$0x10];
	v4 =	vmul.f32 v4, v54;
	v17 =	vadd.f32 v31, v17;
	v26 =	vadd.f32 v60, v26  }
0x93: {  	v31 =	vmul.f32 v63, v58;
	v59 =	vld [tilespmem:s30+$0x30];
	v23 =	vadd.f32 v30, v23;
	v0 =	vadd.f32 v0, v10  }
0x94: {  	v30 =	vld [tilespmem:s30+$0x40];
	v1 =	vadd.f32 v1, v15;
	v2 =	vadd.f32 v2, v19;
	v15 =	vmul.f32 v49, v54  }
0x95: {  	v10 =	vld [tilespmem:s30+$0x60];
	v60 =	vmul.f32 v50, v54;
	v3 =	vadd.f32 v3, v27;
	v4 =	vadd.f32 v4, v24  }
0x96: {  	v19 =	vld [tilespmem:s30+$0x70];
	v24 =	vmul.f32 v45, v54;
	v27 =	vmul.f32 v46, v54;
	v18 =	vadd.f32 v31, v18  }
0x97: {  	v45 =	vld [tilespmem:s30+$0x1000];
	v15 =	vadd.f32 v15, v20;
	v20 =	vmul.f32 v48, v54;
	v62 =	vmul.f32 $9.999999770e-03, v17  }
0x98: {  	v46 =	vld [tilespmem:s30+$0x1040];
	v63 =	vmul.f32 $9.999999770e-03, v26;
	v11 =	vadd.f32 v24, v11;
	v16 =	vadd.f32 v27, v16  }
0x99: {  	v31 =	vld [tilespmem:s30+$0x50];
	v24 =	vmul.f32 v34, v54;
	v53 =	vmul.f32 $9.999999770e-03, v4;
	v20 =	vadd.f32 v20, v21  }
0x9a: {  	v48 =	vld [tilespmem:s30+$0x1010];
	v21 =	vadd.f32 v60, v28;
	v28 =	vmul.f32 v52, v56;
	v55 =	vmul.f32 $9.999999770e-03, v15  }
0x9b: {  	v27 =	vld [tilespmem:s30+$0x1020];
	v24 =	vadd.f32 v24, v25;
	v25 =	vmul.f32 v61, v56;
	v61 =	vmul.f32 $9.999999770e-03, v14  }
0x9c: {  	s23 =	sshll.u32 s21, $0xA;
	v34 =	vld [tilespmem:s30+$0x1030];
	v26 =	vmax.f32 v26, v63;
	v30 =	vmul.f32 v30, v56;
	v10 =	vmul.f32 v10, v56  }
0x9d: {  	v22 =	vadd.f32 v28, v22;
	v58 =	vmax.f32 v15, v55;
	v12 =	vadd.f32 v25, v12;
	v25 =	vld [tilespmem:s30+$0x1060];
	[tilespmem:s23+$0xD020] =	vst v26  }
0x9e: {  	v28 =	vmul.f32 v57, v56;
	v57 =	vmul.f32 $9.999999770e-03, v11;
	v14 =	vmax.f32 v14, v61;
	[tilespmem:s23+$0xD0A0] =	vst v58  }
0x9f: {  	v26 =	vmul.f32 v59, v56;
	v59 =	vmul.f32 $9.999999770e-03, v16;
	[tilespmem:s23+$0xD000] =	vst v14;
	v14 =	vmax.f32 v17, v62  }
0xa0: {  	v63 =	vmul.f32 $9.999999770e-03, v21;
	v61 =	vmul.f32 $9.999999770e-03, v20;
	v60 =	vmax.f32 v11, v57;
	[tilespmem:s23+$0xD010] =	vst v14  }
0xa1: {  	v10 =	vadd.f32 v10, v38;
	v17 =	vmul.f32 $9.999999770e-03, v23;
	[tilespmem:s23+$0xD0B0] =	vst v60;
	v62 =	vmax.f32 v16, v59  }
0xa2: {  	v13 =	vadd.f32 v28, v13;
	v28 =	vmul.f32 $9.999999770e-03, v18;
	v38 =	vmax.f32 v20, v61;
	[tilespmem:s23+$0xD0C0] =	vst v62  }
0xa3: {  	v14 =	vmul.f32 v51, v42;
	v51 =	vmul.f32 $9.999999770e-03, v3;
	v17 =	vmax.f32 v23, v17;
	[tilespmem:s23+$0xD0D0] =	vst v38  }
0xa4: {  	v26 =	vadd.f32 v26, v41;
	v41 =	vmul.f32 $9.999999770e-03, v22;
	[tilespmem:s23+$0xD030] =	vst v17;
	v17 =	vmax.f32 v18, v28  }
0xa5: {  	v15 =	vmul.f32 v48, v42;
	v57 =	vmul.f32 $9.999999770e-03, v10;
	v54 =	vmax.f32 v3, v51;
	[tilespmem:s23+$0xD040] =	vst v17  }
0xa6: {  	v11 =	vmul.f32 v45, v42;
	v23 =	vmul.f32 $9.999999770e-03, v0;
	v48 =	vmax.f32 v22, v41;
	[tilespmem:s23+$0xD080] =	vst v54  }
0xa7: {  	v47 =	vmul.f32 $9.999999770e-03, v12;
	v16 =	vmul.f32 v27, v42;
	v60 =	vmax.f32 v10, v57;
	[tilespmem:s23+$0xD100] =	vst v48  }
0xa8: {  	v18 =	vmul.f32 $9.999999770e-03, v1;
	v3 =	vmul.f32 v19, v56;
	v0 =	vmax.f32 v0, v23;
	[tilespmem:s23+$0xD160] =	vst v60  }
0xa9: {  	v51 =	vmul.f32 $9.999999770e-03, v26;
	v23 =	vmul.f32 v31, v56;
	v56 =	vmax.f32 v4, v53;
	[tilespmem:s23+$0xD050] =	vst v0  }
0xaa: {  	v11 =	vadd.f32 v11, v43;
	v17 =	vmul.f32 $9.999999770e-03, v2;
	v50 =	vmax.f32 v1, v18;
	[tilespmem:s23+$0xD090] =	vst v56  }
0xab: {  	v15 =	vadd.f32 v15, v36;
	v49 =	vmul.f32 $9.999999770e-03, v13;
	v54 =	vmax.f32 v26, v51;
	[tilespmem:s23+$0xD060] =	vst v50  }
0xac: {  	v8 =	vadd.f32 v14, v8;
	v61 =	vmul.f32 $9.999999770e-03, v11;
	v52 =	vmax.f32 v2, v17;
	[tilespmem:s23+$0xD130] =	vst v54  }
0xad: {  	v3 =	vadd.f32 v3, v37;
	v17 =	vadd.f32 v30, v40;
	v40 =	vmax.f32 v21, v63;
	[tilespmem:s23+$0xD070] =	vst v52  }
0xae: {  	v4 =	vadd.f32 v23, v39;
	v39 =	vmul.f32 $9.999999770e-03, v24;
	v50 =	vmax.f32 v12, v47;
	[tilespmem:s23+$0xD0E0] =	vst v40  }
0xaf: {  	v43 =	vmul.f32 $9.999999770e-03, v8;
	v63 =	vmul.f32 $9.999999770e-03, v15;
	[tilespmem:s23+$0xD110] =	vst v50;
	v52 =	vmax.f32 v13, v49  }
0xb0: {  	v12 =	vmul.f32 v34, v42;
	v59 =	vmul.f32 $9.999999770e-03, v3;
	v45 =	vmax.f32 v24, v39;
	[tilespmem:s23+$0xD120] =	vst v52  }
0xb1: {  	v13 =	vadd.f32 v16, v35;
	v16 =	vmul.f32 v46, v42;
	v34 =	vmax.f32 v15, v63;
	[tilespmem:s23+$0xD0F0] =	vst v45  }
0xb2: {  	v53 =	vmul.f32 $9.999999770e-03, v17;
	v55 =	vmul.f32 $9.999999770e-03, v4;
	v62 =	vmax.f32 v3, v59;
	[tilespmem:s23+$0xD190] =	vst v34  }
0xb3: {  	v12 =	vadd.f32 v12, v33;
	v10 =	vadd.f32 v16, v32;
	v32 =	vmax.f32 v11, v61;
	[tilespmem:s23+$0xD170] =	vst v62  }
0xb4: {  	v3 =	vmul.f32 v25, v42;
	v33 =	vmul.f32 $9.999999770e-03, v13;
	v45 =	vmax.f32 v8, v43;
	[tilespmem:s23+$0xD180] =	vst v32  }
0xb5: {  	v56 =	vmax.f32 v17, v53;
	v58 =	vmax.f32 v4, v55;
	v4 =	vmul.f32 v44, v42;
	[tilespmem:s23+$0xD1F0] =	vst v45  }
0xb6: {  	v35 =	vmul.f32 $9.999999770e-03, v12;
	[tilespmem:s23+$0xD140] =	vst v56;
	v3 =	vadd.f32 v3, v29  }
0xb7: {  	[tilespmem:s23+$0xD150] =	vst v58;
	v36 =	vmax.f32 v13, v33;
	v37 =	vmul.f32 $9.999999770e-03, v10;
	v4 =	vadd.f32 v4, v9  }
0xb8: {  	[tilespmem:s23+$0xD1A0] =	vst v36;
	v38 =	vmax.f32 v12, v35;
	v41 =	vmul.f32 $9.999999770e-03, v3  }
0xb9: {  	[tilespmem:s23+$0xD1B0] =	vst v38;
	v40 =	vmax.f32 v10, v37;
	v39 =	vmul.f32 $9.999999770e-03, v4  }
0xba: {  	p0 =	seq.s32 s21, $0x27;
	[tilespmem:s23+$0xD1C0] =	vst v40;
	v44 =	vmax.f32 v3, v41  }
0xbb: {  	s31 =	sadd.s32 $0xFFFFFFE0, s20;
	s24 =	sshrl.u32 @!p0 s23, $0x2;
	v42 =	vmax.f32 v4, v39;
	[tilespmem:s23+$0xD1E0] =	vst v44  }
0xbc: {  	s26 =	simm.s32 @!p0 $0x5000;
	s24 =	sadd.s32 @!p0 $0x100, s24;
	[tilespmem:s23+$0xD1D0] =	vst v42;
	s23 =	simm.s32 @!p0 $0x80  }
0xbd: {  	[tilespmem:s26], [sflag:$0x1] =	stream.indirect.gather @!p0 [hbm4b:s4+s23], $0x80, s24, s23, $0xb8;
	[tilespmem:$0x17080] =	vst v63  }
0xbe: {  	s28 =	sadd.s32 $0x100, s31;
	_ =	swait.ge [sflag:s17], $0x4000  }
0xbf: {  	v46 =	vmov s28;
	v53 =	vld [tilespmem:$0x1FFB0]  }
0xc0: {  	s29 =	sadd.s32 $0xA0, s31;
	v54 =	vld [tilespmem:$0x1FFC0]  }
0xc1: {  	s30 =	sadd.s32 $0xC0, s31;
	v47 =	vmov s29;
	v55 =	vld [tilespmem:$0x1FFD0]  }
0xc2: {  	s31 =	sadd.s32 $0xE0, s31;
	v48 =	vmov s30;
	[sflag:s17] =	ssyncset.done $0x0;
	v56 =	vld [tilespmem:$0x1FFE0]  }
0xc3: {  	v3 =	vmov s31;
	v57 =	vld [tilespmem:$0x1FFF0];
	[sflag:s17] =	ssyncadd.s32 $0xFFFFC000  }
0xc4: {  	s23 =	simm.s32 $0xB000;
	v9 =	vld.idx.msk [tilespmem:v46+s12+$0x0], $0xffff  }
0xc5: {  	v49 =	vld [tilespmem:s23+$0x1070]  }
0xc6: {  	v1 =	vld.idx.msk [tilespmem:v47+s12+$0x0], $0xffff  }
0xc7: {  	v2 =	vld.idx.msk [tilespmem:v48+s12+$0x0], $0xffff  }
0xc8: {  	v14 =	vld.idx.msk [tilespmem:v3+s12+$0x0], $0xffff  }
0xc9: {  	v3 =	vld [tilespmem:s23+$0xFFFFE000]  }
0xca: {  	v4 =	vld [tilespmem:s23+$0xFFFFE010]  }
0xcb: {  	v10 =	vld [tilespmem:s23+$0xFFFFE020]  }
0xcc: {  	v11 =	vld [tilespmem:s23+$0xFFFFE030]  }
0xcd: {  	v12 =	vld [tilespmem:s23+$0xFFFFE040]  }
0xce: {  	v13 =	vld [tilespmem:s23+$0xFFFFE050]  }
0xcf: {  	v15 =	vld [tilespmem:s23+$0xFFFFE060]  }
0xd0: {  	v16 =	vld [tilespmem:s23+$0xFFFFE070]  }
0xd1: {  	v18 =	vld [tilespmem:s23+$0xFFFFF010]  }
0xd2: {  	v17 =	vld [tilespmem:s23+$0xFFFFF000]  }
0xd3: {  	v19 =	vld [tilespmem:s23+$0xFFFFF020]  }
0xd4: {  	v20 =	vld [tilespmem:s23+$0xFFFFF030];
	v3 =	vmul.f32 v3, v1;
	v4 =	vmul.f32 v4, v1  }
0xd5: {  	v50 =	vmul.f32 v10, v1;
	v10 =	vmul.f32 v11, v1;
	v11 =	vld [tilespmem:s23+$0xFFFFF040]  }
0xd6: {  	v52 =	vmul.f32 v13, v1;
	v13 =	vmul.f32 v18, v2;
	v33 =	vadd.f32 v4, v54;
	v4 =	vld [tilespmem:s23+$0xFFFFF050]  }
0xd7: {  	v35 =	vadd.f32 v3, v53;
	v3 =	vmul.f32 v12, v1;
	v30 =	vadd.f32 v10, v56;
	v10 =	vld [tilespmem:s23+$0xFFFFF060]  }
0xd8: {  	v34 =	vmovc v7;
	v36 =	vmovc v6;
	v37 =	vmov v5;
	v0 =	vmul.f32 v49, v9;
	v58 =	vmul.f32 v17, v2;
	v12 =	vld [tilespmem:s23+$0xFFFFF070]  }
0xd9: {  	v41 =	vmovc v54;
	v23 =	vadd.f32 v13, v54;
	v13 =	vld [tilespmem:s23+$0x20];
	v27 =	vadd.f32 v3, v57;
	v3 =	vmul.f32 v15, v1  }
0xda: {  	v40 =	vmovc v55;
	v59 =	vmul.f32 v19, v2;
	v8 =	vadd.f32 v0, v7;
	v32 =	vadd.f32 v50, v55;
	v15 =	vld [tilespmem:s23+$0x0]  }
0xdb: {  	v39 =	vmovc v56;
	v60 =	vmul.f32 v20, v2;
	v28 =	vadd.f32 v52, v5;
	v29 =	vadd.f32 v3, v6;
	v3 =	vld [tilespmem:s23+$0x10]  }
0xdc: {  	p0 =	por $0x0, $0x0;
	v38 =	vmovc v57;
	v25 =	vadd.f32 v58, v53;
	v20 =	vadd.f32 v59, v55;
	v1 =	vmul.f32 v16, v1  }
.Ltmp1:
0xdd: {  	v46 =	vld [tilespmem:s23+$0x30];
	v31 =	vmovc v53;
	v21 =	vadd.f32 v60, v56;
	v61 =	vmul.f32 v11, v2;
	v4 =	vmul.f32 v4, v2;
	(pc) =	sbr.rel @p0 .LBB2_6-.Ltmp1, $4  }
0xde: {  	v45 =	vld [tilespmem:s23+$0x40];
	v24 =	vmovc v54;
	v26 =	vadd.f32 v1, v7;
	v62 =	vmul.f32 v10, v2;
	v2 =	vmul.f32 v12, v2  }
0xdf: {  	v43 =	vld [tilespmem:s23+$0x50];
	v17 =	vmovc v55;
	v22 =	vadd.f32 v61, v57;
	v47 =	vmul.f32 v13, v14;
	v63 =	vmul.f32 v15, v14  }
0xe0: {  	v44 =	vld [tilespmem:s23+$0x60];
	v11 =	vmovc v5;
	v18 =	vadd.f32 v4, v5;
	v19 =	vadd.f32 v62, v6;
	v48 =	vmul.f32 v3, v14  }
0xe1: {  	s24 =	simm.s32 $0xFFFFFFE1;
	v42 =	vld [tilespmem:s23+$0x70];
	v13 =	vmovc v56;
	v12 =	vmovc v57;
	v10 =	vmov v6;
	v15 =	vadd.f32 v2, v7;
	v16 =	vadd.f32 v63, v53  }
.LBB2_5:
0xe2: {  	s25 =	sadd.s32 s24, s20;
	s24 =	sadd.s32 $0x1, s24;
	v41 =	vadd.f32 v48, v41;
	v0 =	vmul.f32 v46, v14;
	v1 =	vld [tilespmem:s23+$0x1000]  }
0xe3: {  	s26 =	sadd.s32 $0xA0, s25;
	s28 =	sadd.s32 $0x100, s25;
	p0 =	seq.s32 s24, $0x0;
	v40 =	vadd.f32 v47, v40;
	v2 =	vmul.f32 v45, v14;
	v3 =	vld [tilespmem:s23+$0x1010]  }
0xe4: {  	v4 =	vmov s26;
	s26 =	sadd.s32 $0xC0, s25;
	s25 =	sadd.s32 $0xE0, s25;
	v45 =	vmov s28;
	v43 =	vmul.f32 v43, v14;
	v46 =	vld [tilespmem:s23+$0x1020]  }
0xe5: {  	v47 =	vmov s26;
	v48 =	vmov s25;
	v44 =	vmul.f32 v44, v14;
	v49 =	vld [tilespmem:s23+$0x1030]  }
0xe6: {  	v39 =	vadd.f32 v0, v39;
	v38 =	vadd.f32 v2, v38;
	v0 =	vmul.f32 v42, v14;
	v2 =	vld [tilespmem:s23+$0x1040]  }
0xe7: {  	v37 =	vadd.f32 v43, v37;
	v36 =	vadd.f32 v44, v36;
	v1 =	vmul.f32 v1, v9;
	v14 =	vld [tilespmem:s23+$0x1050]  }
0xe8: {  	v34 =	vadd.f32 v0, v34;
	v0 =	vmul.f32 v3, v9;
	v3 =	vld [tilespmem:s23+$0x1060]  }
0xe9: {  	s23 =	sadd.s32 $0x80, s23;
	v42 =	vld.idx.msk [tilespmem:v45+s12+$0x0], $0xffff;
	v31 =	vadd.f32 v1, v31;
	v1 =	vmul.f32 v46, v9  }
0xea: {  	v43 =	vld [tilespmem:s23+$0x1070];
	v24 =	vadd.f32 v0, v24;
	v0 =	vmul.f32 v49, v9  }
0xeb: {  	v4 =	vld.idx.msk [tilespmem:v4+s12+$0x0], $0xffff;
	v17 =	vadd.f32 v1, v17;
	v1 =	vmul.f32 v2, v9  }
0xec: {  	v2 =	vld.idx.msk [tilespmem:v47+s12+$0x0], $0xffff;
	v13 =	vadd.f32 v0, v13;
	v0 =	vmul.f32 v14, v9  }
0xed: {  	v14 =	vld.idx.msk [tilespmem:v48+s12+$0x0], $0xffff;
	v12 =	vadd.f32 v1, v12;
	v1 =	vmul.f32 v3, v9  }
0xee: {  	v3 =	vld [tilespmem:s23+$0xFFFFE000];
	v11 =	vadd.f32 v0, v11  }
0xef: {  	v9 =	vmov v42;
	v0 =	vld [tilespmem:s23+$0xFFFFE010];
	v43 =	vmul.f32 v43, v42;
	v10 =	vadd.f32 v1, v10  }
0xf0: {  	v1 =	vld [tilespmem:s23+$0xFFFFE020]  }
0xf1: {  	v42 =	vld [tilespmem:s23+$0xFFFFE030];
	v8 =	vadd.f32 v43, v8  }
0xf2: {  	v43 =	vld [tilespmem:s23+$0xFFFFE040]  }
0xf3: {  	v3 =	vmul.f32 v3, v4;
	v44 =	vld [tilespmem:s23+$0xFFFFE050]  }
0xf4: {  	v0 =	vmul.f32 v0, v4;
	v45 =	vld [tilespmem:s23+$0xFFFFE060]  }
0xf5: {  	v35 =	vadd.f32 v3, v35;
	v1 =	vmul.f32 v1, v4;
	v3 =	vld [tilespmem:s23+$0xFFFFE070]  }
0xf6: {  	v33 =	vadd.f32 v0, v33;
	v0 =	vmul.f32 v42, v4;
	v42 =	vld [tilespmem:s23+$0xFFFFF000]  }
0xf7: {  	v32 =	vadd.f32 v1, v32;
	v1 =	vmul.f32 v43, v4;
	v43 =	vld [tilespmem:s23+$0xFFFFF010]  }
0xf8: {  	v30 =	vadd.f32 v0, v30;
	v0 =	vmul.f32 v44, v4;
	v44 =	vld [tilespmem:s23+$0xFFFFF020]  }
0xf9: {  	v27 =	vadd.f32 v1, v27;
	v1 =	vmul.f32 v45, v4;
	v45 =	vld [tilespmem:s23+$0xFFFFF030]  }
0xfa: {  	v28 =	vadd.f32 v0, v28;
	v0 =	vmul.f32 v3, v4;
	v3 =	vld [tilespmem:s23+$0xFFFFF040]  }
0xfb: {  	v29 =	vadd.f32 v1, v29;
	v1 =	vmul.f32 v42, v2;
	v4 =	vld [tilespmem:s23+$0xFFFFF050]  }
0xfc: {  	v26 =	vadd.f32 v0, v26;
	v0 =	vmul.f32 v43, v2;
	v42 =	vld [tilespmem:s23+$0xFFFFF060]  }
0xfd: {  	v25 =	vadd.f32 v1, v25;
	v1 =	vmul.f32 v44, v2;
	v43 =	vld [tilespmem:s23+$0xFFFFF070]  }
0xfe: {  	v23 =	vadd.f32 v0, v23;
	v0 =	vmul.f32 v45, v2;
	v44 =	vld [tilespmem:s23+$0x0]  }
0xff: {  	v20 =	vadd.f32 v1, v20;
	v1 =	vmul.f32 v3, v2;
	v3 =	vld [tilespmem:s23+$0x10]  }
0x100: {  	v21 =	vadd.f32 v0, v21;
	v0 =	vmul.f32 v4, v2;
	v4 =	vld [tilespmem:s23+$0x20]  }
.Ltmp2:
0x101: {  	v22 =	vadd.f32 v1, v22;
	v1 =	vmul.f32 v42, v2;
	v46 =	vld [tilespmem:s23+$0x30];
	(pc) =	sbr.rel @!p0 .LBB2_5-.Ltmp2, $4  }
0x102: {  	v18 =	vadd.f32 v0, v18;
	v0 =	vmul.f32 v43, v2;
	v45 =	vld [tilespmem:s23+$0x40]  }
0x103: {  	v19 =	vadd.f32 v1, v19;
	v1 =	vmul.f32 v44, v14;
	v43 =	vld [tilespmem:s23+$0x50]  }
0x104: {  	v15 =	vadd.f32 v0, v15;
	v48 =	vmul.f32 v3, v14;
	v44 =	vld [tilespmem:s23+$0x60]  }
0x105: {  	v16 =	vadd.f32 v1, v16;
	v47 =	vmul.f32 v4, v14;
	v42 =	vld [tilespmem:s23+$0x70]  }
.LBB2_6:
0x106: {  	v0 =	vld [tilespmem:s23+$0x1000]  }
0x107: {  	v1 =	vld [tilespmem:s23+$0x1010]  }
0x108: {  	v2 =	vld [tilespmem:s23+$0x1020]  }
0x109: {  	v3 =	vld [tilespmem:s23+$0x1030];
	v49 =	vmul.f32 $9.999999770e-03, v35  }
0x10a: {  	v4 =	vld [tilespmem:s23+$0x1040];
	s22 =	sshll.u32 s22, $0x9;
	v51 =	vmul.f32 $9.999999770e-03, v33  }
0x10b: {  	v50 =	vld [tilespmem:s23+$0x1050];
	v62 =	vmul.f32 $9.999999770e-03, v32;
	s22 =	sand.u32 $0x3FFFFE00, s22;
	v35 =	vmax.f32 v35, v49  }
0x10c: {  	v52 =	vld [tilespmem:s23+$0x1060];
	v63 =	vmul.f32 $9.999999770e-03, v30;
	v33 =	vmax.f32 v33, v51;
	[tilespmem:s22+$0xD000] =	vst v35  }
0x10d: {  	v41 =	vadd.f32 v48, v41;
	v48 =	vmul.f32 $9.999999770e-03, v27;
	v32 =	vmax.f32 v32, v62;
	[tilespmem:s22+$0xD010] =	vst v33  }
0x10e: {  	v59 =	vmul.f32 $9.999999770e-03, v29;
	v61 =	vmul.f32 $9.999999770e-03, v26;
	v30 =	vmax.f32 v30, v63;
	[tilespmem:s22+$0xD020] =	vst v32  }
0x10f: {  	v40 =	vadd.f32 v47, v40;
	v58 =	vmul.f32 v45, v14;
	v27 =	vmax.f32 v27, v48;
	[tilespmem:s22+$0xD030] =	vst v30  }
0x110: {  	v45 =	vmul.f32 $9.999999770e-03, v23;
	v49 =	vmul.f32 v46, v14;
	v63 =	vmax.f32 v29, v59;
	[tilespmem:s22+$0xD040] =	vst v27  }
0x111: {  	v51 =	vmul.f32 $9.999999770e-03, v28;
	v60 =	vmul.f32 v43, v14;
	v26 =	vmax.f32 v26, v61;
	[tilespmem:s22+$0xD060] =	vst v63  }
0x112: {  	v46 =	vmul.f32 $9.999999770e-03, v20;
	v48 =	vmul.f32 $9.999999770e-03, v21;
	[tilespmem:s22+$0xD070] =	vst v26;
	v23 =	vmax.f32 v23, v45  }
0x113: {  	v59 =	vmul.f32 $9.999999770e-03, v18;
	v61 =	vmul.f32 $9.999999770e-03, v19;
	v28 =	vmax.f32 v28, v51;
	[tilespmem:s22+$0xD090] =	vst v23  }
0x114: {  	v62 =	vmul.f32 v44, v14;
	v44 =	vmul.f32 $9.999999770e-03, v25;
	v20 =	vmax.f32 v20, v46;
	[tilespmem:s22+$0xD050] =	vst v28  }
0x115: {  	v30 =	vadd.f32 v58, v38;
	v32 =	vadd.f32 v49, v39;
	v58 =	vmax.f32 v21, v48;
	[tilespmem:s22+$0xD0A0] =	vst v20  }
0x116: {  	v47 =	vmul.f32 v42, v14;
	v27 =	vadd.f32 v60, v37;
	v18 =	vmax.f32 v18, v59;
	[tilespmem:s22+$0xD0B0] =	vst v58  }
0x117: {  	v49 =	vmul.f32 $9.999999770e-03, v22;
	v63 =	vmax.f32 v19, v61;
	v21 =	vmul.f32 $9.999999770e-03, v16;
	[tilespmem:s22+$0xD0D0] =	vst v18  }
0x118: {  	v61 =	vmul.f32 $9.999999770e-03, v8;
	v25 =	vmax.f32 v25, v44;
	v51 =	vadd.f32 v62, v36;
	[tilespmem:s22+$0xD0E0] =	vst v63  }
0x119: {  	v0 =	vmul.f32 v0, v9;
	v62 =	vmul.f32 $9.999999770e-03, v15;
	[tilespmem:s22+$0xD080] =	vst v25;
	v60 =	vmax.f32 v22, v49  }
0x11a: {  	v1 =	vmul.f32 v1, v9;
	v2 =	vmul.f32 v2, v9;
	v23 =	vmax.f32 v16, v21;
	[tilespmem:s22+$0xD0C0] =	vst v60  }
0x11b: {  	v3 =	vmul.f32 v3, v9;
	v33 =	vmul.f32 $9.999999770e-03, v30;
	v63 =	vmax.f32 v8, v61;
	[tilespmem:s22+$0xD100] =	vst v23  }
0x11c: {  	v4 =	vmul.f32 v4, v9;
	v22 =	vmul.f32 $9.999999770e-03, v41;
	v15 =	vmax.f32 v15, v62;
	[tilespmem:s22+$0xD1F0] =	vst v63  }
0x11d: {  	v45 =	vmul.f32 v52, v9;
	v25 =	vmul.f32 $9.999999770e-03, v40;
	v36 =	vmax.f32 v30, v33;
	[tilespmem:s22+$0xD0F0] =	vst v15  }
0x11e: {  	v14 =	vadd.f32 v47, v34;
	v29 =	vmul.f32 $9.999999770e-03, v32;
	v28 =	vmax.f32 v41, v22;
	[tilespmem:s22+$0xD140] =	vst v36  }
0x11f: {  	v35 =	vmul.f32 $9.999999770e-03, v27;
	v0 =	vadd.f32 v0, v31;
	v31 =	vmax.f32 v40, v25;
	[tilespmem:s22+$0xD110] =	vst v28  }
0x120: {  	v1 =	vadd.f32 v1, v24;
	v37 =	vmul.f32 $9.999999770e-03, v51;
	v34 =	vmax.f32 v32, v29;
	[tilespmem:s22+$0xD120] =	vst v31  }
0x121: {  	v2 =	vadd.f32 v2, v17;
	v38 =	vmax.f32 v27, v35;
	v39 =	vmul.f32 $9.999999770e-03, v14;
	[tilespmem:s22+$0xD130] =	vst v34  }
0x122: {  	v3 =	vadd.f32 v3, v13;
	[tilespmem:s22+$0xD150] =	vst v38;
	v41 =	vmax.f32 v51, v37;
	v42 =	vmul.f32 $9.999999770e-03, v0  }
0x123: {  	v4 =	vadd.f32 v4, v12;
	v44 =	vmul.f32 $9.999999770e-03, v1;
	[tilespmem:s22+$0xD160] =	vst v41;
	v43 =	vmax.f32 v14, v39  }
0x124: {  	v40 =	vmul.f32 v50, v9;
	v46 =	vmul.f32 $9.999999770e-03, v2;
	[tilespmem:s22+$0xD170] =	vst v43;
	v0 =	vmax.f32 v0, v42  }
0x125: {  	s21 =	sadd.s32 $0x1, s21;
	v9 =	vadd.f32 v45, v10;
	v48 =	vmul.f32 $9.999999770e-03, v3;
	v47 =	vmax.f32 v1, v44;
	[tilespmem:s22+$0xD180] =	vst v0  }
0x126: {  	p0 =	sne.s32 s21, $0x28;
	v50 =	vmul.f32 $9.999999770e-03, v4;
	v11 =	vadd.f32 v40, v11;
	v49 =	vmax.f32 v2, v46;
	[tilespmem:s22+$0xD190] =	vst v47  }
.Ltmp3:
0x127: {  	v59 =	vmul.f32 $9.999999770e-03, v9;
	v51 =	vmax.f32 v3, v48;
	[tilespmem:s22+$0xD1A0] =	vst v49;
	(pc) =	sbr.rel @p0 .LBB2_2-.Ltmp3, $4  }
0x128: {  	v58 =	vmax.f32 v4, v50;
	v52 =	vmul.f32 $9.999999770e-03, v11;
	[tilespmem:s22+$0xD1B0] =	vst v51  }
0x129: {  	[tilespmem:s22+$0xD1C0] =	vst v58;
	v62 =	vmax.f32 v9, v59  }
0x12a: {  	[tilespmem:s22+$0xD1E0] =	vst v62;
	v60 =	vmax.f32 v11, v52  }
0x12b: {  	s20 =	sadd.s32 $0x100, s20;
	[tilespmem:s22+$0xD1D0] =	vst v60  }
0x12c: {  	s19 =	sadd.s32 $0x1, s19  }
0x12d: {  	p0 =	sne.s32 s19, s8  }
.Ltmp4:
0x12e: {  	_ = 	snop;
	(pc) =	sbr.rel @p0 .LBB2_1-.Ltmp4, $4  }
0x12f: {  	[hbm4b:s7+s3] =	stream.linear.scatter [tilespmem:s18], [sflag:$0x3], $0xA000, $0x38;
	[tilespmem:$0x17080] =	vst v63  }
0x130: {  	_ =	swait.ge [sflag:s9], $0xA000  }
0x131: {  	[sflag:s9] =	ssyncset.done $0x0  }
0x132: {  	[sflag:s9] =	ssyncadd.s32 $0xFFFF6000  }
0x133: {  	_ =	sfence.sel $0x180000  }
0x134: {  	[bflag:$0x0] =	sbarrier.arrive $0xFFFF  }
0x135: {  	p0 =	sne.s32 s1, $0x0;
	_ =	strace $0x9000004D  }
0x136: {  	s0 =	sadd.s32 @!p0 $0x100000, s0;
	[bflag:$0x2] =	sbarrier.arrive $0xFFFF  }
0x137: {  	[sflag:s0] =	ssyncadd.tile.s32 @!p0 $0x1;
	_ =	shalt  }
.Lfunc_end2:
_tile_overlayer_lowered:
.L_overlay_start_2:
0x138: {  	(tag) =	ssettag $0x2  }
0x139: {  	s0 =	rddreg [dreg:$0x0];
	s2 =	stileid.u32  }
0x13a: {  	s1 =	rddreg [dreg:$0x1];
	p0 =	sne.s32 s2, $0x0  }
0x13b: {  	s3 =	rddreg [dreg:$0x2];
	[bflag:$0x3] =	sbarrier.arrive $0xFFFF;
	s2 =	simm.s32 @!p0 $0x1C03  }
0x13c: {  	[timem:s3], [sflag:s2] =	dma.local @!p0 [hbm:s0], s1  }
0x13d: {  	s0 =	simm.s32 @!p0 $0x3  }
0x13e: {  	_ =	swait.ge @!p0 [sflag:s0], s1  }
0x13f: {  	s1 =	ssub.s32 @!p0 $0x0, s1;
	[sflag:s0] =	ssyncset.done @!p0 $0x0  }
0x140: {  	[sflag:s0] =	ssyncadd.s32 @!p0 s1  }
0x141: {  	[bflag:$0x3] =	sbarrier.arrive $0xFFFF  }
0x142: {  	_ =	shalt  }

// kernel: kernel.18.cloned.1.call-start
scs
__scs_entry_jumppad:
0x0: {  	(pc) =	sbr.rel $0x88, $3  }
0x1: {  	(tag) =	ssettag $0x0;
	lr =	simm.s32 $0x1  }
0x2: {  	[smem:$0x3F98] =	sst lr;
	_ =	strace $0xD0000000  }
0x3: {  	_ = 	snop  }
0x4: {  	_ = 	snop  }
0x5: {  	_ = 	snop  }
0x6: {  	_ = 	snop  }
0x7: {  	_ = 	snop  }
__scs_overlays_trampoline_lowered:
0x8: {  	[smem:$0x3FA7] =	sst s0  }
0x9: {  	[smem:$0x3FA8] =	sst s1  }
0xa: {  	[smem:$0x3FA9] =	sst s2  }
0xb: {  	[smem:$0x3FAA] =	sst s3  }
0xc: {  	[smem:$0x3FAB] =	sst s4  }
0xd: {  	[smem:$0x3FAC] =	sst s5  }
0xe: {  	[smem:$0x3FAD] =	sst s6  }
0xf: {  	[smem:$0x3FAE] =	sst s7  }
0x10: {  	[smem:$0x3FAF] =	sst s8  }
0x11: {  	[smem:$0x3FB0] =	sst s9;
	s0 =	simm.s32 @!p0 $0x0  }
0x12: {  	s1 =	sld [smem:$0x3F96];
	s0 =	simm.s32 @p0 $0x1  }
0x13: {  	[smem:$0x3FB1] =	sst s0;
	s0 =	simm.s32 @!p1 $0x0  }
0x14: {  	s2 =	sld [smem:$0x3F95];
	s0 =	simm.s32 @p1 $0x1  }
0x15: {  	[smem:$0x3FB2] =	sst s0;
	s0 =	simm.s32 @!p2 $0x0  }
0x16: {  	s3 =	sld [smem:$0x3FDB];
	s0 =	simm.s32 @p2 $0x1  }
0x17: {  	s4 =	simm.s32 $0x1BF5;
	[smem:$0x3FB4] =	sst s0  }
0x18: {  	s0 =	sld [smem:$0x3F97];
	_ =	swait.ge [sflag:s4], $0x0  }
0x19: {  	s7 =	sld [smem:$0x3F98]  }
0x1a: {  	s8 =	sadd.s32 $0xFFFFE003, lr  }
0x1b: {  	s9 =	sadd.s32 $0xFFFFFEF7, lr;
	s5 =	simm.s32 $0xFFFFFFFF;
	p2 =	slt.u32 s8, $0xFFFFF086  }
0x1c: {  	p1 =	slt.u32 s9, $0xF7A;
	s5 =	simm.s32 @!p2 $0x0  }
0x1d: {  	s5 =	simm.s32 @p1 $0x1;
	p0 =	seq.s32 s7, s2  }
0x1e: {  	s7 =	smul.u32 @!p0 $0xF7A, s2;
	p2 =	seq.s32 @!p0 s5, $0x0  }
0x1f: {  	s9 =	smul.u32 $0xF7A, s1;
	s8 =	simm.s32 @!p0 $0x1BF5;
	p2 =	por !p2, p0  }
0x20: {  	[sflag:s8] =	ssyncset.s32 @!p0 $0xFFFFF086;
	s6 =	sadd.s32 @!p0 s3, s7;
	s7 =	simm.s32 @!p0 $0x108  }
0x21: {  	s3 =	sadd.s32 s3, s9;
	s6 =	sadd.s32 @!p0 $0x88, s6;
	s7 =	simm.s32 @p2 $0x1082  }
0x22: {  	[simem:s7], [sflag:s8] =	dma.local @!p0 [hbm:s6], $0xF7A  }
0x23: {  	s9 =	sor.u32 $0xD0000000, s2;
	s6 =	simm.s32 $0x108;
	_ =	swait.ge @!p0 [sflag:s8], $0x0  }
0x24: {  	s3 =	sadd.s32 $0x88, s3;
	s6 =	simm.s32 @!p1 $0x1082;
	[sflag:s4] =	ssyncset.s32 $0xFFFFF086  }
0x25: {  	[simem:s6], [sflag:s4] =	dma.local [hbm:s3], $0xF7A  }
0x26: {  	[smem:$0x3F98] =	sst s1;
	(tag) =	ssettag s2;
	_ =	strace s9  }
0x27: {  	s1 =	sld [smem:$0x3FA8]  }
0x28: {  	s2 =	sld [smem:$0x3FA9]  }
0x29: {  	s4 =	sld [smem:$0x3FAB]  }
0x2a: {  	p0 =	seq.s32 s5, $0x0;
	s5 =	sld [smem:$0x3FAC]  }
0x2b: {  	s6 =	sld [smem:$0x3FAD]  }
0x2c: {  	s7 =	sld [smem:$0x3FAE]  }
0x2d: {  	s3 =	simm.s32 $0x108;
	s8 =	sld [smem:$0x3FAF]  }
0x2e: {  	s3 =	simm.s32 @!p0 $0x1082;
	s9 =	sld [smem:$0x3FB0]  }
0x2f: {  	lr =	sadd.s32 s0, s3;
	s0 =	sld [smem:$0x3FA7]  }
0x30: {  	s3 =	sld [smem:$0x3FAA]  }
0x31: {  	[smem:$0x3FB3] =	sst s10  }
0x32: {  	s10 =	sld [smem:$0x3FB1];
	_ =	sdelay $0x3  }
0x33: {  	p0 =	seq.s32 s10, $0x1;
	s10 =	sld [smem:$0x3FB3];
	_ =	sdelay $0x3  }
0x34: {  	[smem:$0x3FB3] =	sst s10  }
0x35: {  	s10 =	sld [smem:$0x3FB2];
	_ =	sdelay $0x3  }
0x36: {  	p1 =	seq.s32 s10, $0x1;
	s10 =	sld [smem:$0x3FB3];
	_ =	sdelay $0x3  }
0x37: {  	[smem:$0x3FB3] =	sst s10  }
0x38: {  	s10 =	sld [smem:$0x3FB4]  }
0x39: {  	_ = 	snop;
	(pc) =	sbr.ind lr, $3  }
0x3a: {  	_ = 	snop  }
0x3b: {  	_ = 	snop  }
0x3c: {  	p2 =	seq.s32 s10, $0x1;
	s10 =	sld [smem:$0x3FB3]  }
0x3d: {  	_ =	shalt  }
0x3e: {  	_ =	shalt  }
0x3f: {  	_ =	shalt  }
0x40: {  	_ =	shalt  }
0x41: {  	_ =	shalt  }
0x42: {  	_ =	shalt  }
0x43: {  	_ =	shalt  }
0x44: {  	_ =	shalt  }
0x45: {  	_ =	shalt  }
0x46: {  	_ =	shalt  }
0x47: {  	_ =	shalt  }
0x48: {  	_ =	shalt  }
0x49: {  	_ =	shalt  }
0x4a: {  	_ =	shalt  }
0x4b: {  	_ =	shalt  }
0x4c: {  	_ =	shalt  }
0x4d: {  	_ =	shalt  }
0x4e: {  	_ =	shalt  }
0x4f: {  	_ =	shalt  }
0x50: {  	_ =	shalt  }
0x51: {  	_ =	shalt  }
0x52: {  	_ =	shalt  }
0x53: {  	_ =	shalt  }
0x54: {  	_ =	shalt  }
0x55: {  	_ =	shalt  }
0x56: {  	_ =	shalt  }
0x57: {  	_ =	shalt  }
0x58: {  	_ =	shalt  }
0x59: {  	_ =	shalt  }
0x5a: {  	_ =	shalt  }
0x5b: {  	_ =	shalt  }
0x5c: {  	_ =	shalt  }
0x5d: {  	_ =	shalt  }
0x5e: {  	_ =	shalt  }
0x5f: {  	_ =	shalt  }
0x60: {  	_ =	shalt  }
0x61: {  	_ =	shalt  }
0x62: {  	_ =	shalt  }
0x63: {  	_ =	shalt  }
0x64: {  	_ =	shalt  }
0x65: {  	_ =	shalt  }
0x66: {  	_ =	shalt  }
0x67: {  	_ =	shalt  }
0x68: {  	_ =	shalt  }
0x69: {  	_ =	shalt  }
0x6a: {  	_ =	shalt  }
0x6b: {  	_ =	shalt  }
0x6c: {  	_ =	shalt  }
0x6d: {  	_ =	shalt  }
0x6e: {  	_ =	shalt  }
0x6f: {  	_ =	shalt  }
0x70: {  	_ =	shalt  }
0x71: {  	_ =	shalt  }
0x72: {  	_ =	shalt  }
0x73: {  	_ =	shalt  }
0x74: {  	_ =	shalt  }
0x75: {  	_ =	shalt  }
0x76: {  	_ =	shalt  }
0x77: {  	_ =	shalt  }
0x78: {  	_ =	shalt  }
0x79: {  	_ =	shalt  }
0x7a: {  	_ =	shalt  }
0x7b: {  	_ =	shalt  }
0x7c: {  	_ =	shalt  }
0x7d: {  	_ =	shalt  }
0x7e: {  	_ =	shalt  }
0x7f: {  	_ =	shalt  }
0x80: {  	_ =	shalt  }
0x81: {  	_ =	shalt  }
0x82: {  	_ =	shalt  }
0x83: {  	_ =	shalt  }
0x84: {  	_ =	shalt  }
0x85: {  	_ =	shalt  }
0x86: {  	_ =	shalt  }
0x87: {  	_ =	shalt  }
.Lfunc_end0:
.L_simem_size_0:
called_computation.3_lowered:
.L_overlay_start_0:
0x88: {  	s2 =	sld [smem:$0x3FD9]  }
0x89: {  	s3 =	sld [smem:$0x3FFE];
	_ =	sdelay $0x1  }
0x8a: {  	s1 =	srdreg.scid  }
0x8b: {  	s0 =	sand.u32 $0x1, s1  }
0x8c: {  	s17 =	sshll.u32 s0, $0xA;
	s2 =	sadd.s32 s3, s2  }
0x8d: {  	s2 =	sadd.s32 s2, s17  }
0x8e: {  	[smem:$0x3FBF] =	sst s2  }
0x8f: {  	_ = 	snop  }
0x90: {  	s2 =	sld [smem:$0x3FC1]  }
0x91: {  	s18 =	sld [smem:$0x3FD0];
	(tm) =	ssettm $0x1  }
0x92: {  	s4 =	sld [smem:$0x3FFB];
	_ =	sdelay $0x3  }
0x93: {  	_ =	strace s4  }
0x94: {  	s4 =	sld [smem:$0x3FFC];
	_ =	sdelay $0x3  }
0x95: {  	_ =	strace s4  }
0x96: {  	s4 =	sld [smem:$0x3FFD];
	_ =	sdelay $0x3  }
0x97: {  	_ =	strace s4  }
0x98: {  	_ =	strace $0x8FFFFFFF  }
0x99: {  	s19 =	sld [smem:$0x3FDB];
	_ =	sdelay $0x1  }
0x9a: {  	s5 =	simm.s32 $_scs_section_size  }
0x9b: {  	s6 =	simm.s32 $_size__tile_overlayer_lowered;
	s7 =	simm.s32 $_tile_overlayer_lowered  }
0x9c: {  	s22 =	simm.s32 $0x1BFF;
	s21 =	sshll.u32 s7, $0x1;
	s4 =	sadd.s32 s5, s19  }
0x9d: {  	s8 =	simm.s32 $0x0;
	s20 =	sshll.u32 s6, $0x1;
	s6 =	sadd.s32 s21, s4  }
0x9e: {  	[timem:s8], [sflag:s22] =	dma.local [hbm:s6], s20  }
0x9f: {  	_ =	swait.ge [sflag:s22], s20  }
0xa0: {  	s5 =	ssub.s32 $0x0, s20;
	[sflag:s22] =	ssyncset.done $0x0  }
0xa1: {  	[sflag:s22] =	ssyncadd.s32 s5;
	_ =	sdelay $0x1  }
0xa2: {  	s23 =	simm.s32 $0x1B8B  }
0xa3: {  	_ =	swait.ge [sflag:s23], $0x1  }
0xa4: {  	[sflag:s23] =	ssyncset.done $0x0  }
0xa5: {  	s25 =	simm.s32 $0x1B8E;
	s24 =	sld [smem:$0x3FFE];
	[sflag:s23] =	ssyncadd.s32 $0xFFFFFFFF  }
0xa6: {  	s26 =	simm.s32 $execute0_lowered;
	[smem:$0x3FD2] =	sst s25  }
0xa7: {  	s6 =	sshll.u32 s26, $0x1;
	_ =	strace $0x8000004F;
	[dreg:$0x1] =	wrdreg $0xFFFFFFFF  }
0xa8: {  	s28 =	simm.s32 $_size_execute0_lowered;
	s4 =	sadd.s32 s4, s6;
	[dreg:$0x0] =	wrdreg $0x0  }
0xa9: {  	s6 =	sshll.u32 s28, $0x1;
	[dreg:$0x2] =	wrdreg s4  }
0xaa: {  	[dreg:$0x3] =	wrdreg s6  }
0xab: {  	[dreg:$0x4] =	wrdreg $0xC0  }
0xac: {  	_ =	task [dreg:s8], $0x5FFFF  }
0xad: {  	[dreg:$0x1] =	wrdreg $0xFFFFFFFF  }
0xae: {  	[dreg:$0x0] =	wrdreg $0x60  }
0xaf: {  	[dreg:$0x2] =	wrdreg s24  }
0xb0: {  	[dreg:$0x3] =	wrdreg s18  }
0xb1: {  	[dreg:$0x4] =	wrdreg s2  }
0xb2: {  	[dreg:$0x5] =	wrdreg $0x9  }
0xb3: {  	_ =	task.clear_ibuf [dreg:s8], $0x6FFFF;
	_ =	strace $0x9000004F  }
0xb4: {  	s29 =	simm.s32 $0x9;
	_ =	strace $0x80000051  }
0xb5: {  	_ =	swait.ge [sflag:s29], $0x1  }
0xb6: {  	[sflag:s29] =	ssyncadd.s32 $0xFFFFFFFF  }
0xb7: {  	_ =	strace $0x90000051  }
0xb8: {  	_ =	sfence  }
0xb9: {  	s30 =	sld [smem:$0x0];
	_ =	sdelay $0x2  }
0xba: {  	s31 =	sshll.u32 s1, $0xD;
	s1 =	sshrl.u32 s1, $0x2  }
0xbb: {  	s3 =	sand.u32 $0x4000, s31;
	s1 =	sadd.s32 s1, s30  }
0xbc: {  	s0 =	sor.u32 s3, s0;
	s1 =	sshll.u32 s1, $0x11  }
0xbd: {  	s0 =	sor.u32 s1, s0  }
0xbe: {  	s0 =	sadd.s32 $0x8F2B, s0  }
0xbf: {  	[sflag:s0] =	ssyncadd.remote.s32 $0x1  }
0xc0: {  	_ =	sfence.sel $0xFFFF  }
0xc1: {  	[dreg:$0x0] =	wrdreg $0xFFFFFFFF;
	(pc) =	sbr.abs _section_cstart, $3  }
0xc2: {  	[dreg:$0x1] =	wrdreg $0xFFFFFFFF  }
0xc3: {  	_ =	task.clear_ibuf [dreg:s8], $0x2FFFF;
	_ =	strace $0x9FFFFFFF  }
0xc4: {  	(tm) =	ssettm $0x7FFFFFFF  }
0xc5: {  	_ =	shalt  }
tec
execute0_lowered:
.L_overlay_start_1:
0x0: {  	(tag) =	ssettag $0x1  }
0x1: {  	s5 =	rddreg [dreg:$0x0]  }
0x2: {  	s6 =	rddreg [dreg:$0x1]  }
0x3: {  	s2 =	rddreg [dreg:$0x2]  }
0x4: {  	s0 =	rddreg [dreg:$0x3];
	s4 =	srdreg.scid  }
0x5: {  	s1 =	stileid.u32;
	s3 =	simm.s32 $0x0;
	s13 =	simm.s32 $0x17000  }
0x6: {  	s14 =	simm.s32 $0x5000;
	s15 =	simm.s32 $0x9000;
	s16 =	simm.s32 $0x1  }
0x7: {  	s17 =	simm.s32 $0x2;
	s18 =	simm.s32 $0xD000;
	s19 =	simm.s32 $0x0  }
0x8: {  	s7 =	sand.u32 $0x1, s4;
	s29 =	sshll.u32 s1, $0x1;
	[smem:$0x7FF] =	sst s3  }
0x9: {  	s10 =	sshrl.u32 s1, $0x2;
	s4 =	sadd.s32 $0x3F400, s5;
	s8 =	sor.u32 s7, s29  }
0xa: {  	_ =	strace $0x80000050;
	s10 =	smul.u32 $0x14000, s10;
	s7 =	ssub.s32 $0x2, s7  }
0xb: {  	s9 =	smul.u32 $0x500, s8;
	s11 =	sshll.u32 s8, $0x7;
	s12 =	sshrl.u32 s7, $0x1  }
0xc: {  	s8 =	smul.u32 $0x1400, s8;
	s11 =	sand.u32 $0x380, s11;
	s30 =	ssub.s32 s7, s12  }
0xd: {  	s12 =	simm.s32 $0x2800;
	s9 =	sadd.s32 s9, s5;
	s10 =	sor.u32 s10, s11  }
0xe: {  	s8 =	sadd.s32 s8, s5;
	s11 =	simm.s32 $0x400;
	s31 =	sshrl.u32 s10, $0x3  }
0xf: {  	s5 =	sadd.s32 $0x35400, s9;
	s7 =	sadd.s32 $0x2800, s8;
	s8 =	smax.u32 s30, $0x1  }
0x10: {  	s9 =	simm.s32 $0x3;
	s10 =	simm.s32 $0x80;
	s6 =	sadd.s32 s6, s31  }
.LBB2_1:
0x11: {  	[tilespmem:s3], [sflag:$0x3] =	stream.linear.gather [hbm4b:s5+s3], $0x2800, $0x38;
	[tilespmem:$0x17080] =	vst v63  }
0x12: {  	_ =	swait.ge [sflag:s9], $0x2800  }
0x13: {  	[sflag:s9] =	ssyncset.done $0x0  }
0x14: {  	[sflag:s9] =	ssyncadd.s32 $0xFFFFD800  }
0x15: {  	[tilespmem:s12], [sflag:$0x3] =	stream.strided.gather [hbm4b:s6+s10], $0x2800, s11, s10, $0x38;
	[tilespmem:$0x17080] =	vst v63  }
0x16: {  	_ =	swait.ge [sflag:s9], $0x2800  }
0x17: {  	[sflag:s9] =	ssyncset.done $0x0  }
0x18: {  	[sflag:s9] =	ssyncadd.s32 $0xFFFFD800  }
0x19: {  	[tilespmem:s13], [sflag:$0x3] =	stream.linear.gather [hbm4b:s2+s3], $0x80, $0x38;
	[tilespmem:$0x17080] =	vst v63  }
0x1a: {  	_ =	swait.ge [sflag:s9], $0x80  }
0x1b: {  	[sflag:s9] =	ssyncset.done $0x0  }
0x1c: {  	[sflag:s9] =	ssyncadd.s32 $0xFFFFFF80  }
0x1d: {  	v49 =	vld [tilespmem:$0x17000]  }
0x1e: {  	v50 =	vld [tilespmem:$0x17010]  }
0x1f: {  	v53 =	vld [tilespmem:$0x17020]  }
0x20: {  	v54 =	vld [tilespmem:$0x17030]  }
0x21: {  	v55 =	vld [tilespmem:$0x17040]  }
0x22: {  	v56 =	vld [tilespmem:$0x17050]  }
0x23: {  	v57 =	vld [tilespmem:$0x17060]  }
0x24: {  	v58 =	vld [tilespmem:$0x17070];
	[tilespmem:s14], [sflag:$0x1] =	stream.indirect.gather [hbm4b:s4+s10], $0x80, s3, s10, $0xb8  }
0x25: {  	[tilespmem:$0x1FF80] =	vst v49  }
0x26: {  	[tilespmem:$0x1FF90] =	vst v50  }
0x27: {  	[tilespmem:$0x1FFA0] =	vst v53  }
0x28: {  	[tilespmem:$0x1FFB0] =	vst v54  }
0x29: {  	[tilespmem:$0x1FFC0] =	vst v55  }
0x2a: {  	[tilespmem:$0x1FFD0] =	vst v56  }
0x2b: {  	[tilespmem:$0x1FFE0] =	vst v57  }
0x2c: {  	s20 =	simm.s32 $0x0;
	s21 =	simm.s32 $0x0;
	[tilespmem:$0x1FFF0] =	vst v58  }
.LBB2_2:
0x2d: {  	s22 =	sshllo.u32 s21, $0x1;
	s23 =	sadd.s32 $0x0, s20  }
0x2e: {  	s24 =	sshll.u32 s22, $0x7;
	v8 =	vmov s23  }
0x2f: {  	[tilespmem:s15], [sflag:$0x2] =	stream.indirect.gather [hbm4b:s4+s10], $0x80, s24, s10, $0xb8;
	[tilespmem:$0x17080] =	vst v63  }
0x30: {  	_ =	swait.ge [sflag:s16], $0x4000  }
0x31: {  	s25 =	sadd.s32 $0x60, s23;
	[sflag:s16] =	ssyncset.done $0x0  }
0x32: {  	s31 =	sadd.s32 $0x20, s23;
	s23 =	sadd.s32 $0x40, s23;
	[sflag:s16] =	ssyncadd.s32 $0xFFFFC000  }
0x33: {  	v11 =	vmov s23;
	s23 =	simm.s32 $0x7000;
	v12 =	vld.idx.msk [tilespmem:v8+s12+$0x0], $0xffff  }
0x34: {  	v8 =	vld [tilespmem:s23+$0x1070]  }
0x35: {  	v14 =	vld [tilespmem:s23+$0xFFFFE010]  }
0x36: {  	v15 =	vld [tilespmem:s23+$0xFFFFE020]  }
0x37: {  	v16 =	vld [tilespmem:s23+$0xFFFFE030]  }
0x38: {  	v17 =	vld [tilespmem:s23+$0xFFFFE040]  }
0x39: {  	v18 =	vld [tilespmem:s23+$0xFFFFE050]  }
0x3a: {  	v19 =	vld [tilespmem:s23+$0xFFFFE060]  }
0x3b: {  	v20 =	vld [tilespmem:s23+$0xFFFFE070]  }
0x3c: {  	v21 =	vld [tilespmem:s23+$0xFFFFF000]  }
0x3d: {  	v13 =	vld.idx.msk [tilespmem:v11+s12+$0x0], $0xffff  }
0x3e: {  	v11 =	vld [tilespmem:s23+$0xFFFFE000]  }
0x3f: {  	v10 =	vmov s31;
	v22 =	vld [tilespmem:s23+$0xFFFFF010]  }
0x40: {  	v9 =	vmov s25;
	v23 =	vld [tilespmem:s23+$0xFFFFF020]  }
0x41: {  	v24 =	vld [tilespmem:s23+$0xFFFFF030]  }
0x42: {  	v25 =	vld [tilespmem:s23+$0xFFFFF040];
	v14 =	vmul.f32 v14, v12  }
0x43: {  	v27 =	vld [tilespmem:s23+$0x20];
	v11 =	vmul.f32 v11, v12  }
0x44: {  	v10 =	vld.idx.msk [tilespmem:v10+s12+$0x0], $0xffff;
	v35 =	vadd.f32 v14, v50  }
0x45: {  	v9 =	vld.idx.msk [tilespmem:v9+s12+$0x0], $0xffff;
	v14 =	vmul.f32 v17, v12;
	v34 =	vadd.f32 v11, v49;
	v11 =	vmul.f32 v15, v12  }
0x46: {  	v17 =	vmul.f32 v18, v12;
	v18 =	vld [tilespmem:s23+$0xFFFFF060];
	v15 =	vmul.f32 v16, v12  }
0x47: {  	v16 =	vld [tilespmem:s23+$0xFFFFF050];
	v33 =	vadd.f32 v14, v55;
	v36 =	vadd.f32 v11, v53;
	v11 =	vmul.f32 v19, v12  }
0x48: {  	v28 =	vadd.f32 v17, v56;
	v32 =	vadd.f32 v15, v54;
	v15 =	vld [tilespmem:s23+$0xFFFFF070];
	v12 =	vmul.f32 v20, v12  }
0x49: {  	v14 =	vld [tilespmem:s23+$0x0];
	v17 =	vmul.f32 v22, v10;
	v29 =	vadd.f32 v11, v57;
	v11 =	vmul.f32 v21, v10  }
0x4a: {  	v19 =	vld [tilespmem:s23+$0x10];
	v20 =	vmul.f32 v24, v10;
	v30 =	vadd.f32 v12, v58;
	v12 =	vmul.f32 v23, v10  }
0x4b: {  	v26 =	vadd.f32 v17, v50;
	v17 =	vld [tilespmem:s23+$0x30];
	v31 =	vadd.f32 v11, v49;
	v11 =	vmul.f32 v25, v10  }
0x4c: {  	v24 =	vadd.f32 v20, v54;
	v20 =	vld [tilespmem:s23+$0x40];
	v25 =	vadd.f32 v12, v53;
	v12 =	vmul.f32 v16, v10  }
0x4d: {  	v21 =	vadd.f32 v11, v55;
	v11 =	vmul.f32 v18, v10;
	v10 =	vmul.f32 v15, v10  }
0x4e: {  	v8 =	vmul.f32 v8, v9;
	v22 =	vadd.f32 v12, v56;
	v12 =	vmul.f32 v14, v13  }
0x4f: {  	v48 =	vld [tilespmem:s23+$0x50];
	v14 =	vmul.f32 v19, v13;
	v19 =	vadd.f32 v10, v58;
	v10 =	vmul.f32 v27, v13  }
0x50: {  	v41 =	vmovc v54;
	v40 =	vmovc v55;
	v39 =	vmov v56;
	v38 =	vmov v57;
	v46 =	vld [tilespmem:s23+$0x60];
	v8 =	vadd.f32 v8, v58  }
0x51: {  	v37 =	vmovc v58;
	v47 =	vld [tilespmem:s23+$0x70];
	v52 =	vmul.f32 v17, v13;
	v51 =	vmul.f32 v20, v13;
	v23 =	vadd.f32 v11, v57  }
0x52: {  	v42 =	vld [tilespmem:s23+$0x1000];
	v15 =	vmovc v53;
	v20 =	vmovc v50;
	v18 =	vadd.f32 v12, v49;
	v16 =	vadd.f32 v14, v50;
	v27 =	vmov v49  }
0x53: {  	s25 =	sadd.s32 $0x1, s20;
	s24 =	simm.s32 $0x2;
	v43 =	vld [tilespmem:s23+$0x1010];
	v17 =	vadd.f32 v10, v53;
	v14 =	vmovc v54;
	v12 =	vmovc v55;
	v11 =	vmov v56;
	v10 =	vmov v57  }
.LBB2_3:
0x54: {  	p0 =	sne.s32 s24, $0x1F;
	v44 =	vmov s25;
	s26 =	sadd.s32 $0x20, s25;
	s28 =	sadd.s32 $0x60, s25;
	v41 =	vadd.f32 v52, v41;
	v45 =	vmul.f32 v48, v13;
	v48 =	vld [tilespmem:s23+$0x1020]  }
0x55: {  	s25 =	sadd.s32 $0x40, s25;
	v49 =	vmov s26;
	v50 =	vmov s28;
	v46 =	vmul.f32 v46, v13;
	v52 =	vld [tilespmem:s23+$0x1030]  }
0x56: {  	v53 =	vmov s25;
	v40 =	vadd.f32 v51, v40;
	v13 =	vmul.f32 v47, v13;
	v47 =	vld [tilespmem:s23+$0x1040]  }
0x57: {  	v39 =	vadd.f32 v45, v39;
	v38 =	vadd.f32 v46, v38;
	v42 =	vmul.f32 v42, v9;
	v45 =	vld [tilespmem:s23+$0x1050]  }
0x58: {  	v37 =	vadd.f32 v13, v37;
	v13 =	vmul.f32 v43, v9;
	v43 =	vld [tilespmem:s23+$0x1060]  }
0x59: {  	v44 =	vld.idx.msk [tilespmem:v44+s12+$0x0], $0xffff;
	v27 =	vadd.f32 v42, v27;
	v42 =	vmul.f32 v48, v9  }
0x5a: {  	s23 =	sadd.s32 $0x80, s23;
	v46 =	vld.idx.msk [tilespmem:v50+s12+$0x0], $0xffff;
	v20 =	vadd.f32 v13, v20;
	v13 =	vmul.f32 v52, v9  }
0x5b: {  	v48 =	vld [tilespmem:s23+$0x1070];
	v15 =	vadd.f32 v42, v15;
	v42 =	vmul.f32 v47, v9  }
0x5c: {  	v47 =	vld.idx.msk [tilespmem:v49+s12+$0x0], $0xffff;
	v14 =	vadd.f32 v13, v14;
	v45 =	vmul.f32 v45, v9  }
0x5d: {  	v13 =	vld.idx.msk [tilespmem:v53+s12+$0x0], $0xffff;
	v12 =	vadd.f32 v42, v12;
	v0 =	vmul.f32 v43, v9  }
0x5e: {  	v42 =	vld [tilespmem:s23+$0xFFFFE000];
	v11 =	vadd.f32 v45, v11  }
0x5f: {  	v43 =	vld [tilespmem:s23+$0xFFFFE010];
	v10 =	vadd.f32 v0, v10  }
0x60: {  	v9 =	vmov v46;
	v45 =	vld [tilespmem:s23+$0xFFFFE020];
	v48 =	vmul.f32 v48, v46  }
0x61: {  	v46 =	vld [tilespmem:s23+$0xFFFFE030]  }
0x62: {  	v49 =	vld [tilespmem:s23+$0xFFFFE040];
	v8 =	vadd.f32 v48, v8  }
0x63: {  	v42 =	vmul.f32 v42, v44;
	v48 =	vld [tilespmem:s23+$0xFFFFE050]  }
0x64: {  	v43 =	vmul.f32 v43, v44;
	v50 =	vld [tilespmem:s23+$0xFFFFE060]  }
0x65: {  	v34 =	vadd.f32 v42, v34;
	v42 =	vmul.f32 v45, v44;
	v45 =	vld [tilespmem:s23+$0xFFFFE070]  }
0x66: {  	v35 =	vadd.f32 v43, v35;
	v43 =	vmul.f32 v46, v44;
	v46 =	vld [tilespmem:s23+$0xFFFFF000]  }
0x67: {  	v36 =	vadd.f32 v42, v36;
	v42 =	vmul.f32 v49, v44;
	v49 =	vld [tilespmem:s23+$0xFFFFF010]  }
0x68: {  	v32 =	vadd.f32 v43, v32;
	v43 =	vmul.f32 v48, v44;
	v48 =	vld [tilespmem:s23+$0xFFFFF020]  }
0x69: {  	v33 =	vadd.f32 v42, v33;
	v42 =	vmul.f32 v50, v44;
	v50 =	vld [tilespmem:s23+$0xFFFFF030]  }
0x6a: {  	v28 =	vadd.f32 v43, v28;
	v43 =	vmul.f32 v45, v44;
	v44 =	vld [tilespmem:s23+$0xFFFFF040]  }
0x6b: {  	v29 =	vadd.f32 v42, v29;
	v42 =	vmul.f32 v46, v47;
	v45 =	vld [tilespmem:s23+$0xFFFFF050]  }
0x6c: {  	v30 =	vadd.f32 v43, v30;
	v43 =	vmul.f32 v49, v47;
	v46 =	vld [tilespmem:s23+$0xFFFFF060]  }
0x6d: {  	v31 =	vadd.f32 v42, v31;
	v42 =	vmul.f32 v48, v47;
	v48 =	vld [tilespmem:s23+$0xFFFFF070]  }
0x6e: {  	v26 =	vadd.f32 v43, v26;
	v43 =	vmul.f32 v50, v47;
	v49 =	vld [tilespmem:s23+$0x0]  }
0x6f: {  	v25 =	vadd.f32 v42, v25;
	v42 =	vmul.f32 v44, v47;
	v44 =	vld [tilespmem:s23+$0x10]  }
0x70: {  	v24 =	vadd.f32 v43, v24;
	v43 =	vmul.f32 v45, v47;
	v45 =	vld [tilespmem:s23+$0x20]  }
0x71: {  	v21 =	vadd.f32 v42, v21;
	v42 =	vmul.f32 v46, v47;
	v50 =	vld [tilespmem:s23+$0x30]  }
0x72: {  	v22 =	vadd.f32 v43, v22;
	v43 =	vmul.f32 v48, v47;
	v51 =	vld [tilespmem:s23+$0x40]  }
.Ltmp0:
0x73: {  	v23 =	vadd.f32 v42, v23;
	v42 =	vmul.f32 v49, v13;
	v48 =	vld [tilespmem:s23+$0x50];
	(pc) =	sbr.rel @p0 .LBB2_3-.Ltmp0, $4  }
0x74: {  	v19 =	vadd.f32 v43, v19;
	v43 =	vmul.f32 v44, v13;
	v46 =	vld [tilespmem:s23+$0x60]  }
0x75: {  	v18 =	vadd.f32 v42, v18;
	v44 =	vmul.f32 v45, v13;
	v47 =	vld [tilespmem:s23+$0x70]  }
0x76: {  	v16 =	vadd.f32 v43, v16;
	v52 =	vmul.f32 v50, v13;
	v42 =	vld [tilespmem:s23+$0x1000]  }
0x77: {  	s25 =	sadd.s32 s24, s20;
	s24 =	sadd.s32 $0x1, s24;
	v17 =	vadd.f32 v44, v17;
	v51 =	vmul.f32 v51, v13;
	v43 =	vld [tilespmem:s23+$0x1010]  }
0x78: {  	s30 =	sadd.s32 $0x80, s23  }
0x79: {  	v55 =	vld [tilespmem:s30+$0x20];
	_ =	sdelay $0x4  }
0x7a: {  	[tilespmem:$0x1FE70] =	vst v55;
	v55 =	vld [tilespmem:s30+$0x30];
	_ =	sdelay $0x4  }
0x7b: {  	[tilespmem:$0x1FE80] =	vst v55;
	v55 =	vld [tilespmem:s30+$0x40];
	_ =	sdelay $0x4  }
0x7c: {  	[tilespmem:$0x1FEA0] =	vst v55;
	v55 =	vld [tilespmem:s30+$0x50];
	_ =	sdelay $0x4  }
0x7d: {  	[tilespmem:$0x1FEB0] =	vst v55;
	v55 =	vld [tilespmem:s30+$0x60]  }
0x7e: {  	v0 =	vld [tilespmem:s23+$0x1020]  }
0x7f: {  	v5 =	vld [tilespmem:s23+$0x1030]  }
0x80: {  	v49 =	vld [tilespmem:s23+$0x1040]  }
0x81: {  	v50 =	vld [tilespmem:s23+$0x1050]  }
0x82: {  	[tilespmem:$0x1FED0] =	vst v55;
	v55 =	vld [tilespmem:s30+$0x70]  }
0x83: {  	v53 =	vld [tilespmem:s23+$0x1060]  }
0x84: {  	v54 =	vld [tilespmem:s30+$0x1070]  }
0x85: {  	v59 =	vld [tilespmem:s30+$0xFFFFE000]  }
0x86: {  	v60 =	vld [tilespmem:s30+$0xFFFFE010]  }
0x87: {  	[tilespmem:$0x1FEE0] =	vst v55;
	v55 =	vld [tilespmem:s30+$0x1000]  }
0x88: {  	v61 =	vld [tilespmem:s30+$0xFFFFE020]  }
0x89: {  	v62 =	vld [tilespmem:s30+$0xFFFFE030]  }
0x8a: {  	v63 =	vld [tilespmem:s30+$0xFFFFE040]  }
0x8b: {  	v1 =	vld [tilespmem:s30+$0xFFFFE060]  }
0x8c: {  	[tilespmem:$0x1FF00] =	vst v55;
	v55 =	vld [tilespmem:s30+$0x1010]  }
0x8d: {  	v2 =	vld [tilespmem:s30+$0xFFFFE070]  }
0x8e: {  	v44 =	vmov s25;
	v3 =	vld [tilespmem:s30+$0xFFFFF000]  }
0x8f: {  	v4 =	vld [tilespmem:s30+$0xFFFFF010]  }
0x90: {  	v6 =	vld [tilespmem:s30+$0xFFFFF030]  }
0x91: {  	[tilespmem:$0x1FF10] =	vst v55;
	v55 =	vld [tilespmem:s30+$0x1020]  }
0x92: {  	v7 =	vld [tilespmem:s30+$0xFFFFF040]  }
0x93: {  	v58 =	vld.idx.msk [tilespmem:v44+s12+$0x0], $0xffff  }
0x94: {  	s28 =	sadd.s32 $0x20, s25;
	[tilespmem:$0x1FE90] =	vst v0;
	v0 =	vld [tilespmem:s30+$0xFFFFE050]  }
0x95: {  	v56 =	vmov s28;
	[tilespmem:$0x1FEC0] =	vst v5;
	v5 =	vld [tilespmem:s30+$0xFFFFF020]  }
0x96: {  	s24 =	sadd.s32 $0x60, s25;
	[tilespmem:$0x1FF30] =	vst v55;
	v55 =	vld [tilespmem:s30+$0x1030]  }
0x97: {  	s29 =	sadd.s32 $0x40, s25;
	v45 =	vmov s24;
	[tilespmem:$0x1FEF0] =	vst v49;
	v49 =	vld [tilespmem:s30+$0xFFFFF060]  }
0x98: {  	v57 =	vmov s29;
	[tilespmem:$0x1FF20] =	vst v50;
	v50 =	vld [tilespmem:s30+$0xFFFFF070]  }
0x99: {  	[tilespmem:$0x1FF50] =	vst v53;
	v53 =	vld [tilespmem:s30+$0x0]  }
0x9a: {  	v56 =	vld.idx.msk [tilespmem:v56+s12+$0x0], $0xffff  }
0x9b: {  	v59 =	vmul.f32 v59, v58;
	[tilespmem:$0x1FF40] =	vst v55;
	v55 =	vld [tilespmem:s30+$0x1040]  }
0x9c: {  	v44 =	vld.idx.msk [tilespmem:v45+s12+$0x0], $0xffff;
	v60 =	vmul.f32 v60, v58;
	v0 =	vmul.f32 v0, v58  }
0x9d: {  	v46 =	vmul.f32 v46, v13;
	v57 =	vld.idx.msk [tilespmem:v57+s12+$0x0], $0xffff;
	v34 =	vadd.f32 v59, v34  }
0x9e: {  	[tilespmem:$0x1FF70] =	vst v54;
	v54 =	vld [tilespmem:s30+$0x10];
	v59 =	vmul.f32 v61, v58;
	v35 =	vadd.f32 v60, v35;
	v0 =	vadd.f32 v0, v28  }
0x9f: {  	v45 =	vld [tilespmem:s30+$0xFFFFF050];
	v28 =	vadd.f32 v52, v41;
	v41 =	vmul.f32 v6, v56;
	v6 =	vmul.f32 v7, v56  }
0xa0: {  	s23 =	sshll.u32 s21, $0xA;
	v61 =	vld [tilespmem:s30+$0x1050];
	v7 =	vmul.f32 v47, v13;
	[tilespmem:$0x1FF60] =	vst v55;
	v55 =	vmul.f32 v62, v58  }
0xa1: {  	v62 =	vld [tilespmem:s30+$0x1060];
	[tilespmem:s23+$0xD010] =	vst v35;
	v35 =	vadd.f32 v51, v40;
	v40 =	vmul.f32 v48, v13;
	v13 =	vmul.f32 v50, v56  }
0xa2: {  	v48 =	vmul.f32 v49, v56;
	v49 =	vadd.f32 v7, v37  }
0xa3: {  	v7 =	vmul.f32 v42, v9;
	v13 =	vadd.f32 v13, v19;
	v19 =	vmul.f32 v54, v57;
	_ =	sdelay $0x1  }
0xa4: {  	v51 =	vadd.f32 v7, v27;
	v7 =	vadd.f32 v19, v16;
	v16 =	vld [tilespmem:$0x1FE80]  }
0xa5: {  	v6 =	vadd.f32 v6, v21  }
0xa6: {  	v63 =	vmul.f32 v63, v58;
	v36 =	vadd.f32 v59, v36;
	[tilespmem:s23+$0xD000] =	vst v34  }
0xa7: {  	[tilespmem:s23+$0xD0C0] =	vst v6;
	v6 =	vmul.f32 v53, v57  }
0xa8: {  	v33 =	vadd.f32 v63, v33;
	[tilespmem:s23+$0xD020] =	vst v36  }
0xa9: {  	v6 =	vadd.f32 v6, v18;
	[tilespmem:s23+$0xD0F0] =	vst v13;
	v13 =	vld [tilespmem:$0x1FE90];
	v16 =	vmul.f32 v16, v57  }
0xaa: {  	[tilespmem:s23+$0xD040] =	vst v33;
	v53 =	vld [tilespmem:$0x1FF20]  }
0xab: {  	v1 =	vmul.f32 v1, v58;
	v18 =	vld [tilespmem:$0x1FE70];
	[tilespmem:s23+$0xD100] =	vst v6;
	v6 =	vadd.f32 v16, v28  }
0xac: {  	v2 =	vmul.f32 v2, v58;
	[tilespmem:s23+$0xD110] =	vst v7;
	v7 =	vld [tilespmem:$0x1FEC0]  }
0xad: {  	v3 =	vmul.f32 v3, v56;
	v1 =	vadd.f32 v1, v29;
	[tilespmem:s23+$0xD130] =	vst v6;
	v6 =	vld [tilespmem:$0x1FEF0]  }
0xae: {  	v2 =	vadd.f32 v2, v30;
	[tilespmem:s23+$0xD050] =	vst v0;
	v32 =	vadd.f32 v55, v32;
	v55 =	vld [tilespmem:$0x1FF50];
	v13 =	vmul.f32 v13, v9  }
0xaf: {  	v3 =	vadd.f32 v3, v31;
	v34 =	vmul.f32 v4, v56;
	[tilespmem:s23+$0xD060] =	vst v1;
	v36 =	vmul.f32 v5, v56;
	v16 =	vld [tilespmem:$0x1FEB0]  }
0xb0: {  	[tilespmem:s23+$0xD070] =	vst v2;
	v5 =	vadd.f32 v41, v24;
	v18 =	vmul.f32 v18, v57;
	v13 =	vadd.f32 v13, v15;
	v15 =	vld [tilespmem:$0x1FEE0]  }
0xb1: {  	v47 =	vmul.f32 v45, v56;
	[tilespmem:s23+$0xD080] =	vst v3;
	v0 =	vadd.f32 v34, v26;
	v19 =	vld [tilespmem:$0x1FED0];
	v7 =	vmul.f32 v7, v9  }
0xb2: {  	v1 =	vadd.f32 v36, v25;
	[tilespmem:s23+$0xD0B0] =	vst v5;
	v17 =	vadd.f32 v18, v17;
	v18 =	vld [tilespmem:$0x1FEA0];
	v6 =	vmul.f32 v6, v9  }
0xb3: {  	v2 =	vadd.f32 v40, v39;
	[tilespmem:s23+$0xD030] =	vst v32;
	v52 =	vadd.f32 v7, v14;
	v7 =	vld [tilespmem:$0x1FF10]  }
0xb4: {  	[tilespmem:s23+$0xD090] =	vst v0;
	v0 =	vadd.f32 v47, v22;
	v16 =	vmul.f32 v16, v57;
	v54 =	vadd.f32 v6, v12;
	v6 =	vld [tilespmem:$0x1FF40]  }
0xb5: {  	[tilespmem:s23+$0xD0A0] =	vst v1;
	v1 =	vadd.f32 v48, v23;
	v14 =	vld [tilespmem:$0x1FF30];
	v15 =	vmul.f32 v15, v57  }
0xb6: {  	v3 =	vadd.f32 v46, v38;
	v50 =	vmul.f32 v43, v9;
	[tilespmem:s23+$0xD0D0] =	vst v0;
	v2 =	vadd.f32 v16, v2  }
0xb7: {  	[tilespmem:s23+$0xD0E0] =	vst v1;
	v19 =	vmul.f32 v19, v57;
	v18 =	vmul.f32 v18, v57;
	v16 =	vld [tilespmem:$0x1FF00];
	v5 =	vadd.f32 v15, v49  }
0xb8: {  	v0 =	vadd.f32 v50, v20;
	v7 =	vmul.f32 v7, v44;
	[tilespmem:s23+$0xD150] =	vst v2;
	v2 =	vmul.f32 v53, v9  }
0xb9: {  	v3 =	vadd.f32 v19, v3;
	[tilespmem:s23+$0xD170] =	vst v5;
	v5 =	vmul.f32 v55, v9;
	v9 =	vld [tilespmem:$0x1FF60];
	v6 =	vmul.f32 v6, v44  }
0xba: {  	[tilespmem:s23+$0xD120] =	vst v17;
	v4 =	vadd.f32 v18, v35;
	v14 =	vmul.f32 v14, v44;
	v0 =	vadd.f32 v7, v0  }
0xbb: {  	v60 =	vmul.f32 v62, v44;
	[tilespmem:s23+$0xD160] =	vst v3;
	v59 =	vadd.f32 v5, v10;
	v57 =	vadd.f32 v6, v52;
	v6 =	vld [tilespmem:$0x1FF70]  }
0xbc: {  	[tilespmem:s23+$0xD140] =	vst v4;
	v7 =	vadd.f32 v14, v13;
	v16 =	vmul.f32 v16, v44  }
0xbd: {  	[tilespmem:s23+$0xD190] =	vst v0;
	v0 =	vadd.f32 v60, v59  }
0xbe: {  	[tilespmem:s23+$0xD1A0] =	vst v7;
	v1 =	vadd.f32 v16, v51;
	v9 =	vmul.f32 v9, v44  }
0xbf: {  	v58 =	vmul.f32 v61, v44;
	v56 =	vadd.f32 v2, v11;
	[tilespmem:s23+$0xD1E0] =	vst v0  }
0xc0: {  	[tilespmem:s23+$0xD180] =	vst v1;
	v3 =	vadd.f32 v9, v54;
	v6 =	vmul.f32 v6, v44  }
0xc1: {  	v1 =	vadd.f32 v58, v56;
	[tilespmem:s23+$0xD1B0] =	vst v57  }
0xc2: {  	p0 =	seq.s32 s21, $0x27;
	[tilespmem:s23+$0xD1C0] =	vst v3;
	v61 =	vadd.f32 v6, v8  }
0xc3: {  	s24 =	sshrl.u32 @!p0 s23, $0x2;
	[tilespmem:s23+$0xD1D0] =	vst v1  }
0xc4: {  	s26 =	simm.s32 @!p0 $0x5000;
	s24 =	sadd.s32 @!p0 $0x100, s24;
	[tilespmem:s23+$0xD1F0] =	vst v61;
	s23 =	simm.s32 @!p0 $0x80  }
0xc5: {  	[tilespmem:s26], [sflag:$0x1] =	stream.indirect.gather @!p0 [hbm4b:s4+s23], $0x80, s24, s23, $0xb8;
	[tilespmem:$0x17080] =	vst v63  }
0xc6: {  	_ =	swait.ge [sflag:s17], $0x4000  }
0xc7: {  	v58 =	vld [tilespmem:$0x1FFF0]  }
0xc8: {  	s31 =	sadd.s32 $0xFFFFFFE0, s20;
	v49 =	vld [tilespmem:$0x1FF80]  }
0xc9: {  	s28 =	sadd.s32 $0x100, s31;
	v50 =	vld [tilespmem:$0x1FF90]  }
0xca: {  	v62 =	vmov s28;
	v53 =	vld [tilespmem:$0x1FFA0]  }
0xcb: {  	s29 =	sadd.s32 $0xA0, s31;
	v54 =	vld [tilespmem:$0x1FFB0]  }
0xcc: {  	v63 =	vmov s29;
	s30 =	sadd.s32 $0xC0, s31;
	v55 =	vld [tilespmem:$0x1FFC0]  }
0xcd: {  	s31 =	sadd.s32 $0xE0, s31;
	v32 =	vmov s30;
	[sflag:s17] =	ssyncset.done $0x0;
	v56 =	vld [tilespmem:$0x1FFD0]  }
0xce: {  	v33 =	vmov s31;
	v57 =	vld [tilespmem:$0x1FFE0];
	[sflag:s17] =	ssyncadd.s32 $0xFFFFC000  }
0xcf: {  	s23 =	simm.s32 $0xB000;
	v8 =	vld.idx.msk [tilespmem:v62+s12+$0x0], $0xffff  }
0xd0: {  	v34 =	vld [tilespmem:s23+$0x1070]  }
0xd1: {  	v1 =	vld.idx.msk [tilespmem:v63+s12+$0x0], $0xffff  }
0xd2: {  	v2 =	vld.idx.msk [tilespmem:v32+s12+$0x0], $0xffff  }
0xd3: {  	v10 =	vld.idx.msk [tilespmem:v33+s12+$0x0], $0xffff  }
0xd4: {  	v35 =	vld [tilespmem:s23+$0xFFFFE000]  }
0xd5: {  	v36 =	vld [tilespmem:s23+$0xFFFFE010]  }
0xd6: {  	v37 =	vld [tilespmem:s23+$0xFFFFE020]  }
0xd7: {  	v6 =	vld [tilespmem:s23+$0xFFFFE030]  }
0xd8: {  	v7 =	vld [tilespmem:s23+$0xFFFFE040]  }
0xd9: {  	v15 =	vld [tilespmem:s23+$0xFFFFE050]  }
0xda: {  	v16 =	vld [tilespmem:s23+$0xFFFFE060]  }
0xdb: {  	v17 =	vld [tilespmem:s23+$0xFFFFE070]  }
0xdc: {  	v19 =	vld [tilespmem:s23+$0xFFFFF000]  }
0xdd: {  	v20 =	vld [tilespmem:s23+$0xFFFFF010]  }
0xde: {  	v23 =	vld [tilespmem:s23+$0xFFFFF020];
	v0 =	vmul.f32 v34, v8;
	v3 =	vmul.f32 v35, v1  }
0xdf: {  	v26 =	vld [tilespmem:s23+$0xFFFFF030];
	v4 =	vmul.f32 v36, v1;
	v38 =	vmul.f32 v37, v1  }
0xe0: {  	v41 =	vld [tilespmem:s23+$0xFFFFF050];
	v39 =	vmul.f32 v6, v1;
	v40 =	vmul.f32 v7, v1  }
0xe1: {  	v43 =	vld [tilespmem:s23+$0xFFFFF060];
	v42 =	vmul.f32 v15, v1;
	v48 =	vmul.f32 v16, v1  }
0xe2: {  	v59 =	vld [tilespmem:s23+$0x10];
	v1 =	vmul.f32 v17, v1;
	v51 =	vmul.f32 v19, v2  }
0xe3: {  	v31 =	vmovc v57;
	v6 =	vld [tilespmem:s23+$0xFFFFF040];
	v16 =	vmul.f32 v20, v2;
	v9 =	vadd.f32 v0, v58;
	v11 =	vadd.f32 v3, v49  }
0xe4: {  	v30 =	vmovc v58;
	v7 =	vld [tilespmem:s23+$0xFFFFF070];
	v52 =	vmul.f32 v23, v2;
	v12 =	vadd.f32 v4, v50;
	v13 =	vadd.f32 v38, v53  }
0xe5: {  	v28 =	vmovc v49;
	v17 =	vld [tilespmem:s23+$0x0];
	v60 =	vmul.f32 v26, v2;
	v14 =	vadd.f32 v39, v54;
	v15 =	vadd.f32 v40, v55  }
0xe6: {  	v62 =	vmul.f32 v43, v2;
	v37 =	vmovc v55;
	v18 =	vadd.f32 v42, v56;
	v21 =	vadd.f32 v48, v57  }
0xe7: {  	p0 =	por $0x0, $0x0;
	v34 =	vmovc v56;
	v26 =	vmovc v50;
	v23 =	vmov v53;
	v22 =	vadd.f32 v1, v58;
	v25 =	vadd.f32 v16, v50;
	v16 =	vld [tilespmem:s23+$0x20]  }
.Ltmp1:
0xe8: {  	v46 =	vld [tilespmem:s23+$0x30];
	v20 =	vmovc v54;
	v24 =	vadd.f32 v51, v49;
	v27 =	vadd.f32 v52, v53;
	v4 =	vmul.f32 v41, v2;
	(pc) =	sbr.rel @p0 .LBB2_6-.Ltmp1, $4  }
0xe9: {  	v44 =	vld [tilespmem:s23+$0x40];
	v19 =	vmovc v55;
	v29 =	vadd.f32 v60, v54;
	v48 =	vmul.f32 v59, v10;
	v61 =	vmul.f32 v6, v2  }
0xea: {  	v42 =	vld [tilespmem:s23+$0x50];
	v38 =	vadd.f32 v62, v57;
	v41 =	vmovc v50;
	v2 =	vmul.f32 v7, v2;
	v63 =	vmul.f32 v17, v10  }
0xeb: {  	v43 =	vld [tilespmem:s23+$0x60];
	v33 =	vadd.f32 v4, v56;
	v40 =	vmovc v53;
	v39 =	vmovc v54;
	v17 =	vmov v56;
	v32 =	vadd.f32 v61, v55  }
0xec: {  	s24 =	simm.s32 $0xFFFFFFE1;
	v45 =	vld [tilespmem:s23+$0x70];
	v35 =	vadd.f32 v2, v58;
	v36 =	vadd.f32 v63, v49;
	v47 =	vmul.f32 v16, v10;
	v16 =	vmovc v57  }
.LBB2_5:
0xed: {  	s25 =	sadd.s32 s24, s20;
	s24 =	sadd.s32 $0x1, s24;
	v41 =	vadd.f32 v48, v41;
	v0 =	vmul.f32 v46, v10;
	v1 =	vld [tilespmem:s23+$0x1000]  }
0xee: {  	s26 =	sadd.s32 $0xA0, s25;
	s28 =	sadd.s32 $0x100, s25;
	p0 =	seq.s32 s24, $0x0;
	v40 =	vadd.f32 v47, v40;
	v2 =	vmul.f32 v44, v10;
	v3 =	vld [tilespmem:s23+$0x1010]  }
0xef: {  	v4 =	vmov s26;
	s26 =	sadd.s32 $0xC0, s25;
	s25 =	sadd.s32 $0xE0, s25;
	v5 =	vmov s28;
	v6 =	vmul.f32 v42, v10;
	v7 =	vld [tilespmem:s23+$0x1020]  }
0xf0: {  	v42 =	vmov s26;
	v44 =	vmov s25;
	v43 =	vmul.f32 v43, v10;
	v46 =	vld [tilespmem:s23+$0x1030]  }
0xf1: {  	v39 =	vadd.f32 v0, v39;
	v37 =	vadd.f32 v2, v37;
	v0 =	vmul.f32 v45, v10;
	v2 =	vld [tilespmem:s23+$0x1040]  }
0xf2: {  	v34 =	vadd.f32 v6, v34;
	v31 =	vadd.f32 v43, v31;
	v1 =	vmul.f32 v1, v8;
	v6 =	vld [tilespmem:s23+$0x1050]  }
0xf3: {  	v30 =	vadd.f32 v0, v30;
	v0 =	vmul.f32 v3, v8;
	v3 =	vld [tilespmem:s23+$0x1060]  }
0xf4: {  	s23 =	sadd.s32 $0x80, s23;
	v5 =	vld.idx.msk [tilespmem:v5+s12+$0x0], $0xffff;
	v28 =	vadd.f32 v1, v28;
	v1 =	vmul.f32 v7, v8  }
0xf5: {  	v7 =	vld [tilespmem:s23+$0x1070];
	v26 =	vadd.f32 v0, v26;
	v0 =	vmul.f32 v46, v8  }
0xf6: {  	v4 =	vld.idx.msk [tilespmem:v4+s12+$0x0], $0xffff;
	v23 =	vadd.f32 v1, v23;
	v1 =	vmul.f32 v2, v8  }
0xf7: {  	v2 =	vld.idx.msk [tilespmem:v42+s12+$0x0], $0xffff;
	v20 =	vadd.f32 v0, v20;
	v0 =	vmul.f32 v6, v8  }
0xf8: {  	v10 =	vld.idx.msk [tilespmem:v44+s12+$0x0], $0xffff;
	v19 =	vadd.f32 v1, v19;
	v1 =	vmul.f32 v3, v8  }
0xf9: {  	v3 =	vld [tilespmem:s23+$0xFFFFE000];
	v17 =	vadd.f32 v0, v17  }
0xfa: {  	v8 =	vmov v5;
	v0 =	vld [tilespmem:s23+$0xFFFFE010];
	v6 =	vmul.f32 v7, v5;
	v16 =	vadd.f32 v1, v16  }
0xfb: {  	v1 =	vld [tilespmem:s23+$0xFFFFE020]  }
0xfc: {  	v5 =	vld [tilespmem:s23+$0xFFFFE030];
	v9 =	vadd.f32 v6, v9  }
0xfd: {  	v6 =	vld [tilespmem:s23+$0xFFFFE040]  }
0xfe: {  	v3 =	vmul.f32 v3, v4;
	v7 =	vld [tilespmem:s23+$0xFFFFE050]  }
0xff: {  	v0 =	vmul.f32 v0, v4;
	v42 =	vld [tilespmem:s23+$0xFFFFE060]  }
0x100: {  	v11 =	vadd.f32 v3, v11;
	v1 =	vmul.f32 v1, v4;
	v3 =	vld [tilespmem:s23+$0xFFFFE070]  }
0x101: {  	v12 =	vadd.f32 v0, v12;
	v0 =	vmul.f32 v5, v4;
	v5 =	vld [tilespmem:s23+$0xFFFFF000]  }
0x102: {  	v13 =	vadd.f32 v1, v13;
	v1 =	vmul.f32 v6, v4;
	v6 =	vld [tilespmem:s23+$0xFFFFF010]  }
0x103: {  	v14 =	vadd.f32 v0, v14;
	v0 =	vmul.f32 v7, v4;
	v7 =	vld [tilespmem:s23+$0xFFFFF020]  }
0x104: {  	v15 =	vadd.f32 v1, v15;
	v1 =	vmul.f32 v42, v4;
	v42 =	vld [tilespmem:s23+$0xFFFFF030]  }
0x105: {  	v18 =	vadd.f32 v0, v18;
	v0 =	vmul.f32 v3, v4;
	v3 =	vld [tilespmem:s23+$0xFFFFF040]  }
0x106: {  	v21 =	vadd.f32 v1, v21;
	v1 =	vmul.f32 v5, v2;
	v4 =	vld [tilespmem:s23+$0xFFFFF050]  }
0x107: {  	v22 =	vadd.f32 v0, v22;
	v0 =	vmul.f32 v6, v2;
	v5 =	vld [tilespmem:s23+$0xFFFFF060]  }
0x108: {  	v24 =	vadd.f32 v1, v24;
	v1 =	vmul.f32 v7, v2;
	v6 =	vld [tilespmem:s23+$0xFFFFF070]  }
0x109: {  	v25 =	vadd.f32 v0, v25;
	v0 =	vmul.f32 v42, v2;
	v7 =	vld [tilespmem:s23+$0x0]  }
0x10a: {  	v27 =	vadd.f32 v1, v27;
	v1 =	vmul.f32 v3, v2;
	v3 =	vld [tilespmem:s23+$0x10]  }
0x10b: {  	v29 =	vadd.f32 v0, v29;
	v0 =	vmul.f32 v4, v2;
	v4 =	vld [tilespmem:s23+$0x20]  }
.Ltmp2:
0x10c: {  	v32 =	vadd.f32 v1, v32;
	v1 =	vmul.f32 v5, v2;
	v46 =	vld [tilespmem:s23+$0x30];
	(pc) =	sbr.rel @!p0 .LBB2_5-.Ltmp2, $4  }
0x10d: {  	v33 =	vadd.f32 v0, v33;
	v0 =	vmul.f32 v6, v2;
	v44 =	vld [tilespmem:s23+$0x40]  }
0x10e: {  	v38 =	vadd.f32 v1, v38;
	v1 =	vmul.f32 v7, v10;
	v42 =	vld [tilespmem:s23+$0x50]  }
0x10f: {  	v35 =	vadd.f32 v0, v35;
	v48 =	vmul.f32 v3, v10;
	v43 =	vld [tilespmem:s23+$0x60]  }
0x110: {  	v36 =	vadd.f32 v1, v36;
	v47 =	vmul.f32 v4, v10;
	v45 =	vld [tilespmem:s23+$0x70]  }
.LBB2_6:
0x111: {  	v0 =	vld [tilespmem:s23+$0x1000]  }
0x112: {  	v1 =	vld [tilespmem:s23+$0x1010]  }
0x113: {  	v2 =	vld [tilespmem:s23+$0x1020]  }
0x114: {  	v3 =	vld [tilespmem:s23+$0x1030]  }
0x115: {  	v4 =	vld [tilespmem:s23+$0x1040];
	s22 =	sshll.u32 s22, $0x9  }
0x116: {  	v5 =	vld [tilespmem:s23+$0x1050];
	s22 =	sand.u32 $0x3FFFFE00, s22  }
0x117: {  	v6 =	vld [tilespmem:s23+$0x1060];
	[tilespmem:s22+$0xD000] =	vst v11  }
0x118: {  	[tilespmem:s22+$0xD010] =	vst v12  }
0x119: {  	[tilespmem:s22+$0xD020] =	vst v13  }
0x11a: {  	[tilespmem:s22+$0xD030] =	vst v14  }
0x11b: {  	[tilespmem:s22+$0xD040] =	vst v15  }
0x11c: {  	[tilespmem:s22+$0xD050] =	vst v18  }
0x11d: {  	[tilespmem:s22+$0xD060] =	vst v21  }
0x11e: {  	[tilespmem:s22+$0xD070] =	vst v22  }
0x11f: {  	[tilespmem:s22+$0xD080] =	vst v24  }
0x120: {  	[tilespmem:s22+$0xD090] =	vst v25  }
0x121: {  	[tilespmem:s22+$0xD0A0] =	vst v27  }
0x122: {  	[tilespmem:s22+$0xD0B0] =	vst v29  }
0x123: {  	[tilespmem:s22+$0xD0C0] =	vst v32  }
0x124: {  	[tilespmem:s22+$0xD0D0] =	vst v33  }
0x125: {  	[tilespmem:s22+$0xD0E0] =	vst v38  }
0x126: {  	v7 =	vadd.f32 v48, v41;
	[tilespmem:s22+$0xD0F0] =	vst v35  }
0x127: {  	v44 =	vmul.f32 v44, v10;
	[tilespmem:s22+$0xD100] =	vst v36  }
0x128: {  	v41 =	vadd.f32 v47, v40;
	v38 =	vmul.f32 v46, v10;
	[tilespmem:s22+$0xD110] =	vst v7  }
0x129: {  	v46 =	vmul.f32 v42, v10;
	[tilespmem:s22+$0xD1F0] =	vst v9;
	v13 =	vadd.f32 v44, v37  }
0x12a: {  	v47 =	vmul.f32 v43, v10;
	[tilespmem:s22+$0xD120] =	vst v41;
	v11 =	vadd.f32 v38, v39  }
0x12b: {  	v48 =	vmul.f32 v45, v10;
	v51 =	vadd.f32 v46, v34;
	[tilespmem:s22+$0xD140] =	vst v13  }
0x12c: {  	v7 =	vadd.f32 v47, v31;
	v0 =	vmul.f32 v0, v8;
	[tilespmem:s22+$0xD130] =	vst v11  }
0x12d: {  	v1 =	vmul.f32 v1, v8;
	v10 =	vadd.f32 v48, v30;
	[tilespmem:s22+$0xD150] =	vst v51  }
0x12e: {  	v2 =	vmul.f32 v2, v8;
	v0 =	vadd.f32 v0, v28;
	[tilespmem:s22+$0xD160] =	vst v7  }
0x12f: {  	v3 =	vmul.f32 v3, v8;
	v1 =	vadd.f32 v1, v26;
	[tilespmem:s22+$0xD170] =	vst v10  }
0x130: {  	s21 =	sadd.s32 $0x1, s21;
	v4 =	vmul.f32 v4, v8;
	v2 =	vadd.f32 v2, v23;
	[tilespmem:s22+$0xD180] =	vst v0  }
0x131: {  	p0 =	sne.s32 s21, $0x28;
	v59 =	vmul.f32 v5, v8;
	v52 =	vadd.f32 v3, v20;
	[tilespmem:s22+$0xD190] =	vst v1  }
.Ltmp3:
0x132: {  	v61 =	vmul.f32 v6, v8;
	v60 =	vadd.f32 v4, v19;
	[tilespmem:s22+$0xD1A0] =	vst v2;
	(pc) =	sbr.rel @p0 .LBB2_2-.Ltmp3, $4  }
0x133: {  	v62 =	vadd.f32 v59, v17;
	[tilespmem:s22+$0xD1B0] =	vst v52  }
0x134: {  	v63 =	vadd.f32 v61, v16;
	[tilespmem:s22+$0xD1C0] =	vst v60  }
0x135: {  	[tilespmem:s22+$0xD1D0] =	vst v62  }
0x136: {  	s20 =	sadd.s32 $0x100, s20;
	[tilespmem:s22+$0xD1E0] =	vst v63  }
0x137: {  	s19 =	sadd.s32 $0x1, s19  }
0x138: {  	p0 =	sne.s32 s19, s8  }
.Ltmp4:
0x139: {  	_ = 	snop;
	(pc) =	sbr.rel @p0 .LBB2_1-.Ltmp4, $4  }
0x13a: {  	[hbm4b:s7+s3] =	stream.linear.scatter [tilespmem:s18], [sflag:$0x3], $0xA000, $0x38;
	[tilespmem:$0x17080] =	vst v63  }
0x13b: {  	_ =	swait.ge [sflag:s9], $0xA000  }
0x13c: {  	[sflag:s9] =	ssyncset.done $0x0  }
0x13d: {  	[sflag:s9] =	ssyncadd.s32 $0xFFFF6000  }
0x13e: {  	_ =	sfence.sel $0x180000  }
0x13f: {  	[bflag:$0x0] =	sbarrier.arrive $0xFFFF  }
0x140: {  	p0 =	sne.s32 s1, $0x0;
	_ =	strace $0x90000050  }
0x141: {  	s0 =	sadd.s32 @!p0 $0x100000, s0;
	[bflag:$0x2] =	sbarrier.arrive $0xFFFF  }
0x142: {  	[sflag:s0] =	ssyncadd.tile.s32 @!p0 $0x1;
	_ =	shalt  }
.Lfunc_end2:
_tile_overlayer_lowered:
.L_overlay_start_2:
0x143: {  	(tag) =	ssettag $0x2  }
0x144: {  	s0 =	rddreg [dreg:$0x0];
	s2 =	stileid.u32  }
0x145: {  	s1 =	rddreg [dreg:$0x1];
	p0 =	sne.s32 s2, $0x0  }
0x146: {  	s3 =	rddreg [dreg:$0x2];
	[bflag:$0x3] =	sbarrier.arrive $0xFFFF;
	s2 =	simm.s32 @!p0 $0x1C03  }
0x147: {  	[timem:s3], [sflag:s2] =	dma.local @!p0 [hbm:s0], s1  }
0x148: {  	s0 =	simm.s32 @!p0 $0x3  }
0x149: {  	_ =	swait.ge @!p0 [sflag:s0], s1  }
0x14a: {  	s1 =	ssub.s32 @!p0 $0x0, s1;
	[sflag:s0] =	ssyncset.done @!p0 $0x0  }
0x14b: {  	[sflag:s0] =	ssyncadd.s32 @!p0 s1  }
0x14c: {  	[bflag:$0x3] =	sbarrier.arrive $0xFFFF  }
0x14d: {  	_ =	shalt  }

// kernel: kernel.9.cloned.1.call-start
scs
__scs_entry_jumppad:
0x0: {  	(pc) =	sbr.rel $0x88, $3  }
0x1: {  	(tag) =	ssettag $0x0;
	lr =	simm.s32 $0x1  }
0x2: {  	[smem:$0x3F98] =	sst lr;
	_ =	strace $0xD0000000  }
0x3: {  	_ = 	snop  }
0x4: {  	_ = 	snop  }
0x5: {  	_ = 	snop  }
0x6: {  	_ = 	snop  }
0x7: {  	_ = 	snop  }
__scs_overlays_trampoline_lowered:
0x8: {  	[smem:$0x3FA7] =	sst s0  }
0x9: {  	[smem:$0x3FA8] =	sst s1  }
0xa: {  	[smem:$0x3FA9] =	sst s2  }
0xb: {  	[smem:$0x3FAA] =	sst s3  }
0xc: {  	[smem:$0x3FAB] =	sst s4  }
0xd: {  	[smem:$0x3FAC] =	sst s5  }
0xe: {  	[smem:$0x3FAD] =	sst s6  }
0xf: {  	[smem:$0x3FAE] =	sst s7  }
0x10: {  	[smem:$0x3FAF] =	sst s8  }
0x11: {  	[smem:$0x3FB0] =	sst s9;
	s0 =	simm.s32 @!p0 $0x0  }
0x12: {  	s1 =	sld [smem:$0x3F96];
	s0 =	simm.s32 @p0 $0x1  }
0x13: {  	[smem:$0x3FB1] =	sst s0;
	s0 =	simm.s32 @!p1 $0x0  }
0x14: {  	s2 =	sld [smem:$0x3F95];
	s0 =	simm.s32 @p1 $0x1  }
0x15: {  	[smem:$0x3FB2] =	sst s0;
	s0 =	simm.s32 @!p2 $0x0  }
0x16: {  	s3 =	sld [smem:$0x3FDB];
	s0 =	simm.s32 @p2 $0x1  }
0x17: {  	s4 =	simm.s32 $0x1BF5;
	[smem:$0x3FB4] =	sst s0  }
0x18: {  	s0 =	sld [smem:$0x3F97];
	_ =	swait.ge [sflag:s4], $0x0  }
0x19: {  	s7 =	sld [smem:$0x3F98]  }
0x1a: {  	s8 =	sadd.s32 $0xFFFFE003, lr  }
0x1b: {  	s9 =	sadd.s32 $0xFFFFFEF7, lr;
	s5 =	simm.s32 $0xFFFFFFFF;
	p2 =	slt.u32 s8, $0xFFFFF086  }
0x1c: {  	p1 =	slt.u32 s9, $0xF7A;
	s5 =	simm.s32 @!p2 $0x0  }
0x1d: {  	s5 =	simm.s32 @p1 $0x1;
	p0 =	seq.s32 s7, s2  }
0x1e: {  	s7 =	smul.u32 @!p0 $0xF7A, s2;
	p2 =	seq.s32 @!p0 s5, $0x0  }
0x1f: {  	s9 =	smul.u32 $0xF7A, s1;
	s8 =	simm.s32 @!p0 $0x1BF5;
	p2 =	por !p2, p0  }
0x20: {  	[sflag:s8] =	ssyncset.s32 @!p0 $0xFFFFF086;
	s6 =	sadd.s32 @!p0 s3, s7;
	s7 =	simm.s32 @!p0 $0x108  }
0x21: {  	s3 =	sadd.s32 s3, s9;
	s6 =	sadd.s32 @!p0 $0x88, s6;
	s7 =	simm.s32 @p2 $0x1082  }
0x22: {  	[simem:s7], [sflag:s8] =	dma.local @!p0 [hbm:s6], $0xF7A  }
0x23: {  	s9 =	sor.u32 $0xD0000000, s2;
	s6 =	simm.s32 $0x108;
	_ =	swait.ge @!p0 [sflag:s8], $0x0  }
0x24: {  	s3 =	sadd.s32 $0x88, s3;
	s6 =	simm.s32 @!p1 $0x1082;
	[sflag:s4] =	ssyncset.s32 $0xFFFFF086  }
0x25: {  	[simem:s6], [sflag:s4] =	dma.local [hbm:s3], $0xF7A  }
0x26: {  	[smem:$0x3F98] =	sst s1;
	(tag) =	ssettag s2;
	_ =	strace s9  }
0x27: {  	s1 =	sld [smem:$0x3FA8]  }
0x28: {  	s2 =	sld [smem:$0x3FA9]  }
0x29: {  	s4 =	sld [smem:$0x3FAB]  }
0x2a: {  	p0 =	seq.s32 s5, $0x0;
	s5 =	sld [smem:$0x3FAC]  }
0x2b: {  	s6 =	sld [smem:$0x3FAD]  }
0x2c: {  	s7 =	sld [smem:$0x3FAE]  }
0x2d: {  	s3 =	simm.s32 $0x108;
	s8 =	sld [smem:$0x3FAF]  }
0x2e: {  	s3 =	simm.s32 @!p0 $0x1082;
	s9 =	sld [smem:$0x3FB0]  }
0x2f: {  	lr =	sadd.s32 s0, s3;
	s0 =	sld [smem:$0x3FA7]  }
0x30: {  	s3 =	sld [smem:$0x3FAA]  }
0x31: {  	[smem:$0x3FB3] =	sst s10  }
0x32: {  	s10 =	sld [smem:$0x3FB1];
	_ =	sdelay $0x3  }
0x33: {  	p0 =	seq.s32 s10, $0x1;
	s10 =	sld [smem:$0x3FB3];
	_ =	sdelay $0x3  }
0x34: {  	[smem:$0x3FB3] =	sst s10  }
0x35: {  	s10 =	sld [smem:$0x3FB2];
	_ =	sdelay $0x3  }
0x36: {  	p1 =	seq.s32 s10, $0x1;
	s10 =	sld [smem:$0x3FB3];
	_ =	sdelay $0x3  }
0x37: {  	[smem:$0x3FB3] =	sst s10  }
0x38: {  	s10 =	sld [smem:$0x3FB4]  }
0x39: {  	_ = 	snop;
	(pc) =	sbr.ind lr, $3  }
0x3a: {  	_ = 	snop  }
0x3b: {  	_ = 	snop  }
0x3c: {  	p2 =	seq.s32 s10, $0x1;
	s10 =	sld [smem:$0x3FB3]  }
0x3d: {  	_ =	shalt  }
0x3e: {  	_ =	shalt  }
0x3f: {  	_ =	shalt  }
0x40: {  	_ =	shalt  }
0x41: {  	_ =	shalt  }
0x42: {  	_ =	shalt  }
0x43: {  	_ =	shalt  }
0x44: {  	_ =	shalt  }
0x45: {  	_ =	shalt  }
0x46: {  	_ =	shalt  }
0x47: {  	_ =	shalt  }
0x48: {  	_ =	shalt  }
0x49: {  	_ =	shalt  }
0x4a: {  	_ =	shalt  }
0x4b: {  	_ =	shalt  }
0x4c: {  	_ =	shalt  }
0x4d: {  	_ =	shalt  }
0x4e: {  	_ =	shalt  }
0x4f: {  	_ =	shalt  }
0x50: {  	_ =	shalt  }
0x51: {  	_ =	shalt  }
0x52: {  	_ =	shalt  }
0x53: {  	_ =	shalt  }
0x54: {  	_ =	shalt  }
0x55: {  	_ =	shalt  }
0x56: {  	_ =	shalt  }
0x57: {  	_ =	shalt  }
0x58: {  	_ =	shalt  }
0x59: {  	_ =	shalt  }
0x5a: {  	_ =	shalt  }
0x5b: {  	_ =	shalt  }
0x5c: {  	_ =	shalt  }
0x5d: {  	_ =	shalt  }
0x5e: {  	_ =	shalt  }
0x5f: {  	_ =	shalt  }
0x60: {  	_ =	shalt  }
0x61: {  	_ =	shalt  }
0x62: {  	_ =	shalt  }
0x63: {  	_ =	shalt  }
0x64: {  	_ =	shalt  }
0x65: {  	_ =	shalt  }
0x66: {  	_ =	shalt  }
0x67: {  	_ =	shalt  }
0x68: {  	_ =	shalt  }
0x69: {  	_ =	shalt  }
0x6a: {  	_ =	shalt  }
0x6b: {  	_ =	shalt  }
0x6c: {  	_ =	shalt  }
0x6d: {  	_ =	shalt  }
0x6e: {  	_ =	shalt  }
0x6f: {  	_ =	shalt  }
0x70: {  	_ =	shalt  }
0x71: {  	_ =	shalt  }
0x72: {  	_ =	shalt  }
0x73: {  	_ =	shalt  }
0x74: {  	_ =	shalt  }
0x75: {  	_ =	shalt  }
0x76: {  	_ =	shalt  }
0x77: {  	_ =	shalt  }
0x78: {  	_ =	shalt  }
0x79: {  	_ =	shalt  }
0x7a: {  	_ =	shalt  }
0x7b: {  	_ =	shalt  }
0x7c: {  	_ =	shalt  }
0x7d: {  	_ =	shalt  }
0x7e: {  	_ =	shalt  }
0x7f: {  	_ =	shalt  }
0x80: {  	_ =	shalt  }
0x81: {  	_ =	shalt  }
0x82: {  	_ =	shalt  }
0x83: {  	_ =	shalt  }
0x84: {  	_ =	shalt  }
0x85: {  	_ =	shalt  }
0x86: {  	_ =	shalt  }
0x87: {  	_ =	shalt  }
.Lfunc_end0:
.L_simem_size_0:
called_computation_lowered:
.L_overlay_start_0:
0x88: {  	s2 =	sld [smem:$0x3FD9]  }
0x89: {  	s3 =	sld [smem:$0x3FFE];
	_ =	sdelay $0x1  }
0x8a: {  	s1 =	srdreg.scid  }
0x8b: {  	s0 =	sand.u32 $0x1, s1  }
0x8c: {  	s17 =	sshll.u32 s0, $0xA;
	s2 =	sadd.s32 s3, s2  }
0x8d: {  	s2 =	sadd.s32 s2, s17  }
0x8e: {  	[smem:$0x3FBF] =	sst s2  }
0x8f: {  	_ = 	snop  }
0x90: {  	s2 =	sld [smem:$0x3FD0];
	(tm) =	ssettm $0x1  }
0x91: {  	s18 =	sld [smem:$0x3FFB];
	_ =	sdelay $0x3  }
0x92: {  	_ =	strace s18  }
0x93: {  	s3 =	sld [smem:$0x3FFC];
	_ =	sdelay $0x3  }
0x94: {  	_ =	strace s3  }
0x95: {  	s3 =	sld [smem:$0x3FFD];
	_ =	sdelay $0x3  }
0x96: {  	_ =	strace s3  }
0x97: {  	_ =	strace $0x8FFFFFFF  }
0x98: {  	s19 =	sld [smem:$0x3FDB];
	_ =	sdelay $0x1  }
0x99: {  	s4 =	simm.s32 $_scs_section_size  }
0x9a: {  	s5 =	simm.s32 $_size__tile_overlayer_lowered;
	s6 =	simm.s32 $_tile_overlayer_lowered  }
0x9b: {  	s22 =	simm.s32 $0x1BFF;
	s21 =	sshll.u32 s6, $0x1;
	s3 =	sadd.s32 s4, s19  }
0x9c: {  	s7 =	simm.s32 $0x0;
	s20 =	sshll.u32 s5, $0x1;
	s5 =	sadd.s32 s21, s3  }
0x9d: {  	[timem:s7], [sflag:s22] =	dma.local [hbm:s5], s20  }
0x9e: {  	_ =	swait.ge [sflag:s22], s20  }
0x9f: {  	s4 =	ssub.s32 $0x0, s20;
	[sflag:s22] =	ssyncset.done $0x0  }
0xa0: {  	[sflag:s22] =	ssyncadd.s32 s4;
	_ =	sdelay $0x1  }
0xa1: {  	s23 =	simm.s32 $0x1B8B  }
0xa2: {  	_ =	swait.ge [sflag:s23], $0x1  }
0xa3: {  	[sflag:s23] =	ssyncset.done $0x0  }
0xa4: {  	s25 =	simm.s32 $0x1B8E;
	s24 =	sld [smem:$0x3FFE];
	[sflag:s23] =	ssyncadd.s32 $0xFFFFFFFF  }
0xa5: {  	s26 =	simm.s32 $execute0_lowered;
	[smem:$0x3FD2] =	sst s25  }
0xa6: {  	s5 =	sshll.u32 s26, $0x1;
	_ =	strace $0x80000046;
	[dreg:$0x1] =	wrdreg $0xFFFFFFFF  }
0xa7: {  	s28 =	simm.s32 $_size_execute0_lowered;
	s3 =	sadd.s32 s3, s5;
	[dreg:$0x0] =	wrdreg $0x0  }
0xa8: {  	s5 =	sshll.u32 s28, $0x1;
	[dreg:$0x2] =	wrdreg s3  }
0xa9: {  	[dreg:$0x3] =	wrdreg s5  }
0xaa: {  	[dreg:$0x4] =	wrdreg $0xC0  }
0xab: {  	_ =	task [dreg:s7], $0x5FFFF  }
0xac: {  	[dreg:$0x1] =	wrdreg $0xFFFFFFFF  }
0xad: {  	[dreg:$0x0] =	wrdreg $0x60  }
0xae: {  	[dreg:$0x2] =	wrdreg s24  }
0xaf: {  	[dreg:$0x3] =	wrdreg s2  }
0xb0: {  	[dreg:$0x4] =	wrdreg $0x9  }
0xb1: {  	_ =	task.clear_ibuf [dreg:s7], $0x5FFFF;
	_ =	strace $0x90000046  }
0xb2: {  	s29 =	simm.s32 $0x9;
	_ =	strace $0x80000048  }
0xb3: {  	_ =	swait.ge [sflag:s29], $0x1  }
0xb4: {  	[sflag:s29] =	ssyncadd.s32 $0xFFFFFFFF  }
0xb5: {  	_ =	strace $0x90000048  }
0xb6: {  	_ =	sfence  }
0xb7: {  	s30 =	sld [smem:$0x0];
	_ =	sdelay $0x2  }
0xb8: {  	s31 =	sshll.u32 s1, $0xD;
	s1 =	sshrl.u32 s1, $0x2  }
0xb9: {  	s3 =	sand.u32 $0x4000, s31;
	s1 =	sadd.s32 s1, s30  }
0xba: {  	s0 =	sor.u32 s3, s0;
	s1 =	sshll.u32 s1, $0x11  }
0xbb: {  	s0 =	sor.u32 s1, s0  }
0xbc: {  	s0 =	sadd.s32 $0x8F2B, s0  }
0xbd: {  	[sflag:s0] =	ssyncadd.remote.s32 $0x1  }
0xbe: {  	_ =	sfence.sel $0xFFFF  }
0xbf: {  	[dreg:$0x0] =	wrdreg $0xFFFFFFFF;
	(pc) =	sbr.abs _section_cstart, $3  }
0xc0: {  	[dreg:$0x1] =	wrdreg $0xFFFFFFFF  }
0xc1: {  	_ =	task.clear_ibuf [dreg:s7], $0x2FFFF;
	_ =	strace $0x9FFFFFFF  }
0xc2: {  	(tm) =	ssettm $0x7FFFFFFF  }
0xc3: {  	_ =	shalt  }
tec
execute0_lowered:
.L_overlay_start_1:
0x0: {  	(tag) =	ssettag $0x1  }
0x1: {  	s6 =	rddreg [dreg:$0x0]  }
0x2: {  	s2 =	rddreg [dreg:$0x1]  }
0x3: {  	s0 =	rddreg [dreg:$0x2];
	s4 =	srdreg.scid  }
0x4: {  	s1 =	stileid.u32;
	s3 =	simm.s32 $0x0;
	s13 =	simm.s32 $0x5000  }
0x5: {  	s14 =	simm.s32 $0x7800;
	s15 =	simm.s32 $0x11800;
	s16 =	simm.s32 $0x14000  }
0x6: {  	s17 =	simm.s32 $0x0;
	s7 =	sand.u32 $0x1, s4;
	s30 =	sshll.u32 s1, $0x1  }
0x7: {  	[smem:$0x7FF] =	sst s3;
	s12 =	smul.u32 $0x280, s1;
	s8 =	sor.u32 s7, s30  }
0x8: {  	s4 =	sadd.s32 $0x2800, s6;
	s10 =	ssub.s32 $0x2, s7;
	s9 =	smul.u32 $0x1400, s8  }
0x9: {  	s5 =	sadd.s32 $0x2E00, s6;
	s8 =	smul.u32 $0x500, s8;
	s11 =	sshrl.u32 s10, $0x1  }
0xa: {  	v0 =	vlaneseq.u32;
	_ =	strace $0x80000047;
	s31 =	smul.u32 $0x140, s7;
	s10 =	ssub.s32 s10, s11  }
0xb: {  	v0 =	vmul.u32 $0x2800, v0;
	s11 =	simm.s32 $0x1;
	s9 =	sadd.s32 s9, s6;
	s8 =	sadd.s32 s8, s6  }
0xc: {  	s6 =	sadd.s32 $0x3400, s9;
	s7 =	sadd.s32 $0x2B400, s8;
	s8 =	sadd.s32 $0x35400, s8  }
0xd: {  	v1 =	vadd.s32 $0x28000, v0;
	s9 =	smax.u32 s10, $0x1;
	s10 =	sadd.s32 s31, s12;
	s12 =	simm.s32 $0x2800  }
.LBB2_1:
0xe: {  	[tilespmem:s3], [sflag:$0x1] =	stream.linear.gather [hbm4b:s4+s3], $0x2800, $0x38;
	[tilespmem:$0x16800] =	vst v63  }
0xf: {  	_ =	swait.ge [sflag:s11], $0x2800  }
0x10: {  	[sflag:s11] =	ssyncset.done $0x0  }
0x11: {  	[sflag:s11] =	ssyncadd.s32 $0xFFFFD800  }
0x12: {  	[tilespmem:s12], [sflag:$0x1] =	stream.linear.gather [hbm4b:s5+s3], $0x2800, $0x38;
	[tilespmem:$0x16800] =	vst v63  }
0x13: {  	_ =	swait.ge [sflag:s11], $0x2800  }
0x14: {  	[sflag:s11] =	ssyncset.done $0x0  }
0x15: {  	[sflag:s11] =	ssyncadd.s32 $0xFFFFD800  }
0x16: {  	[tilespmem:s13], [sflag:$0x1] =	stream.linear.gather [hbm4b:s2+s3], $0x2800, $0x38;
	[tilespmem:$0x16800] =	vst v63  }
0x17: {  	_ =	swait.ge [sflag:s11], $0x2800  }
0x18: {  	[sflag:s11] =	ssyncset.done $0x0  }
0x19: {  	[sflag:s11] =	ssyncadd.s32 $0xFFFFD800  }
0x1a: {  	[tilespmem:s14], [sflag:$0x1] =	stream.linear.gather [hbm4b:s6+s3], $0xA000, $0x38;
	[tilespmem:$0x16800] =	vst v63  }
0x1b: {  	_ =	swait.ge [sflag:s11], $0xA000  }
0x1c: {  	s18 =	simm.s32 $0x7810;
	[sflag:s11] =	ssyncset.done $0x0  }
0x1d: {  	s19 =	smov.u32 s10;
	s20 =	simm.s32 $0x0;
	[sflag:s11] =	ssyncadd.s32 $0xFFFF6000  }
.LBB2_2:
0x1e: {  	v2 =	vld [tilespmem:s18+$0xFFFFFFF0]  }
0x1f: {  	v3 =	vmov s19;
	_ =	sdelay $0x4  }
0x20: {  	v4 =	vld.idx.msk [tilespmem:v3+s3+$0x0], $0xffff  }
0x21: {  	v5 =	vld.idx.msk [tilespmem:v3+s12+$0x0], $0xffff  }
0x22: {  	v6 =	vld.idx.msk [tilespmem:v2+s3+$0x0], $0xffff  }
0x23: {  	v7 =	vld.idx.msk [tilespmem:v2+s12+$0x0], $0xffff  }
0x24: {  	v3 =	vld.idx.msk [tilespmem:v3+s13+$0x0], $0xffff  }
0x25: {  	v8 =	vld.idx.msk [tilespmem:v2+s13+$0x0], $0xffff;
	_ =	sdelay $0x2  }
0x26: {  	v6 =	vsub.f32 v4, v6;
	v7 =	vsub.f32 v5, v7;
	_ =	sdelay $0x1  }
0x27: {  	v8 =	vsub.f32 v3, v8;
	v6 =	vmul.f32 v6, v6;
	v7 =	vmul.f32 v7, v7;
	_ =	sdelay $0x1  }
0x28: {  	v58 =	vmul.f32 v8, v8;
	v6 =	vadd.f32 v7, v6;
	_ =	sdelay $0x1  }
0x29: {  	v6 =	vadd.f32 v58, v6;
	_ =	sdelay $0x1  }
0x2a: {  	v7 =	vshrl.u32 v6, $0x1;
	v59 =	vmul.f32 $5.000000000e-01, v6  }
0x2b: {  	v7 =	vsub.s32 $0x5F3759DF, v7  }
0x2c: {  	v9 =	vmul.f32 v7, v59;
	_ =	sdelay $0x1  }
0x2d: {  	v9 =	vmul.f32 v7, v9;
	_ =	sdelay $0x1  }
0x2e: {  	v9 =	vsub.f32 $1.500000000e+00, v9;
	_ =	sdelay $0x1  }
0x2f: {  	v7 =	vmul.f32 v7, v9;
	_ =	sdelay $0x1  }
0x30: {  	v9 =	vmul.f32 v7, v59;
	_ =	sdelay $0x1  }
0x31: {  	v9 =	vmul.f32 v9, v7;
	_ =	sdelay $0x1  }
0x32: {  	v9 =	vsub.f32 $1.500000000e+00, v9;
	_ =	sdelay $0x1  }
0x33: {  	v7 =	vmul.f32 v9, v7;
	_ =	sdelay $0x1  }
0x34: {  	v8 =	vmul.f32 v7, v59;
	_ =	sdelay $0x1  }
0x35: {  	v8 =	vmul.f32 v8, v7;
	_ =	sdelay $0x1  }
0x36: {  	v8 =	vsub.f32 $1.500000000e+00, v8;
	_ =	sdelay $0x1  }
0x37: {  	v7 =	vmul.f32 v8, v7  }
0x38: {  	s21 =	sshra.s32 s20, $0x2;
	v2 =	vadd.s32 v0, v2;
	vm0 =	veq.f32 v6, $0.0e+00  }
0x39: {  	[tilespmem:s21+$0x14000] =	vst v2;
	v6 =	vsel vm0, $0x40000000, v7  }
0x3a: {  	[tilespmem:s21+$0x11800] =	vst v6  }
0x3b: {  	v2 =	vld [tilespmem:s18+$0x0];
	_ =	sdelay $0x7  }
0x3c: {  	v6 =	vld.idx.msk [tilespmem:v2+s3+$0x0], $0xffff  }
0x3d: {  	v60 =	vld.idx.msk [tilespmem:v2+s12+$0x0], $0xffff;
	_ =	sdelay $0x1  }
0x3e: {  	v61 =	vld.idx.msk [tilespmem:v2+s13+$0x0], $0xffff;
	_ =	sdelay $0x2  }
0x3f: {  	v4 =	vsub.f32 v4, v6;
	v5 =	vsub.f32 v5, v60;
	_ =	sdelay $0x1  }
0x40: {  	v3 =	vsub.f32 v3, v61;
	v4 =	vmul.f32 v4, v4;
	v5 =	vmul.f32 v5, v5;
	_ =	sdelay $0x1  }
0x41: {  	v3 =	vmul.f32 v3, v3;
	v4 =	vadd.f32 v5, v4;
	_ =	sdelay $0x1  }
0x42: {  	v3 =	vadd.f32 v3, v4;
	_ =	sdelay $0x1  }
0x43: {  	v4 =	vshrl.u32 v3, $0x1;
	v62 =	vmul.f32 $5.000000000e-01, v3  }
0x44: {  	v4 =	vsub.s32 $0x5F3759DF, v4  }
0x45: {  	v63 =	vmul.f32 v4, v62;
	_ =	sdelay $0x1  }
0x46: {  	v6 =	vmul.f32 v4, v63;
	_ =	sdelay $0x1  }
0x47: {  	v6 =	vsub.f32 $1.500000000e+00, v6;
	_ =	sdelay $0x1  }
0x48: {  	v4 =	vmul.f32 v4, v6;
	_ =	sdelay $0x1  }
0x49: {  	v6 =	vmul.f32 v4, v62;
	_ =	sdelay $0x1  }
0x4a: {  	v6 =	vmul.f32 v6, v4;
	_ =	sdelay $0x1  }
0x4b: {  	v6 =	vsub.f32 $1.500000000e+00, v6;
	_ =	sdelay $0x1  }
0x4c: {  	v4 =	vmul.f32 v6, v4;
	_ =	sdelay $0x1  }
0x4d: {  	v5 =	vmul.f32 v4, v62;
	_ =	sdelay $0x1  }
0x4e: {  	v5 =	vmul.f32 v5, v4;
	_ =	sdelay $0x1  }
0x4f: {  	p0 =	sne.s32 s20, $0x9F80;
	v5 =	vsub.f32 $1.500000000e+00, v5  }
.Ltmp0:
0x50: {  	_ = 	snop;
	(pc) =	sbr.rel @p0 .LBB2_2-.Ltmp0, $4  }
0x51: {  	v4 =	vmul.f32 v5, v4  }
0x52: {  	v2 =	vadd.s32 v1, v2;
	vm15 =	veq.f32 v3, $0.0e+00  }
0x53: {  	[tilespmem:s21+$0x14010] =	vst v2;
	v3 =	vsel vm15, $0x40000000, v4  }
0x54: {  	s19 =	sadd.s32 $0x1, s19;
	s20 =	sadd.s32 $0x80, s20;
	s18 =	sadd.s32 $0x80, s18;
	[tilespmem:s21+$0x11810] =	vst v3  }
0x55: {  	[hbm4b:s7+s3] =	stream.linear.scatter [tilespmem:s15], [sflag:$0x1], $0x2800, $0x38;
	[tilespmem:$0x16800] =	vst v63  }
0x56: {  	s17 =	sadd.s32 $0x1, s17;
	_ =	swait.ge [sflag:s11], $0x2800  }
0x57: {  	p0 =	sne.s32 s17, s9;
	[sflag:s11] =	ssyncset.done $0x0  }
.Ltmp1:
0x58: {  	[sflag:s11] =	ssyncadd.s32 $0xFFFFD800;
	(pc) =	sbr.rel @p0 .LBB2_1-.Ltmp1, $4  }
0x59: {  	[hbm4b:s8+s3] =	stream.linear.scatter [tilespmem:s16], [sflag:$0x1], $0x2800, $0x38;
	[tilespmem:$0x16800] =	vst v63  }
0x5a: {  	_ =	swait.ge [sflag:s11], $0x2800  }
0x5b: {  	[sflag:s11] =	ssyncset.done $0x0  }
0x5c: {  	[sflag:s11] =	ssyncadd.s32 $0xFFFFD800  }
0x5d: {  	_ =	sfence.sel $0x180000  }
0x5e: {  	[bflag:$0x0] =	sbarrier.arrive $0xFFFF  }
0x5f: {  	p0 =	sne.s32 s1, $0x0;
	_ =	strace $0x90000047  }
0x60: {  	s0 =	sadd.s32 @!p0 $0x100000, s0;
	[bflag:$0x2] =	sbarrier.arrive $0xFFFF  }
0x61: {  	[sflag:s0] =	ssyncadd.tile.s32 @!p0 $0x1;
	_ =	shalt  }
.Lfunc_end2:
_tile_overlayer_lowered:
.L_overlay_start_2:
0x62: {  	(tag) =	ssettag $0x2  }
0x63: {  	s0 =	rddreg [dreg:$0x0];
	s2 =	stileid.u32  }
0x64: {  	s1 =	rddreg [dreg:$0x1];
	p0 =	sne.s32 s2, $0x0  }
0x65: {  	s3 =	rddreg [dreg:$0x2];
	[bflag:$0x3] =	sbarrier.arrive $0xFFFF;
	s2 =	simm.s32 @!p0 $0x1C01  }
0x66: {  	[timem:s3], [sflag:s2] =	dma.local @!p0 [hbm:s0], s1  }
0x67: {  	s0 =	simm.s32 @!p0 $0x1  }
0x68: {  	_ =	swait.ge @!p0 [sflag:s0], s1  }
0x69: {  	s1 =	ssub.s32 @!p0 $0x0, s1;
	[sflag:s0] =	ssyncset.done @!p0 $0x0  }
0x6a: {  	[sflag:s0] =	ssyncadd.s32 @!p0 s1  }
0x6b: {  	[bflag:$0x3] =	sbarrier.arrive $0xFFFF  }
0x6c: {  	_ =	shalt  }

</sc_bundles>
